<compile_context>
chip_gen: v7x
topology: tpu7x:2x2x1
jax: 0.10.2.dev20260603
libtpu: 0.0.44.dev20260713+nightly
codegen_flags: <defaults>
</compile_context>

<pallas_src>
import functools

import numpy as np
import jax
import jax.numpy as jnp
from jax import lax
from jax.experimental import pallas as pl
from jax.experimental.pallas import tpu as pltpu
from jax.experimental.pallas import tpu_sc as plsc

_R = 64
_D = 32
_K = 512
_B = 1024
_NI = 16
_N = _B * _NI
_N8 = _N * 8
_COMMIT = 0.25

_t_np = np.linspace(0.05, 1.2, _NI + 1, dtype=np.float32)
_tmid_np = 0.5 * (_t_np[:-1] + _t_np[1:])
_dt_np = (_t_np[1:] - _t_np[:-1]).astype(np.float32)
_offsets_np = np.array(
    [[i, j, k] for i in (0, 1) for j in (0, 1) for k in (0, 1)], dtype=np.int32
)

_NW = 32

_PW = _N8 // _NW
_CH = 1024
_G = 128


def _sc_gather(table, idx):
    mesh = plsc.VectorSubcoreMesh(core_axis_name="c", subcore_axis_name="s")

    @functools.partial(
        pl.kernel,
        mesh=mesh,
        out_type=jax.ShapeDtypeStruct((_N8, _D), jnp.float32),
        scratch_types=[
            pltpu.VMEM((_PW,), jnp.int32),
            pltpu.VMEM((_CH, _D), jnp.float32),
            pltpu.SemaphoreType.DMA,
        ],
        compiler_params=pltpu.CompilerParams(use_tc_tiling_on_sc=False),
    )
    def k(table_hbm, idx_hbm, out_hbm, idx_v, rows_v, sem):
        wid = lax.axis_index("s") * 2 + lax.axis_index("c")
        base = wid * _PW
        j = wid // (_N // _PW)
        off = (j // 4) * ((_R + 1) * (_R + 1)) + ((j // 2) % 2) * (_R + 1) + (j % 2)
        n0 = (wid % (_N // _PW)) * _PW
        pltpu.sync_copy(idx_hbm.at[pl.ds(n0, _PW)], idx_v)

        def addoff(i, carry):
            s = pl.ds(i * 16, 16)
            idx_v[s] = idx_v[s] + off
            return carry

        lax.fori_loop(0, _PW // 16, addoff, 0)
        for s in range(_PW // _CH):
            cps = [
                pltpu.async_copy(
                    table_hbm.at[idx_v.at[pl.ds(s * _CH + c * _G, _G)]],
                    rows_v.at[pl.ds(c * _G, _G)],
                    sem,
                )
                for c in range(_CH // _G)
            ]
            for cp in cps:
                cp.wait()
            pltpu.sync_copy(rows_v, out_hbm.at[pl.ds(base + s * _CH, _CH)])

    return k(table, idx)


_TN = 1024
_NT8 = _N8 // _TN
_TP = _TN // 4


def _vq_body(z_ref, cm2_ref, cn_ref, idx_ref, dmin_ref):
    z4 = z_ref[...]
    idx_rows = []
    dm_rows = []
    for p in range(4):
        zp = z4[:, 32 * p:32 * (p + 1)]
        score = lax.dot_general(
            cm2_ref[...], zp, (((1,), (1,)), ((), ())),
            preferred_element_type=jnp.float32,
        ) + cn_ref[...]
        mn = jnp.min(score, axis=0).reshape(1, _TP)
        idxp = jnp.argmin(score, axis=0)
        zz = lax.dot_general(
            jnp.ones((1, _D), jnp.float32), zp * zp, (((1,), (1,)), ((), ())),
            preferred_element_type=jnp.float32,
        )
        idx_rows.append(idxp.reshape(1, _TP))
        dm_rows.append(zz + mn)
    idx_ref[...] = jnp.concatenate(idx_rows, axis=0).reshape(1, 4, _TP)
    dmin_ref[...] = jnp.concatenate(dm_rows, axis=0).reshape(1, 4, _TP)


def _run_vq(z4, cm2, cn):
    return pl.pallas_call(
        _vq_body,
        grid=(_NT8,),
        in_specs=[
            pl.BlockSpec((_TP, 128), lambda t: (t, 0)),
            pl.BlockSpec((_K, _D), lambda t: (0, 0)),
            pl.BlockSpec((_K, 1), lambda t: (0, 0)),
        ],
        out_specs=[
            pl.BlockSpec((1, 4, _TP), lambda t: (t, 0, 0)),
            pl.BlockSpec((1, 4, _TP), lambda t: (t, 0, 0)),
        ],
        out_shape=[
            jax.ShapeDtypeStruct((_NT8, 4, _TP), jnp.int32),
            jax.ShapeDtypeStruct((_NT8, 4, _TP), jnp.float32),
        ],
    )(z4, cm2, cn)


_PW2 = _N // _NW
_L = 16


def _sc_interp(idx3, dmin3, wv8, vmask, c4t):
    mesh = plsc.VectorSubcoreMesh(core_axis_name="c", subcore_axis_name="s")

    @functools.partial(
        pl.kernel,
        mesh=mesh,
        out_type=[
            jax.ShapeDtypeStruct((4, _N), jnp.float32),
            jax.ShapeDtypeStruct((_NW, _K), jnp.float32),
            jax.ShapeDtypeStruct((_NW, _L), jnp.float32),
        ],
        scratch_types=[
            pltpu.VMEM((4, _K), jnp.float32),
            pltpu.VMEM((8, 4, _PW2 // 4), jnp.int32),
            pltpu.VMEM((8, 4, _PW2 // 4), jnp.float32),
            pltpu.VMEM((8, _PW2), jnp.float32),
            pltpu.VMEM((_PW2,), jnp.float32),
            pltpu.VMEM((4, _PW2), jnp.float32),
            pltpu.VMEM((_K,), jnp.float32),
            pltpu.VMEM((_L,), jnp.float32),
        ],
        compiler_params=pltpu.CompilerParams(
            use_tc_tiling_on_sc=False, needs_layout_passes=False),
    )
    def k(idx_hbm, dm_hbm, wv_hbm, v_hbm, c4_hbm,
          interp_hbm, cnt_hbm, lp_hbm,
          c4_v, idx_v, dm_v, wv_v, v_v, out_v, cnt_v, lp_v):
        wid = lax.axis_index("s") * 2 + lax.axis_index("c")
        base = wid * _PW2
        pltpu.sync_copy(c4_hbm, c4_v)
        for j in range(8):
            r0 = j * _N + base
            tj = r0 // _TN
            cw = pl.multiple_of((r0 % _TN) // 4, _PW2 // 4)
            pltpu.sync_copy(idx_hbm.at[tj, :, pl.ds(cw, _PW2 // 4)], idx_v.at[j])
            pltpu.sync_copy(dm_hbm.at[tj, :, pl.ds(cw, _PW2 // 4)], dm_v.at[j])
        pltpu.sync_copy(wv_hbm.at[:, pl.ds(base, _PW2)], wv_v)
        pltpu.sync_copy(v_hbm.at[pl.ds(base, _PW2)], v_v)
        for i in range(_K // _L):
            cnt_v[pl.ds(i * _L, _L)] = jnp.zeros((_L,), jnp.float32)

        iot = lax.iota(jnp.int32, _L)
        pv = iot % 4
        cv0 = iot // 4

        def body(g, lacc):
            s = pl.ds(g * _L, _L)
            vg = v_v[s]
            cv = cv0 + 4 * g
            accs = [jnp.zeros((_L,), jnp.float32) for _ in range(4)]
            for j in range(8):
                jv = jnp.full((_L,), j, jnp.int32)
                ixg = plsc.load_gather(idx_v, [jv, pv, cv])
                dmg = plsc.load_gather(dm_v, [jv, pv, cv])
                wg = wv_v[j, s]
                lacc = lacc + vg * dmg
                for c in range(4):
                    accs[c] = accs[c] + wg * plsc.load_gather(c4_v, [
                        jnp.full((_L,), c, jnp.int32), ixg])
                plsc.addupdate_scatter(cnt_v, [ixg], vg)
            for c in range(4):
                out_v[c, s] = accs[c]
            return lacc

        lacc = lax.fori_loop(0, _PW2 // _L, body, jnp.zeros((_L,), jnp.float32))
        lp_v[...] = lacc
        pltpu.sync_copy(out_v, interp_hbm.at[:, pl.ds(base, _PW2)])
        pltpu.sync_copy(cnt_v, cnt_hbm.at[wid])
        pltpu.sync_copy(lp_v, lp_hbm.at[wid])

    return k(idx3, dmin3, wv8, vmask, c4t)


def _sigm(x):
    return 1.0 / (1.0 + jnp.exp(-x))


def _fin_body(t4_ref, cparts_ref, lparts_ref,
              vql_ref, perp_ref, r0_ref, r1_ref, r2_ref):
    counts = jnp.sum(cparts_ref[...], axis=0, keepdims=True)
    ms8 = jnp.sum(counts).reshape(1, 1)
    loss = jnp.sum(lparts_ref[...]).reshape(1, 1)
    vql_ref[...] = (1.0 + _COMMIT) * loss / (ms8 * _D + 1e-9)
    avg = counts / (ms8 + 1e-9)
    perp_ref[...] = jnp.exp(-jnp.sum(avg * jnp.log(avg + 1e-10))).reshape(1, 1)

    trans = jnp.ones((1, _B), jnp.float32)
    a0 = jnp.zeros((1, _B), jnp.float32)
    a1 = jnp.zeros((1, _B), jnp.float32)
    a2 = jnp.zeros((1, _B), jnp.float32)
    for i in range(_NI):
        blk = t4_ref[i]
        sig = jnp.maximum(blk[0:1, :], 0.0)
        alpha = 1.0 - jnp.exp(-sig * float(_dt_np[i]))
        w = alpha * trans
        a0 = a0 + w * _sigm(blk[1:2, :])
        a1 = a1 + w * _sigm(blk[2:3, :])
        a2 = a2 + w * _sigm(blk[3:4, :])
        trans = trans * (1.0 - alpha + 1e-10)
    r0_ref[...] = a0
    r1_ref[...] = a1
    r2_ref[...] = a2


def _run_fin(t4, cparts, lparts):
    return pl.pallas_call(
        _fin_body,
        out_shape=[
            jax.ShapeDtypeStruct((1, 1), jnp.float32),
            jax.ShapeDtypeStruct((1, 1), jnp.float32),
            jax.ShapeDtypeStruct((1, _B), jnp.float32),
            jax.ShapeDtypeStruct((1, _B), jnp.float32),
            jax.ShapeDtypeStruct((1, _B), jnp.float32),
        ],
    )(t4, cparts, lparts)


def _prep(rays_o, rays_d):
    tm = jnp.asarray(_tmid_np)
    pts = rays_o[:, None, :] + tm[None, :, None] * rays_d[:, None, :]
    valid = jnp.all((pts >= 0.0) & (pts < 1.0), axis=-1)
    flat_pts = pts.reshape(-1, 3)
    clipped = jnp.clip(flat_pts, 0.0, 1.0 - 1e-6)
    scaled = clipped * _R
    idx0f = jnp.clip(jnp.floor(scaled), 0.0, _R - 1)
    frac = scaled - idx0f
    idx0 = idx0f.astype(jnp.int32)
    offs = jnp.asarray(_offsets_np)
    nid0 = (idx0[:, 0] * (_R + 1) + idx0[:, 1]) * (_R + 1) + idx0[:, 2]
    w = jnp.where(offs[:, None, :] == 1, frac[None, :, :], 1.0 - frac[None, :, :])
    iw8 = jnp.prod(w, axis=-1)
    return nid0, iw8, valid


def kernel(rays_o, rays_d, data_weight, codebook):
    nid0, iw8, valid = _prep(rays_o, rays_d)

    vf = valid.reshape(-1).astype(jnp.float32)
    wv8 = iw8 * vf[None, :]

    zflat = _sc_gather(data_weight, nid0)

    cm2 = -2.0 * codebook
    cn = jnp.sum(codebook * codebook, axis=1).reshape(_K, 1)
    c4t = codebook[:, 0:4].T

    z4 = zflat.reshape(_N8 // 4, 128)
    idx_out, dmin_out = _run_vq(z4, cm2, cn)

    interp_t, cparts, lparts = _sc_interp(idx_out, dmin_out, wv8, vf, c4t)

    t4 = interp_t.reshape(4, _B, _NI).transpose(2, 0, 1)
    vql, perp, r0, r1, r2 = _run_fin(t4, cparts, lparts)
    rgb = jnp.concatenate([r0, r1, r2], axis=0).T
    return (vql[0, 0], perp[0, 0], rgb)

# --- scband reference (transcript-rebuilt; emitter-appended) ---
"""Pipeline reference for scband-quantized-corner-tree-10170482556964 (READ-ONLY COPY).

The authoritative reference and input builder live on the scoring server;
editing this copy changes nothing except your own understanding.
"""

import jax, jax.numpy as jnp
import numpy as np

R = 64
DATA_DIM = 32
K = 512
BATCH = 1024
NINTRS = 16
COMMITMENT = 0.25


def setup_inputs(seed: int = 0) -> dict:
    key = jax.random.key(seed)
    k1, k2, k3, k4 = jax.random.split(key, 4)
    rays_o = jax.random.uniform(k1, (BATCH, 3), dtype=jnp.float32) * 0.4 + 0.3
    rays_d = jax.random.normal(k2, (BATCH, 3), dtype=jnp.float32)
    rays_d = rays_d / (jnp.linalg.norm(rays_d, axis=-1, keepdims=True) + 1e-8)
    data_weight = jax.random.normal(k3, ((R + 1) ** 3, DATA_DIM), dtype=jnp.float32) * 0.1
    codebook = jax.random.normal(k4, (K, DATA_DIM), dtype=jnp.float32) * 0.1
    return {"rays_o": rays_o, "rays_d": rays_d, "data_weight": data_weight, "codebook": codebook}


def _sample_proposal(rays_o, rays_d):
    # tree.sample_proposal(..., use_ext_sample=True): stratified samples along each ray
    batch = rays_o.shape[0]
    t = jnp.linspace(0.05, 1.2, NINTRS + 1, dtype=jnp.float32)
    t_mid = 0.5 * (t[:-1] + t[1:])
    dt = jnp.broadcast_to(t[1:] - t[:-1], (batch, NINTRS))
    pts = rays_o[:, None, :] + t_mid[None, :, None] * rays_d[:, None, :]
    valid = jnp.all((pts >= 0.0) & (pts < 1.0), axis=-1)
    return pts, dt, valid


def _query(pts):
    # tree.query(pts, normalize=False, fetch_data=False): 8 corner node ids + trilinear weights
    scaled = pts * R
    idx0f = jnp.clip(jnp.floor(scaled), 0.0, R - 1)
    frac = scaled - idx0f
    idx0 = idx0f.astype(jnp.int32)
    offsets = jnp.asarray(np.array([[i, j, k] for i in (0, 1) for j in (0, 1) for k in (0, 1)], dtype=np.int32))
    corners = idx0[:, None, :] + offsets[None, :, :]  # [N,8,3]
    nids = (corners[..., 0] * (R + 1) + corners[..., 1]) * (R + 1) + corners[..., 2]
    w = jnp.where(offsets[None, :, :] == 1, frac[:, None, :], 1.0 - frac[:, None, :])
    iweights = jnp.prod(w, axis=-1)  # [N,8]
    return nids, iweights


def _vq(z, codebook, mask):
    # standard VQ-VAE quantizer with straight-through estimator; mask selects valid rows
    d = jnp.sum(z * z, axis=1, keepdims=True) - 2.0 * (z @ codebook.T) + jnp.sum(codebook * codebook, axis=1)[None, :]
    idx = jnp.argmin(d, axis=1)
    q = jnp.take(codebook, idx, axis=0)
    m = mask[:, None]
    denom = jnp.sum(mask) * z.shape[1] + 1e-9
    e_latent = jnp.sum(m * (jax.lax.stop_gradient(q) - z) ** 2) / denom
    q_latent = jnp.sum(m * (q - jax.lax.stop_gradient(z)) ** 2) / denom
    vq_loss = q_latent + COMMITMENT * e_latent
    q_st = z + jax.lax.stop_gradient(q - z)
    counts = jnp.bincount(idx, weights=jax.lax.stop_gradient(mask), length=K)
    avg_probs = counts / (jnp.sum(mask) + 1e-9)
    perplexity = jnp.exp(-jnp.sum(avg_probs * jnp.log(avg_probs + 1e-10)))
    return vq_loss, q_st, perplexity


def _vol_render(interp, rays_d, dt):
    # tree.vol_render: standard alpha compositing; channel 0 = density, 1:4 = rgb features
    sigma = jax.nn.relu(interp[..., 0])
    rgb = jax.nn.sigmoid(interp[..., 1:4])
    alpha = 1.0 - jnp.exp(-sigma * dt)
    trans = jnp.cumprod(1.0 - alpha + 1e-10, axis=1)
    trans = jnp.concatenate([jnp.ones_like(trans[:, :1]), trans[:, :-1]], axis=1)
    w = alpha * trans
    return jnp.sum(w[..., None] * rgb, axis=1)


def reference(rays_o, rays_d, data_weight, codebook):
    pts, dt, valid = _sample_proposal(rays_o, rays_d)
    batch, nintrs = pts.shape[:2]
    flat_pts = pts.reshape(-1, 3)
    flat_valid = valid.reshape(-1).astype(jnp.float32)
    clipped = jnp.clip(flat_pts, 0.0, 1.0 - 1e-6)
    nids, iweights = _query(clipped)  # [N,8], [N,8]
    sel_data = jnp.take(data_weight, nids.reshape(-1), axis=0)  # [N*8, D]
    mask8 = jnp.repeat(flat_valid, 8)
    vq_loss, q_st, perplexity = _vq(sel_data, codebook, mask8)
    sel_data_quantized = q_st.reshape(nids.shape[0], 8, -1)
    sel_data_interp = jnp.sum(sel_data_quantized * iweights[..., None], axis=1)  # [N, D]
    # masked_scatter_ equivalent: zeros where invalid
    interp = (sel_data_interp * flat_valid[:, None]).reshape(batch, nintrs, DATA_DIM)
    rgb_out = _vol_render(interp, rays_d, dt)
    return (vq_loss, perplexity, rgb_out)

if __name__ == "__main__":
    import jax
    _d = setup_inputs()
    print(jax.jit(kernel)(*tuple(_d.values())))

</pallas_src>

<mosaic_0001>
#map = affine_map<(d0, d1) -> (0, 0, 0)>
#map1 = affine_map<(d0, d1) -> (0, 0)>
#map2 = affine_map<(d0, d1) -> (0)>
module attributes {stable_mosaic.version = 14 : i64} {
  func.func @k(%arg0: i32, %arg1: i32, %arg2: memref<128x4x256xi32, #tpu.memory_space<hbm>>, %arg3: memref<128x4x256xf32, #tpu.memory_space<hbm>>, %arg4: memref<8x16384xf32, #tpu.memory_space<hbm>>, %arg5: memref<16384xf32, #tpu.memory_space<hbm>>, %arg6: memref<4x512xf32, #tpu.memory_space<hbm>>, %arg7: memref<4x16384xf32, #tpu.memory_space<hbm>>, %arg8: memref<32x512xf32, #tpu.memory_space<hbm>>, %arg9: memref<32x16xf32, #tpu.memory_space<hbm>>, %arg10: memref<4x512xf32, #tpu.memory_space<vmem>>, %arg11: memref<8x4x128xi32, #tpu.memory_space<vmem>>, %arg12: memref<8x4x128xf32, #tpu.memory_space<vmem>>, %arg13: memref<8x512xf32, #tpu.memory_space<vmem>>, %arg14: memref<512xf32, #tpu.memory_space<vmem>>, %arg15: memref<4x512xf32, #tpu.memory_space<vmem>>, %arg16: memref<512xf32, #tpu.memory_space<vmem>>, %arg17: memref<16xf32, #tpu.memory_space<vmem>>) attributes {dimension_semantics = [#tpu.dimension_semantics<core_parallel>, #tpu.dimension_semantics<subcore_parallel>], iteration_bounds = array<i64: 2, 16>, scalar_prefetch = 0 : i64, scratch_operands = 8 : i64, tpu.core_type = #tpu.core_type<sc_vector_subcore>, window_params = [{transform_indices = #map}, {transform_indices = #map}, {transform_indices = #map1}, {transform_indices = #map2}, {transform_indices = #map1}, {transform_indices = #map1}, {transform_indices = #map1}, {transform_indices = #map1}]} {
    %mul3A = arith.constant 2 : i32
    %mul3A_0 = arith.muli %arg1, %mul3A : i32
    %add3A = arith.addi %mul3A_0, %arg0 : i32
    %mul3A_1 = arith.constant 512 : i32
    %mul3A_2 = arith.muli %add3A, %mul3A_1 : i32
    "tpu.region"() ({
      %run_scoped3A_731 = tpu.sem_alloc : memref<!tpu.dma_semaphore, #tpu.memory_space<semaphore_mem>>
      tpu.enqueue_dma source(%arg6 : memref<4x512xf32, #tpu.memory_space<hbm>>) target(%arg10 : memref<4x512xf32, #tpu.memory_space<vmem>>) target_semaphore(%run_scoped3A_731 : memref<!tpu.dma_semaphore, #tpu.memory_space<semaphore_mem>>)
      tpu.wait_dma2 semaphore(%run_scoped3A_731 : memref<!tpu.dma_semaphore, #tpu.memory_space<semaphore_mem>>) src(%arg6 : memref<4x512xf32, #tpu.memory_space<hbm>>) dst(%arg10 : memref<4x512xf32, #tpu.memory_space<vmem>>)
      tpu.yield
    }) : () -> ()
    %add3A_3 = arith.constant 0 : i32
    %add3A_4 = arith.addi %add3A_3, %mul3A_2 : i32
    %jit3A = arith.constant 1024 : i32
    %div3A = arith.divsi %add3A_4, %jit3A : i32
    %sign3A = arith.constant 0 : i32
    %sign3A_5 = arith.cmpi sgt, %add3A_4, %sign3A : i32
    %sign3A_6 = arith.extui %sign3A_5 : i1 to i32
    %sign3A_7 = arith.constant 0 : i32
    %sign3A_8 = arith.cmpi slt, %add3A_4, %sign3A_7 : i32
    %sign3A_9 = arith.extui %sign3A_8 : i1 to i32
    %sign3A_10 = arith.subi %sign3A_6, %sign3A_9 : i32
    %sign3A_11 = arith.constant 0 : i32
    %sign3A_12 = arith.cmpi sgt, %jit3A, %sign3A_11 : i32
    %sign3A_13 = arith.extui %sign3A_12 : i1 to i32
    %sign3A_14 = arith.constant 0 : i32
    %sign3A_15 = arith.cmpi slt, %jit3A, %sign3A_14 : i32
    %sign3A_16 = arith.extui %sign3A_15 : i1 to i32
    %sign3A_17 = arith.subi %sign3A_13, %sign3A_16 : i32
    %ne3A = arith.cmpi ne, %sign3A_10, %sign3A_17 : i32
    %rem3A = arith.remsi %add3A_4, %jit3A : i32
    %ne3A_18 = arith.constant 0 : i32
    %ne3A_19 = arith.cmpi ne, %rem3A, %ne3A_18 : i32
    %and3A = arith.andi %ne3A, %ne3A_19 : i1
    %sub3A = arith.constant 1 : i32
    %sub3A_20 = arith.subi %div3A, %sub3A : i32
    %select_n3A = arith.select %and3A, %sub3A_20, %div3A : i32
    %jit3A_21 = arith.constant 1024 : i32
    %eq3A = arith.constant 0 : i32
    %eq3A_22 = arith.cmpi eq, %jit3A_21, %eq3A : i32
    %jit3A_23 = arith.constant 1 : i32
    %select_n3A_24 = arith.select %eq3A_22, %jit3A_23, %jit3A_21 : i32
    %rem3A_25 = arith.remsi %add3A_4, %select_n3A_24 : i32
    %ne3A_26 = arith.constant 0 : i32
    %ne3A_27 = arith.cmpi ne, %rem3A_25, %ne3A_26 : i32
    %lt3A = arith.constant 0 : i32
    %lt3A_28 = arith.cmpi slt, %rem3A_25, %lt3A : i32
    %lt3A_29 = arith.constant 0 : i32
    %lt3A_30 = arith.cmpi slt, %select_n3A_24, %lt3A_29 : i32
    %ne3A_31 = arith.xori %lt3A_28, %lt3A_30 : i1
    %and3A_32 = arith.andi %ne3A_31, %ne3A_27 : i1
    %add3A_33 = arith.addi %rem3A_25, %select_n3A_24 : i32
    %select_n3A_34 = arith.select %and3A_32, %add3A_33, %rem3A_25 : i32
    %jit3A_35 = arith.constant 4 : i32
    %div3A_36 = arith.divsi %select_n3A_34, %jit3A_35 : i32
    %sign3A_37 = arith.constant 0 : i32
    %sign3A_38 = arith.cmpi sgt, %select_n3A_34, %sign3A_37 : i32
    %sign3A_39 = arith.extui %sign3A_38 : i1 to i32
    %sign3A_40 = arith.constant 0 : i32
    %sign3A_41 = arith.cmpi slt, %select_n3A_34, %sign3A_40 : i32
    %sign3A_42 = arith.extui %sign3A_41 : i1 to i32
    %sign3A_43 = arith.subi %sign3A_39, %sign3A_42 : i32
    %sign3A_44 = arith.constant 0 : i32
    %sign3A_45 = arith.cmpi sgt, %jit3A_35, %sign3A_44 : i32
    %sign3A_46 = arith.extui %sign3A_45 : i1 to i32
    %sign3A_47 = arith.constant 0 : i32
    %sign3A_48 = arith.cmpi slt, %jit3A_35, %sign3A_47 : i32
    %sign3A_49 = arith.extui %sign3A_48 : i1 to i32
    %sign3A_50 = arith.subi %sign3A_46, %sign3A_49 : i32
    %ne3A_51 = arith.cmpi ne, %sign3A_43, %sign3A_50 : i32
    %rem3A_52 = arith.remsi %select_n3A_34, %jit3A_35 : i32
    %ne3A_53 = arith.constant 0 : i32
    %ne3A_54 = arith.cmpi ne, %rem3A_52, %ne3A_53 : i32
    %and3A_55 = arith.andi %ne3A_51, %ne3A_54 : i1
    %sub3A_56 = arith.constant 1 : i32
    %sub3A_57 = arith.subi %div3A_36, %sub3A_56 : i32
    %select_n3A_58 = arith.select %and3A_55, %sub3A_57, %div3A_36 : i32
    %multiple_of3A = tpu.assume_multiple %select_n3A_58, 128 : i32
    %run_scoped3A = arith.constant 0 : i32
    "tpu.region"() ({
      %run_scoped3A_731 = tpu.sem_alloc : memref<!tpu.dma_semaphore, #tpu.memory_space<semaphore_mem>>
      %dma_start3A = arith.constant 0 : i32
      %dma_start3A_732 = arith.constant 0 : i32
      %dma_start3A_733 = tpu.memref_slice %arg11[%run_scoped3A, %dma_start3A, %dma_start3A_732] : memref<8x4x128xi32, #tpu.memory_space<vmem>> -> memref<1x4x128xi32, #tpu.memory_space<vmem>>
      %dma_start3A_734 = tpu.memref_squeeze %dma_start3A_733 : memref<1x4x128xi32, #tpu.memory_space<vmem>> -> memref<4x128xi32, #tpu.memory_space<vmem>>
      %dma_start3A_735 = arith.constant 0 : i32
      %dma_start3A_736 = tpu.memref_slice %arg2[%select_n3A, %dma_start3A_735, %multiple_of3A] : memref<128x4x256xi32, #tpu.memory_space<hbm>> -> memref<1x4x128xi32, #tpu.memory_space<hbm>>
      %dma_start3A_737 = tpu.memref_squeeze %dma_start3A_736 : memref<1x4x128xi32, #tpu.memory_space<hbm>> -> memref<4x128xi32, #tpu.memory_space<hbm>>
      %dma_start3A_738 = arith.constant 0 : i32
      %dma_start3A_739 = arith.constant 0 : i32
      %dma_start3A_740 = tpu.memref_slice %arg11[%run_scoped3A, %dma_start3A_738, %dma_start3A_739] : memref<8x4x128xi32, #tpu.memory_space<vmem>> -> memref<1x4x128xi32, #tpu.memory_space<vmem>>
      %dma_start3A_741 = tpu.memref_squeeze %dma_start3A_740 : memref<1x4x128xi32, #tpu.memory_space<vmem>> -> memref<4x128xi32, #tpu.memory_space<vmem>>
      %dma_start3A_742 = arith.constant 0 : i32
      %dma_start3A_743 = tpu.memref_slice %arg2[%select_n3A, %dma_start3A_742, %multiple_of3A] : memref<128x4x256xi32, #tpu.memory_space<hbm>> -> memref<1x4x128xi32, #tpu.memory_space<hbm>>
      %dma_start3A_744 = tpu.memref_squeeze %dma_start3A_743 : memref<1x4x128xi32, #tpu.memory_space<hbm>> -> memref<4x128xi32, #tpu.memory_space<hbm>>
      tpu.enqueue_dma source(%dma_start3A_744 : memref<4x128xi32, #tpu.memory_space<hbm>>) target(%dma_start3A_741 : memref<4x128xi32, #tpu.memory_space<vmem>>) target_semaphore(%run_scoped3A_731 : memref<!tpu.dma_semaphore, #tpu.memory_space<semaphore_mem>>)
      %dma_wait3A = arith.constant 0 : i32
      %dma_wait3A_745 = arith.constant 0 : i32
      %dma_wait3A_746 = tpu.memref_slice %arg11[%run_scoped3A, %dma_wait3A, %dma_wait3A_745] : memref<8x4x128xi32, #tpu.memory_space<vmem>> -> memref<1x4x128xi32, #tpu.memory_space<vmem>>
      %dma_wait3A_747 = tpu.memref_squeeze %dma_wait3A_746 : memref<1x4x128xi32, #tpu.memory_space<vmem>> -> memref<4x128xi32, #tpu.memory_space<vmem>>
      %dma_wait3A_748 = arith.constant 0 : i32
      %dma_wait3A_749 = tpu.memref_slice %arg2[%select_n3A, %dma_wait3A_748, %multiple_of3A] : memref<128x4x256xi32, #tpu.memory_space<hbm>> -> memref<1x4x128xi32, #tpu.memory_space<hbm>>
      %dma_wait3A_750 = tpu.memref_squeeze %dma_wait3A_749 : memref<1x4x128xi32, #tpu.memory_space<hbm>> -> memref<4x128xi32, #tpu.memory_space<hbm>>
      %dma_wait3A_751 = arith.constant 0 : i32
      %dma_wait3A_752 = arith.constant 0 : i32
      %dma_wait3A_753 = tpu.memref_slice %arg11[%run_scoped3A, %dma_wait3A_751, %dma_wait3A_752] : memref<8x4x128xi32, #tpu.memory_space<vmem>> -> memref<1x4x128xi32, #tpu.memory_space<vmem>>
      %dma_wait3A_754 = tpu.memref_squeeze %dma_wait3A_753 : memref<1x4x128xi32, #tpu.memory_space<vmem>> -> memref<4x128xi32, #tpu.memory_space<vmem>>
      %dma_wait3A_755 = arith.constant 0 : i32
      %dma_wait3A_756 = tpu.memref_slice %arg2[%select_n3A, %dma_wait3A_755, %multiple_of3A] : memref<128x4x256xi32, #tpu.memory_space<hbm>> -> memref<1x4x128xi32, #tpu.memory_space<hbm>>
      %dma_wait3A_757 = tpu.memref_squeeze %dma_wait3A_756 : memref<1x4x128xi32, #tpu.memory_space<hbm>> -> memref<4x128xi32, #tpu.memory_space<hbm>>
      tpu.wait_dma2 semaphore(%run_scoped3A_731 : memref<!tpu.dma_semaphore, #tpu.memory_space<semaphore_mem>>) src(%dma_wait3A_757 : memref<4x128xi32, #tpu.memory_space<hbm>>) dst(%dma_wait3A_754 : memref<4x128xi32, #tpu.memory_space<vmem>>)
      tpu.yield
    }) : () -> ()
    %run_scoped3A_59 = arith.constant 0 : i32
    "tpu.region"() ({
      %run_scoped3A_731 = tpu.sem_alloc : memref<!tpu.dma_semaphore, #tpu.memory_space<semaphore_mem>>
      %dma_start3A = arith.constant 0 : i32
      %dma_start3A_732 = arith.constant 0 : i32
      %dma_start3A_733 = tpu.memref_slice %arg12[%run_scoped3A_59, %dma_start3A, %dma_start3A_732] : memref<8x4x128xf32, #tpu.memory_space<vmem>> -> memref<1x4x128xf32, #tpu.memory_space<vmem>>
      %dma_start3A_734 = tpu.memref_squeeze %dma_start3A_733 : memref<1x4x128xf32, #tpu.memory_space<vmem>> -> memref<4x128xf32, #tpu.memory_space<vmem>>
      %dma_start3A_735 = arith.constant 0 : i32
      %dma_start3A_736 = tpu.memref_slice %arg3[%select_n3A, %dma_start3A_735, %multiple_of3A] : memref<128x4x256xf32, #tpu.memory_space<hbm>> -> memref<1x4x128xf32, #tpu.memory_space<hbm>>
      %dma_start3A_737 = tpu.memref_squeeze %dma_start3A_736 : memref<1x4x128xf32, #tpu.memory_space<hbm>> -> memref<4x128xf32, #tpu.memory_space<hbm>>
      %dma_start3A_738 = arith.constant 0 : i32
      %dma_start3A_739 = arith.constant 0 : i32
      %dma_start3A_740 = tpu.memref_slice %arg12[%run_scoped3A_59, %dma_start3A_738, %dma_start3A_739] : memref<8x4x128xf32, #tpu.memory_space<vmem>> -> memref<1x4x128xf32, #tpu.memory_space<vmem>>
      %dma_start3A_741 = tpu.memref_squeeze %dma_start3A_740 : memref<1x4x128xf32, #tpu.memory_space<vmem>> -> memref<4x128xf32, #tpu.memory_space<vmem>>
      %dma_start3A_742 = arith.constant 0 : i32
      %dma_start3A_743 = tpu.memref_slice %arg3[%select_n3A, %dma_start3A_742, %multiple_of3A] : memref<128x4x256xf32, #tpu.memory_space<hbm>> -> memref<1x4x128xf32, #tpu.memory_space<hbm>>
      %dma_start3A_744 = tpu.memref_squeeze %dma_start3A_743 : memref<1x4x128xf32, #tpu.memory_space<hbm>> -> memref<4x128xf32, #tpu.memory_space<hbm>>
      tpu.enqueue_dma source(%dma_start3A_744 : memref<4x128xf32, #tpu.memory_space<hbm>>) target(%dma_start3A_741 : memref<4x128xf32, #tpu.memory_space<vmem>>) target_semaphore(%run_scoped3A_731 : memref<!tpu.dma_semaphore, #tpu.memory_space<semaphore_mem>>)
      %dma_wait3A = arith.constant 0 : i32
      %dma_wait3A_745 = arith.constant 0 : i32
      %dma_wait3A_746 = tpu.memref_slice %arg12[%run_scoped3A_59, %dma_wait3A, %dma_wait3A_745] : memref<8x4x128xf32, #tpu.memory_space<vmem>> -> memref<1x4x128xf32, #tpu.memory_space<vmem>>
      %dma_wait3A_747 = tpu.memref_squeeze %dma_wait3A_746 : memref<1x4x128xf32, #tpu.memory_space<vmem>> -> memref<4x128xf32, #tpu.memory_space<vmem>>
      %dma_wait3A_748 = arith.constant 0 : i32
      %dma_wait3A_749 = tpu.memref_slice %arg3[%select_n3A, %dma_wait3A_748, %multiple_of3A] : memref<128x4x256xf32, #tpu.memory_space<hbm>> -> memref<1x4x128xf32, #tpu.memory_space<hbm>>
      %dma_wait3A_750 = tpu.memref_squeeze %dma_wait3A_749 : memref<1x4x128xf32, #tpu.memory_space<hbm>> -> memref<4x128xf32, #tpu.memory_space<hbm>>
      %dma_wait3A_751 = arith.constant 0 : i32
      %dma_wait3A_752 = arith.constant 0 : i32
      %dma_wait3A_753 = tpu.memref_slice %arg12[%run_scoped3A_59, %dma_wait3A_751, %dma_wait3A_752] : memref<8x4x128xf32, #tpu.memory_space<vmem>> -> memref<1x4x128xf32, #tpu.memory_space<vmem>>
      %dma_wait3A_754 = tpu.memref_squeeze %dma_wait3A_753 : memref<1x4x128xf32, #tpu.memory_space<vmem>> -> memref<4x128xf32, #tpu.memory_space<vmem>>
      %dma_wait3A_755 = arith.constant 0 : i32
      %dma_wait3A_756 = tpu.memref_slice %arg3[%select_n3A, %dma_wait3A_755, %multiple_of3A] : memref<128x4x256xf32, #tpu.memory_space<hbm>> -> memref<1x4x128xf32, #tpu.memory_space<hbm>>
      %dma_wait3A_757 = tpu.memref_squeeze %dma_wait3A_756 : memref<1x4x128xf32, #tpu.memory_space<hbm>> -> memref<4x128xf32, #tpu.memory_space<hbm>>
      tpu.wait_dma2 semaphore(%run_scoped3A_731 : memref<!tpu.dma_semaphore, #tpu.memory_space<semaphore_mem>>) src(%dma_wait3A_757 : memref<4x128xf32, #tpu.memory_space<hbm>>) dst(%dma_wait3A_754 : memref<4x128xf32, #tpu.memory_space<vmem>>)
      tpu.yield
    }) : () -> ()
    %add3A_60 = arith.constant 16384 : i32
    %add3A_61 = arith.addi %add3A_60, %mul3A_2 : i32
    %jit3A_62 = arith.constant 1024 : i32
    %div3A_63 = arith.divsi %add3A_61, %jit3A_62 : i32
    %sign3A_64 = arith.constant 0 : i32
    %sign3A_65 = arith.cmpi sgt, %add3A_61, %sign3A_64 : i32
    %sign3A_66 = arith.extui %sign3A_65 : i1 to i32
    %sign3A_67 = arith.constant 0 : i32
    %sign3A_68 = arith.cmpi slt, %add3A_61, %sign3A_67 : i32
    %sign3A_69 = arith.extui %sign3A_68 : i1 to i32
    %sign3A_70 = arith.subi %sign3A_66, %sign3A_69 : i32
    %sign3A_71 = arith.constant 0 : i32
    %sign3A_72 = arith.cmpi sgt, %jit3A_62, %sign3A_71 : i32
    %sign3A_73 = arith.extui %sign3A_72 : i1 to i32
    %sign3A_74 = arith.constant 0 : i32
    %sign3A_75 = arith.cmpi slt, %jit3A_62, %sign3A_74 : i32
    %sign3A_76 = arith.extui %sign3A_75 : i1 to i32
    %sign3A_77 = arith.subi %sign3A_73, %sign3A_76 : i32
    %ne3A_78 = arith.cmpi ne, %sign3A_70, %sign3A_77 : i32
    %rem3A_79 = arith.remsi %add3A_61, %jit3A_62 : i32
    %ne3A_80 = arith.constant 0 : i32
    %ne3A_81 = arith.cmpi ne, %rem3A_79, %ne3A_80 : i32
    %and3A_82 = arith.andi %ne3A_78, %ne3A_81 : i1
    %sub3A_83 = arith.constant 1 : i32
    %sub3A_84 = arith.subi %div3A_63, %sub3A_83 : i32
    %select_n3A_85 = arith.select %and3A_82, %sub3A_84, %div3A_63 : i32
    %jit3A_86 = arith.constant 1024 : i32
    %eq3A_87 = arith.constant 0 : i32
    %eq3A_88 = arith.cmpi eq, %jit3A_86, %eq3A_87 : i32
    %jit3A_89 = arith.constant 1 : i32
    %select_n3A_90 = arith.select %eq3A_88, %jit3A_89, %jit3A_86 : i32
    %rem3A_91 = arith.remsi %add3A_61, %select_n3A_90 : i32
    %ne3A_92 = arith.constant 0 : i32
    %ne3A_93 = arith.cmpi ne, %rem3A_91, %ne3A_92 : i32
    %lt3A_94 = arith.constant 0 : i32
    %lt3A_95 = arith.cmpi slt, %rem3A_91, %lt3A_94 : i32
    %lt3A_96 = arith.constant 0 : i32
    %lt3A_97 = arith.cmpi slt, %select_n3A_90, %lt3A_96 : i32
    %ne3A_98 = arith.xori %lt3A_95, %lt3A_97 : i1
    %and3A_99 = arith.andi %ne3A_98, %ne3A_93 : i1
    %add3A_100 = arith.addi %rem3A_91, %select_n3A_90 : i32
    %select_n3A_101 = arith.select %and3A_99, %add3A_100, %rem3A_91 : i32
    %jit3A_102 = arith.constant 4 : i32
    %div3A_103 = arith.divsi %select_n3A_101, %jit3A_102 : i32
    %sign3A_104 = arith.constant 0 : i32
    %sign3A_105 = arith.cmpi sgt, %select_n3A_101, %sign3A_104 : i32
    %sign3A_106 = arith.extui %sign3A_105 : i1 to i32
    %sign3A_107 = arith.constant 0 : i32
    %sign3A_108 = arith.cmpi slt, %select_n3A_101, %sign3A_107 : i32
    %sign3A_109 = arith.extui %sign3A_108 : i1 to i32
    %sign3A_110 = arith.subi %sign3A_106, %sign3A_109 : i32
    %sign3A_111 = arith.constant 0 : i32
    %sign3A_112 = arith.cmpi sgt, %jit3A_102, %sign3A_111 : i32
    %sign3A_113 = arith.extui %sign3A_112 : i1 to i32
    %sign3A_114 = arith.constant 0 : i32
    %sign3A_115 = arith.cmpi slt, %jit3A_102, %sign3A_114 : i32
    %sign3A_116 = arith.extui %sign3A_115 : i1 to i32
    %sign3A_117 = arith.subi %sign3A_113, %sign3A_116 : i32
    %ne3A_118 = arith.cmpi ne, %sign3A_110, %sign3A_117 : i32
    %rem3A_119 = arith.remsi %select_n3A_101, %jit3A_102 : i32
    %ne3A_120 = arith.constant 0 : i32
    %ne3A_121 = arith.cmpi ne, %rem3A_119, %ne3A_120 : i32
    %and3A_122 = arith.andi %ne3A_118, %ne3A_121 : i1
    %sub3A_123 = arith.constant 1 : i32
    %sub3A_124 = arith.subi %div3A_103, %sub3A_123 : i32
    %select_n3A_125 = arith.select %and3A_122, %sub3A_124, %div3A_103 : i32
    %multiple_of3A_126 = tpu.assume_multiple %select_n3A_125, 128 : i32
    %run_scoped3A_127 = arith.constant 1 : i32
    "tpu.region"() ({
      %run_scoped3A_731 = tpu.sem_alloc : memref<!tpu.dma_semaphore, #tpu.memory_space<semaphore_mem>>
      %dma_start3A = arith.constant 0 : i32
      %dma_start3A_732 = arith.constant 0 : i32
      %dma_start3A_733 = tpu.memref_slice %arg11[%run_scoped3A_127, %dma_start3A, %dma_start3A_732] : memref<8x4x128xi32, #tpu.memory_space<vmem>> -> memref<1x4x128xi32, #tpu.memory_space<vmem>>
      %dma_start3A_734 = tpu.memref_squeeze %dma_start3A_733 : memref<1x4x128xi32, #tpu.memory_space<vmem>> -> memref<4x128xi32, #tpu.memory_space<vmem>>
      %dma_start3A_735 = arith.constant 0 : i32
      %dma_start3A_736 = tpu.memref_slice %arg2[%select_n3A_85, %dma_start3A_735, %multiple_of3A_126] : memref<128x4x256xi32, #tpu.memory_space<hbm>> -> memref<1x4x128xi32, #tpu.memory_space<hbm>>
      %dma_start3A_737 = tpu.memref_squeeze %dma_start3A_736 : memref<1x4x128xi32, #tpu.memory_space<hbm>> -> memref<4x128xi32, #tpu.memory_space<hbm>>
      %dma_start3A_738 = arith.constant 0 : i32
      %dma_start3A_739 = arith.constant 0 : i32
      %dma_start3A_740 = tpu.memref_slice %arg11[%run_scoped3A_127, %dma_start3A_738, %dma_start3A_739] : memref<8x4x128xi32, #tpu.memory_space<vmem>> -> memref<1x4x128xi32, #tpu.memory_space<vmem>>
      %dma_start3A_741 = tpu.memref_squeeze %dma_start3A_740 : memref<1x4x128xi32, #tpu.memory_space<vmem>> -> memref<4x128xi32, #tpu.memory_space<vmem>>
      %dma_start3A_742 = arith.constant 0 : i32
      %dma_start3A_743 = tpu.memref_slice %arg2[%select_n3A_85, %dma_start3A_742, %multiple_of3A_126] : memref<128x4x256xi32, #tpu.memory_space<hbm>> -> memref<1x4x128xi32, #tpu.memory_space<hbm>>
      %dma_start3A_744 = tpu.memref_squeeze %dma_start3A_743 : memref<1x4x128xi32, #tpu.memory_space<hbm>> -> memref<4x128xi32, #tpu.memory_space<hbm>>
      tpu.enqueue_dma source(%dma_start3A_744 : memref<4x128xi32, #tpu.memory_space<hbm>>) target(%dma_start3A_741 : memref<4x128xi32, #tpu.memory_space<vmem>>) target_semaphore(%run_scoped3A_731 : memref<!tpu.dma_semaphore, #tpu.memory_space<semaphore_mem>>)
      %dma_wait3A = arith.constant 0 : i32
      %dma_wait3A_745 = arith.constant 0 : i32
      %dma_wait3A_746 = tpu.memref_slice %arg11[%run_scoped3A_127, %dma_wait3A, %dma_wait3A_745] : memref<8x4x128xi32, #tpu.memory_space<vmem>> -> memref<1x4x128xi32, #tpu.memory_space<vmem>>
      %dma_wait3A_747 = tpu.memref_squeeze %dma_wait3A_746 : memref<1x4x128xi32, #tpu.memory_space<vmem>> -> memref<4x128xi32, #tpu.memory_space<vmem>>
      %dma_wait3A_748 = arith.constant 0 : i32
      %dma_wait3A_749 = tpu.memref_slice %arg2[%select_n3A_85, %dma_wait3A_748, %multiple_of3A_126] : memref<128x4x256xi32, #tpu.memory_space<hbm>> -> memref<1x4x128xi32, #tpu.memory_space<hbm>>
      %dma_wait3A_750 = tpu.memref_squeeze %dma_wait3A_749 : memref<1x4x128xi32, #tpu.memory_space<hbm>> -> memref<4x128xi32, #tpu.memory_space<hbm>>
      %dma_wait3A_751 = arith.constant 0 : i32
      %dma_wait3A_752 = arith.constant 0 : i32
      %dma_wait3A_753 = tpu.memref_slice %arg11[%run_scoped3A_127, %dma_wait3A_751, %dma_wait3A_752] : memref<8x4x128xi32, #tpu.memory_space<vmem>> -> memref<1x4x128xi32, #tpu.memory_space<vmem>>
      %dma_wait3A_754 = tpu.memref_squeeze %dma_wait3A_753 : memref<1x4x128xi32, #tpu.memory_space<vmem>> -> memref<4x128xi32, #tpu.memory_space<vmem>>
      %dma_wait3A_755 = arith.constant 0 : i32
      %dma_wait3A_756 = tpu.memref_slice %arg2[%select_n3A_85, %dma_wait3A_755, %multiple_of3A_126] : memref<128x4x256xi32, #tpu.memory_space<hbm>> -> memref<1x4x128xi32, #tpu.memory_space<hbm>>
      %dma_wait3A_757 = tpu.memref_squeeze %dma_wait3A_756 : memref<1x4x128xi32, #tpu.memory_space<hbm>> -> memref<4x128xi32, #tpu.memory_space<hbm>>
      tpu.wait_dma2 semaphore(%run_scoped3A_731 : memref<!tpu.dma_semaphore, #tpu.memory_space<semaphore_mem>>) src(%dma_wait3A_757 : memref<4x128xi32, #tpu.memory_space<hbm>>) dst(%dma_wait3A_754 : memref<4x128xi32, #tpu.memory_space<vmem>>)
      tpu.yield
    }) : () -> ()
    %run_scoped3A_128 = arith.constant 1 : i32
    "tpu.region"() ({
      %run_scoped3A_731 = tpu.sem_alloc : memref<!tpu.dma_semaphore, #tpu.memory_space<semaphore_mem>>
      %dma_start3A = arith.constant 0 : i32
      %dma_start3A_732 = arith.constant 0 : i32
      %dma_start3A_733 = tpu.memref_slice %arg12[%run_scoped3A_128, %dma_start3A, %dma_start3A_732] : memref<8x4x128xf32, #tpu.memory_space<vmem>> -> memref<1x4x128xf32, #tpu.memory_space<vmem>>
      %dma_start3A_734 = tpu.memref_squeeze %dma_start3A_733 : memref<1x4x128xf32, #tpu.memory_space<vmem>> -> memref<4x128xf32, #tpu.memory_space<vmem>>
      %dma_start3A_735 = arith.constant 0 : i32
      %dma_start3A_736 = tpu.memref_slice %arg3[%select_n3A_85, %dma_start3A_735, %multiple_of3A_126] : memref<128x4x256xf32, #tpu.memory_space<hbm>> -> memref<1x4x128xf32, #tpu.memory_space<hbm>>
      %dma_start3A_737 = tpu.memref_squeeze %dma_start3A_736 : memref<1x4x128xf32, #tpu.memory_space<hbm>> -> memref<4x128xf32, #tpu.memory_space<hbm>>
      %dma_start3A_738 = arith.constant 0 : i32
      %dma_start3A_739 = arith.constant 0 : i32
      %dma_start3A_740 = tpu.memref_slice %arg12[%run_scoped3A_128, %dma_start3A_738, %dma_start3A_739] : memref<8x4x128xf32, #tpu.memory_space<vmem>> -> memref<1x4x128xf32, #tpu.memory_space<vmem>>
      %dma_start3A_741 = tpu.memref_squeeze %dma_start3A_740 : memref<1x4x128xf32, #tpu.memory_space<vmem>> -> memref<4x128xf32, #tpu.memory_space<vmem>>
      %dma_start3A_742 = arith.constant 0 : i32
      %dma_start3A_743 = tpu.memref_slice %arg3[%select_n3A_85, %dma_start3A_742, %multiple_of3A_126] : memref<128x4x256xf32, #tpu.memory_space<hbm>> -> memref<1x4x128xf32, #tpu.memory_space<hbm>>
      %dma_start3A_744 = tpu.memref_squeeze %dma_start3A_743 : memref<1x4x128xf32, #tpu.memory_space<hbm>> -> memref<4x128xf32, #tpu.memory_space<hbm>>
      tpu.enqueue_dma source(%dma_start3A_744 : memref<4x128xf32, #tpu.memory_space<hbm>>) target(%dma_start3A_741 : memref<4x128xf32, #tpu.memory_space<vmem>>) target_semaphore(%run_scoped3A_731 : memref<!tpu.dma_semaphore, #tpu.memory_space<semaphore_mem>>)
      %dma_wait3A = arith.constant 0 : i32
      %dma_wait3A_745 = arith.constant 0 : i32
      %dma_wait3A_746 = tpu.memref_slice %arg12[%run_scoped3A_128, %dma_wait3A, %dma_wait3A_745] : memref<8x4x128xf32, #tpu.memory_space<vmem>> -> memref<1x4x128xf32, #tpu.memory_space<vmem>>
      %dma_wait3A_747 = tpu.memref_squeeze %dma_wait3A_746 : memref<1x4x128xf32, #tpu.memory_space<vmem>> -> memref<4x128xf32, #tpu.memory_space<vmem>>
      %dma_wait3A_748 = arith.constant 0 : i32
      %dma_wait3A_749 = tpu.memref_slice %arg3[%select_n3A_85, %dma_wait3A_748, %multiple_of3A_126] : memref<128x4x256xf32, #tpu.memory_space<hbm>> -> memref<1x4x128xf32, #tpu.memory_space<hbm>>
      %dma_wait3A_750 = tpu.memref_squeeze %dma_wait3A_749 : memref<1x4x128xf32, #tpu.memory_space<hbm>> -> memref<4x128xf32, #tpu.memory_space<hbm>>
      %dma_wait3A_751 = arith.constant 0 : i32
      %dma_wait3A_752 = arith.constant 0 : i32
      %dma_wait3A_753 = tpu.memref_slice %arg12[%run_scoped3A_128, %dma_wait3A_751, %dma_wait3A_752] : memref<8x4x128xf32, #tpu.memory_space<vmem>> -> memref<1x4x128xf32, #tpu.memory_space<vmem>>
      %dma_wait3A_754 = tpu.memref_squeeze %dma_wait3A_753 : memref<1x4x128xf32, #tpu.memory_space<vmem>> -> memref<4x128xf32, #tpu.memory_space<vmem>>
      %dma_wait3A_755 = arith.constant 0 : i32
      %dma_wait3A_756 = tpu.memref_slice %arg3[%select_n3A_85, %dma_wait3A_755, %multiple_of3A_126] : memref<128x4x256xf32, #tpu.memory_space<hbm>> -> memref<1x4x128xf32, #tpu.memory_space<hbm>>
      %dma_wait3A_757 = tpu.memref_squeeze %dma_wait3A_756 : memref<1x4x128xf32, #tpu.memory_space<hbm>> -> memref<4x128xf32, #tpu.memory_space<hbm>>
      tpu.wait_dma2 semaphore(%run_scoped3A_731 : memref<!tpu.dma_semaphore, #tpu.memory_space<semaphore_mem>>) src(%dma_wait3A_757 : memref<4x128xf32, #tpu.memory_space<hbm>>) dst(%dma_wait3A_754 : memref<4x128xf32, #tpu.memory_space<vmem>>)
      tpu.yield
    }) : () -> ()
    %add3A_129 = arith.constant 32768 : i32
    %add3A_130 = arith.addi %add3A_129, %mul3A_2 : i32
    %jit3A_131 = arith.constant 1024 : i32
    %div3A_132 = arith.divsi %add3A_130, %jit3A_131 : i32
    %sign3A_133 = arith.constant 0 : i32
    %sign3A_134 = arith.cmpi sgt, %add3A_130, %sign3A_133 : i32
    %sign3A_135 = arith.extui %sign3A_134 : i1 to i32
    %sign3A_136 = arith.constant 0 : i32
    %sign3A_137 = arith.cmpi slt, %add3A_130, %sign3A_136 : i32
    %sign3A_138 = arith.extui %sign3A_137 : i1 to i32
    %sign3A_139 = arith.subi %sign3A_135, %sign3A_138 : i32
    %sign3A_140 = arith.constant 0 : i32
    %sign3A_141 = arith.cmpi sgt, %jit3A_131, %sign3A_140 : i32
    %sign3A_142 = arith.extui %sign3A_141 : i1 to i32
    %sign3A_143 = arith.constant 0 : i32
    %sign3A_144 = arith.cmpi slt, %jit3A_131, %sign3A_143 : i32
    %sign3A_145 = arith.extui %sign3A_144 : i1 to i32
    %sign3A_146 = arith.subi %sign3A_142, %sign3A_145 : i32
    %ne3A_147 = arith.cmpi ne, %sign3A_139, %sign3A_146 : i32
    %rem3A_148 = arith.remsi %add3A_130, %jit3A_131 : i32
    %ne3A_149 = arith.constant 0 : i32
    %ne3A_150 = arith.cmpi ne, %rem3A_148, %ne3A_149 : i32
    %and3A_151 = arith.andi %ne3A_147, %ne3A_150 : i1
    %sub3A_152 = arith.constant 1 : i32
    %sub3A_153 = arith.subi %div3A_132, %sub3A_152 : i32
    %select_n3A_154 = arith.select %and3A_151, %sub3A_153, %div3A_132 : i32
    %jit3A_155 = arith.constant 1024 : i32
    %eq3A_156 = arith.constant 0 : i32
    %eq3A_157 = arith.cmpi eq, %jit3A_155, %eq3A_156 : i32
    %jit3A_158 = arith.constant 1 : i32
    %select_n3A_159 = arith.select %eq3A_157, %jit3A_158, %jit3A_155 : i32
    %rem3A_160 = arith.remsi %add3A_130, %select_n3A_159 : i32
    %ne3A_161 = arith.constant 0 : i32
    %ne3A_162 = arith.cmpi ne, %rem3A_160, %ne3A_161 : i32
    %lt3A_163 = arith.constant 0 : i32
    %lt3A_164 = arith.cmpi slt, %rem3A_160, %lt3A_163 : i32
    %lt3A_165 = arith.constant 0 : i32
    %lt3A_166 = arith.cmpi slt, %select_n3A_159, %lt3A_165 : i32
    %ne3A_167 = arith.xori %lt3A_164, %lt3A_166 : i1
    %and3A_168 = arith.andi %ne3A_167, %ne3A_162 : i1
    %add3A_169 = arith.addi %rem3A_160, %select_n3A_159 : i32
    %select_n3A_170 = arith.select %and3A_168, %add3A_169, %rem3A_160 : i32
    %jit3A_171 = arith.constant 4 : i32
    %div3A_172 = arith.divsi %select_n3A_170, %jit3A_171 : i32
    %sign3A_173 = arith.constant 0 : i32
    %sign3A_174 = arith.cmpi sgt, %select_n3A_170, %sign3A_173 : i32
    %sign3A_175 = arith.extui %sign3A_174 : i1 to i32
    %sign3A_176 = arith.constant 0 : i32
    %sign3A_177 = arith.cmpi slt, %select_n3A_170, %sign3A_176 : i32
    %sign3A_178 = arith.extui %sign3A_177 : i1 to i32
    %sign3A_179 = arith.subi %sign3A_175, %sign3A_178 : i32
    %sign3A_180 = arith.constant 0 : i32
    %sign3A_181 = arith.cmpi sgt, %jit3A_171, %sign3A_180 : i32
    %sign3A_182 = arith.extui %sign3A_181 : i1 to i32
    %sign3A_183 = arith.constant 0 : i32
    %sign3A_184 = arith.cmpi slt, %jit3A_171, %sign3A_183 : i32
    %sign3A_185 = arith.extui %sign3A_184 : i1 to i32
    %sign3A_186 = arith.subi %sign3A_182, %sign3A_185 : i32
    %ne3A_187 = arith.cmpi ne, %sign3A_179, %sign3A_186 : i32
    %rem3A_188 = arith.remsi %select_n3A_170, %jit3A_171 : i32
    %ne3A_189 = arith.constant 0 : i32
    %ne3A_190 = arith.cmpi ne, %rem3A_188, %ne3A_189 : i32
    %and3A_191 = arith.andi %ne3A_187, %ne3A_190 : i1
    %sub3A_192 = arith.constant 1 : i32
    %sub3A_193 = arith.subi %div3A_172, %sub3A_192 : i32
    %select_n3A_194 = arith.select %and3A_191, %sub3A_193, %div3A_172 : i32
    %multiple_of3A_195 = tpu.assume_multiple %select_n3A_194, 128 : i32
    %run_scoped3A_196 = arith.constant 2 : i32
    "tpu.region"() ({
      %run_scoped3A_731 = tpu.sem_alloc : memref<!tpu.dma_semaphore, #tpu.memory_space<semaphore_mem>>
      %dma_start3A = arith.constant 0 : i32
      %dma_start3A_732 = arith.constant 0 : i32
      %dma_start3A_733 = tpu.memref_slice %arg11[%run_scoped3A_196, %dma_start3A, %dma_start3A_732] : memref<8x4x128xi32, #tpu.memory_space<vmem>> -> memref<1x4x128xi32, #tpu.memory_space<vmem>>
      %dma_start3A_734 = tpu.memref_squeeze %dma_start3A_733 : memref<1x4x128xi32, #tpu.memory_space<vmem>> -> memref<4x128xi32, #tpu.memory_space<vmem>>
      %dma_start3A_735 = arith.constant 0 : i32
      %dma_start3A_736 = tpu.memref_slice %arg2[%select_n3A_154, %dma_start3A_735, %multiple_of3A_195] : memref<128x4x256xi32, #tpu.memory_space<hbm>> -> memref<1x4x128xi32, #tpu.memory_space<hbm>>
      %dma_start3A_737 = tpu.memref_squeeze %dma_start3A_736 : memref<1x4x128xi32, #tpu.memory_space<hbm>> -> memref<4x128xi32, #tpu.memory_space<hbm>>
      %dma_start3A_738 = arith.constant 0 : i32
      %dma_start3A_739 = arith.constant 0 : i32
      %dma_start3A_740 = tpu.memref_slice %arg11[%run_scoped3A_196, %dma_start3A_738, %dma_start3A_739] : memref<8x4x128xi32, #tpu.memory_space<vmem>> -> memref<1x4x128xi32, #tpu.memory_space<vmem>>
      %dma_start3A_741 = tpu.memref_squeeze %dma_start3A_740 : memref<1x4x128xi32, #tpu.memory_space<vmem>> -> memref<4x128xi32, #tpu.memory_space<vmem>>
      %dma_start3A_742 = arith.constant 0 : i32
      %dma_start3A_743 = tpu.memref_slice %arg2[%select_n3A_154, %dma_start3A_742, %multiple_of3A_195] : memref<128x4x256xi32, #tpu.memory_space<hbm>> -> memref<1x4x128xi32, #tpu.memory_space<hbm>>
      %dma_start3A_744 = tpu.memref_squeeze %dma_start3A_743 : memref<1x4x128xi32, #tpu.memory_space<hbm>> -> memref<4x128xi32, #tpu.memory_space<hbm>>
      tpu.enqueue_dma source(%dma_start3A_744 : memref<4x128xi32, #tpu.memory_space<hbm>>) target(%dma_start3A_741 : memref<4x128xi32, #tpu.memory_space<vmem>>) target_semaphore(%run_scoped3A_731 : memref<!tpu.dma_semaphore, #tpu.memory_space<semaphore_mem>>)
      %dma_wait3A = arith.constant 0 : i32
      %dma_wait3A_745 = arith.constant 0 : i32
      %dma_wait3A_746 = tpu.memref_slice %arg11[%run_scoped3A_196, %dma_wait3A, %dma_wait3A_745] : memref<8x4x128xi32, #tpu.memory_space<vmem>> -> memref<1x4x128xi32, #tpu.memory_space<vmem>>
      %dma_wait3A_747 = tpu.memref_squeeze %dma_wait3A_746 : memref<1x4x128xi32, #tpu.memory_space<vmem>> -> memref<4x128xi32, #tpu.memory_space<vmem>>
      %dma_wait3A_748 = arith.constant 0 : i32
      %dma_wait3A_749 = tpu.memref_slice %arg2[%select_n3A_154, %dma_wait3A_748, %multiple_of3A_195] : memref<128x4x256xi32, #tpu.memory_space<hbm>> -> memref<1x4x128xi32, #tpu.memory_space<hbm>>
      %dma_wait3A_750 = tpu.memref_squeeze %dma_wait3A_749 : memref<1x4x128xi32, #tpu.memory_space<hbm>> -> memref<4x128xi32, #tpu.memory_space<hbm>>
      %dma_wait3A_751 = arith.constant 0 : i32
      %dma_wait3A_752 = arith.constant 0 : i32
      %dma_wait3A_753 = tpu.memref_slice %arg11[%run_scoped3A_196, %dma_wait3A_751, %dma_wait3A_752] : memref<8x4x128xi32, #tpu.memory_space<vmem>> -> memref<1x4x128xi32, #tpu.memory_space<vmem>>
      %dma_wait3A_754 = tpu.memref_squeeze %dma_wait3A_753 : memref<1x4x128xi32, #tpu.memory_space<vmem>> -> memref<4x128xi32, #tpu.memory_space<vmem>>
      %dma_wait3A_755 = arith.constant 0 : i32
      %dma_wait3A_756 = tpu.memref_slice %arg2[%select_n3A_154, %dma_wait3A_755, %multiple_of3A_195] : memref<128x4x256xi32, #tpu.memory_space<hbm>> -> memref<1x4x128xi32, #tpu.memory_space<hbm>>
      %dma_wait3A_757 = tpu.memref_squeeze %dma_wait3A_756 : memref<1x4x128xi32, #tpu.memory_space<hbm>> -> memref<4x128xi32, #tpu.memory_space<hbm>>
      tpu.wait_dma2 semaphore(%run_scoped3A_731 : memref<!tpu.dma_semaphore, #tpu.memory_space<semaphore_mem>>) src(%dma_wait3A_757 : memref<4x128xi32, #tpu.memory_space<hbm>>) dst(%dma_wait3A_754 : memref<4x128xi32, #tpu.memory_space<vmem>>)
      tpu.yield
    }) : () -> ()
    %run_scoped3A_197 = arith.constant 2 : i32
    "tpu.region"() ({
      %run_scoped3A_731 = tpu.sem_alloc : memref<!tpu.dma_semaphore, #tpu.memory_space<semaphore_mem>>
      %dma_start3A = arith.constant 0 : i32
      %dma_start3A_732 = arith.constant 0 : i32
      %dma_start3A_733 = tpu.memref_slice %arg12[%run_scoped3A_197, %dma_start3A, %dma_start3A_732] : memref<8x4x128xf32, #tpu.memory_space<vmem>> -> memref<1x4x128xf32, #tpu.memory_space<vmem>>
      %dma_start3A_734 = tpu.memref_squeeze %dma_start3A_733 : memref<1x4x128xf32, #tpu.memory_space<vmem>> -> memref<4x128xf32, #tpu.memory_space<vmem>>
      %dma_start3A_735 = arith.constant 0 : i32
      %dma_start3A_736 = tpu.memref_slice %arg3[%select_n3A_154, %dma_start3A_735, %multiple_of3A_195] : memref<128x4x256xf32, #tpu.memory_space<hbm>> -> memref<1x4x128xf32, #tpu.memory_space<hbm>>
      %dma_start3A_737 = tpu.memref_squeeze %dma_start3A_736 : memref<1x4x128xf32, #tpu.memory_space<hbm>> -> memref<4x128xf32, #tpu.memory_space<hbm>>
      %dma_start3A_738 = arith.constant 0 : i32
      %dma_start3A_739 = arith.constant 0 : i32
      %dma_start3A_740 = tpu.memref_slice %arg12[%run_scoped3A_197, %dma_start3A_738, %dma_start3A_739] : memref<8x4x128xf32, #tpu.memory_space<vmem>> -> memref<1x4x128xf32, #tpu.memory_space<vmem>>
      %dma_start3A_741 = tpu.memref_squeeze %dma_start3A_740 : memref<1x4x128xf32, #tpu.memory_space<vmem>> -> memref<4x128xf32, #tpu.memory_space<vmem>>
      %dma_start3A_742 = arith.constant 0 : i32
      %dma_start3A_743 = tpu.memref_slice %arg3[%select_n3A_154, %dma_start3A_742, %multiple_of3A_195] : memref<128x4x256xf32, #tpu.memory_space<hbm>> -> memref<1x4x128xf32, #tpu.memory_space<hbm>>
      %dma_start3A_744 = tpu.memref_squeeze %dma_start3A_743 : memref<1x4x128xf32, #tpu.memory_space<hbm>> -> memref<4x128xf32, #tpu.memory_space<hbm>>
      tpu.enqueue_dma source(%dma_start3A_744 : memref<4x128xf32, #tpu.memory_space<hbm>>) target(%dma_start3A_741 : memref<4x128xf32, #tpu.memory_space<vmem>>) target_semaphore(%run_scoped3A_731 : memref<!tpu.dma_semaphore, #tpu.memory_space<semaphore_mem>>)
      %dma_wait3A = arith.constant 0 : i32
      %dma_wait3A_745 = arith.constant 0 : i32
      %dma_wait3A_746 = tpu.memref_slice %arg12[%run_scoped3A_197, %dma_wait3A, %dma_wait3A_745] : memref<8x4x128xf32, #tpu.memory_space<vmem>> -> memref<1x4x128xf32, #tpu.memory_space<vmem>>
      %dma_wait3A_747 = tpu.memref_squeeze %dma_wait3A_746 : memref<1x4x128xf32, #tpu.memory_space<vmem>> -> memref<4x128xf32, #tpu.memory_space<vmem>>
      %dma_wait3A_748 = arith.constant 0 : i32
      %dma_wait3A_749 = tpu.memref_slice %arg3[%select_n3A_154, %dma_wait3A_748, %multiple_of3A_195] : memref<128x4x256xf32, #tpu.memory_space<hbm>> -> memref<1x4x128xf32, #tpu.memory_space<hbm>>
      %dma_wait3A_750 = tpu.memref_squeeze %dma_wait3A_749 : memref<1x4x128xf32, #tpu.memory_space<hbm>> -> memref<4x128xf32, #tpu.memory_space<hbm>>
      %dma_wait3A_751 = arith.constant 0 : i32
      %dma_wait3A_752 = arith.constant 0 : i32
      %dma_wait3A_753 = tpu.memref_slice %arg12[%run_scoped3A_197, %dma_wait3A_751, %dma_wait3A_752] : memref<8x4x128xf32, #tpu.memory_space<vmem>> -> memref<1x4x128xf32, #tpu.memory_space<vmem>>
      %dma_wait3A_754 = tpu.memref_squeeze %dma_wait3A_753 : memref<1x4x128xf32, #tpu.memory_space<vmem>> -> memref<4x128xf32, #tpu.memory_space<vmem>>
      %dma_wait3A_755 = arith.constant 0 : i32
      %dma_wait3A_756 = tpu.memref_slice %arg3[%select_n3A_154, %dma_wait3A_755, %multiple_of3A_195] : memref<128x4x256xf32, #tpu.memory_space<hbm>> -> memref<1x4x128xf32, #tpu.memory_space<hbm>>
      %dma_wait3A_757 = tpu.memref_squeeze %dma_wait3A_756 : memref<1x4x128xf32, #tpu.memory_space<hbm>> -> memref<4x128xf32, #tpu.memory_space<hbm>>
      tpu.wait_dma2 semaphore(%run_scoped3A_731 : memref<!tpu.dma_semaphore, #tpu.memory_space<semaphore_mem>>) src(%dma_wait3A_757 : memref<4x128xf32, #tpu.memory_space<hbm>>) dst(%dma_wait3A_754 : memref<4x128xf32, #tpu.memory_space<vmem>>)
      tpu.yield
    }) : () -> ()
    %add3A_198 = arith.constant 49152 : i32
    %add3A_199 = arith.addi %add3A_198, %mul3A_2 : i32
    %jit3A_200 = arith.constant 1024 : i32
    %div3A_201 = arith.divsi %add3A_199, %jit3A_200 : i32
    %sign3A_202 = arith.constant 0 : i32
    %sign3A_203 = arith.cmpi sgt, %add3A_199, %sign3A_202 : i32
    %sign3A_204 = arith.extui %sign3A_203 : i1 to i32
    %sign3A_205 = arith.constant 0 : i32
    %sign3A_206 = arith.cmpi slt, %add3A_199, %sign3A_205 : i32
    %sign3A_207 = arith.extui %sign3A_206 : i1 to i32
    %sign3A_208 = arith.subi %sign3A_204, %sign3A_207 : i32
    %sign3A_209 = arith.constant 0 : i32
    %sign3A_210 = arith.cmpi sgt, %jit3A_200, %sign3A_209 : i32
    %sign3A_211 = arith.extui %sign3A_210 : i1 to i32
    %sign3A_212 = arith.constant 0 : i32
    %sign3A_213 = arith.cmpi slt, %jit3A_200, %sign3A_212 : i32
    %sign3A_214 = arith.extui %sign3A_213 : i1 to i32
    %sign3A_215 = arith.subi %sign3A_211, %sign3A_214 : i32
    %ne3A_216 = arith.cmpi ne, %sign3A_208, %sign3A_215 : i32
    %rem3A_217 = arith.remsi %add3A_199, %jit3A_200 : i32
    %ne3A_218 = arith.constant 0 : i32
    %ne3A_219 = arith.cmpi ne, %rem3A_217, %ne3A_218 : i32
    %and3A_220 = arith.andi %ne3A_216, %ne3A_219 : i1
    %sub3A_221 = arith.constant 1 : i32
    %sub3A_222 = arith.subi %div3A_201, %sub3A_221 : i32
    %select_n3A_223 = arith.select %and3A_220, %sub3A_222, %div3A_201 : i32
    %jit3A_224 = arith.constant 1024 : i32
    %eq3A_225 = arith.constant 0 : i32
    %eq3A_226 = arith.cmpi eq, %jit3A_224, %eq3A_225 : i32
    %jit3A_227 = arith.constant 1 : i32
    %select_n3A_228 = arith.select %eq3A_226, %jit3A_227, %jit3A_224 : i32
    %rem3A_229 = arith.remsi %add3A_199, %select_n3A_228 : i32
    %ne3A_230 = arith.constant 0 : i32
    %ne3A_231 = arith.cmpi ne, %rem3A_229, %ne3A_230 : i32
    %lt3A_232 = arith.constant 0 : i32
    %lt3A_233 = arith.cmpi slt, %rem3A_229, %lt3A_232 : i32
    %lt3A_234 = arith.constant 0 : i32
    %lt3A_235 = arith.cmpi slt, %select_n3A_228, %lt3A_234 : i32
    %ne3A_236 = arith.xori %lt3A_233, %lt3A_235 : i1
    %and3A_237 = arith.andi %ne3A_236, %ne3A_231 : i1
    %add3A_238 = arith.addi %rem3A_229, %select_n3A_228 : i32
    %select_n3A_239 = arith.select %and3A_237, %add3A_238, %rem3A_229 : i32
    %jit3A_240 = arith.constant 4 : i32
    %div3A_241 = arith.divsi %select_n3A_239, %jit3A_240 : i32
    %sign3A_242 = arith.constant 0 : i32
    %sign3A_243 = arith.cmpi sgt, %select_n3A_239, %sign3A_242 : i32
    %sign3A_244 = arith.extui %sign3A_243 : i1 to i32
    %sign3A_245 = arith.constant 0 : i32
    %sign3A_246 = arith.cmpi slt, %select_n3A_239, %sign3A_245 : i32
    %sign3A_247 = arith.extui %sign3A_246 : i1 to i32
    %sign3A_248 = arith.subi %sign3A_244, %sign3A_247 : i32
    %sign3A_249 = arith.constant 0 : i32
    %sign3A_250 = arith.cmpi sgt, %jit3A_240, %sign3A_249 : i32
    %sign3A_251 = arith.extui %sign3A_250 : i1 to i32
    %sign3A_252 = arith.constant 0 : i32
    %sign3A_253 = arith.cmpi slt, %jit3A_240, %sign3A_252 : i32
    %sign3A_254 = arith.extui %sign3A_253 : i1 to i32
    %sign3A_255 = arith.subi %sign3A_251, %sign3A_254 : i32
    %ne3A_256 = arith.cmpi ne, %sign3A_248, %sign3A_255 : i32
    %rem3A_257 = arith.remsi %select_n3A_239, %jit3A_240 : i32
    %ne3A_258 = arith.constant 0 : i32
    %ne3A_259 = arith.cmpi ne, %rem3A_257, %ne3A_258 : i32
    %and3A_260 = arith.andi %ne3A_256, %ne3A_259 : i1
    %sub3A_261 = arith.constant 1 : i32
    %sub3A_262 = arith.subi %div3A_241, %sub3A_261 : i32
    %select_n3A_263 = arith.select %and3A_260, %sub3A_262, %div3A_241 : i32
    %multiple_of3A_264 = tpu.assume_multiple %select_n3A_263, 128 : i32
    %run_scoped3A_265 = arith.constant 3 : i32
    "tpu.region"() ({
      %run_scoped3A_731 = tpu.sem_alloc : memref<!tpu.dma_semaphore, #tpu.memory_space<semaphore_mem>>
      %dma_start3A = arith.constant 0 : i32
      %dma_start3A_732 = arith.constant 0 : i32
      %dma_start3A_733 = tpu.memref_slice %arg11[%run_scoped3A_265, %dma_start3A, %dma_start3A_732] : memref<8x4x128xi32, #tpu.memory_space<vmem>> -> memref<1x4x128xi32, #tpu.memory_space<vmem>>
      %dma_start3A_734 = tpu.memref_squeeze %dma_start3A_733 : memref<1x4x128xi32, #tpu.memory_space<vmem>> -> memref<4x128xi32, #tpu.memory_space<vmem>>
      %dma_start3A_735 = arith.constant 0 : i32
      %dma_start3A_736 = tpu.memref_slice %arg2[%select_n3A_223, %dma_start3A_735, %multiple_of3A_264] : memref<128x4x256xi32, #tpu.memory_space<hbm>> -> memref<1x4x128xi32, #tpu.memory_space<hbm>>
      %dma_start3A_737 = tpu.memref_squeeze %dma_start3A_736 : memref<1x4x128xi32, #tpu.memory_space<hbm>> -> memref<4x128xi32, #tpu.memory_space<hbm>>
      %dma_start3A_738 = arith.constant 0 : i32
      %dma_start3A_739 = arith.constant 0 : i32
      %dma_start3A_740 = tpu.memref_slice %arg11[%run_scoped3A_265, %dma_start3A_738, %dma_start3A_739] : memref<8x4x128xi32, #tpu.memory_space<vmem>> -> memref<1x4x128xi32, #tpu.memory_space<vmem>>
      %dma_start3A_741 = tpu.memref_squeeze %dma_start3A_740 : memref<1x4x128xi32, #tpu.memory_space<vmem>> -> memref<4x128xi32, #tpu.memory_space<vmem>>
      %dma_start3A_742 = arith.constant 0 : i32
      %dma_start3A_743 = tpu.memref_slice %arg2[%select_n3A_223, %dma_start3A_742, %multiple_of3A_264] : memref<128x4x256xi32, #tpu.memory_space<hbm>> -> memref<1x4x128xi32, #tpu.memory_space<hbm>>
      %dma_start3A_744 = tpu.memref_squeeze %dma_start3A_743 : memref<1x4x128xi32, #tpu.memory_space<hbm>> -> memref<4x128xi32, #tpu.memory_space<hbm>>
      tpu.enqueue_dma source(%dma_start3A_744 : memref<4x128xi32, #tpu.memory_space<hbm>>) target(%dma_start3A_741 : memref<4x128xi32, #tpu.memory_space<vmem>>) target_semaphore(%run_scoped3A_731 : memref<!tpu.dma_semaphore, #tpu.memory_space<semaphore_mem>>)
      %dma_wait3A = arith.constant 0 : i32
      %dma_wait3A_745 = arith.constant 0 : i32
      %dma_wait3A_746 = tpu.memref_slice %arg11[%run_scoped3A_265, %dma_wait3A, %dma_wait3A_745] : memref<8x4x128xi32, #tpu.memory_space<vmem>> -> memref<1x4x128xi32, #tpu.memory_space<vmem>>
      %dma_wait3A_747 = tpu.memref_squeeze %dma_wait3A_746 : memref<1x4x128xi32, #tpu.memory_space<vmem>> -> memref<4x128xi32, #tpu.memory_space<vmem>>
      %dma_wait3A_748 = arith.constant 0 : i32
      %dma_wait3A_749 = tpu.memref_slice %arg2[%select_n3A_223, %dma_wait3A_748, %multiple_of3A_264] : memref<128x4x256xi32, #tpu.memory_space<hbm>> -> memref<1x4x128xi32, #tpu.memory_space<hbm>>
      %dma_wait3A_750 = tpu.memref_squeeze %dma_wait3A_749 : memref<1x4x128xi32, #tpu.memory_space<hbm>> -> memref<4x128xi32, #tpu.memory_space<hbm>>
      %dma_wait3A_751 = arith.constant 0 : i32
      %dma_wait3A_752 = arith.constant 0 : i32
      %dma_wait3A_753 = tpu.memref_slice %arg11[%run_scoped3A_265, %dma_wait3A_751, %dma_wait3A_752] : memref<8x4x128xi32, #tpu.memory_space<vmem>> -> memref<1x4x128xi32, #tpu.memory_space<vmem>>
      %dma_wait3A_754 = tpu.memref_squeeze %dma_wait3A_753 : memref<1x4x128xi32, #tpu.memory_space<vmem>> -> memref<4x128xi32, #tpu.memory_space<vmem>>
      %dma_wait3A_755 = arith.constant 0 : i32
      %dma_wait3A_756 = tpu.memref_slice %arg2[%select_n3A_223, %dma_wait3A_755, %multiple_of3A_264] : memref<128x4x256xi32, #tpu.memory_space<hbm>> -> memref<1x4x128xi32, #tpu.memory_space<hbm>>
      %dma_wait3A_757 = tpu.memref_squeeze %dma_wait3A_756 : memref<1x4x128xi32, #tpu.memory_space<hbm>> -> memref<4x128xi32, #tpu.memory_space<hbm>>
      tpu.wait_dma2 semaphore(%run_scoped3A_731 : memref<!tpu.dma_semaphore, #tpu.memory_space<semaphore_mem>>) src(%dma_wait3A_757 : memref<4x128xi32, #tpu.memory_space<hbm>>) dst(%dma_wait3A_754 : memref<4x128xi32, #tpu.memory_space<vmem>>)
      tpu.yield
    }) : () -> ()
    %run_scoped3A_266 = arith.constant 3 : i32
    "tpu.region"() ({
      %run_scoped3A_731 = tpu.sem_alloc : memref<!tpu.dma_semaphore, #tpu.memory_space<semaphore_mem>>
      %dma_start3A = arith.constant 0 : i32
      %dma_start3A_732 = arith.constant 0 : i32
      %dma_start3A_733 = tpu.memref_slice %arg12[%run_scoped3A_266, %dma_start3A, %dma_start3A_732] : memref<8x4x128xf32, #tpu.memory_space<vmem>> -> memref<1x4x128xf32, #tpu.memory_space<vmem>>
      %dma_start3A_734 = tpu.memref_squeeze %dma_start3A_733 : memref<1x4x128xf32, #tpu.memory_space<vmem>> -> memref<4x128xf32, #tpu.memory_space<vmem>>
      %dma_start3A_735 = arith.constant 0 : i32
      %dma_start3A_736 = tpu.memref_slice %arg3[%select_n3A_223, %dma_start3A_735, %multiple_of3A_264] : memref<128x4x256xf32, #tpu.memory_space<hbm>> -> memref<1x4x128xf32, #tpu.memory_space<hbm>>
      %dma_start3A_737 = tpu.memref_squeeze %dma_start3A_736 : memref<1x4x128xf32, #tpu.memory_space<hbm>> -> memref<4x128xf32, #tpu.memory_space<hbm>>
      %dma_start3A_738 = arith.constant 0 : i32
      %dma_start3A_739 = arith.constant 0 : i32
      %dma_start3A_740 = tpu.memref_slice %arg12[%run_scoped3A_266, %dma_start3A_738, %dma_start3A_739] : memref<8x4x128xf32, #tpu.memory_space<vmem>> -> memref<1x4x128xf32, #tpu.memory_space<vmem>>
      %dma_start3A_741 = tpu.memref_squeeze %dma_start3A_740 : memref<1x4x128xf32, #tpu.memory_space<vmem>> -> memref<4x128xf32, #tpu.memory_space<vmem>>
      %dma_start3A_742 = arith.constant 0 : i32
      %dma_start3A_743 = tpu.memref_slice %arg3[%select_n3A_223, %dma_start3A_742, %multiple_of3A_264] : memref<128x4x256xf32, #tpu.memory_space<hbm>> -> memref<1x4x128xf32, #tpu.memory_space<hbm>>
      %dma_start3A_744 = tpu.memref_squeeze %dma_start3A_743 : memref<1x4x128xf32, #tpu.memory_space<hbm>> -> memref<4x128xf32, #tpu.memory_space<hbm>>
      tpu.enqueue_dma source(%dma_start3A_744 : memref<4x128xf32, #tpu.memory_space<hbm>>) target(%dma_start3A_741 : memref<4x128xf32, #tpu.memory_space<vmem>>) target_semaphore(%run_scoped3A_731 : memref<!tpu.dma_semaphore, #tpu.memory_space<semaphore_mem>>)
      %dma_wait3A = arith.constant 0 : i32
      %dma_wait3A_745 = arith.constant 0 : i32
      %dma_wait3A_746 = tpu.memref_slice %arg12[%run_scoped3A_266, %dma_wait3A, %dma_wait3A_745] : memref<8x4x128xf32, #tpu.memory_space<vmem>> -> memref<1x4x128xf32, #tpu.memory_space<vmem>>
      %dma_wait3A_747 = tpu.memref_squeeze %dma_wait3A_746 : memref<1x4x128xf32, #tpu.memory_space<vmem>> -> memref<4x128xf32, #tpu.memory_space<vmem>>
      %dma_wait3A_748 = arith.constant 0 : i32
      %dma_wait3A_749 = tpu.memref_slice %arg3[%select_n3A_223, %dma_wait3A_748, %multiple_of3A_264] : memref<128x4x256xf32, #tpu.memory_space<hbm>> -> memref<1x4x128xf32, #tpu.memory_space<hbm>>
      %dma_wait3A_750 = tpu.memref_squeeze %dma_wait3A_749 : memref<1x4x128xf32, #tpu.memory_space<hbm>> -> memref<4x128xf32, #tpu.memory_space<hbm>>
      %dma_wait3A_751 = arith.constant 0 : i32
      %dma_wait3A_752 = arith.constant 0 : i32
      %dma_wait3A_753 = tpu.memref_slice %arg12[%run_scoped3A_266, %dma_wait3A_751, %dma_wait3A_752] : memref<8x4x128xf32, #tpu.memory_space<vmem>> -> memref<1x4x128xf32, #tpu.memory_space<vmem>>
      %dma_wait3A_754 = tpu.memref_squeeze %dma_wait3A_753 : memref<1x4x128xf32, #tpu.memory_space<vmem>> -> memref<4x128xf32, #tpu.memory_space<vmem>>
      %dma_wait3A_755 = arith.constant 0 : i32
      %dma_wait3A_756 = tpu.memref_slice %arg3[%select_n3A_223, %dma_wait3A_755, %multiple_of3A_264] : memref<128x4x256xf32, #tpu.memory_space<hbm>> -> memref<1x4x128xf32, #tpu.memory_space<hbm>>
      %dma_wait3A_757 = tpu.memref_squeeze %dma_wait3A_756 : memref<1x4x128xf32, #tpu.memory_space<hbm>> -> memref<4x128xf32, #tpu.memory_space<hbm>>
      tpu.wait_dma2 semaphore(%run_scoped3A_731 : memref<!tpu.dma_semaphore, #tpu.memory_space<semaphore_mem>>) src(%dma_wait3A_757 : memref<4x128xf32, #tpu.memory_space<hbm>>) dst(%dma_wait3A_754 : memref<4x128xf32, #tpu.memory_space<vmem>>)
      tpu.yield
    }) : () -> ()
    %add3A_267 = arith.constant 65536 : i32
    %add3A_268 = arith.addi %add3A_267, %mul3A_2 : i32
    %jit3A_269 = arith.constant 1024 : i32
    %div3A_270 = arith.divsi %add3A_268, %jit3A_269 : i32
    %sign3A_271 = arith.constant 0 : i32
    %sign3A_272 = arith.cmpi sgt, %add3A_268, %sign3A_271 : i32
    %sign3A_273 = arith.extui %sign3A_272 : i1 to i32
    %sign3A_274 = arith.constant 0 : i32
    %sign3A_275 = arith.cmpi slt, %add3A_268, %sign3A_274 : i32
    %sign3A_276 = arith.extui %sign3A_275 : i1 to i32
    %sign3A_277 = arith.subi %sign3A_273, %sign3A_276 : i32
    %sign3A_278 = arith.constant 0 : i32
    %sign3A_279 = arith.cmpi sgt, %jit3A_269, %sign3A_278 : i32
    %sign3A_280 = arith.extui %sign3A_279 : i1 to i32
    %sign3A_281 = arith.constant 0 : i32
    %sign3A_282 = arith.cmpi slt, %jit3A_269, %sign3A_281 : i32
    %sign3A_283 = arith.extui %sign3A_282 : i1 to i32
    %sign3A_284 = arith.subi %sign3A_280, %sign3A_283 : i32
    %ne3A_285 = arith.cmpi ne, %sign3A_277, %sign3A_284 : i32
    %rem3A_286 = arith.remsi %add3A_268, %jit3A_269 : i32
    %ne3A_287 = arith.constant 0 : i32
    %ne3A_288 = arith.cmpi ne, %rem3A_286, %ne3A_287 : i32
    %and3A_289 = arith.andi %ne3A_285, %ne3A_288 : i1
    %sub3A_290 = arith.constant 1 : i32
    %sub3A_291 = arith.subi %div3A_270, %sub3A_290 : i32
    %select_n3A_292 = arith.select %and3A_289, %sub3A_291, %div3A_270 : i32
    %jit3A_293 = arith.constant 1024 : i32
    %eq3A_294 = arith.constant 0 : i32
    %eq3A_295 = arith.cmpi eq, %jit3A_293, %eq3A_294 : i32
    %jit3A_296 = arith.constant 1 : i32
    %select_n3A_297 = arith.select %eq3A_295, %jit3A_296, %jit3A_293 : i32
    %rem3A_298 = arith.remsi %add3A_268, %select_n3A_297 : i32
    %ne3A_299 = arith.constant 0 : i32
    %ne3A_300 = arith.cmpi ne, %rem3A_298, %ne3A_299 : i32
    %lt3A_301 = arith.constant 0 : i32
    %lt3A_302 = arith.cmpi slt, %rem3A_298, %lt3A_301 : i32
    %lt3A_303 = arith.constant 0 : i32
    %lt3A_304 = arith.cmpi slt, %select_n3A_297, %lt3A_303 : i32
    %ne3A_305 = arith.xori %lt3A_302, %lt3A_304 : i1
    %and3A_306 = arith.andi %ne3A_305, %ne3A_300 : i1
    %add3A_307 = arith.addi %rem3A_298, %select_n3A_297 : i32
    %select_n3A_308 = arith.select %and3A_306, %add3A_307, %rem3A_298 : i32
    %jit3A_309 = arith.constant 4 : i32
    %div3A_310 = arith.divsi %select_n3A_308, %jit3A_309 : i32
    %sign3A_311 = arith.constant 0 : i32
    %sign3A_312 = arith.cmpi sgt, %select_n3A_308, %sign3A_311 : i32
    %sign3A_313 = arith.extui %sign3A_312 : i1 to i32
    %sign3A_314 = arith.constant 0 : i32
    %sign3A_315 = arith.cmpi slt, %select_n3A_308, %sign3A_314 : i32
    %sign3A_316 = arith.extui %sign3A_315 : i1 to i32
    %sign3A_317 = arith.subi %sign3A_313, %sign3A_316 : i32
    %sign3A_318 = arith.constant 0 : i32
    %sign3A_319 = arith.cmpi sgt, %jit3A_309, %sign3A_318 : i32
    %sign3A_320 = arith.extui %sign3A_319 : i1 to i32
    %sign3A_321 = arith.constant 0 : i32
    %sign3A_322 = arith.cmpi slt, %jit3A_309, %sign3A_321 : i32
    %sign3A_323 = arith.extui %sign3A_322 : i1 to i32
    %sign3A_324 = arith.subi %sign3A_320, %sign3A_323 : i32
    %ne3A_325 = arith.cmpi ne, %sign3A_317, %sign3A_324 : i32
    %rem3A_326 = arith.remsi %select_n3A_308, %jit3A_309 : i32
    %ne3A_327 = arith.constant 0 : i32
    %ne3A_328 = arith.cmpi ne, %rem3A_326, %ne3A_327 : i32
    %and3A_329 = arith.andi %ne3A_325, %ne3A_328 : i1
    %sub3A_330 = arith.constant 1 : i32
    %sub3A_331 = arith.subi %div3A_310, %sub3A_330 : i32
    %select_n3A_332 = arith.select %and3A_329, %sub3A_331, %div3A_310 : i32
    %multiple_of3A_333 = tpu.assume_multiple %select_n3A_332, 128 : i32
    %run_scoped3A_334 = arith.constant 4 : i32
    "tpu.region"() ({
      %run_scoped3A_731 = tpu.sem_alloc : memref<!tpu.dma_semaphore, #tpu.memory_space<semaphore_mem>>
      %dma_start3A = arith.constant 0 : i32
      %dma_start3A_732 = arith.constant 0 : i32
      %dma_start3A_733 = tpu.memref_slice %arg11[%run_scoped3A_334, %dma_start3A, %dma_start3A_732] : memref<8x4x128xi32, #tpu.memory_space<vmem>> -> memref<1x4x128xi32, #tpu.memory_space<vmem>>
      %dma_start3A_734 = tpu.memref_squeeze %dma_start3A_733 : memref<1x4x128xi32, #tpu.memory_space<vmem>> -> memref<4x128xi32, #tpu.memory_space<vmem>>
      %dma_start3A_735 = arith.constant 0 : i32
      %dma_start3A_736 = tpu.memref_slice %arg2[%select_n3A_292, %dma_start3A_735, %multiple_of3A_333] : memref<128x4x256xi32, #tpu.memory_space<hbm>> -> memref<1x4x128xi32, #tpu.memory_space<hbm>>
      %dma_start3A_737 = tpu.memref_squeeze %dma_start3A_736 : memref<1x4x128xi32, #tpu.memory_space<hbm>> -> memref<4x128xi32, #tpu.memory_space<hbm>>
      %dma_start3A_738 = arith.constant 0 : i32
      %dma_start3A_739 = arith.constant 0 : i32
      %dma_start3A_740 = tpu.memref_slice %arg11[%run_scoped3A_334, %dma_start3A_738, %dma_start3A_739] : memref<8x4x128xi32, #tpu.memory_space<vmem>> -> memref<1x4x128xi32, #tpu.memory_space<vmem>>
      %dma_start3A_741 = tpu.memref_squeeze %dma_start3A_740 : memref<1x4x128xi32, #tpu.memory_space<vmem>> -> memref<4x128xi32, #tpu.memory_space<vmem>>
      %dma_start3A_742 = arith.constant 0 : i32
      %dma_start3A_743 = tpu.memref_slice %arg2[%select_n3A_292, %dma_start3A_742, %multiple_of3A_333] : memref<128x4x256xi32, #tpu.memory_space<hbm>> -> memref<1x4x128xi32, #tpu.memory_space<hbm>>
      %dma_start3A_744 = tpu.memref_squeeze %dma_start3A_743 : memref<1x4x128xi32, #tpu.memory_space<hbm>> -> memref<4x128xi32, #tpu.memory_space<hbm>>
      tpu.enqueue_dma source(%dma_start3A_744 : memref<4x128xi32, #tpu.memory_space<hbm>>) target(%dma_start3A_741 : memref<4x128xi32, #tpu.memory_space<vmem>>) target_semaphore(%run_scoped3A_731 : memref<!tpu.dma_semaphore, #tpu.memory_space<semaphore_mem>>)
      %dma_wait3A = arith.constant 0 : i32
      %dma_wait3A_745 = arith.constant 0 : i32
      %dma_wait3A_746 = tpu.memref_slice %arg11[%run_scoped3A_334, %dma_wait3A, %dma_wait3A_745] : memref<8x4x128xi32, #tpu.memory_space<vmem>> -> memref<1x4x128xi32, #tpu.memory_space<vmem>>
      %dma_wait3A_747 = tpu.memref_squeeze %dma_wait3A_746 : memref<1x4x128xi32, #tpu.memory_space<vmem>> -> memref<4x128xi32, #tpu.memory_space<vmem>>
      %dma_wait3A_748 = arith.constant 0 : i32
      %dma_wait3A_749 = tpu.memref_slice %arg2[%select_n3A_292, %dma_wait3A_748, %multiple_of3A_333] : memref<128x4x256xi32, #tpu.memory_space<hbm>> -> memref<1x4x128xi32, #tpu.memory_space<hbm>>
      %dma_wait3A_750 = tpu.memref_squeeze %dma_wait3A_749 : memref<1x4x128xi32, #tpu.memory_space<hbm>> -> memref<4x128xi32, #tpu.memory_space<hbm>>
      %dma_wait3A_751 = arith.constant 0 : i32
      %dma_wait3A_752 = arith.constant 0 : i32
      %dma_wait3A_753 = tpu.memref_slice %arg11[%run_scoped3A_334, %dma_wait3A_751, %dma_wait3A_752] : memref<8x4x128xi32, #tpu.memory_space<vmem>> -> memref<1x4x128xi32, #tpu.memory_space<vmem>>
      %dma_wait3A_754 = tpu.memref_squeeze %dma_wait3A_753 : memref<1x4x128xi32, #tpu.memory_space<vmem>> -> memref<4x128xi32, #tpu.memory_space<vmem>>
      %dma_wait3A_755 = arith.constant 0 : i32
      %dma_wait3A_756 = tpu.memref_slice %arg2[%select_n3A_292, %dma_wait3A_755, %multiple_of3A_333] : memref<128x4x256xi32, #tpu.memory_space<hbm>> -> memref<1x4x128xi32, #tpu.memory_space<hbm>>
      %dma_wait3A_757 = tpu.memref_squeeze %dma_wait3A_756 : memref<1x4x128xi32, #tpu.memory_space<hbm>> -> memref<4x128xi32, #tpu.memory_space<hbm>>
      tpu.wait_dma2 semaphore(%run_scoped3A_731 : memref<!tpu.dma_semaphore, #tpu.memory_space<semaphore_mem>>) src(%dma_wait3A_757 : memref<4x128xi32, #tpu.memory_space<hbm>>) dst(%dma_wait3A_754 : memref<4x128xi32, #tpu.memory_space<vmem>>)
      tpu.yield
    }) : () -> ()
    %run_scoped3A_335 = arith.constant 4 : i32
    "tpu.region"() ({
      %run_scoped3A_731 = tpu.sem_alloc : memref<!tpu.dma_semaphore, #tpu.memory_space<semaphore_mem>>
      %dma_start3A = arith.constant 0 : i32
      %dma_start3A_732 = arith.constant 0 : i32
      %dma_start3A_733 = tpu.memref_slice %arg12[%run_scoped3A_335, %dma_start3A, %dma_start3A_732] : memref<8x4x128xf32, #tpu.memory_space<vmem>> -> memref<1x4x128xf32, #tpu.memory_space<vmem>>
      %dma_start3A_734 = tpu.memref_squeeze %dma_start3A_733 : memref<1x4x128xf32, #tpu.memory_space<vmem>> -> memref<4x128xf32, #tpu.memory_space<vmem>>
      %dma_start3A_735 = arith.constant 0 : i32
      %dma_start3A_736 = tpu.memref_slice %arg3[%select_n3A_292, %dma_start3A_735, %multiple_of3A_333] : memref<128x4x256xf32, #tpu.memory_space<hbm>> -> memref<1x4x128xf32, #tpu.memory_space<hbm>>
      %dma_start3A_737 = tpu.memref_squeeze %dma_start3A_736 : memref<1x4x128xf32, #tpu.memory_space<hbm>> -> memref<4x128xf32, #tpu.memory_space<hbm>>
      %dma_start3A_738 = arith.constant 0 : i32
      %dma_start3A_739 = arith.constant 0 : i32
      %dma_start3A_740 = tpu.memref_slice %arg12[%run_scoped3A_335, %dma_start3A_738, %dma_start3A_739] : memref<8x4x128xf32, #tpu.memory_space<vmem>> -> memref<1x4x128xf32, #tpu.memory_space<vmem>>
      %dma_start3A_741 = tpu.memref_squeeze %dma_start3A_740 : memref<1x4x128xf32, #tpu.memory_space<vmem>> -> memref<4x128xf32, #tpu.memory_space<vmem>>
      %dma_start3A_742 = arith.constant 0 : i32
      %dma_start3A_743 = tpu.memref_slice %arg3[%select_n3A_292, %dma_start3A_742, %multiple_of3A_333] : memref<128x4x256xf32, #tpu.memory_space<hbm>> -> memref<1x4x128xf32, #tpu.memory_space<hbm>>
      %dma_start3A_744 = tpu.memref_squeeze %dma_start3A_743 : memref<1x4x128xf32, #tpu.memory_space<hbm>> -> memref<4x128xf32, #tpu.memory_space<hbm>>
      tpu.enqueue_dma source(%dma_start3A_744 : memref<4x128xf32, #tpu.memory_space<hbm>>) target(%dma_start3A_741 : memref<4x128xf32, #tpu.memory_space<vmem>>) target_semaphore(%run_scoped3A_731 : memref<!tpu.dma_semaphore, #tpu.memory_space<semaphore_mem>>)
      %dma_wait3A = arith.constant 0 : i32
      %dma_wait3A_745 = arith.constant 0 : i32
      %dma_wait3A_746 = tpu.memref_slice %arg12[%run_scoped3A_335, %dma_wait3A, %dma_wait3A_745] : memref<8x4x128xf32, #tpu.memory_space<vmem>> -> memref<1x4x128xf32, #tpu.memory_space<vmem>>
      %dma_wait3A_747 = tpu.memref_squeeze %dma_wait3A_746 : memref<1x4x128xf32, #tpu.memory_space<vmem>> -> memref<4x128xf32, #tpu.memory_space<vmem>>
      %dma_wait3A_748 = arith.constant 0 : i32
      %dma_wait3A_749 = tpu.memref_slice %arg3[%select_n3A_292, %dma_wait3A_748, %multiple_of3A_333] : memref<128x4x256xf32, #tpu.memory_space<hbm>> -> memref<1x4x128xf32, #tpu.memory_space<hbm>>
      %dma_wait3A_750 = tpu.memref_squeeze %dma_wait3A_749 : memref<1x4x128xf32, #tpu.memory_space<hbm>> -> memref<4x128xf32, #tpu.memory_space<hbm>>
      %dma_wait3A_751 = arith.constant 0 : i32
      %dma_wait3A_752 = arith.constant 0 : i32
      %dma_wait3A_753 = tpu.memref_slice %arg12[%run_scoped3A_335, %dma_wait3A_751, %dma_wait3A_752] : memref<8x4x128xf32, #tpu.memory_space<vmem>> -> memref<1x4x128xf32, #tpu.memory_space<vmem>>
      %dma_wait3A_754 = tpu.memref_squeeze %dma_wait3A_753 : memref<1x4x128xf32, #tpu.memory_space<vmem>> -> memref<4x128xf32, #tpu.memory_space<vmem>>
      %dma_wait3A_755 = arith.constant 0 : i32
      %dma_wait3A_756 = tpu.memref_slice %arg3[%select_n3A_292, %dma_wait3A_755, %multiple_of3A_333] : memref<128x4x256xf32, #tpu.memory_space<hbm>> -> memref<1x4x128xf32, #tpu.memory_space<hbm>>
      %dma_wait3A_757 = tpu.memref_squeeze %dma_wait3A_756 : memref<1x4x128xf32, #tpu.memory_space<hbm>> -> memref<4x128xf32, #tpu.memory_space<hbm>>
      tpu.wait_dma2 semaphore(%run_scoped3A_731 : memref<!tpu.dma_semaphore, #tpu.memory_space<semaphore_mem>>) src(%dma_wait3A_757 : memref<4x128xf32, #tpu.memory_space<hbm>>) dst(%dma_wait3A_754 : memref<4x128xf32, #tpu.memory_space<vmem>>)
      tpu.yield
    }) : () -> ()
    %add3A_336 = arith.constant 81920 : i32
    %add3A_337 = arith.addi %add3A_336, %mul3A_2 : i32
    %jit3A_338 = arith.constant 1024 : i32
    %div3A_339 = arith.divsi %add3A_337, %jit3A_338 : i32
    %sign3A_340 = arith.constant 0 : i32
    %sign3A_341 = arith.cmpi sgt, %add3A_337, %sign3A_340 : i32
    %sign3A_342 = arith.extui %sign3A_341 : i1 to i32
    %sign3A_343 = arith.constant 0 : i32
    %sign3A_344 = arith.cmpi slt, %add3A_337, %sign3A_343 : i32
    %sign3A_345 = arith.extui %sign3A_344 : i1 to i32
    %sign3A_346 = arith.subi %sign3A_342, %sign3A_345 : i32
    %sign3A_347 = arith.constant 0 : i32
    %sign3A_348 = arith.cmpi sgt, %jit3A_338, %sign3A_347 : i32
    %sign3A_349 = arith.extui %sign3A_348 : i1 to i32
    %sign3A_350 = arith.constant 0 : i32
    %sign3A_351 = arith.cmpi slt, %jit3A_338, %sign3A_350 : i32
    %sign3A_352 = arith.extui %sign3A_351 : i1 to i32
    %sign3A_353 = arith.subi %sign3A_349, %sign3A_352 : i32
    %ne3A_354 = arith.cmpi ne, %sign3A_346, %sign3A_353 : i32
    %rem3A_355 = arith.remsi %add3A_337, %jit3A_338 : i32
    %ne3A_356 = arith.constant 0 : i32
    %ne3A_357 = arith.cmpi ne, %rem3A_355, %ne3A_356 : i32
    %and3A_358 = arith.andi %ne3A_354, %ne3A_357 : i1
    %sub3A_359 = arith.constant 1 : i32
    %sub3A_360 = arith.subi %div3A_339, %sub3A_359 : i32
    %select_n3A_361 = arith.select %and3A_358, %sub3A_360, %div3A_339 : i32
    %jit3A_362 = arith.constant 1024 : i32
    %eq3A_363 = arith.constant 0 : i32
    %eq3A_364 = arith.cmpi eq, %jit3A_362, %eq3A_363 : i32
    %jit3A_365 = arith.constant 1 : i32
    %select_n3A_366 = arith.select %eq3A_364, %jit3A_365, %jit3A_362 : i32
    %rem3A_367 = arith.remsi %add3A_337, %select_n3A_366 : i32
    %ne3A_368 = arith.constant 0 : i32
    %ne3A_369 = arith.cmpi ne, %rem3A_367, %ne3A_368 : i32
    %lt3A_370 = arith.constant 0 : i32
    %lt3A_371 = arith.cmpi slt, %rem3A_367, %lt3A_370 : i32
    %lt3A_372 = arith.constant 0 : i32
    %lt3A_373 = arith.cmpi slt, %select_n3A_366, %lt3A_372 : i32
    %ne3A_374 = arith.xori %lt3A_371, %lt3A_373 : i1
    %and3A_375 = arith.andi %ne3A_374, %ne3A_369 : i1
    %add3A_376 = arith.addi %rem3A_367, %select_n3A_366 : i32
    %select_n3A_377 = arith.select %and3A_375, %add3A_376, %rem3A_367 : i32
    %jit3A_378 = arith.constant 4 : i32
    %div3A_379 = arith.divsi %select_n3A_377, %jit3A_378 : i32
    %sign3A_380 = arith.constant 0 : i32
    %sign3A_381 = arith.cmpi sgt, %select_n3A_377, %sign3A_380 : i32
    %sign3A_382 = arith.extui %sign3A_381 : i1 to i32
    %sign3A_383 = arith.constant 0 : i32
    %sign3A_384 = arith.cmpi slt, %select_n3A_377, %sign3A_383 : i32
    %sign3A_385 = arith.extui %sign3A_384 : i1 to i32
    %sign3A_386 = arith.subi %sign3A_382, %sign3A_385 : i32
    %sign3A_387 = arith.constant 0 : i32
    %sign3A_388 = arith.cmpi sgt, %jit3A_378, %sign3A_387 : i32
    %sign3A_389 = arith.extui %sign3A_388 : i1 to i32
    %sign3A_390 = arith.constant 0 : i32
    %sign3A_391 = arith.cmpi slt, %jit3A_378, %sign3A_390 : i32
    %sign3A_392 = arith.extui %sign3A_391 : i1 to i32
    %sign3A_393 = arith.subi %sign3A_389, %sign3A_392 : i32
    %ne3A_394 = arith.cmpi ne, %sign3A_386, %sign3A_393 : i32
    %rem3A_395 = arith.remsi %select_n3A_377, %jit3A_378 : i32
    %ne3A_396 = arith.constant 0 : i32
    %ne3A_397 = arith.cmpi ne, %rem3A_395, %ne3A_396 : i32
    %and3A_398 = arith.andi %ne3A_394, %ne3A_397 : i1
    %sub3A_399 = arith.constant 1 : i32
    %sub3A_400 = arith.subi %div3A_379, %sub3A_399 : i32
    %select_n3A_401 = arith.select %and3A_398, %sub3A_400, %div3A_379 : i32
    %multiple_of3A_402 = tpu.assume_multiple %select_n3A_401, 128 : i32
    %run_scoped3A_403 = arith.constant 5 : i32
    "tpu.region"() ({
      %run_scoped3A_731 = tpu.sem_alloc : memref<!tpu.dma_semaphore, #tpu.memory_space<semaphore_mem>>
      %dma_start3A = arith.constant 0 : i32
      %dma_start3A_732 = arith.constant 0 : i32
      %dma_start3A_733 = tpu.memref_slice %arg11[%run_scoped3A_403, %dma_start3A, %dma_start3A_732] : memref<8x4x128xi32, #tpu.memory_space<vmem>> -> memref<1x4x128xi32, #tpu.memory_space<vmem>>
      %dma_start3A_734 = tpu.memref_squeeze %dma_start3A_733 : memref<1x4x128xi32, #tpu.memory_space<vmem>> -> memref<4x128xi32, #tpu.memory_space<vmem>>
      %dma_start3A_735 = arith.constant 0 : i32
      %dma_start3A_736 = tpu.memref_slice %arg2[%select_n3A_361, %dma_start3A_735, %multiple_of3A_402] : memref<128x4x256xi32, #tpu.memory_space<hbm>> -> memref<1x4x128xi32, #tpu.memory_space<hbm>>
      %dma_start3A_737 = tpu.memref_squeeze %dma_start3A_736 : memref<1x4x128xi32, #tpu.memory_space<hbm>> -> memref<4x128xi32, #tpu.memory_space<hbm>>
      %dma_start3A_738 = arith.constant 0 : i32
      %dma_start3A_739 = arith.constant 0 : i32
      %dma_start3A_740 = tpu.memref_slice %arg11[%run_scoped3A_403, %dma_start3A_738, %dma_start3A_739] : memref<8x4x128xi32, #tpu.memory_space<vmem>> -> memref<1x4x128xi32, #tpu.memory_space<vmem>>
      %dma_start3A_741 = tpu.memref_squeeze %dma_start3A_740 : memref<1x4x128xi32, #tpu.memory_space<vmem>> -> memref<4x128xi32, #tpu.memory_space<vmem>>
      %dma_start3A_742 = arith.constant 0 : i32
      %dma_start3A_743 = tpu.memref_slice %arg2[%select_n3A_361, %dma_start3A_742, %multiple_of3A_402] : memref<128x4x256xi32, #tpu.memory_space<hbm>> -> memref<1x4x128xi32, #tpu.memory_space<hbm>>
      %dma_start3A_744 = tpu.memref_squeeze %dma_start3A_743 : memref<1x4x128xi32, #tpu.memory_space<hbm>> -> memref<4x128xi32, #tpu.memory_space<hbm>>
      tpu.enqueue_dma source(%dma_start3A_744 : memref<4x128xi32, #tpu.memory_space<hbm>>) target(%dma_start3A_741 : memref<4x128xi32, #tpu.memory_space<vmem>>) target_semaphore(%run_scoped3A_731 : memref<!tpu.dma_semaphore, #tpu.memory_space<semaphore_mem>>)
      %dma_wait3A = arith.constant 0 : i32
      %dma_wait3A_745 = arith.constant 0 : i32
      %dma_wait3A_746 = tpu.memref_slice %arg11[%run_scoped3A_403, %dma_wait3A, %dma_wait3A_745] : memref<8x4x128xi32, #tpu.memory_space<vmem>> -> memref<1x4x128xi32, #tpu.memory_space<vmem>>
      %dma_wait3A_747 = tpu.memref_squeeze %dma_wait3A_746 : memref<1x4x128xi32, #tpu.memory_space<vmem>> -> memref<4x128xi32, #tpu.memory_space<vmem>>
      %dma_wait3A_748 = arith.constant 0 : i32
      %dma_wait3A_749 = tpu.memref_slice %arg2[%select_n3A_361, %dma_wait3A_748, %multiple_of3A_402] : memref<128x4x256xi32, #tpu.memory_space<hbm>> -> memref<1x4x128xi32, #tpu.memory_space<hbm>>
      %dma_wait3A_750 = tpu.memref_squeeze %dma_wait3A_749 : memref<1x4x128xi32, #tpu.memory_space<hbm>> -> memref<4x128xi32, #tpu.memory_space<hbm>>
      %dma_wait3A_751 = arith.constant 0 : i32
      %dma_wait3A_752 = arith.constant 0 : i32
      %dma_wait3A_753 = tpu.memref_slice %arg11[%run_scoped3A_403, %dma_wait3A_751, %dma_wait3A_752] : memref<8x4x128xi32, #tpu.memory_space<vmem>> -> memref<1x4x128xi32, #tpu.memory_space<vmem>>
      %dma_wait3A_754 = tpu.memref_squeeze %dma_wait3A_753 : memref<1x4x128xi32, #tpu.memory_space<vmem>> -> memref<4x128xi32, #tpu.memory_space<vmem>>
      %dma_wait3A_755 = arith.constant 0 : i32
      %dma_wait3A_756 = tpu.memref_slice %arg2[%select_n3A_361, %dma_wait3A_755, %multiple_of3A_402] : memref<128x4x256xi32, #tpu.memory_space<hbm>> -> memref<1x4x128xi32, #tpu.memory_space<hbm>>
      %dma_wait3A_757 = tpu.memref_squeeze %dma_wait3A_756 : memref<1x4x128xi32, #tpu.memory_space<hbm>> -> memref<4x128xi32, #tpu.memory_space<hbm>>
      tpu.wait_dma2 semaphore(%run_scoped3A_731 : memref<!tpu.dma_semaphore, #tpu.memory_space<semaphore_mem>>) src(%dma_wait3A_757 : memref<4x128xi32, #tpu.memory_space<hbm>>) dst(%dma_wait3A_754 : memref<4x128xi32, #tpu.memory_space<vmem>>)
      tpu.yield
    }) : () -> ()
    %run_scoped3A_404 = arith.constant 5 : i32
    "tpu.region"() ({
      %run_scoped3A_731 = tpu.sem_alloc : memref<!tpu.dma_semaphore, #tpu.memory_space<semaphore_mem>>
      %dma_start3A = arith.constant 0 : i32
      %dma_start3A_732 = arith.constant 0 : i32
      %dma_start3A_733 = tpu.memref_slice %arg12[%run_scoped3A_404, %dma_start3A, %dma_start3A_732] : memref<8x4x128xf32, #tpu.memory_space<vmem>> -> memref<1x4x128xf32, #tpu.memory_space<vmem>>
      %dma_start3A_734 = tpu.memref_squeeze %dma_start3A_733 : memref<1x4x128xf32, #tpu.memory_space<vmem>> -> memref<4x128xf32, #tpu.memory_space<vmem>>
      %dma_start3A_735 = arith.constant 0 : i32
      %dma_start3A_736 = tpu.memref_slice %arg3[%select_n3A_361, %dma_start3A_735, %multiple_of3A_402] : memref<128x4x256xf32, #tpu.memory_space<hbm>> -> memref<1x4x128xf32, #tpu.memory_space<hbm>>
      %dma_start3A_737 = tpu.memref_squeeze %dma_start3A_736 : memref<1x4x128xf32, #tpu.memory_space<hbm>> -> memref<4x128xf32, #tpu.memory_space<hbm>>
      %dma_start3A_738 = arith.constant 0 : i32
      %dma_start3A_739 = arith.constant 0 : i32
      %dma_start3A_740 = tpu.memref_slice %arg12[%run_scoped3A_404, %dma_start3A_738, %dma_start3A_739] : memref<8x4x128xf32, #tpu.memory_space<vmem>> -> memref<1x4x128xf32, #tpu.memory_space<vmem>>
      %dma_start3A_741 = tpu.memref_squeeze %dma_start3A_740 : memref<1x4x128xf32, #tpu.memory_space<vmem>> -> memref<4x128xf32, #tpu.memory_space<vmem>>
      %dma_start3A_742 = arith.constant 0 : i32
      %dma_start3A_743 = tpu.memref_slice %arg3[%select_n3A_361, %dma_start3A_742, %multiple_of3A_402] : memref<128x4x256xf32, #tpu.memory_space<hbm>> -> memref<1x4x128xf32, #tpu.memory_space<hbm>>
      %dma_start3A_744 = tpu.memref_squeeze %dma_start3A_743 : memref<1x4x128xf32, #tpu.memory_space<hbm>> -> memref<4x128xf32, #tpu.memory_space<hbm>>
      tpu.enqueue_dma source(%dma_start3A_744 : memref<4x128xf32, #tpu.memory_space<hbm>>) target(%dma_start3A_741 : memref<4x128xf32, #tpu.memory_space<vmem>>) target_semaphore(%run_scoped3A_731 : memref<!tpu.dma_semaphore, #tpu.memory_space<semaphore_mem>>)
      %dma_wait3A = arith.constant 0 : i32
      %dma_wait3A_745 = arith.constant 0 : i32
      %dma_wait3A_746 = tpu.memref_slice %arg12[%run_scoped3A_404, %dma_wait3A, %dma_wait3A_745] : memref<8x4x128xf32, #tpu.memory_space<vmem>> -> memref<1x4x128xf32, #tpu.memory_space<vmem>>
      %dma_wait3A_747 = tpu.memref_squeeze %dma_wait3A_746 : memref<1x4x128xf32, #tpu.memory_space<vmem>> -> memref<4x128xf32, #tpu.memory_space<vmem>>
      %dma_wait3A_748 = arith.constant 0 : i32
      %dma_wait3A_749 = tpu.memref_slice %arg3[%select_n3A_361, %dma_wait3A_748, %multiple_of3A_402] : memref<128x4x256xf32, #tpu.memory_space<hbm>> -> memref<1x4x128xf32, #tpu.memory_space<hbm>>
      %dma_wait3A_750 = tpu.memref_squeeze %dma_wait3A_749 : memref<1x4x128xf32, #tpu.memory_space<hbm>> -> memref<4x128xf32, #tpu.memory_space<hbm>>
      %dma_wait3A_751 = arith.constant 0 : i32
      %dma_wait3A_752 = arith.constant 0 : i32
      %dma_wait3A_753 = tpu.memref_slice %arg12[%run_scoped3A_404, %dma_wait3A_751, %dma_wait3A_752] : memref<8x4x128xf32, #tpu.memory_space<vmem>> -> memref<1x4x128xf32, #tpu.memory_space<vmem>>
      %dma_wait3A_754 = tpu.memref_squeeze %dma_wait3A_753 : memref<1x4x128xf32, #tpu.memory_space<vmem>> -> memref<4x128xf32, #tpu.memory_space<vmem>>
      %dma_wait3A_755 = arith.constant 0 : i32
      %dma_wait3A_756 = tpu.memref_slice %arg3[%select_n3A_361, %dma_wait3A_755, %multiple_of3A_402] : memref<128x4x256xf32, #tpu.memory_space<hbm>> -> memref<1x4x128xf32, #tpu.memory_space<hbm>>
      %dma_wait3A_757 = tpu.memref_squeeze %dma_wait3A_756 : memref<1x4x128xf32, #tpu.memory_space<hbm>> -> memref<4x128xf32, #tpu.memory_space<hbm>>
      tpu.wait_dma2 semaphore(%run_scoped3A_731 : memref<!tpu.dma_semaphore, #tpu.memory_space<semaphore_mem>>) src(%dma_wait3A_757 : memref<4x128xf32, #tpu.memory_space<hbm>>) dst(%dma_wait3A_754 : memref<4x128xf32, #tpu.memory_space<vmem>>)
      tpu.yield
    }) : () -> ()
    %add3A_405 = arith.constant 98304 : i32
    %add3A_406 = arith.addi %add3A_405, %mul3A_2 : i32
    %jit3A_407 = arith.constant 1024 : i32
    %div3A_408 = arith.divsi %add3A_406, %jit3A_407 : i32
    %sign3A_409 = arith.constant 0 : i32
    %sign3A_410 = arith.cmpi sgt, %add3A_406, %sign3A_409 : i32
    %sign3A_411 = arith.extui %sign3A_410 : i1 to i32
    %sign3A_412 = arith.constant 0 : i32
    %sign3A_413 = arith.cmpi slt, %add3A_406, %sign3A_412 : i32
    %sign3A_414 = arith.extui %sign3A_413 : i1 to i32
    %sign3A_415 = arith.subi %sign3A_411, %sign3A_414 : i32
    %sign3A_416 = arith.constant 0 : i32
    %sign3A_417 = arith.cmpi sgt, %jit3A_407, %sign3A_416 : i32
    %sign3A_418 = arith.extui %sign3A_417 : i1 to i32
    %sign3A_419 = arith.constant 0 : i32
    %sign3A_420 = arith.cmpi slt, %jit3A_407, %sign3A_419 : i32
    %sign3A_421 = arith.extui %sign3A_420 : i1 to i32
    %sign3A_422 = arith.subi %sign3A_418, %sign3A_421 : i32
    %ne3A_423 = arith.cmpi ne, %sign3A_415, %sign3A_422 : i32
    %rem3A_424 = arith.remsi %add3A_406, %jit3A_407 : i32
    %ne3A_425 = arith.constant 0 : i32
    %ne3A_426 = arith.cmpi ne, %rem3A_424, %ne3A_425 : i32
    %and3A_427 = arith.andi %ne3A_423, %ne3A_426 : i1
    %sub3A_428 = arith.constant 1 : i32
    %sub3A_429 = arith.subi %div3A_408, %sub3A_428 : i32
    %select_n3A_430 = arith.select %and3A_427, %sub3A_429, %div3A_408 : i32
    %jit3A_431 = arith.constant 1024 : i32
    %eq3A_432 = arith.constant 0 : i32
    %eq3A_433 = arith.cmpi eq, %jit3A_431, %eq3A_432 : i32
    %jit3A_434 = arith.constant 1 : i32
    %select_n3A_435 = arith.select %eq3A_433, %jit3A_434, %jit3A_431 : i32
    %rem3A_436 = arith.remsi %add3A_406, %select_n3A_435 : i32
    %ne3A_437 = arith.constant 0 : i32
    %ne3A_438 = arith.cmpi ne, %rem3A_436, %ne3A_437 : i32
    %lt3A_439 = arith.constant 0 : i32
    %lt3A_440 = arith.cmpi slt, %rem3A_436, %lt3A_439 : i32
    %lt3A_441 = arith.constant 0 : i32
    %lt3A_442 = arith.cmpi slt, %select_n3A_435, %lt3A_441 : i32
    %ne3A_443 = arith.xori %lt3A_440, %lt3A_442 : i1
    %and3A_444 = arith.andi %ne3A_443, %ne3A_438 : i1
    %add3A_445 = arith.addi %rem3A_436, %select_n3A_435 : i32
    %select_n3A_446 = arith.select %and3A_444, %add3A_445, %rem3A_436 : i32
    %jit3A_447 = arith.constant 4 : i32
    %div3A_448 = arith.divsi %select_n3A_446, %jit3A_447 : i32
    %sign3A_449 = arith.constant 0 : i32
    %sign3A_450 = arith.cmpi sgt, %select_n3A_446, %sign3A_449 : i32
    %sign3A_451 = arith.extui %sign3A_450 : i1 to i32
    %sign3A_452 = arith.constant 0 : i32
    %sign3A_453 = arith.cmpi slt, %select_n3A_446, %sign3A_452 : i32
    %sign3A_454 = arith.extui %sign3A_453 : i1 to i32
    %sign3A_455 = arith.subi %sign3A_451, %sign3A_454 : i32
    %sign3A_456 = arith.constant 0 : i32
    %sign3A_457 = arith.cmpi sgt, %jit3A_447, %sign3A_456 : i32
    %sign3A_458 = arith.extui %sign3A_457 : i1 to i32
    %sign3A_459 = arith.constant 0 : i32
    %sign3A_460 = arith.cmpi slt, %jit3A_447, %sign3A_459 : i32
    %sign3A_461 = arith.extui %sign3A_460 : i1 to i32
    %sign3A_462 = arith.subi %sign3A_458, %sign3A_461 : i32
    %ne3A_463 = arith.cmpi ne, %sign3A_455, %sign3A_462 : i32
    %rem3A_464 = arith.remsi %select_n3A_446, %jit3A_447 : i32
    %ne3A_465 = arith.constant 0 : i32
    %ne3A_466 = arith.cmpi ne, %rem3A_464, %ne3A_465 : i32
    %and3A_467 = arith.andi %ne3A_463, %ne3A_466 : i1
    %sub3A_468 = arith.constant 1 : i32
    %sub3A_469 = arith.subi %div3A_448, %sub3A_468 : i32
    %select_n3A_470 = arith.select %and3A_467, %sub3A_469, %div3A_448 : i32
    %multiple_of3A_471 = tpu.assume_multiple %select_n3A_470, 128 : i32
    %run_scoped3A_472 = arith.constant 6 : i32
    "tpu.region"() ({
      %run_scoped3A_731 = tpu.sem_alloc : memref<!tpu.dma_semaphore, #tpu.memory_space<semaphore_mem>>
      %dma_start3A = arith.constant 0 : i32
      %dma_start3A_732 = arith.constant 0 : i32
      %dma_start3A_733 = tpu.memref_slice %arg11[%run_scoped3A_472, %dma_start3A, %dma_start3A_732] : memref<8x4x128xi32, #tpu.memory_space<vmem>> -> memref<1x4x128xi32, #tpu.memory_space<vmem>>
      %dma_start3A_734 = tpu.memref_squeeze %dma_start3A_733 : memref<1x4x128xi32, #tpu.memory_space<vmem>> -> memref<4x128xi32, #tpu.memory_space<vmem>>
      %dma_start3A_735 = arith.constant 0 : i32
      %dma_start3A_736 = tpu.memref_slice %arg2[%select_n3A_430, %dma_start3A_735, %multiple_of3A_471] : memref<128x4x256xi32, #tpu.memory_space<hbm>> -> memref<1x4x128xi32, #tpu.memory_space<hbm>>
      %dma_start3A_737 = tpu.memref_squeeze %dma_start3A_736 : memref<1x4x128xi32, #tpu.memory_space<hbm>> -> memref<4x128xi32, #tpu.memory_space<hbm>>
      %dma_start3A_738 = arith.constant 0 : i32
      %dma_start3A_739 = arith.constant 0 : i32
      %dma_start3A_740 = tpu.memref_slice %arg11[%run_scoped3A_472, %dma_start3A_738, %dma_start3A_739] : memref<8x4x128xi32, #tpu.memory_space<vmem>> -> memref<1x4x128xi32, #tpu.memory_space<vmem>>
      %dma_start3A_741 = tpu.memref_squeeze %dma_start3A_740 : memref<1x4x128xi32, #tpu.memory_space<vmem>> -> memref<4x128xi32, #tpu.memory_space<vmem>>
      %dma_start3A_742 = arith.constant 0 : i32
      %dma_start3A_743 = tpu.memref_slice %arg2[%select_n3A_430, %dma_start3A_742, %multiple_of3A_471] : memref<128x4x256xi32, #tpu.memory_space<hbm>> -> memref<1x4x128xi32, #tpu.memory_space<hbm>>
      %dma_start3A_744 = tpu.memref_squeeze %dma_start3A_743 : memref<1x4x128xi32, #tpu.memory_space<hbm>> -> memref<4x128xi32, #tpu.memory_space<hbm>>
      tpu.enqueue_dma source(%dma_start3A_744 : memref<4x128xi32, #tpu.memory_space<hbm>>) target(%dma_start3A_741 : memref<4x128xi32, #tpu.memory_space<vmem>>) target_semaphore(%run_scoped3A_731 : memref<!tpu.dma_semaphore, #tpu.memory_space<semaphore_mem>>)
      %dma_wait3A = arith.constant 0 : i32
      %dma_wait3A_745 = arith.constant 0 : i32
      %dma_wait3A_746 = tpu.memref_slice %arg11[%run_scoped3A_472, %dma_wait3A, %dma_wait3A_745] : memref<8x4x128xi32, #tpu.memory_space<vmem>> -> memref<1x4x128xi32, #tpu.memory_space<vmem>>
      %dma_wait3A_747 = tpu.memref_squeeze %dma_wait3A_746 : memref<1x4x128xi32, #tpu.memory_space<vmem>> -> memref<4x128xi32, #tpu.memory_space<vmem>>
      %dma_wait3A_748 = arith.constant 0 : i32
      %dma_wait3A_749 = tpu.memref_slice %arg2[%select_n3A_430, %dma_wait3A_748, %multiple_of3A_471] : memref<128x4x256xi32, #tpu.memory_space<hbm>> -> memref<1x4x128xi32, #tpu.memory_space<hbm>>
      %dma_wait3A_750 = tpu.memref_squeeze %dma_wait3A_749 : memref<1x4x128xi32, #tpu.memory_space<hbm>> -> memref<4x128xi32, #tpu.memory_space<hbm>>
      %dma_wait3A_751 = arith.constant 0 : i32
      %dma_wait3A_752 = arith.constant 0 : i32
      %dma_wait3A_753 = tpu.memref_slice %arg11[%run_scoped3A_472, %dma_wait3A_751, %dma_wait3A_752] : memref<8x4x128xi32, #tpu.memory_space<vmem>> -> memref<1x4x128xi32, #tpu.memory_space<vmem>>
      %dma_wait3A_754 = tpu.memref_squeeze %dma_wait3A_753 : memref<1x4x128xi32, #tpu.memory_space<vmem>> -> memref<4x128xi32, #tpu.memory_space<vmem>>
      %dma_wait3A_755 = arith.constant 0 : i32
      %dma_wait3A_756 = tpu.memref_slice %arg2[%select_n3A_430, %dma_wait3A_755, %multiple_of3A_471] : memref<128x4x256xi32, #tpu.memory_space<hbm>> -> memref<1x4x128xi32, #tpu.memory_space<hbm>>
      %dma_wait3A_757 = tpu.memref_squeeze %dma_wait3A_756 : memref<1x4x128xi32, #tpu.memory_space<hbm>> -> memref<4x128xi32, #tpu.memory_space<hbm>>
      tpu.wait_dma2 semaphore(%run_scoped3A_731 : memref<!tpu.dma_semaphore, #tpu.memory_space<semaphore_mem>>) src(%dma_wait3A_757 : memref<4x128xi32, #tpu.memory_space<hbm>>) dst(%dma_wait3A_754 : memref<4x128xi32, #tpu.memory_space<vmem>>)
      tpu.yield
    }) : () -> ()
    %run_scoped3A_473 = arith.constant 6 : i32
    "tpu.region"() ({
      %run_scoped3A_731 = tpu.sem_alloc : memref<!tpu.dma_semaphore, #tpu.memory_space<semaphore_mem>>
      %dma_start3A = arith.constant 0 : i32
      %dma_start3A_732 = arith.constant 0 : i32
      %dma_start3A_733 = tpu.memref_slice %arg12[%run_scoped3A_473, %dma_start3A, %dma_start3A_732] : memref<8x4x128xf32, #tpu.memory_space<vmem>> -> memref<1x4x128xf32, #tpu.memory_space<vmem>>
      %dma_start3A_734 = tpu.memref_squeeze %dma_start3A_733 : memref<1x4x128xf32, #tpu.memory_space<vmem>> -> memref<4x128xf32, #tpu.memory_space<vmem>>
      %dma_start3A_735 = arith.constant 0 : i32
      %dma_start3A_736 = tpu.memref_slice %arg3[%select_n3A_430, %dma_start3A_735, %multiple_of3A_471] : memref<128x4x256xf32, #tpu.memory_space<hbm>> -> memref<1x4x128xf32, #tpu.memory_space<hbm>>
      %dma_start3A_737 = tpu.memref_squeeze %dma_start3A_736 : memref<1x4x128xf32, #tpu.memory_space<hbm>> -> memref<4x128xf32, #tpu.memory_space<hbm>>
      %dma_start3A_738 = arith.constant 0 : i32
      %dma_start3A_739 = arith.constant 0 : i32
      %dma_start3A_740 = tpu.memref_slice %arg12[%run_scoped3A_473, %dma_start3A_738, %dma_start3A_739] : memref<8x4x128xf32, #tpu.memory_space<vmem>> -> memref<1x4x128xf32, #tpu.memory_space<vmem>>
      %dma_start3A_741 = tpu.memref_squeeze %dma_start3A_740 : memref<1x4x128xf32, #tpu.memory_space<vmem>> -> memref<4x128xf32, #tpu.memory_space<vmem>>
      %dma_start3A_742 = arith.constant 0 : i32
      %dma_start3A_743 = tpu.memref_slice %arg3[%select_n3A_430, %dma_start3A_742, %multiple_of3A_471] : memref<128x4x256xf32, #tpu.memory_space<hbm>> -> memref<1x4x128xf32, #tpu.memory_space<hbm>>
      %dma_start3A_744 = tpu.memref_squeeze %dma_start3A_743 : memref<1x4x128xf32, #tpu.memory_space<hbm>> -> memref<4x128xf32, #tpu.memory_space<hbm>>
      tpu.enqueue_dma source(%dma_start3A_744 : memref<4x128xf32, #tpu.memory_space<hbm>>) target(%dma_start3A_741 : memref<4x128xf32, #tpu.memory_space<vmem>>) target_semaphore(%run_scoped3A_731 : memref<!tpu.dma_semaphore, #tpu.memory_space<semaphore_mem>>)
      %dma_wait3A = arith.constant 0 : i32
      %dma_wait3A_745 = arith.constant 0 : i32
      %dma_wait3A_746 = tpu.memref_slice %arg12[%run_scoped3A_473, %dma_wait3A, %dma_wait3A_745] : memref<8x4x128xf32, #tpu.memory_space<vmem>> -> memref<1x4x128xf32, #tpu.memory_space<vmem>>
      %dma_wait3A_747 = tpu.memref_squeeze %dma_wait3A_746 : memref<1x4x128xf32, #tpu.memory_space<vmem>> -> memref<4x128xf32, #tpu.memory_space<vmem>>
      %dma_wait3A_748 = arith.constant 0 : i32
      %dma_wait3A_749 = tpu.memref_slice %arg3[%select_n3A_430, %dma_wait3A_748, %multiple_of3A_471] : memref<128x4x256xf32, #tpu.memory_space<hbm>> -> memref<1x4x128xf32, #tpu.memory_space<hbm>>
      %dma_wait3A_750 = tpu.memref_squeeze %dma_wait3A_749 : memref<1x4x128xf32, #tpu.memory_space<hbm>> -> memref<4x128xf32, #tpu.memory_space<hbm>>
      %dma_wait3A_751 = arith.constant 0 : i32
      %dma_wait3A_752 = arith.constant 0 : i32
      %dma_wait3A_753 = tpu.memref_slice %arg12[%run_scoped3A_473, %dma_wait3A_751, %dma_wait3A_752] : memref<8x4x128xf32, #tpu.memory_space<vmem>> -> memref<1x4x128xf32, #tpu.memory_space<vmem>>
      %dma_wait3A_754 = tpu.memref_squeeze %dma_wait3A_753 : memref<1x4x128xf32, #tpu.memory_space<vmem>> -> memref<4x128xf32, #tpu.memory_space<vmem>>
      %dma_wait3A_755 = arith.constant 0 : i32
      %dma_wait3A_756 = tpu.memref_slice %arg3[%select_n3A_430, %dma_wait3A_755, %multiple_of3A_471] : memref<128x4x256xf32, #tpu.memory_space<hbm>> -> memref<1x4x128xf32, #tpu.memory_space<hbm>>
      %dma_wait3A_757 = tpu.memref_squeeze %dma_wait3A_756 : memref<1x4x128xf32, #tpu.memory_space<hbm>> -> memref<4x128xf32, #tpu.memory_space<hbm>>
      tpu.wait_dma2 semaphore(%run_scoped3A_731 : memref<!tpu.dma_semaphore, #tpu.memory_space<semaphore_mem>>) src(%dma_wait3A_757 : memref<4x128xf32, #tpu.memory_space<hbm>>) dst(%dma_wait3A_754 : memref<4x128xf32, #tpu.memory_space<vmem>>)
      tpu.yield
    }) : () -> ()
    %add3A_474 = arith.constant 114688 : i32
    %add3A_475 = arith.addi %add3A_474, %mul3A_2 : i32
    %jit3A_476 = arith.constant 1024 : i32
    %div3A_477 = arith.divsi %add3A_475, %jit3A_476 : i32
    %sign3A_478 = arith.constant 0 : i32
    %sign3A_479 = arith.cmpi sgt, %add3A_475, %sign3A_478 : i32
    %sign3A_480 = arith.extui %sign3A_479 : i1 to i32
    %sign3A_481 = arith.constant 0 : i32
    %sign3A_482 = arith.cmpi slt, %add3A_475, %sign3A_481 : i32
    %sign3A_483 = arith.extui %sign3A_482 : i1 to i32
    %sign3A_484 = arith.subi %sign3A_480, %sign3A_483 : i32
    %sign3A_485 = arith.constant 0 : i32
    %sign3A_486 = arith.cmpi sgt, %jit3A_476, %sign3A_485 : i32
    %sign3A_487 = arith.extui %sign3A_486 : i1 to i32
    %sign3A_488 = arith.constant 0 : i32
    %sign3A_489 = arith.cmpi slt, %jit3A_476, %sign3A_488 : i32
    %sign3A_490 = arith.extui %sign3A_489 : i1 to i32
    %sign3A_491 = arith.subi %sign3A_487, %sign3A_490 : i32
    %ne3A_492 = arith.cmpi ne, %sign3A_484, %sign3A_491 : i32
    %rem3A_493 = arith.remsi %add3A_475, %jit3A_476 : i32
    %ne3A_494 = arith.constant 0 : i32
    %ne3A_495 = arith.cmpi ne, %rem3A_493, %ne3A_494 : i32
    %and3A_496 = arith.andi %ne3A_492, %ne3A_495 : i1
    %sub3A_497 = arith.constant 1 : i32
    %sub3A_498 = arith.subi %div3A_477, %sub3A_497 : i32
    %select_n3A_499 = arith.select %and3A_496, %sub3A_498, %div3A_477 : i32
    %jit3A_500 = arith.constant 1024 : i32
    %eq3A_501 = arith.constant 0 : i32
    %eq3A_502 = arith.cmpi eq, %jit3A_500, %eq3A_501 : i32
    %jit3A_503 = arith.constant 1 : i32
    %select_n3A_504 = arith.select %eq3A_502, %jit3A_503, %jit3A_500 : i32
    %rem3A_505 = arith.remsi %add3A_475, %select_n3A_504 : i32
    %ne3A_506 = arith.constant 0 : i32
    %ne3A_507 = arith.cmpi ne, %rem3A_505, %ne3A_506 : i32
    %lt3A_508 = arith.constant 0 : i32
    %lt3A_509 = arith.cmpi slt, %rem3A_505, %lt3A_508 : i32
    %lt3A_510 = arith.constant 0 : i32
    %lt3A_511 = arith.cmpi slt, %select_n3A_504, %lt3A_510 : i32
    %ne3A_512 = arith.xori %lt3A_509, %lt3A_511 : i1
    %and3A_513 = arith.andi %ne3A_512, %ne3A_507 : i1
    %add3A_514 = arith.addi %rem3A_505, %select_n3A_504 : i32
    %select_n3A_515 = arith.select %and3A_513, %add3A_514, %rem3A_505 : i32
    %jit3A_516 = arith.constant 4 : i32
    %div3A_517 = arith.divsi %select_n3A_515, %jit3A_516 : i32
    %sign3A_518 = arith.constant 0 : i32
    %sign3A_519 = arith.cmpi sgt, %select_n3A_515, %sign3A_518 : i32
    %sign3A_520 = arith.extui %sign3A_519 : i1 to i32
    %sign3A_521 = arith.constant 0 : i32
    %sign3A_522 = arith.cmpi slt, %select_n3A_515, %sign3A_521 : i32
    %sign3A_523 = arith.extui %sign3A_522 : i1 to i32
    %sign3A_524 = arith.subi %sign3A_520, %sign3A_523 : i32
    %sign3A_525 = arith.constant 0 : i32
    %sign3A_526 = arith.cmpi sgt, %jit3A_516, %sign3A_525 : i32
    %sign3A_527 = arith.extui %sign3A_526 : i1 to i32
    %sign3A_528 = arith.constant 0 : i32
    %sign3A_529 = arith.cmpi slt, %jit3A_516, %sign3A_528 : i32
    %sign3A_530 = arith.extui %sign3A_529 : i1 to i32
    %sign3A_531 = arith.subi %sign3A_527, %sign3A_530 : i32
    %ne3A_532 = arith.cmpi ne, %sign3A_524, %sign3A_531 : i32
    %rem3A_533 = arith.remsi %select_n3A_515, %jit3A_516 : i32
    %ne3A_534 = arith.constant 0 : i32
    %ne3A_535 = arith.cmpi ne, %rem3A_533, %ne3A_534 : i32
    %and3A_536 = arith.andi %ne3A_532, %ne3A_535 : i1
    %sub3A_537 = arith.constant 1 : i32
    %sub3A_538 = arith.subi %div3A_517, %sub3A_537 : i32
    %select_n3A_539 = arith.select %and3A_536, %sub3A_538, %div3A_517 : i32
    %multiple_of3A_540 = tpu.assume_multiple %select_n3A_539, 128 : i32
    %run_scoped3A_541 = arith.constant 7 : i32
    "tpu.region"() ({
      %run_scoped3A_731 = tpu.sem_alloc : memref<!tpu.dma_semaphore, #tpu.memory_space<semaphore_mem>>
      %dma_start3A = arith.constant 0 : i32
      %dma_start3A_732 = arith.constant 0 : i32
      %dma_start3A_733 = tpu.memref_slice %arg11[%run_scoped3A_541, %dma_start3A, %dma_start3A_732] : memref<8x4x128xi32, #tpu.memory_space<vmem>> -> memref<1x4x128xi32, #tpu.memory_space<vmem>>
      %dma_start3A_734 = tpu.memref_squeeze %dma_start3A_733 : memref<1x4x128xi32, #tpu.memory_space<vmem>> -> memref<4x128xi32, #tpu.memory_space<vmem>>
      %dma_start3A_735 = arith.constant 0 : i32
      %dma_start3A_736 = tpu.memref_slice %arg2[%select_n3A_499, %dma_start3A_735, %multiple_of3A_540] : memref<128x4x256xi32, #tpu.memory_space<hbm>> -> memref<1x4x128xi32, #tpu.memory_space<hbm>>
      %dma_start3A_737 = tpu.memref_squeeze %dma_start3A_736 : memref<1x4x128xi32, #tpu.memory_space<hbm>> -> memref<4x128xi32, #tpu.memory_space<hbm>>
      %dma_start3A_738 = arith.constant 0 : i32
      %dma_start3A_739 = arith.constant 0 : i32
      %dma_start3A_740 = tpu.memref_slice %arg11[%run_scoped3A_541, %dma_start3A_738, %dma_start3A_739] : memref<8x4x128xi32, #tpu.memory_space<vmem>> -> memref<1x4x128xi32, #tpu.memory_space<vmem>>
      %dma_start3A_741 = tpu.memref_squeeze %dma_start3A_740 : memref<1x4x128xi32, #tpu.memory_space<vmem>> -> memref<4x128xi32, #tpu.memory_space<vmem>>
      %dma_start3A_742 = arith.constant 0 : i32
      %dma_start3A_743 = tpu.memref_slice %arg2[%select_n3A_499, %dma_start3A_742, %multiple_of3A_540] : memref<128x4x256xi32, #tpu.memory_space<hbm>> -> memref<1x4x128xi32, #tpu.memory_space<hbm>>
      %dma_start3A_744 = tpu.memref_squeeze %dma_start3A_743 : memref<1x4x128xi32, #tpu.memory_space<hbm>> -> memref<4x128xi32, #tpu.memory_space<hbm>>
      tpu.enqueue_dma source(%dma_start3A_744 : memref<4x128xi32, #tpu.memory_space<hbm>>) target(%dma_start3A_741 : memref<4x128xi32, #tpu.memory_space<vmem>>) target_semaphore(%run_scoped3A_731 : memref<!tpu.dma_semaphore, #tpu.memory_space<semaphore_mem>>)
      %dma_wait3A = arith.constant 0 : i32
      %dma_wait3A_745 = arith.constant 0 : i32
      %dma_wait3A_746 = tpu.memref_slice %arg11[%run_scoped3A_541, %dma_wait3A, %dma_wait3A_745] : memref<8x4x128xi32, #tpu.memory_space<vmem>> -> memref<1x4x128xi32, #tpu.memory_space<vmem>>
      %dma_wait3A_747 = tpu.memref_squeeze %dma_wait3A_746 : memref<1x4x128xi32, #tpu.memory_space<vmem>> -> memref<4x128xi32, #tpu.memory_space<vmem>>
      %dma_wait3A_748 = arith.constant 0 : i32
      %dma_wait3A_749 = tpu.memref_slice %arg2[%select_n3A_499, %dma_wait3A_748, %multiple_of3A_540] : memref<128x4x256xi32, #tpu.memory_space<hbm>> -> memref<1x4x128xi32, #tpu.memory_space<hbm>>
      %dma_wait3A_750 = tpu.memref_squeeze %dma_wait3A_749 : memref<1x4x128xi32, #tpu.memory_space<hbm>> -> memref<4x128xi32, #tpu.memory_space<hbm>>
      %dma_wait3A_751 = arith.constant 0 : i32
      %dma_wait3A_752 = arith.constant 0 : i32
      %dma_wait3A_753 = tpu.memref_slice %arg11[%run_scoped3A_541, %dma_wait3A_751, %dma_wait3A_752] : memref<8x4x128xi32, #tpu.memory_space<vmem>> -> memref<1x4x128xi32, #tpu.memory_space<vmem>>
      %dma_wait3A_754 = tpu.memref_squeeze %dma_wait3A_753 : memref<1x4x128xi32, #tpu.memory_space<vmem>> -> memref<4x128xi32, #tpu.memory_space<vmem>>
      %dma_wait3A_755 = arith.constant 0 : i32
      %dma_wait3A_756 = tpu.memref_slice %arg2[%select_n3A_499, %dma_wait3A_755, %multiple_of3A_540] : memref<128x4x256xi32, #tpu.memory_space<hbm>> -> memref<1x4x128xi32, #tpu.memory_space<hbm>>
      %dma_wait3A_757 = tpu.memref_squeeze %dma_wait3A_756 : memref<1x4x128xi32, #tpu.memory_space<hbm>> -> memref<4x128xi32, #tpu.memory_space<hbm>>
      tpu.wait_dma2 semaphore(%run_scoped3A_731 : memref<!tpu.dma_semaphore, #tpu.memory_space<semaphore_mem>>) src(%dma_wait3A_757 : memref<4x128xi32, #tpu.memory_space<hbm>>) dst(%dma_wait3A_754 : memref<4x128xi32, #tpu.memory_space<vmem>>)
      tpu.yield
    }) : () -> ()
    %run_scoped3A_542 = arith.constant 7 : i32
    "tpu.region"() ({
      %run_scoped3A_731 = tpu.sem_alloc : memref<!tpu.dma_semaphore, #tpu.memory_space<semaphore_mem>>
      %dma_start3A = arith.constant 0 : i32
      %dma_start3A_732 = arith.constant 0 : i32
      %dma_start3A_733 = tpu.memref_slice %arg12[%run_scoped3A_542, %dma_start3A, %dma_start3A_732] : memref<8x4x128xf32, #tpu.memory_space<vmem>> -> memref<1x4x128xf32, #tpu.memory_space<vmem>>
      %dma_start3A_734 = tpu.memref_squeeze %dma_start3A_733 : memref<1x4x128xf32, #tpu.memory_space<vmem>> -> memref<4x128xf32, #tpu.memory_space<vmem>>
      %dma_start3A_735 = arith.constant 0 : i32
      %dma_start3A_736 = tpu.memref_slice %arg3[%select_n3A_499, %dma_start3A_735, %multiple_of3A_540] : memref<128x4x256xf32, #tpu.memory_space<hbm>> -> memref<1x4x128xf32, #tpu.memory_space<hbm>>
      %dma_start3A_737 = tpu.memref_squeeze %dma_start3A_736 : memref<1x4x128xf32, #tpu.memory_space<hbm>> -> memref<4x128xf32, #tpu.memory_space<hbm>>
      %dma_start3A_738 = arith.constant 0 : i32
      %dma_start3A_739 = arith.constant 0 : i32
      %dma_start3A_740 = tpu.memref_slice %arg12[%run_scoped3A_542, %dma_start3A_738, %dma_start3A_739] : memref<8x4x128xf32, #tpu.memory_space<vmem>> -> memref<1x4x128xf32, #tpu.memory_space<vmem>>
      %dma_start3A_741 = tpu.memref_squeeze %dma_start3A_740 : memref<1x4x128xf32, #tpu.memory_space<vmem>> -> memref<4x128xf32, #tpu.memory_space<vmem>>
      %dma_start3A_742 = arith.constant 0 : i32
      %dma_start3A_743 = tpu.memref_slice %arg3[%select_n3A_499, %dma_start3A_742, %multiple_of3A_540] : memref<128x4x256xf32, #tpu.memory_space<hbm>> -> memref<1x4x128xf32, #tpu.memory_space<hbm>>
      %dma_start3A_744 = tpu.memref_squeeze %dma_start3A_743 : memref<1x4x128xf32, #tpu.memory_space<hbm>> -> memref<4x128xf32, #tpu.memory_space<hbm>>
      tpu.enqueue_dma source(%dma_start3A_744 : memref<4x128xf32, #tpu.memory_space<hbm>>) target(%dma_start3A_741 : memref<4x128xf32, #tpu.memory_space<vmem>>) target_semaphore(%run_scoped3A_731 : memref<!tpu.dma_semaphore, #tpu.memory_space<semaphore_mem>>)
      %dma_wait3A = arith.constant 0 : i32
      %dma_wait3A_745 = arith.constant 0 : i32
      %dma_wait3A_746 = tpu.memref_slice %arg12[%run_scoped3A_542, %dma_wait3A, %dma_wait3A_745] : memref<8x4x128xf32, #tpu.memory_space<vmem>> -> memref<1x4x128xf32, #tpu.memory_space<vmem>>
      %dma_wait3A_747 = tpu.memref_squeeze %dma_wait3A_746 : memref<1x4x128xf32, #tpu.memory_space<vmem>> -> memref<4x128xf32, #tpu.memory_space<vmem>>
      %dma_wait3A_748 = arith.constant 0 : i32
      %dma_wait3A_749 = tpu.memref_slice %arg3[%select_n3A_499, %dma_wait3A_748, %multiple_of3A_540] : memref<128x4x256xf32, #tpu.memory_space<hbm>> -> memref<1x4x128xf32, #tpu.memory_space<hbm>>
      %dma_wait3A_750 = tpu.memref_squeeze %dma_wait3A_749 : memref<1x4x128xf32, #tpu.memory_space<hbm>> -> memref<4x128xf32, #tpu.memory_space<hbm>>
      %dma_wait3A_751 = arith.constant 0 : i32
      %dma_wait3A_752 = arith.constant 0 : i32
      %dma_wait3A_753 = tpu.memref_slice %arg12[%run_scoped3A_542, %dma_wait3A_751, %dma_wait3A_752] : memref<8x4x128xf32, #tpu.memory_space<vmem>> -> memref<1x4x128xf32, #tpu.memory_space<vmem>>
      %dma_wait3A_754 = tpu.memref_squeeze %dma_wait3A_753 : memref<1x4x128xf32, #tpu.memory_space<vmem>> -> memref<4x128xf32, #tpu.memory_space<vmem>>
      %dma_wait3A_755 = arith.constant 0 : i32
      %dma_wait3A_756 = tpu.memref_slice %arg3[%select_n3A_499, %dma_wait3A_755, %multiple_of3A_540] : memref<128x4x256xf32, #tpu.memory_space<hbm>> -> memref<1x4x128xf32, #tpu.memory_space<hbm>>
      %dma_wait3A_757 = tpu.memref_squeeze %dma_wait3A_756 : memref<1x4x128xf32, #tpu.memory_space<hbm>> -> memref<4x128xf32, #tpu.memory_space<hbm>>
      tpu.wait_dma2 semaphore(%run_scoped3A_731 : memref<!tpu.dma_semaphore, #tpu.memory_space<semaphore_mem>>) src(%dma_wait3A_757 : memref<4x128xf32, #tpu.memory_space<hbm>>) dst(%dma_wait3A_754 : memref<4x128xf32, #tpu.memory_space<vmem>>)
      tpu.yield
    }) : () -> ()
    "tpu.region"() ({
      %run_scoped3A_731 = tpu.sem_alloc : memref<!tpu.dma_semaphore, #tpu.memory_space<semaphore_mem>>
      %dma_start3A = arith.constant 0 : i32
      %dma_start3A_732 = tpu.memref_slice %arg4[%dma_start3A, %mul3A_2] : memref<8x16384xf32, #tpu.memory_space<hbm>> -> memref<8x512xf32, #tpu.memory_space<hbm>>
      %dma_start3A_733 = arith.constant 0 : i32
      %dma_start3A_734 = tpu.memref_slice %arg4[%dma_start3A_733, %mul3A_2] : memref<8x16384xf32, #tpu.memory_space<hbm>> -> memref<8x512xf32, #tpu.memory_space<hbm>>
      tpu.enqueue_dma source(%dma_start3A_734 : memref<8x512xf32, #tpu.memory_space<hbm>>) target(%arg13 : memref<8x512xf32, #tpu.memory_space<vmem>>) target_semaphore(%run_scoped3A_731 : memref<!tpu.dma_semaphore, #tpu.memory_space<semaphore_mem>>)
      %dma_wait3A = arith.constant 0 : i32
      %dma_wait3A_735 = tpu.memref_slice %arg4[%dma_wait3A, %mul3A_2] : memref<8x16384xf32, #tpu.memory_space<hbm>> -> memref<8x512xf32, #tpu.memory_space<hbm>>
      %dma_wait3A_736 = arith.constant 0 : i32
      %dma_wait3A_737 = tpu.memref_slice %arg4[%dma_wait3A_736, %mul3A_2] : memref<8x16384xf32, #tpu.memory_space<hbm>> -> memref<8x512xf32, #tpu.memory_space<hbm>>
      tpu.wait_dma2 semaphore(%run_scoped3A_731 : memref<!tpu.dma_semaphore, #tpu.memory_space<semaphore_mem>>) src(%dma_wait3A_737 : memref<8x512xf32, #tpu.memory_space<hbm>>) dst(%arg13 : memref<8x512xf32, #tpu.memory_space<vmem>>)
      tpu.yield
    }) : () -> ()
    "tpu.region"() ({
      %run_scoped3A_731 = tpu.sem_alloc : memref<!tpu.dma_semaphore, #tpu.memory_space<semaphore_mem>>
      %dma_start3A = tpu.memref_slice %arg5[%mul3A_2] : memref<16384xf32, #tpu.memory_space<hbm>> -> memref<512xf32, #tpu.memory_space<hbm>>
      %dma_start3A_732 = tpu.memref_slice %arg5[%mul3A_2] : memref<16384xf32, #tpu.memory_space<hbm>> -> memref<512xf32, #tpu.memory_space<hbm>>
      tpu.enqueue_dma source(%dma_start3A_732 : memref<512xf32, #tpu.memory_space<hbm>>) target(%arg14 : memref<512xf32, #tpu.memory_space<vmem>>) target_semaphore(%run_scoped3A_731 : memref<!tpu.dma_semaphore, #tpu.memory_space<semaphore_mem>>)
      %dma_wait3A = tpu.memref_slice %arg5[%mul3A_2] : memref<16384xf32, #tpu.memory_space<hbm>> -> memref<512xf32, #tpu.memory_space<hbm>>
      %dma_wait3A_733 = tpu.memref_slice %arg5[%mul3A_2] : memref<16384xf32, #tpu.memory_space<hbm>> -> memref<512xf32, #tpu.memory_space<hbm>>
      tpu.wait_dma2 semaphore(%run_scoped3A_731 : memref<!tpu.dma_semaphore, #tpu.memory_space<semaphore_mem>>) src(%dma_wait3A_733 : memref<512xf32, #tpu.memory_space<hbm>>) dst(%arg14 : memref<512xf32, #tpu.memory_space<vmem>>)
      tpu.yield
    }) : () -> ()
    %broadcast_in_dim3A = arith.constant 0.000000e+00 : f32
    %broadcast_in_dim3A_543 = vector.broadcast %broadcast_in_dim3A : f32 to vector<16xf32>
    %swap3A = arith.constant 0 : index
    %swap3A_544 = tpu.vector_load %arg16[%swap3A] {strides = array<i32>} : memref<512xf32, #tpu.memory_space<vmem>>, vector<16xf32>,
    tpu.vector_store %arg16[%swap3A], %broadcast_in_dim3A_543 {strides = array<i32>} : memref<512xf32, #tpu.memory_space<vmem>>, vector<16xf32>,
    %broadcast_in_dim3A_545 = arith.constant 0.000000e+00 : f32
    %broadcast_in_dim3A_546 = vector.broadcast %broadcast_in_dim3A_545 : f32 to vector<16xf32>
    %swap3A_547 = arith.constant 16 : index
    %swap3A_548 = tpu.vector_load %arg16[%swap3A_547] {strides = array<i32>} : memref<512xf32, #tpu.memory_space<vmem>>, vector<16xf32>,
    tpu.vector_store %arg16[%swap3A_547], %broadcast_in_dim3A_546 {strides = array<i32>} : memref<512xf32, #tpu.memory_space<vmem>>, vector<16xf32>,
    %broadcast_in_dim3A_549 = arith.constant 0.000000e+00 : f32
    %broadcast_in_dim3A_550 = vector.broadcast %broadcast_in_dim3A_549 : f32 to vector<16xf32>
    %swap3A_551 = arith.constant 32 : index
    %swap3A_552 = tpu.vector_load %arg16[%swap3A_551] {strides = array<i32>} : memref<512xf32, #tpu.memory_space<vmem>>, vector<16xf32>,
    tpu.vector_store %arg16[%swap3A_551], %broadcast_in_dim3A_550 {strides = array<i32>} : memref<512xf32, #tpu.memory_space<vmem>>, vector<16xf32>,
    %broadcast_in_dim3A_553 = arith.constant 0.000000e+00 : f32
    %broadcast_in_dim3A_554 = vector.broadcast %broadcast_in_dim3A_553 : f32 to vector<16xf32>
    %swap3A_555 = arith.constant 48 : index
    %swap3A_556 = tpu.vector_load %arg16[%swap3A_555] {strides = array<i32>} : memref<512xf32, #tpu.memory_space<vmem>>, vector<16xf32>,
    tpu.vector_store %arg16[%swap3A_555], %broadcast_in_dim3A_554 {strides = array<i32>} : memref<512xf32, #tpu.memory_space<vmem>>, vector<16xf32>,
    %broadcast_in_dim3A_557 = arith.constant 0.000000e+00 : f32
    %broadcast_in_dim3A_558 = vector.broadcast %broadcast_in_dim3A_557 : f32 to vector<16xf32>
    %swap3A_559 = arith.constant 64 : index
    %swap3A_560 = tpu.vector_load %arg16[%swap3A_559] {strides = array<i32>} : memref<512xf32, #tpu.memory_space<vmem>>, vector<16xf32>,
    tpu.vector_store %arg16[%swap3A_559], %broadcast_in_dim3A_558 {strides = array<i32>} : memref<512xf32, #tpu.memory_space<vmem>>, vector<16xf32>,
    %broadcast_in_dim3A_561 = arith.constant 0.000000e+00 : f32
    %broadcast_in_dim3A_562 = vector.broadcast %broadcast_in_dim3A_561 : f32 to vector<16xf32>
    %swap3A_563 = arith.constant 80 : index
    %swap3A_564 = tpu.vector_load %arg16[%swap3A_563] {strides = array<i32>} : memref<512xf32, #tpu.memory_space<vmem>>, vector<16xf32>,
    tpu.vector_store %arg16[%swap3A_563], %broadcast_in_dim3A_562 {strides = array<i32>} : memref<512xf32, #tpu.memory_space<vmem>>, vector<16xf32>,
    %broadcast_in_dim3A_565 = arith.constant 0.000000e+00 : f32
    %broadcast_in_dim3A_566 = vector.broadcast %broadcast_in_dim3A_565 : f32 to vector<16xf32>
    %swap3A_567 = arith.constant 96 : index
    %swap3A_568 = tpu.vector_load %arg16[%swap3A_567] {strides = array<i32>} : memref<512xf32, #tpu.memory_space<vmem>>, vector<16xf32>,
    tpu.vector_store %arg16[%swap3A_567], %broadcast_in_dim3A_566 {strides = array<i32>} : memref<512xf32, #tpu.memory_space<vmem>>, vector<16xf32>,
    %broadcast_in_dim3A_569 = arith.constant 0.000000e+00 : f32
    %broadcast_in_dim3A_570 = vector.broadcast %broadcast_in_dim3A_569 : f32 to vector<16xf32>
    %swap3A_571 = arith.constant 112 : index
    %swap3A_572 = tpu.vector_load %arg16[%swap3A_571] {strides = array<i32>} : memref<512xf32, #tpu.memory_space<vmem>>, vector<16xf32>,
    tpu.vector_store %arg16[%swap3A_571], %broadcast_in_dim3A_570 {strides = array<i32>} : memref<512xf32, #tpu.memory_space<vmem>>, vector<16xf32>,
    %broadcast_in_dim3A_573 = arith.constant 0.000000e+00 : f32
    %broadcast_in_dim3A_574 = vector.broadcast %broadcast_in_dim3A_573 : f32 to vector<16xf32>
    %swap3A_575 = arith.constant 128 : index
    %swap3A_576 = tpu.vector_load %arg16[%swap3A_575] {strides = array<i32>} : memref<512xf32, #tpu.memory_space<vmem>>, vector<16xf32>,
    tpu.vector_store %arg16[%swap3A_575], %broadcast_in_dim3A_574 {strides = array<i32>} : memref<512xf32, #tpu.memory_space<vmem>>, vector<16xf32>,
    %broadcast_in_dim3A_577 = arith.constant 0.000000e+00 : f32
    %broadcast_in_dim3A_578 = vector.broadcast %broadcast_in_dim3A_577 : f32 to vector<16xf32>
    %swap3A_579 = arith.constant 144 : index
    %swap3A_580 = tpu.vector_load %arg16[%swap3A_579] {strides = array<i32>} : memref<512xf32, #tpu.memory_space<vmem>>, vector<16xf32>,
    tpu.vector_store %arg16[%swap3A_579], %broadcast_in_dim3A_578 {strides = array<i32>} : memref<512xf32, #tpu.memory_space<vmem>>, vector<16xf32>,
    %broadcast_in_dim3A_581 = arith.constant 0.000000e+00 : f32
    %broadcast_in_dim3A_582 = vector.broadcast %broadcast_in_dim3A_581 : f32 to vector<16xf32>
    %swap3A_583 = arith.constant 160 : index
    %swap3A_584 = tpu.vector_load %arg16[%swap3A_583] {strides = array<i32>} : memref<512xf32, #tpu.memory_space<vmem>>, vector<16xf32>,
    tpu.vector_store %arg16[%swap3A_583], %broadcast_in_dim3A_582 {strides = array<i32>} : memref<512xf32, #tpu.memory_space<vmem>>, vector<16xf32>,
    %broadcast_in_dim3A_585 = arith.constant 0.000000e+00 : f32
    %broadcast_in_dim3A_586 = vector.broadcast %broadcast_in_dim3A_585 : f32 to vector<16xf32>
    %swap3A_587 = arith.constant 176 : index
    %swap3A_588 = tpu.vector_load %arg16[%swap3A_587] {strides = array<i32>} : memref<512xf32, #tpu.memory_space<vmem>>, vector<16xf32>,
    tpu.vector_store %arg16[%swap3A_587], %broadcast_in_dim3A_586 {strides = array<i32>} : memref<512xf32, #tpu.memory_space<vmem>>, vector<16xf32>,
    %broadcast_in_dim3A_589 = arith.constant 0.000000e+00 : f32
    %broadcast_in_dim3A_590 = vector.broadcast %broadcast_in_dim3A_589 : f32 to vector<16xf32>
    %swap3A_591 = arith.constant 192 : index
    %swap3A_592 = tpu.vector_load %arg16[%swap3A_591] {strides = array<i32>} : memref<512xf32, #tpu.memory_space<vmem>>, vector<16xf32>,
    tpu.vector_store %arg16[%swap3A_591], %broadcast_in_dim3A_590 {strides = array<i32>} : memref<512xf32, #tpu.memory_space<vmem>>, vector<16xf32>,
    %broadcast_in_dim3A_593 = arith.constant 0.000000e+00 : f32
    %broadcast_in_dim3A_594 = vector.broadcast %broadcast_in_dim3A_593 : f32 to vector<16xf32>
    %swap3A_595 = arith.constant 208 : index
    %swap3A_596 = tpu.vector_load %arg16[%swap3A_595] {strides = array<i32>} : memref<512xf32, #tpu.memory_space<vmem>>, vector<16xf32>,
    tpu.vector_store %arg16[%swap3A_595], %broadcast_in_dim3A_594 {strides = array<i32>} : memref<512xf32, #tpu.memory_space<vmem>>, vector<16xf32>,
    %broadcast_in_dim3A_597 = arith.constant 0.000000e+00 : f32
    %broadcast_in_dim3A_598 = vector.broadcast %broadcast_in_dim3A_597 : f32 to vector<16xf32>
    %swap3A_599 = arith.constant 224 : index
    %swap3A_600 = tpu.vector_load %arg16[%swap3A_599] {strides = array<i32>} : memref<512xf32, #tpu.memory_space<vmem>>, vector<16xf32>,
    tpu.vector_store %arg16[%swap3A_599], %broadcast_in_dim3A_598 {strides = array<i32>} : memref<512xf32, #tpu.memory_space<vmem>>, vector<16xf32>,
    %broadcast_in_dim3A_601 = arith.constant 0.000000e+00 : f32
    %broadcast_in_dim3A_602 = vector.broadcast %broadcast_in_dim3A_601 : f32 to vector<16xf32>
    %swap3A_603 = arith.constant 240 : index
    %swap3A_604 = tpu.vector_load %arg16[%swap3A_603] {strides = array<i32>} : memref<512xf32, #tpu.memory_space<vmem>>, vector<16xf32>,
    tpu.vector_store %arg16[%swap3A_603], %broadcast_in_dim3A_602 {strides = array<i32>} : memref<512xf32, #tpu.memory_space<vmem>>, vector<16xf32>,
    %broadcast_in_dim3A_605 = arith.constant 0.000000e+00 : f32
    %broadcast_in_dim3A_606 = vector.broadcast %broadcast_in_dim3A_605 : f32 to vector<16xf32>
    %swap3A_607 = arith.constant 256 : index
    %swap3A_608 = tpu.vector_load %arg16[%swap3A_607] {strides = array<i32>} : memref<512xf32, #tpu.memory_space<vmem>>, vector<16xf32>,
    tpu.vector_store %arg16[%swap3A_607], %broadcast_in_dim3A_606 {strides = array<i32>} : memref<512xf32, #tpu.memory_space<vmem>>, vector<16xf32>,
    %broadcast_in_dim3A_609 = arith.constant 0.000000e+00 : f32
    %broadcast_in_dim3A_610 = vector.broadcast %broadcast_in_dim3A_609 : f32 to vector<16xf32>
    %swap3A_611 = arith.constant 272 : index
    %swap3A_612 = tpu.vector_load %arg16[%swap3A_611] {strides = array<i32>} : memref<512xf32, #tpu.memory_space<vmem>>, vector<16xf32>,
    tpu.vector_store %arg16[%swap3A_611], %broadcast_in_dim3A_610 {strides = array<i32>} : memref<512xf32, #tpu.memory_space<vmem>>, vector<16xf32>,
    %broadcast_in_dim3A_613 = arith.constant 0.000000e+00 : f32
    %broadcast_in_dim3A_614 = vector.broadcast %broadcast_in_dim3A_613 : f32 to vector<16xf32>
    %swap3A_615 = arith.constant 288 : index
    %swap3A_616 = tpu.vector_load %arg16[%swap3A_615] {strides = array<i32>} : memref<512xf32, #tpu.memory_space<vmem>>, vector<16xf32>,
    tpu.vector_store %arg16[%swap3A_615], %broadcast_in_dim3A_614 {strides = array<i32>} : memref<512xf32, #tpu.memory_space<vmem>>, vector<16xf32>,
    %broadcast_in_dim3A_617 = arith.constant 0.000000e+00 : f32
    %broadcast_in_dim3A_618 = vector.broadcast %broadcast_in_dim3A_617 : f32 to vector<16xf32>
    %swap3A_619 = arith.constant 304 : index
    %swap3A_620 = tpu.vector_load %arg16[%swap3A_619] {strides = array<i32>} : memref<512xf32, #tpu.memory_space<vmem>>, vector<16xf32>,
    tpu.vector_store %arg16[%swap3A_619], %broadcast_in_dim3A_618 {strides = array<i32>} : memref<512xf32, #tpu.memory_space<vmem>>, vector<16xf32>,
    %broadcast_in_dim3A_621 = arith.constant 0.000000e+00 : f32
    %broadcast_in_dim3A_622 = vector.broadcast %broadcast_in_dim3A_621 : f32 to vector<16xf32>
    %swap3A_623 = arith.constant 320 : index
    %swap3A_624 = tpu.vector_load %arg16[%swap3A_623] {strides = array<i32>} : memref<512xf32, #tpu.memory_space<vmem>>, vector<16xf32>,
    tpu.vector_store %arg16[%swap3A_623], %broadcast_in_dim3A_622 {strides = array<i32>} : memref<512xf32, #tpu.memory_space<vmem>>, vector<16xf32>,
    %broadcast_in_dim3A_625 = arith.constant 0.000000e+00 : f32
    %broadcast_in_dim3A_626 = vector.broadcast %broadcast_in_dim3A_625 : f32 to vector<16xf32>
    %swap3A_627 = arith.constant 336 : index
    %swap3A_628 = tpu.vector_load %arg16[%swap3A_627] {strides = array<i32>} : memref<512xf32, #tpu.memory_space<vmem>>, vector<16xf32>,
    tpu.vector_store %arg16[%swap3A_627], %broadcast_in_dim3A_626 {strides = array<i32>} : memref<512xf32, #tpu.memory_space<vmem>>, vector<16xf32>,
    %broadcast_in_dim3A_629 = arith.constant 0.000000e+00 : f32
    %broadcast_in_dim3A_630 = vector.broadcast %broadcast_in_dim3A_629 : f32 to vector<16xf32>
    %swap3A_631 = arith.constant 352 : index
    %swap3A_632 = tpu.vector_load %arg16[%swap3A_631] {strides = array<i32>} : memref<512xf32, #tpu.memory_space<vmem>>, vector<16xf32>,
    tpu.vector_store %arg16[%swap3A_631], %broadcast_in_dim3A_630 {strides = array<i32>} : memref<512xf32, #tpu.memory_space<vmem>>, vector<16xf32>,
    %broadcast_in_dim3A_633 = arith.constant 0.000000e+00 : f32
    %broadcast_in_dim3A_634 = vector.broadcast %broadcast_in_dim3A_633 : f32 to vector<16xf32>
    %swap3A_635 = arith.constant 368 : index
    %swap3A_636 = tpu.vector_load %arg16[%swap3A_635] {strides = array<i32>} : memref<512xf32, #tpu.memory_space<vmem>>, vector<16xf32>,
    tpu.vector_store %arg16[%swap3A_635], %broadcast_in_dim3A_634 {strides = array<i32>} : memref<512xf32, #tpu.memory_space<vmem>>, vector<16xf32>,
    %broadcast_in_dim3A_637 = arith.constant 0.000000e+00 : f32
    %broadcast_in_dim3A_638 = vector.broadcast %broadcast_in_dim3A_637 : f32 to vector<16xf32>
    %swap3A_639 = arith.constant 384 : index
    %swap3A_640 = tpu.vector_load %arg16[%swap3A_639] {strides = array<i32>} : memref<512xf32, #tpu.memory_space<vmem>>, vector<16xf32>,
    tpu.vector_store %arg16[%swap3A_639], %broadcast_in_dim3A_638 {strides = array<i32>} : memref<512xf32, #tpu.memory_space<vmem>>, vector<16xf32>,
    %broadcast_in_dim3A_641 = arith.constant 0.000000e+00 : f32
    %broadcast_in_dim3A_642 = vector.broadcast %broadcast_in_dim3A_641 : f32 to vector<16xf32>
    %swap3A_643 = arith.constant 400 : index
    %swap3A_644 = tpu.vector_load %arg16[%swap3A_643] {strides = array<i32>} : memref<512xf32, #tpu.memory_space<vmem>>, vector<16xf32>,
    tpu.vector_store %arg16[%swap3A_643], %broadcast_in_dim3A_642 {strides = array<i32>} : memref<512xf32, #tpu.memory_space<vmem>>, vector<16xf32>,
    %broadcast_in_dim3A_645 = arith.constant 0.000000e+00 : f32
    %broadcast_in_dim3A_646 = vector.broadcast %broadcast_in_dim3A_645 : f32 to vector<16xf32>
    %swap3A_647 = arith.constant 416 : index
    %swap3A_648 = tpu.vector_load %arg16[%swap3A_647] {strides = array<i32>} : memref<512xf32, #tpu.memory_space<vmem>>, vector<16xf32>,
    tpu.vector_store %arg16[%swap3A_647], %broadcast_in_dim3A_646 {strides = array<i32>} : memref<512xf32, #tpu.memory_space<vmem>>, vector<16xf32>,
    %broadcast_in_dim3A_649 = arith.constant 0.000000e+00 : f32
    %broadcast_in_dim3A_650 = vector.broadcast %broadcast_in_dim3A_649 : f32 to vector<16xf32>
    %swap3A_651 = arith.constant 432 : index
    %swap3A_652 = tpu.vector_load %arg16[%swap3A_651] {strides = array<i32>} : memref<512xf32, #tpu.memory_space<vmem>>, vector<16xf32>,
    tpu.vector_store %arg16[%swap3A_651], %broadcast_in_dim3A_650 {strides = array<i32>} : memref<512xf32, #tpu.memory_space<vmem>>, vector<16xf32>,
    %broadcast_in_dim3A_653 = arith.constant 0.000000e+00 : f32
    %broadcast_in_dim3A_654 = vector.broadcast %broadcast_in_dim3A_653 : f32 to vector<16xf32>
    %swap3A_655 = arith.constant 448 : index
    %swap3A_656 = tpu.vector_load %arg16[%swap3A_655] {strides = array<i32>} : memref<512xf32, #tpu.memory_space<vmem>>, vector<16xf32>,
    tpu.vector_store %arg16[%swap3A_655], %broadcast_in_dim3A_654 {strides = array<i32>} : memref<512xf32, #tpu.memory_space<vmem>>, vector<16xf32>,
    %broadcast_in_dim3A_657 = arith.constant 0.000000e+00 : f32
    %broadcast_in_dim3A_658 = vector.broadcast %broadcast_in_dim3A_657 : f32 to vector<16xf32>
    %swap3A_659 = arith.constant 464 : index
    %swap3A_660 = tpu.vector_load %arg16[%swap3A_659] {strides = array<i32>} : memref<512xf32, #tpu.memory_space<vmem>>, vector<16xf32>,
    tpu.vector_store %arg16[%swap3A_659], %broadcast_in_dim3A_658 {strides = array<i32>} : memref<512xf32, #tpu.memory_space<vmem>>, vector<16xf32>,
    %broadcast_in_dim3A_661 = arith.constant 0.000000e+00 : f32
    %broadcast_in_dim3A_662 = vector.broadcast %broadcast_in_dim3A_661 : f32 to vector<16xf32>
    %swap3A_663 = arith.constant 480 : index
    %swap3A_664 = tpu.vector_load %arg16[%swap3A_663] {strides = array<i32>} : memref<512xf32, #tpu.memory_space<vmem>>, vector<16xf32>,
    tpu.vector_store %arg16[%swap3A_663], %broadcast_in_dim3A_662 {strides = array<i32>} : memref<512xf32, #tpu.memory_space<vmem>>, vector<16xf32>,
    %broadcast_in_dim3A_665 = arith.constant 0.000000e+00 : f32
    %broadcast_in_dim3A_666 = vector.broadcast %broadcast_in_dim3A_665 : f32 to vector<16xf32>
    %swap3A_667 = arith.constant 496 : index
    %swap3A_668 = tpu.vector_load %arg16[%swap3A_667] {strides = array<i32>} : memref<512xf32, #tpu.memory_space<vmem>>, vector<16xf32>,
    tpu.vector_store %arg16[%swap3A_667], %broadcast_in_dim3A_666 {strides = array<i32>} : memref<512xf32, #tpu.memory_space<vmem>>, vector<16xf32>,
    %iota3A = tpu.iota {dimensions = array<i32: 0>} : vector<16xi32>
    %jit3A_669 = arith.constant 4 : i32
    %eq3A_670 = arith.constant 0 : i32
    %eq3A_671 = arith.cmpi eq, %jit3A_669, %eq3A_670 : i32
    %jit3A_672 = arith.constant 1 : i32
    %select_n3A_673 = arith.select %eq3A_671, %jit3A_672, %jit3A_669 : i32
    %rem3A_674 = vector.broadcast %select_n3A_673 : i32 to vector<16xi32>
    %rem3A_675 = arith.remsi %iota3A, %rem3A_674 : vector<16xi32>
    %ne3A_676 = arith.constant 0 : i32
    %ne3A_677 = vector.broadcast %ne3A_676 : i32 to vector<16xi32>
    %ne3A_678 = arith.cmpi ne, %rem3A_675, %ne3A_677 : vector<16xi32>
    %lt3A_679 = arith.constant 0 : i32
    %lt3A_680 = vector.broadcast %lt3A_679 : i32 to vector<16xi32>
    %lt3A_681 = arith.cmpi slt, %rem3A_675, %lt3A_680 : vector<16xi32>
    %lt3A_682 = arith.constant 0 : i32
    %lt3A_683 = arith.cmpi slt, %select_n3A_673, %lt3A_682 : i32
    %ne3A_684 = vector.broadcast %lt3A_683 : i1 to vector<16xi1>
    %ne3A_685 = vector.broadcast %ne3A_684 : vector<16xi1> to vector<16xi1>
    %ne3A_686 = arith.xori %lt3A_681, %ne3A_685 : vector<16xi1>
    %and3A_687 = arith.andi %ne3A_686, %ne3A_678 : vector<16xi1>
    %add3A_688 = vector.broadcast %select_n3A_673 : i32 to vector<16xi32>
    %add3A_689 = arith.addi %rem3A_675, %add3A_688 : vector<16xi32>
    %select_n3A_690 = arith.select %and3A_687, %add3A_689, %rem3A_675 : vector<16xi1>, vector<16xi32>
    %jit3A_691 = arith.constant 4 : i32
    %div3A_692 = vector.broadcast %jit3A_691 : i32 to vector<16xi32>
    %div3A_693 = arith.divsi %iota3A, %div3A_692 : vector<16xi32>
    %sign3A_694 = arith.constant 0 : i32
    %sign3A_695 = vector.broadcast %sign3A_694 : i32 to vector<16xi32>
    %sign3A_696 = arith.cmpi sgt, %iota3A, %sign3A_695 : vector<16xi32>
    %sign3A_697 = arith.extui %sign3A_696 : vector<16xi1> to vector<16xi32>
    %sign3A_698 = arith.constant 0 : i32
    %sign3A_699 = vector.broadcast %sign3A_698 : i32 to vector<16xi32>
    %sign3A_700 = arith.cmpi slt, %iota3A, %sign3A_699 : vector<16xi32>
    %sign3A_701 = arith.extui %sign3A_700 : vector<16xi1> to vector<16xi32>
    %sign3A_702 = arith.subi %sign3A_697, %sign3A_701 : vector<16xi32>
    %sign3A_703 = arith.constant 0 : i32
    %sign3A_704 = arith.cmpi sgt, %jit3A_691, %sign3A_703 : i32
    %sign3A_705 = arith.extui %sign3A_704 : i1 to i32
    %sign3A_706 = arith.constant 0 : i32
    %sign3A_707 = arith.cmpi slt, %jit3A_691, %sign3A_706 : i32
    %sign3A_708 = arith.extui %sign3A_707 : i1 to i32
    %sign3A_709 = arith.subi %sign3A_705, %sign3A_708 : i32
    %ne3A_710 = vector.broadcast %sign3A_709 : i32 to vector<16xi32>
    %ne3A_711 = arith.cmpi ne, %sign3A_702, %ne3A_710 : vector<16xi32>
    %rem3A_712 = vector.broadcast %jit3A_691 : i32 to vector<16xi32>
    %rem3A_713 = arith.remsi %iota3A, %rem3A_712 : vector<16xi32>
    %ne3A_714 = arith.constant 0 : i32
    %ne3A_715 = vector.broadcast %ne3A_714 : i32 to vector<16xi32>
    %ne3A_716 = arith.cmpi ne, %rem3A_713, %ne3A_715 : vector<16xi32>
    %and3A_717 = arith.andi %ne3A_711, %ne3A_716 : vector<16xi1>
    %sub3A_718 = arith.constant 1 : i32
    %sub3A_719 = vector.broadcast %sub3A_718 : i32 to vector<16xi32>
    %sub3A_720 = arith.subi %div3A_693, %sub3A_719 : vector<16xi32>
    %select_n3A_721 = arith.select %and3A_717, %sub3A_720, %div3A_693 : vector<16xi1>, vector<16xi32>
    %broadcast_in_dim3A_722 = arith.constant 0.000000e+00 : f32
    %broadcast_in_dim3A_723 = vector.broadcast %broadcast_in_dim3A_722 : f32 to vector<16xf32>
    %scan3A = arith.constant 0 : i32
    %scan3A_724 = arith.constant 32 : i32
    %scan3A_725 = arith.addi %scan3A, %scan3A_724 : i32
    %scan3A_726 = arith.constant 1 : i32
    %scan3A_727 = scf.for %scan3A_731 = %scan3A to %scan3A_725 step %scan3A_726 iter_args(%scan3A_732 = %broadcast_in_dim3A_723) -> (vector<16xf32>)  : i32 {
      %mul3A_733 = arith.constant 16 : i32
      %mul3A_734 = arith.muli %scan3A_731, %mul3A_733 : i32
      %get3A = arith.index_cast %mul3A_734 : i32 to index
      %get3A_735 = tpu.vector_load %arg14[%get3A] {strides = array<i32>} : memref<512xf32, #tpu.memory_space<vmem>>, vector<16xf32>,
      %mul3A_736 = arith.constant 4 : i32
      %mul3A_737 = arith.muli %mul3A_736, %scan3A_731 : i32
      %add3A_738 = vector.broadcast %mul3A_737 : i32 to vector<16xi32>
      %add3A_739 = arith.addi %select_n3A_721, %add3A_738 : vector<16xi32>
      %broadcast_in_dim3A_740 = arith.constant 0.000000e+00 : f32
      %broadcast_in_dim3A_741 = vector.broadcast %broadcast_in_dim3A_740 : f32 to vector<16xf32>
      %broadcast_in_dim3A_742 = arith.constant 0.000000e+00 : f32
      %broadcast_in_dim3A_743 = vector.broadcast %broadcast_in_dim3A_742 : f32 to vector<16xf32>
      %broadcast_in_dim3A_744 = arith.constant 0.000000e+00 : f32
      %broadcast_in_dim3A_745 = vector.broadcast %broadcast_in_dim3A_744 : f32 to vector<16xf32>
      %broadcast_in_dim3A_746 = arith.constant 0.000000e+00 : f32
      %broadcast_in_dim3A_747 = vector.broadcast %broadcast_in_dim3A_746 : f32 to vector<16xf32>
      %broadcast_in_dim3A_748 = arith.constant 0 : i32
      %broadcast_in_dim3A_749 = vector.broadcast %broadcast_in_dim3A_748 : i32 to vector<16xi32>
      %gather3A = tpu.vector_load_idx %arg11[%broadcast_in_dim3A_749, %select_n3A_690, %add3A_739] : memref<8x4x128xi32, #tpu.memory_space<vmem>>[vector<16xi32>, vector<16xi32>, vector<16xi32>], vector<16xi32>,
      %gather3A_750 = tpu.vector_load_idx %arg12[%broadcast_in_dim3A_749, %select_n3A_690, %add3A_739] : memref<8x4x128xf32, #tpu.memory_space<vmem>>[vector<16xi32>, vector<16xi32>, vector<16xi32>], vector<16xf32>,
      %get3A_751 = arith.constant 0 : i32
      %get3A_752 = arith.index_cast %get3A_751 : i32 to index
      %get3A_753 = arith.index_cast %mul3A_734 : i32 to index
      %get3A_754 = tpu.vector_load %arg13[%get3A_752, %get3A_753] {strides = array<i32>} : memref<8x512xf32, #tpu.memory_space<vmem>>, vector<16xf32>,
      %mul3A_755 = arith.mulf %get3A_735, %gather3A_750 : vector<16xf32>
      %add3A_756 = arith.addf %scan3A_732, %mul3A_755 : vector<16xf32>
      %broadcast_in_dim3A_757 = arith.constant 0 : i32
      %broadcast_in_dim3A_758 = vector.broadcast %broadcast_in_dim3A_757 : i32 to vector<16xi32>
      %gather3A_759 = tpu.vector_load_idx %arg10[%broadcast_in_dim3A_758, %gather3A] : memref<4x512xf32, #tpu.memory_space<vmem>>[vector<16xi32>, vector<16xi32>], vector<16xf32>,
      %mul3A_760 = arith.mulf %get3A_754, %gather3A_759 : vector<16xf32>
      %add3A_761 = arith.addf %broadcast_in_dim3A_741, %mul3A_760 : vector<16xf32>
      %broadcast_in_dim3A_762 = arith.constant 1 : i32
      %broadcast_in_dim3A_763 = vector.broadcast %broadcast_in_dim3A_762 : i32 to vector<16xi32>
      %gather3A_764 = tpu.vector_load_idx %arg10[%broadcast_in_dim3A_763, %gather3A] : memref<4x512xf32, #tpu.memory_space<vmem>>[vector<16xi32>, vector<16xi32>], vector<16xf32>,
      %mul3A_765 = arith.mulf %get3A_754, %gather3A_764 : vector<16xf32>
      %add3A_766 = arith.addf %broadcast_in_dim3A_743, %mul3A_765 : vector<16xf32>
      %broadcast_in_dim3A_767 = arith.constant 2 : i32
      %broadcast_in_dim3A_768 = vector.broadcast %broadcast_in_dim3A_767 : i32 to vector<16xi32>
      %gather3A_769 = tpu.vector_load_idx %arg10[%broadcast_in_dim3A_768, %gather3A] : memref<4x512xf32, #tpu.memory_space<vmem>>[vector<16xi32>, vector<16xi32>], vector<16xf32>,
      %mul3A_770 = arith.mulf %get3A_754, %gather3A_769 : vector<16xf32>
      %add3A_771 = arith.addf %broadcast_in_dim3A_745, %mul3A_770 : vector<16xf32>
      %broadcast_in_dim3A_772 = arith.constant 3 : i32
      %broadcast_in_dim3A_773 = vector.broadcast %broadcast_in_dim3A_772 : i32 to vector<16xi32>
      %gather3A_774 = tpu.vector_load_idx %arg10[%broadcast_in_dim3A_773, %gather3A] : memref<4x512xf32, #tpu.memory_space<vmem>>[vector<16xi32>, vector<16xi32>], vector<16xf32>,
      %mul3A_775 = arith.mulf %get3A_754, %gather3A_774 : vector<16xf32>
      %add3A_776 = arith.addf %broadcast_in_dim3A_747, %mul3A_775 : vector<16xf32>
      tpu.vector_store_idx %arg16[%gather3A], %get3A_735 {add = true} : memref<512xf32, #tpu.memory_space<vmem>>[vector<16xi32>], vector<16xf32>,
      %broadcast_in_dim3A_777 = arith.constant 1 : i32
      %broadcast_in_dim3A_778 = vector.broadcast %broadcast_in_dim3A_777 : i32 to vector<16xi32>
      %gather3A_779 = tpu.vector_load_idx %arg11[%broadcast_in_dim3A_778, %select_n3A_690, %add3A_739] : memref<8x4x128xi32, #tpu.memory_space<vmem>>[vector<16xi32>, vector<16xi32>, vector<16xi32>], vector<16xi32>,
      %gather3A_780 = tpu.vector_load_idx %arg12[%broadcast_in_dim3A_778, %select_n3A_690, %add3A_739] : memref<8x4x128xf32, #tpu.memory_space<vmem>>[vector<16xi32>, vector<16xi32>, vector<16xi32>], vector<16xf32>,
      %get3A_781 = arith.constant 1 : i32
      %get3A_782 = arith.index_cast %get3A_781 : i32 to index
      %get3A_783 = arith.index_cast %mul3A_734 : i32 to index
      %get3A_784 = tpu.vector_load %arg13[%get3A_782, %get3A_783] {strides = array<i32>} : memref<8x512xf32, #tpu.memory_space<vmem>>, vector<16xf32>,
      %mul3A_785 = arith.mulf %get3A_735, %gather3A_780 : vector<16xf32>
      %add3A_786 = arith.addf %add3A_756, %mul3A_785 : vector<16xf32>
      %broadcast_in_dim3A_787 = arith.constant 0 : i32
      %broadcast_in_dim3A_788 = vector.broadcast %broadcast_in_dim3A_787 : i32 to vector<16xi32>
      %gather3A_789 = tpu.vector_load_idx %arg10[%broadcast_in_dim3A_788, %gather3A_779] : memref<4x512xf32, #tpu.memory_space<vmem>>[vector<16xi32>, vector<16xi32>], vector<16xf32>,
      %mul3A_790 = arith.mulf %get3A_784, %gather3A_789 : vector<16xf32>
      %add3A_791 = arith.addf %add3A_761, %mul3A_790 : vector<16xf32>
      %broadcast_in_dim3A_792 = arith.constant 1 : i32
      %broadcast_in_dim3A_793 = vector.broadcast %broadcast_in_dim3A_792 : i32 to vector<16xi32>
      %gather3A_794 = tpu.vector_load_idx %arg10[%broadcast_in_dim3A_793, %gather3A_779] : memref<4x512xf32, #tpu.memory_space<vmem>>[vector<16xi32>, vector<16xi32>], vector<16xf32>,
      %mul3A_795 = arith.mulf %get3A_784, %gather3A_794 : vector<16xf32>
      %add3A_796 = arith.addf %add3A_766, %mul3A_795 : vector<16xf32>
      %broadcast_in_dim3A_797 = arith.constant 2 : i32
      %broadcast_in_dim3A_798 = vector.broadcast %broadcast_in_dim3A_797 : i32 to vector<16xi32>
      %gather3A_799 = tpu.vector_load_idx %arg10[%broadcast_in_dim3A_798, %gather3A_779] : memref<4x512xf32, #tpu.memory_space<vmem>>[vector<16xi32>, vector<16xi32>], vector<16xf32>,
      %mul3A_800 = arith.mulf %get3A_784, %gather3A_799 : vector<16xf32>
      %add3A_801 = arith.addf %add3A_771, %mul3A_800 : vector<16xf32>
      %broadcast_in_dim3A_802 = arith.constant 3 : i32
      %broadcast_in_dim3A_803 = vector.broadcast %broadcast_in_dim3A_802 : i32 to vector<16xi32>
      %gather3A_804 = tpu.vector_load_idx %arg10[%broadcast_in_dim3A_803, %gather3A_779] : memref<4x512xf32, #tpu.memory_space<vmem>>[vector<16xi32>, vector<16xi32>], vector<16xf32>,
      %mul3A_805 = arith.mulf %get3A_784, %gather3A_804 : vector<16xf32>
      %add3A_806 = arith.addf %add3A_776, %mul3A_805 : vector<16xf32>
      tpu.vector_store_idx %arg16[%gather3A_779], %get3A_735 {add = true} : memref<512xf32, #tpu.memory_space<vmem>>[vector<16xi32>], vector<16xf32>,
      %broadcast_in_dim3A_807 = arith.constant 2 : i32
      %broadcast_in_dim3A_808 = vector.broadcast %broadcast_in_dim3A_807 : i32 to vector<16xi32>
      %gather3A_809 = tpu.vector_load_idx %arg11[%broadcast_in_dim3A_808, %select_n3A_690, %add3A_739] : memref<8x4x128xi32, #tpu.memory_space<vmem>>[vector<16xi32>, vector<16xi32>, vector<16xi32>], vector<16xi32>,
      %gather3A_810 = tpu.vector_load_idx %arg12[%broadcast_in_dim3A_808, %select_n3A_690, %add3A_739] : memref<8x4x128xf32, #tpu.memory_space<vmem>>[vector<16xi32>, vector<16xi32>, vector<16xi32>], vector<16xf32>,
      %get3A_811 = arith.constant 2 : i32
      %get3A_812 = arith.index_cast %get3A_811 : i32 to index
      %get3A_813 = arith.index_cast %mul3A_734 : i32 to index
      %get3A_814 = tpu.vector_load %arg13[%get3A_812, %get3A_813] {strides = array<i32>} : memref<8x512xf32, #tpu.memory_space<vmem>>, vector<16xf32>,
      %mul3A_815 = arith.mulf %get3A_735, %gather3A_810 : vector<16xf32>
      %add3A_816 = arith.addf %add3A_786, %mul3A_815 : vector<16xf32>
      %broadcast_in_dim3A_817 = arith.constant 0 : i32
      %broadcast_in_dim3A_818 = vector.broadcast %broadcast_in_dim3A_817 : i32 to vector<16xi32>
      %gather3A_819 = tpu.vector_load_idx %arg10[%broadcast_in_dim3A_818, %gather3A_809] : memref<4x512xf32, #tpu.memory_space<vmem>>[vector<16xi32>, vector<16xi32>], vector<16xf32>,
      %mul3A_820 = arith.mulf %get3A_814, %gather3A_819 : vector<16xf32>
      %add3A_821 = arith.addf %add3A_791, %mul3A_820 : vector<16xf32>
      %broadcast_in_dim3A_822 = arith.constant 1 : i32
      %broadcast_in_dim3A_823 = vector.broadcast %broadcast_in_dim3A_822 : i32 to vector<16xi32>
      %gather3A_824 = tpu.vector_load_idx %arg10[%broadcast_in_dim3A_823, %gather3A_809] : memref<4x512xf32, #tpu.memory_space<vmem>>[vector<16xi32>, vector<16xi32>], vector<16xf32>,
      %mul3A_825 = arith.mulf %get3A_814, %gather3A_824 : vector<16xf32>
      %add3A_826 = arith.addf %add3A_796, %mul3A_825 : vector<16xf32>
      %broadcast_in_dim3A_827 = arith.constant 2 : i32
      %broadcast_in_dim3A_828 = vector.broadcast %broadcast_in_dim3A_827 : i32 to vector<16xi32>
      %gather3A_829 = tpu.vector_load_idx %arg10[%broadcast_in_dim3A_828, %gather3A_809] : memref<4x512xf32, #tpu.memory_space<vmem>>[vector<16xi32>, vector<16xi32>], vector<16xf32>,
      %mul3A_830 = arith.mulf %get3A_814, %gather3A_829 : vector<16xf32>
      %add3A_831 = arith.addf %add3A_801, %mul3A_830 : vector<16xf32>
      %broadcast_in_dim3A_832 = arith.constant 3 : i32
      %broadcast_in_dim3A_833 = vector.broadcast %broadcast_in_dim3A_832 : i32 to vector<16xi32>
      %gather3A_834 = tpu.vector_load_idx %arg10[%broadcast_in_dim3A_833, %gather3A_809] : memref<4x512xf32, #tpu.memory_space<vmem>>[vector<16xi32>, vector<16xi32>], vector<16xf32>,
      %mul3A_835 = arith.mulf %get3A_814, %gather3A_834 : vector<16xf32>
      %add3A_836 = arith.addf %add3A_806, %mul3A_835 : vector<16xf32>
      tpu.vector_store_idx %arg16[%gather3A_809], %get3A_735 {add = true} : memref<512xf32, #tpu.memory_space<vmem>>[vector<16xi32>], vector<16xf32>,
      %broadcast_in_dim3A_837 = arith.constant 3 : i32
      %broadcast_in_dim3A_838 = vector.broadcast %broadcast_in_dim3A_837 : i32 to vector<16xi32>
      %gather3A_839 = tpu.vector_load_idx %arg11[%broadcast_in_dim3A_838, %select_n3A_690, %add3A_739] : memref<8x4x128xi32, #tpu.memory_space<vmem>>[vector<16xi32>, vector<16xi32>, vector<16xi32>], vector<16xi32>,
      %gather3A_840 = tpu.vector_load_idx %arg12[%broadcast_in_dim3A_838, %select_n3A_690, %add3A_739] : memref<8x4x128xf32, #tpu.memory_space<vmem>>[vector<16xi32>, vector<16xi32>, vector<16xi32>], vector<16xf32>,
      %get3A_841 = arith.constant 3 : i32
      %get3A_842 = arith.index_cast %get3A_841 : i32 to index
      %get3A_843 = arith.index_cast %mul3A_734 : i32 to index
      %get3A_844 = tpu.vector_load %arg13[%get3A_842, %get3A_843] {strides = array<i32>} : memref<8x512xf32, #tpu.memory_space<vmem>>, vector<16xf32>,
      %mul3A_845 = arith.mulf %get3A_735, %gather3A_840 : vector<16xf32>
      %add3A_846 = arith.addf %add3A_816, %mul3A_845 : vector<16xf32>
      %broadcast_in_dim3A_847 = arith.constant 0 : i32
      %broadcast_in_dim3A_848 = vector.broadcast %broadcast_in_dim3A_847 : i32 to vector<16xi32>
      %gather3A_849 = tpu.vector_load_idx %arg10[%broadcast_in_dim3A_848, %gather3A_839] : memref<4x512xf32, #tpu.memory_space<vmem>>[vector<16xi32>, vector<16xi32>], vector<16xf32>,
      %mul3A_850 = arith.mulf %get3A_844, %gather3A_849 : vector<16xf32>
      %add3A_851 = arith.addf %add3A_821, %mul3A_850 : vector<16xf32>
      %broadcast_in_dim3A_852 = arith.constant 1 : i32
      %broadcast_in_dim3A_853 = vector.broadcast %broadcast_in_dim3A_852 : i32 to vector<16xi32>
      %gather3A_854 = tpu.vector_load_idx %arg10[%broadcast_in_dim3A_853, %gather3A_839] : memref<4x512xf32, #tpu.memory_space<vmem>>[vector<16xi32>, vector<16xi32>], vector<16xf32>,
      %mul3A_855 = arith.mulf %get3A_844, %gather3A_854 : vector<16xf32>
      %add3A_856 = arith.addf %add3A_826, %mul3A_855 : vector<16xf32>
      %broadcast_in_dim3A_857 = arith.constant 2 : i32
      %broadcast_in_dim3A_858 = vector.broadcast %broadcast_in_dim3A_857 : i32 to vector<16xi32>
      %gather3A_859 = tpu.vector_load_idx %arg10[%broadcast_in_dim3A_858, %gather3A_839] : memref<4x512xf32, #tpu.memory_space<vmem>>[vector<16xi32>, vector<16xi32>], vector<16xf32>,
      %mul3A_860 = arith.mulf %get3A_844, %gather3A_859 : vector<16xf32>
      %add3A_861 = arith.addf %add3A_831, %mul3A_860 : vector<16xf32>
      %broadcast_in_dim3A_862 = arith.constant 3 : i32
      %broadcast_in_dim3A_863 = vector.broadcast %broadcast_in_dim3A_862 : i32 to vector<16xi32>
      %gather3A_864 = tpu.vector_load_idx %arg10[%broadcast_in_dim3A_863, %gather3A_839] : memref<4x512xf32, #tpu.memory_space<vmem>>[vector<16xi32>, vector<16xi32>], vector<16xf32>,
      %mul3A_865 = arith.mulf %get3A_844, %gather3A_864 : vector<16xf32>
      %add3A_866 = arith.addf %add3A_836, %mul3A_865 : vector<16xf32>
      tpu.vector_store_idx %arg16[%gather3A_839], %get3A_735 {add = true} : memref<512xf32, #tpu.memory_space<vmem>>[vector<16xi32>], vector<16xf32>,
      %broadcast_in_dim3A_867 = arith.constant 4 : i32
      %broadcast_in_dim3A_868 = vector.broadcast %broadcast_in_dim3A_867 : i32 to vector<16xi32>
      %gather3A_869 = tpu.vector_load_idx %arg11[%broadcast_in_dim3A_868, %select_n3A_690, %add3A_739] : memref<8x4x128xi32, #tpu.memory_space<vmem>>[vector<16xi32>, vector<16xi32>, vector<16xi32>], vector<16xi32>,
      %gather3A_870 = tpu.vector_load_idx %arg12[%broadcast_in_dim3A_868, %select_n3A_690, %add3A_739] : memref<8x4x128xf32, #tpu.memory_space<vmem>>[vector<16xi32>, vector<16xi32>, vector<16xi32>], vector<16xf32>,
      %get3A_871 = arith.constant 4 : i32
      %get3A_872 = arith.index_cast %get3A_871 : i32 to index
      %get3A_873 = arith.index_cast %mul3A_734 : i32 to index
      %get3A_874 = tpu.vector_load %arg13[%get3A_872, %get3A_873] {strides = array<i32>} : memref<8x512xf32, #tpu.memory_space<vmem>>, vector<16xf32>,
      %mul3A_875 = arith.mulf %get3A_735, %gather3A_870 : vector<16xf32>
      %add3A_876 = arith.addf %add3A_846, %mul3A_875 : vector<16xf32>
      %broadcast_in_dim3A_877 = arith.constant 0 : i32
      %broadcast_in_dim3A_878 = vector.broadcast %broadcast_in_dim3A_877 : i32 to vector<16xi32>
      %gather3A_879 = tpu.vector_load_idx %arg10[%broadcast_in_dim3A_878, %gather3A_869] : memref<4x512xf32, #tpu.memory_space<vmem>>[vector<16xi32>, vector<16xi32>], vector<16xf32>,
      %mul3A_880 = arith.mulf %get3A_874, %gather3A_879 : vector<16xf32>
      %add3A_881 = arith.addf %add3A_851, %mul3A_880 : vector<16xf32>
      %broadcast_in_dim3A_882 = arith.constant 1 : i32
      %broadcast_in_dim3A_883 = vector.broadcast %broadcast_in_dim3A_882 : i32 to vector<16xi32>
      %gather3A_884 = tpu.vector_load_idx %arg10[%broadcast_in_dim3A_883, %gather3A_869] : memref<4x512xf32, #tpu.memory_space<vmem>>[vector<16xi32>, vector<16xi32>], vector<16xf32>,
      %mul3A_885 = arith.mulf %get3A_874, %gather3A_884 : vector<16xf32>
      %add3A_886 = arith.addf %add3A_856, %mul3A_885 : vector<16xf32>
      %broadcast_in_dim3A_887 = arith.constant 2 : i32
      %broadcast_in_dim3A_888 = vector.broadcast %broadcast_in_dim3A_887 : i32 to vector<16xi32>
      %gather3A_889 = tpu.vector_load_idx %arg10[%broadcast_in_dim3A_888, %gather3A_869] : memref<4x512xf32, #tpu.memory_space<vmem>>[vector<16xi32>, vector<16xi32>], vector<16xf32>,
      %mul3A_890 = arith.mulf %get3A_874, %gather3A_889 : vector<16xf32>
      %add3A_891 = arith.addf %add3A_861, %mul3A_890 : vector<16xf32>
      %broadcast_in_dim3A_892 = arith.constant 3 : i32
      %broadcast_in_dim3A_893 = vector.broadcast %broadcast_in_dim3A_892 : i32 to vector<16xi32>
      %gather3A_894 = tpu.vector_load_idx %arg10[%broadcast_in_dim3A_893, %gather3A_869] : memref<4x512xf32, #tpu.memory_space<vmem>>[vector<16xi32>, vector<16xi32>], vector<16xf32>,
      %mul3A_895 = arith.mulf %get3A_874, %gather3A_894 : vector<16xf32>
      %add3A_896 = arith.addf %add3A_866, %mul3A_895 : vector<16xf32>
      tpu.vector_store_idx %arg16[%gather3A_869], %get3A_735 {add = true} : memref<512xf32, #tpu.memory_space<vmem>>[vector<16xi32>], vector<16xf32>,
      %broadcast_in_dim3A_897 = arith.constant 5 : i32
      %broadcast_in_dim3A_898 = vector.broadcast %broadcast_in_dim3A_897 : i32 to vector<16xi32>
      %gather3A_899 = tpu.vector_load_idx %arg11[%broadcast_in_dim3A_898, %select_n3A_690, %add3A_739] : memref<8x4x128xi32, #tpu.memory_space<vmem>>[vector<16xi32>, vector<16xi32>, vector<16xi32>], vector<16xi32>,
      %gather3A_900 = tpu.vector_load_idx %arg12[%broadcast_in_dim3A_898, %select_n3A_690, %add3A_739] : memref<8x4x128xf32, #tpu.memory_space<vmem>>[vector<16xi32>, vector<16xi32>, vector<16xi32>], vector<16xf32>,
      %get3A_901 = arith.constant 5 : i32
      %get3A_902 = arith.index_cast %get3A_901 : i32 to index
      %get3A_903 = arith.index_cast %mul3A_734 : i32 to index
      %get3A_904 = tpu.vector_load %arg13[%get3A_902, %get3A_903] {strides = array<i32>} : memref<8x512xf32, #tpu.memory_space<vmem>>, vector<16xf32>,
      %mul3A_905 = arith.mulf %get3A_735, %gather3A_900 : vector<16xf32>
      %add3A_906 = arith.addf %add3A_876, %mul3A_905 : vector<16xf32>
      %broadcast_in_dim3A_907 = arith.constant 0 : i32
      %broadcast_in_dim3A_908 = vector.broadcast %broadcast_in_dim3A_907 : i32 to vector<16xi32>
      %gather3A_909 = tpu.vector_load_idx %arg10[%broadcast_in_dim3A_908, %gather3A_899] : memref<4x512xf32, #tpu.memory_space<vmem>>[vector<16xi32>, vector<16xi32>], vector<16xf32>,
      %mul3A_910 = arith.mulf %get3A_904, %gather3A_909 : vector<16xf32>
      %add3A_911 = arith.addf %add3A_881, %mul3A_910 : vector<16xf32>
      %broadcast_in_dim3A_912 = arith.constant 1 : i32
      %broadcast_in_dim3A_913 = vector.broadcast %broadcast_in_dim3A_912 : i32 to vector<16xi32>
      %gather3A_914 = tpu.vector_load_idx %arg10[%broadcast_in_dim3A_913, %gather3A_899] : memref<4x512xf32, #tpu.memory_space<vmem>>[vector<16xi32>, vector<16xi32>], vector<16xf32>,
      %mul3A_915 = arith.mulf %get3A_904, %gather3A_914 : vector<16xf32>
      %add3A_916 = arith.addf %add3A_886, %mul3A_915 : vector<16xf32>
      %broadcast_in_dim3A_917 = arith.constant 2 : i32
      %broadcast_in_dim3A_918 = vector.broadcast %broadcast_in_dim3A_917 : i32 to vector<16xi32>
      %gather3A_919 = tpu.vector_load_idx %arg10[%broadcast_in_dim3A_918, %gather3A_899] : memref<4x512xf32, #tpu.memory_space<vmem>>[vector<16xi32>, vector<16xi32>], vector<16xf32>,
      %mul3A_920 = arith.mulf %get3A_904, %gather3A_919 : vector<16xf32>
      %add3A_921 = arith.addf %add3A_891, %mul3A_920 : vector<16xf32>
      %broadcast_in_dim3A_922 = arith.constant 3 : i32
      %broadcast_in_dim3A_923 = vector.broadcast %broadcast_in_dim3A_922 : i32 to vector<16xi32>
      %gather3A_924 = tpu.vector_load_idx %arg10[%broadcast_in_dim3A_923, %gather3A_899] : memref<4x512xf32, #tpu.memory_space<vmem>>[vector<16xi32>, vector<16xi32>], vector<16xf32>,
      %mul3A_925 = arith.mulf %get3A_904, %gather3A_924 : vector<16xf32>
      %add3A_926 = arith.addf %add3A_896, %mul3A_925 : vector<16xf32>
      tpu.vector_store_idx %arg16[%gather3A_899], %get3A_735 {add = true} : memref<512xf32, #tpu.memory_space<vmem>>[vector<16xi32>], vector<16xf32>,
      %broadcast_in_dim3A_927 = arith.constant 6 : i32
      %broadcast_in_dim3A_928 = vector.broadcast %broadcast_in_dim3A_927 : i32 to vector<16xi32>
      %gather3A_929 = tpu.vector_load_idx %arg11[%broadcast_in_dim3A_928, %select_n3A_690, %add3A_739] : memref<8x4x128xi32, #tpu.memory_space<vmem>>[vector<16xi32>, vector<16xi32>, vector<16xi32>], vector<16xi32>,
      %gather3A_930 = tpu.vector_load_idx %arg12[%broadcast_in_dim3A_928, %select_n3A_690, %add3A_739] : memref<8x4x128xf32, #tpu.memory_space<vmem>>[vector<16xi32>, vector<16xi32>, vector<16xi32>], vector<16xf32>,
      %get3A_931 = arith.constant 6 : i32
      %get3A_932 = arith.index_cast %get3A_931 : i32 to index
      %get3A_933 = arith.index_cast %mul3A_734 : i32 to index
      %get3A_934 = tpu.vector_load %arg13[%get3A_932, %get3A_933] {strides = array<i32>} : memref<8x512xf32, #tpu.memory_space<vmem>>, vector<16xf32>,
      %mul3A_935 = arith.mulf %get3A_735, %gather3A_930 : vector<16xf32>
      %add3A_936 = arith.addf %add3A_906, %mul3A_935 : vector<16xf32>
      %broadcast_in_dim3A_937 = arith.constant 0 : i32
      %broadcast_in_dim3A_938 = vector.broadcast %broadcast_in_dim3A_937 : i32 to vector<16xi32>
      %gather3A_939 = tpu.vector_load_idx %arg10[%broadcast_in_dim3A_938, %gather3A_929] : memref<4x512xf32, #tpu.memory_space<vmem>>[vector<16xi32>, vector<16xi32>], vector<16xf32>,
      %mul3A_940 = arith.mulf %get3A_934, %gather3A_939 : vector<16xf32>
      %add3A_941 = arith.addf %add3A_911, %mul3A_940 : vector<16xf32>
      %broadcast_in_dim3A_942 = arith.constant 1 : i32
      %broadcast_in_dim3A_943 = vector.broadcast %broadcast_in_dim3A_942 : i32 to vector<16xi32>
      %gather3A_944 = tpu.vector_load_idx %arg10[%broadcast_in_dim3A_943, %gather3A_929] : memref<4x512xf32, #tpu.memory_space<vmem>>[vector<16xi32>, vector<16xi32>], vector<16xf32>,
      %mul3A_945 = arith.mulf %get3A_934, %gather3A_944 : vector<16xf32>
      %add3A_946 = arith.addf %add3A_916, %mul3A_945 : vector<16xf32>
      %broadcast_in_dim3A_947 = arith.constant 2 : i32
      %broadcast_in_dim3A_948 = vector.broadcast %broadcast_in_dim3A_947 : i32 to vector<16xi32>
      %gather3A_949 = tpu.vector_load_idx %arg10[%broadcast_in_dim3A_948, %gather3A_929] : memref<4x512xf32, #tpu.memory_space<vmem>>[vector<16xi32>, vector<16xi32>], vector<16xf32>,
      %mul3A_950 = arith.mulf %get3A_934, %gather3A_949 : vector<16xf32>
      %add3A_951 = arith.addf %add3A_921, %mul3A_950 : vector<16xf32>
      %broadcast_in_dim3A_952 = arith.constant 3 : i32
      %broadcast_in_dim3A_953 = vector.broadcast %broadcast_in_dim3A_952 : i32 to vector<16xi32>
      %gather3A_954 = tpu.vector_load_idx %arg10[%broadcast_in_dim3A_953, %gather3A_929] : memref<4x512xf32, #tpu.memory_space<vmem>>[vector<16xi32>, vector<16xi32>], vector<16xf32>,
      %mul3A_955 = arith.mulf %get3A_934, %gather3A_954 : vector<16xf32>
      %add3A_956 = arith.addf %add3A_926, %mul3A_955 : vector<16xf32>
      tpu.vector_store_idx %arg16[%gather3A_929], %get3A_735 {add = true} : memref<512xf32, #tpu.memory_space<vmem>>[vector<16xi32>], vector<16xf32>,
      %broadcast_in_dim3A_957 = arith.constant 7 : i32
      %broadcast_in_dim3A_958 = vector.broadcast %broadcast_in_dim3A_957 : i32 to vector<16xi32>
      %gather3A_959 = tpu.vector_load_idx %arg11[%broadcast_in_dim3A_958, %select_n3A_690, %add3A_739] : memref<8x4x128xi32, #tpu.memory_space<vmem>>[vector<16xi32>, vector<16xi32>, vector<16xi32>], vector<16xi32>,
      %gather3A_960 = tpu.vector_load_idx %arg12[%broadcast_in_dim3A_958, %select_n3A_690, %add3A_739] : memref<8x4x128xf32, #tpu.memory_space<vmem>>[vector<16xi32>, vector<16xi32>, vector<16xi32>], vector<16xf32>,
      %get3A_961 = arith.constant 7 : i32
      %get3A_962 = arith.index_cast %get3A_961 : i32 to index
      %get3A_963 = arith.index_cast %mul3A_734 : i32 to index
      %get3A_964 = tpu.vector_load %arg13[%get3A_962, %get3A_963] {strides = array<i32>} : memref<8x512xf32, #tpu.memory_space<vmem>>, vector<16xf32>,
      %mul3A_965 = arith.mulf %get3A_735, %gather3A_960 : vector<16xf32>
      %add3A_966 = arith.addf %add3A_936, %mul3A_965 : vector<16xf32>
      %broadcast_in_dim3A_967 = arith.constant 0 : i32
      %broadcast_in_dim3A_968 = vector.broadcast %broadcast_in_dim3A_967 : i32 to vector<16xi32>
      %gather3A_969 = tpu.vector_load_idx %arg10[%broadcast_in_dim3A_968, %gather3A_959] : memref<4x512xf32, #tpu.memory_space<vmem>>[vector<16xi32>, vector<16xi32>], vector<16xf32>,
      %mul3A_970 = arith.mulf %get3A_964, %gather3A_969 : vector<16xf32>
      %add3A_971 = arith.addf %add3A_941, %mul3A_970 : vector<16xf32>
      %broadcast_in_dim3A_972 = arith.constant 1 : i32
      %broadcast_in_dim3A_973 = vector.broadcast %broadcast_in_dim3A_972 : i32 to vector<16xi32>
      %gather3A_974 = tpu.vector_load_idx %arg10[%broadcast_in_dim3A_973, %gather3A_959] : memref<4x512xf32, #tpu.memory_space<vmem>>[vector<16xi32>, vector<16xi32>], vector<16xf32>,
      %mul3A_975 = arith.mulf %get3A_964, %gather3A_974 : vector<16xf32>
      %add3A_976 = arith.addf %add3A_946, %mul3A_975 : vector<16xf32>
      %broadcast_in_dim3A_977 = arith.constant 2 : i32
      %broadcast_in_dim3A_978 = vector.broadcast %broadcast_in_dim3A_977 : i32 to vector<16xi32>
      %gather3A_979 = tpu.vector_load_idx %arg10[%broadcast_in_dim3A_978, %gather3A_959] : memref<4x512xf32, #tpu.memory_space<vmem>>[vector<16xi32>, vector<16xi32>], vector<16xf32>,
      %mul3A_980 = arith.mulf %get3A_964, %gather3A_979 : vector<16xf32>
      %add3A_981 = arith.addf %add3A_951, %mul3A_980 : vector<16xf32>
      %broadcast_in_dim3A_982 = arith.constant 3 : i32
      %broadcast_in_dim3A_983 = vector.broadcast %broadcast_in_dim3A_982 : i32 to vector<16xi32>
      %gather3A_984 = tpu.vector_load_idx %arg10[%broadcast_in_dim3A_983, %gather3A_959] : memref<4x512xf32, #tpu.memory_space<vmem>>[vector<16xi32>, vector<16xi32>], vector<16xf32>,
      %mul3A_985 = arith.mulf %get3A_964, %gather3A_984 : vector<16xf32>
      %add3A_986 = arith.addf %add3A_956, %mul3A_985 : vector<16xf32>
      tpu.vector_store_idx %arg16[%gather3A_959], %get3A_735 {add = true} : memref<512xf32, #tpu.memory_space<vmem>>[vector<16xi32>], vector<16xf32>,
      %swap3A_987 = arith.constant 0 : i32
      %swap3A_988 = arith.index_cast %swap3A_987 : i32 to index
      %swap3A_989 = arith.index_cast %mul3A_734 : i32 to index
      %swap3A_990 = tpu.vector_load %arg15[%swap3A_988, %swap3A_989] {strides = array<i32>} : memref<4x512xf32, #tpu.memory_space<vmem>>, vector<16xf32>,
      tpu.vector_store %arg15[%swap3A_988, %swap3A_989], %add3A_971 {strides = array<i32>} : memref<4x512xf32, #tpu.memory_space<vmem>>, vector<16xf32>,
      %swap3A_991 = arith.constant 1 : i32
      %swap3A_992 = arith.index_cast %swap3A_991 : i32 to index
      %swap3A_993 = arith.index_cast %mul3A_734 : i32 to index
      %swap3A_994 = tpu.vector_load %arg15[%swap3A_992, %swap3A_993] {strides = array<i32>} : memref<4x512xf32, #tpu.memory_space<vmem>>, vector<16xf32>,
      tpu.vector_store %arg15[%swap3A_992, %swap3A_993], %add3A_976 {strides = array<i32>} : memref<4x512xf32, #tpu.memory_space<vmem>>, vector<16xf32>,
      %swap3A_995 = arith.constant 2 : i32
      %swap3A_996 = arith.index_cast %swap3A_995 : i32 to index
      %swap3A_997 = arith.index_cast %mul3A_734 : i32 to index
      %swap3A_998 = tpu.vector_load %arg15[%swap3A_996, %swap3A_997] {strides = array<i32>} : memref<4x512xf32, #tpu.memory_space<vmem>>, vector<16xf32>,
      tpu.vector_store %arg15[%swap3A_996, %swap3A_997], %add3A_981 {strides = array<i32>} : memref<4x512xf32, #tpu.memory_space<vmem>>, vector<16xf32>,
      %swap3A_999 = arith.constant 3 : i32
      %swap3A_1000 = arith.index_cast %swap3A_999 : i32 to index
      %swap3A_1001 = arith.index_cast %mul3A_734 : i32 to index
      %swap3A_1002 = tpu.vector_load %arg15[%swap3A_1000, %swap3A_1001] {strides = array<i32>} : memref<4x512xf32, #tpu.memory_space<vmem>>, vector<16xf32>,
      tpu.vector_store %arg15[%swap3A_1000, %swap3A_1001], %add3A_986 {strides = array<i32>} : memref<4x512xf32, #tpu.memory_space<vmem>>, vector<16xf32>,
      scf.yield %add3A_966 : vector<16xf32>
    }
    %scan3A_728 = arith.constant 32 : i32
    %swap3A_729 = arith.constant 0 : index
    %swap3A_730 = tpu.vector_load %arg17[%swap3A_729] {strides = array<i32>} : memref<16xf32, #tpu.memory_space<vmem>>, vector<16xf32>,
    tpu.vector_store %arg17[%swap3A_729], %scan3A_727 {strides = array<i32>} : memref<16xf32, #tpu.memory_space<vmem>>, vector<16xf32>,
    "tpu.region"() ({
      %run_scoped3A_731 = tpu.sem_alloc : memref<!tpu.dma_semaphore, #tpu.memory_space<semaphore_mem>>
      %dma_start3A = arith.constant 0 : i32
      %dma_start3A_732 = tpu.memref_slice %arg7[%dma_start3A, %mul3A_2] : memref<4x16384xf32, #tpu.memory_space<hbm>> -> memref<4x512xf32, #tpu.memory_space<hbm>>
      %dma_start3A_733 = arith.constant 0 : i32
      %dma_start3A_734 = tpu.memref_slice %arg7[%dma_start3A_733, %mul3A_2] : memref<4x16384xf32, #tpu.memory_space<hbm>> -> memref<4x512xf32, #tpu.memory_space<hbm>>
      tpu.enqueue_dma source(%arg15 : memref<4x512xf32, #tpu.memory_space<vmem>>) target(%dma_start3A_734 : memref<4x512xf32, #tpu.memory_space<hbm>>) target_semaphore(%run_scoped3A_731 : memref<!tpu.dma_semaphore, #tpu.memory_space<semaphore_mem>>)
      %dma_wait3A = arith.constant 0 : i32
      %dma_wait3A_735 = tpu.memref_slice %arg7[%dma_wait3A, %mul3A_2] : memref<4x16384xf32, #tpu.memory_space<hbm>> -> memref<4x512xf32, #tpu.memory_space<hbm>>
      %dma_wait3A_736 = arith.constant 0 : i32
      %dma_wait3A_737 = tpu.memref_slice %arg7[%dma_wait3A_736, %mul3A_2] : memref<4x16384xf32, #tpu.memory_space<hbm>> -> memref<4x512xf32, #tpu.memory_space<hbm>>
      tpu.wait_dma2 semaphore(%run_scoped3A_731 : memref<!tpu.dma_semaphore, #tpu.memory_space<semaphore_mem>>) src(%arg15 : memref<4x512xf32, #tpu.memory_space<vmem>>) dst(%dma_wait3A_737 : memref<4x512xf32, #tpu.memory_space<hbm>>)
      tpu.yield
    }) : () -> ()
    "tpu.region"() ({
      %run_scoped3A_731 = tpu.sem_alloc : memref<!tpu.dma_semaphore, #tpu.memory_space<semaphore_mem>>
      %dma_start3A = arith.constant 0 : i32
      %dma_start3A_732 = tpu.memref_slice %arg8[%add3A, %dma_start3A] : memref<32x512xf32, #tpu.memory_space<hbm>> -> memref<1x512xf32, #tpu.memory_space<hbm>>
      %dma_start3A_733 = tpu.memref_squeeze %dma_start3A_732 : memref<1x512xf32, #tpu.memory_space<hbm>> -> memref<512xf32, #tpu.memory_space<hbm>>
      %dma_start3A_734 = arith.constant 0 : i32
      %dma_start3A_735 = tpu.memref_slice %arg8[%add3A, %dma_start3A_734] : memref<32x512xf32, #tpu.memory_space<hbm>> -> memref<1x512xf32, #tpu.memory_space<hbm>>
      %dma_start3A_736 = tpu.memref_squeeze %dma_start3A_735 : memref<1x512xf32, #tpu.memory_space<hbm>> -> memref<512xf32, #tpu.memory_space<hbm>>
      tpu.enqueue_dma source(%arg16 : memref<512xf32, #tpu.memory_space<vmem>>) target(%dma_start3A_736 : memref<512xf32, #tpu.memory_space<hbm>>) target_semaphore(%run_scoped3A_731 : memref<!tpu.dma_semaphore, #tpu.memory_space<semaphore_mem>>)
      %dma_wait3A = arith.constant 0 : i32
      %dma_wait3A_737 = tpu.memref_slice %arg8[%add3A, %dma_wait3A] : memref<32x512xf32, #tpu.memory_space<hbm>> -> memref<1x512xf32, #tpu.memory_space<hbm>>
      %dma_wait3A_738 = tpu.memref_squeeze %dma_wait3A_737 : memref<1x512xf32, #tpu.memory_space<hbm>> -> memref<512xf32, #tpu.memory_space<hbm>>
      %dma_wait3A_739 = arith.constant 0 : i32
      %dma_wait3A_740 = tpu.memref_slice %arg8[%add3A, %dma_wait3A_739] : memref<32x512xf32, #tpu.memory_space<hbm>> -> memref<1x512xf32, #tpu.memory_space<hbm>>
      %dma_wait3A_741 = tpu.memref_squeeze %dma_wait3A_740 : memref<1x512xf32, #tpu.memory_space<hbm>> -> memref<512xf32, #tpu.memory_space<hbm>>
      tpu.wait_dma2 semaphore(%run_scoped3A_731 : memref<!tpu.dma_semaphore, #tpu.memory_space<semaphore_mem>>) src(%arg16 : memref<512xf32, #tpu.memory_space<vmem>>) dst(%dma_wait3A_741 : memref<512xf32, #tpu.memory_space<hbm>>)
      tpu.yield
    }) : () -> ()
    "tpu.region"() ({
      %run_scoped3A_731 = tpu.sem_alloc : memref<!tpu.dma_semaphore, #tpu.memory_space<semaphore_mem>>
      %dma_start3A = arith.constant 0 : i32
      %dma_start3A_732 = tpu.memref_slice %arg9[%add3A, %dma_start3A] : memref<32x16xf32, #tpu.memory_space<hbm>> -> memref<1x16xf32, #tpu.memory_space<hbm>>
      %dma_start3A_733 = tpu.memref_squeeze %dma_start3A_732 : memref<1x16xf32, #tpu.memory_space<hbm>> -> memref<16xf32, #tpu.memory_space<hbm>>
      %dma_start3A_734 = arith.constant 0 : i32
      %dma_start3A_735 = tpu.memref_slice %arg9[%add3A, %dma_start3A_734] : memref<32x16xf32, #tpu.memory_space<hbm>> -> memref<1x16xf32, #tpu.memory_space<hbm>>
      %dma_start3A_736 = tpu.memref_squeeze %dma_start3A_735 : memref<1x16xf32, #tpu.memory_space<hbm>> -> memref<16xf32, #tpu.memory_space<hbm>>
      tpu.enqueue_dma source(%arg17 : memref<16xf32, #tpu.memory_space<vmem>>) target(%dma_start3A_736 : memref<16xf32, #tpu.memory_space<hbm>>) target_semaphore(%run_scoped3A_731 : memref<!tpu.dma_semaphore, #tpu.memory_space<semaphore_mem>>)
      %dma_wait3A = arith.constant 0 : i32
      %dma_wait3A_737 = tpu.memref_slice %arg9[%add3A, %dma_wait3A] : memref<32x16xf32, #tpu.memory_space<hbm>> -> memref<1x16xf32, #tpu.memory_space<hbm>>
      %dma_wait3A_738 = tpu.memref_squeeze %dma_wait3A_737 : memref<1x16xf32, #tpu.memory_space<hbm>> -> memref<16xf32, #tpu.memory_space<hbm>>
      %dma_wait3A_739 = arith.constant 0 : i32
      %dma_wait3A_740 = tpu.memref_slice %arg9[%add3A, %dma_wait3A_739] : memref<32x16xf32, #tpu.memory_space<hbm>> -> memref<1x16xf32, #tpu.memory_space<hbm>>
      %dma_wait3A_741 = tpu.memref_squeeze %dma_wait3A_740 : memref<1x16xf32, #tpu.memory_space<hbm>> -> memref<16xf32, #tpu.memory_space<hbm>>
      tpu.wait_dma2 semaphore(%run_scoped3A_731 : memref<!tpu.dma_semaphore, #tpu.memory_space<semaphore_mem>>) src(%arg17 : memref<16xf32, #tpu.memory_space<vmem>>) dst(%dma_wait3A_741 : memref<16xf32, #tpu.memory_space<hbm>>)
      tpu.yield
    }) : () -> ()
    return
  }
}

#map = affine_map<(d0, d1) -> (0, 0)>
#map1 = affine_map<(d0, d1) -> (0)>
module attributes {stable_mosaic.version = 14 : i64} {
  func.func @k(%arg0: i32, %arg1: i32, %arg2: memref<274625x32xf32, #tpu.memory_space<hbm>>, %arg3: memref<16384xi32, #tpu.memory_space<hbm>>, %arg4: memref<131072x32xf32, #tpu.memory_space<hbm>>, %arg5: memref<4096xi32, #tpu.memory_space<vmem>>, %arg6: memref<1024x32xf32, #tpu.memory_space<vmem>>, %arg7: memref<!tpu.dma_semaphore, #tpu.memory_space<semaphore_mem>>) attributes {dimension_semantics = [#tpu.dimension_semantics<core_parallel>, #tpu.dimension_semantics<subcore_parallel>], iteration_bounds = array<i64: 2, 16>, scalar_prefetch = 0 : i64, scratch_operands = 3 : i64, tpu.core_type = #tpu.core_type<sc_vector_subcore>, window_params = [{transform_indices = #map}, {transform_indices = #map1}, {transform_indices = #map}]} {
    %mul3A = arith.constant 2 : i32
    %mul3A_0 = arith.muli %arg1, %mul3A : i32
    %add3A = arith.addi %mul3A_0, %arg0 : i32
    %mul3A_1 = arith.constant 4096 : i32
    %mul3A_2 = arith.muli %add3A, %mul3A_1 : i32
    %jit3A = arith.constant 4 : i32
    %div3A = arith.divsi %add3A, %jit3A : i32
    %sign3A = arith.constant 0 : i32
    %sign3A_3 = arith.cmpi sgt, %add3A, %sign3A : i32
    %sign3A_4 = arith.extui %sign3A_3 : i1 to i32
    %sign3A_5 = arith.constant 0 : i32
    %sign3A_6 = arith.cmpi slt, %add3A, %sign3A_5 : i32
    %sign3A_7 = arith.extui %sign3A_6 : i1 to i32
    %sign3A_8 = arith.subi %sign3A_4, %sign3A_7 : i32
    %sign3A_9 = arith.constant 0 : i32
    %sign3A_10 = arith.cmpi sgt, %jit3A, %sign3A_9 : i32
    %sign3A_11 = arith.extui %sign3A_10 : i1 to i32
    %sign3A_12 = arith.constant 0 : i32
    %sign3A_13 = arith.cmpi slt, %jit3A, %sign3A_12 : i32
    %sign3A_14 = arith.extui %sign3A_13 : i1 to i32
    %sign3A_15 = arith.subi %sign3A_11, %sign3A_14 : i32
    %ne3A = arith.cmpi ne, %sign3A_8, %sign3A_15 : i32
    %rem3A = arith.remsi %add3A, %jit3A : i32
    %ne3A_16 = arith.constant 0 : i32
    %ne3A_17 = arith.cmpi ne, %rem3A, %ne3A_16 : i32
    %and3A = arith.andi %ne3A, %ne3A_17 : i1
    %sub3A = arith.constant 1 : i32
    %sub3A_18 = arith.subi %div3A, %sub3A : i32
    %select_n3A = arith.select %and3A, %sub3A_18, %div3A : i32
    %jit3A_19 = arith.constant 4 : i32
    %div3A_20 = arith.divsi %select_n3A, %jit3A_19 : i32
    %sign3A_21 = arith.constant 0 : i32
    %sign3A_22 = arith.cmpi sgt, %select_n3A, %sign3A_21 : i32
    %sign3A_23 = arith.extui %sign3A_22 : i1 to i32
    %sign3A_24 = arith.constant 0 : i32
    %sign3A_25 = arith.cmpi slt, %select_n3A, %sign3A_24 : i32
    %sign3A_26 = arith.extui %sign3A_25 : i1 to i32
    %sign3A_27 = arith.subi %sign3A_23, %sign3A_26 : i32
    %sign3A_28 = arith.constant 0 : i32
    %sign3A_29 = arith.cmpi sgt, %jit3A_19, %sign3A_28 : i32
    %sign3A_30 = arith.extui %sign3A_29 : i1 to i32
    %sign3A_31 = arith.constant 0 : i32
    %sign3A_32 = arith.cmpi slt, %jit3A_19, %sign3A_31 : i32
    %sign3A_33 = arith.extui %sign3A_32 : i1 to i32
    %sign3A_34 = arith.subi %sign3A_30, %sign3A_33 : i32
    %ne3A_35 = arith.cmpi ne, %sign3A_27, %sign3A_34 : i32
    %rem3A_36 = arith.remsi %select_n3A, %jit3A_19 : i32
    %ne3A_37 = arith.constant 0 : i32
    %ne3A_38 = arith.cmpi ne, %rem3A_36, %ne3A_37 : i32
    %and3A_39 = arith.andi %ne3A_35, %ne3A_38 : i1
    %sub3A_40 = arith.constant 1 : i32
    %sub3A_41 = arith.subi %div3A_20, %sub3A_40 : i32
    %select_n3A_42 = arith.select %and3A_39, %sub3A_41, %div3A_20 : i32
    %mul3A_43 = arith.constant 4225 : i32
    %mul3A_44 = arith.muli %select_n3A_42, %mul3A_43 : i32
    %jit3A_45 = arith.constant 2 : i32
    %div3A_46 = arith.divsi %select_n3A, %jit3A_45 : i32
    %sign3A_47 = arith.constant 0 : i32
    %sign3A_48 = arith.cmpi sgt, %select_n3A, %sign3A_47 : i32
    %sign3A_49 = arith.extui %sign3A_48 : i1 to i32
    %sign3A_50 = arith.constant 0 : i32
    %sign3A_51 = arith.cmpi slt, %select_n3A, %sign3A_50 : i32
    %sign3A_52 = arith.extui %sign3A_51 : i1 to i32
    %sign3A_53 = arith.subi %sign3A_49, %sign3A_52 : i32
    %sign3A_54 = arith.constant 0 : i32
    %sign3A_55 = arith.cmpi sgt, %jit3A_45, %sign3A_54 : i32
    %sign3A_56 = arith.extui %sign3A_55 : i1 to i32
    %sign3A_57 = arith.constant 0 : i32
    %sign3A_58 = arith.cmpi slt, %jit3A_45, %sign3A_57 : i32
    %sign3A_59 = arith.extui %sign3A_58 : i1 to i32
    %sign3A_60 = arith.subi %sign3A_56, %sign3A_59 : i32
    %ne3A_61 = arith.cmpi ne, %sign3A_53, %sign3A_60 : i32
    %rem3A_62 = arith.remsi %select_n3A, %jit3A_45 : i32
    %ne3A_63 = arith.constant 0 : i32
    %ne3A_64 = arith.cmpi ne, %rem3A_62, %ne3A_63 : i32
    %and3A_65 = arith.andi %ne3A_61, %ne3A_64 : i1
    %sub3A_66 = arith.constant 1 : i32
    %sub3A_67 = arith.subi %div3A_46, %sub3A_66 : i32
    %select_n3A_68 = arith.select %and3A_65, %sub3A_67, %div3A_46 : i32
    %jit3A_69 = arith.constant 2 : i32
    %eq3A = arith.constant 0 : i32
    %eq3A_70 = arith.cmpi eq, %jit3A_69, %eq3A : i32
    %jit3A_71 = arith.constant 1 : i32
    %select_n3A_72 = arith.select %eq3A_70, %jit3A_71, %jit3A_69 : i32
    %rem3A_73 = arith.remsi %select_n3A_68, %select_n3A_72 : i32
    %ne3A_74 = arith.constant 0 : i32
    %ne3A_75 = arith.cmpi ne, %rem3A_73, %ne3A_74 : i32
    %lt3A = arith.constant 0 : i32
    %lt3A_76 = arith.cmpi slt, %rem3A_73, %lt3A : i32
    %lt3A_77 = arith.constant 0 : i32
    %lt3A_78 = arith.cmpi slt, %select_n3A_72, %lt3A_77 : i32
    %ne3A_79 = arith.xori %lt3A_76, %lt3A_78 : i1
    %and3A_80 = arith.andi %ne3A_79, %ne3A_75 : i1
    %add3A_81 = arith.addi %rem3A_73, %select_n3A_72 : i32
    %select_n3A_82 = arith.select %and3A_80, %add3A_81, %rem3A_73 : i32
    %mul3A_83 = arith.constant 65 : i32
    %mul3A_84 = arith.muli %select_n3A_82, %mul3A_83 : i32
    %add3A_85 = arith.addi %mul3A_44, %mul3A_84 : i32
    %jit3A_86 = arith.constant 2 : i32
    %eq3A_87 = arith.constant 0 : i32
    %eq3A_88 = arith.cmpi eq, %jit3A_86, %eq3A_87 : i32
    %jit3A_89 = arith.constant 1 : i32
    %select_n3A_90 = arith.select %eq3A_88, %jit3A_89, %jit3A_86 : i32
    %rem3A_91 = arith.remsi %select_n3A, %select_n3A_90 : i32
    %ne3A_92 = arith.constant 0 : i32
    %ne3A_93 = arith.cmpi ne, %rem3A_91, %ne3A_92 : i32
    %lt3A_94 = arith.constant 0 : i32
    %lt3A_95 = arith.cmpi slt, %rem3A_91, %lt3A_94 : i32
    %lt3A_96 = arith.constant 0 : i32
    %lt3A_97 = arith.cmpi slt, %select_n3A_90, %lt3A_96 : i32
    %ne3A_98 = arith.xori %lt3A_95, %lt3A_97 : i1
    %and3A_99 = arith.andi %ne3A_98, %ne3A_93 : i1
    %add3A_100 = arith.addi %rem3A_91, %select_n3A_90 : i32
    %select_n3A_101 = arith.select %and3A_99, %add3A_100, %rem3A_91 : i32
    %add3A_102 = arith.addi %add3A_85, %select_n3A_101 : i32
    %jit3A_103 = arith.constant 4 : i32
    %eq3A_104 = arith.constant 0 : i32
    %eq3A_105 = arith.cmpi eq, %jit3A_103, %eq3A_104 : i32
    %jit3A_106 = arith.constant 1 : i32
    %select_n3A_107 = arith.select %eq3A_105, %jit3A_106, %jit3A_103 : i32
    %rem3A_108 = arith.remsi %add3A, %select_n3A_107 : i32
    %ne3A_109 = arith.constant 0 : i32
    %ne3A_110 = arith.cmpi ne, %rem3A_108, %ne3A_109 : i32
    %lt3A_111 = arith.constant 0 : i32
    %lt3A_112 = arith.cmpi slt, %rem3A_108, %lt3A_111 : i32
    %lt3A_113 = arith.constant 0 : i32
    %lt3A_114 = arith.cmpi slt, %select_n3A_107, %lt3A_113 : i32
    %ne3A_115 = arith.xori %lt3A_112, %lt3A_114 : i1
    %and3A_116 = arith.andi %ne3A_115, %ne3A_110 : i1
    %add3A_117 = arith.addi %rem3A_108, %select_n3A_107 : i32
    %select_n3A_118 = arith.select %and3A_116, %add3A_117, %rem3A_108 : i32
    %mul3A_119 = arith.constant 4096 : i32
    %mul3A_120 = arith.muli %select_n3A_118, %mul3A_119 : i32
    "tpu.region"() ({
      %run_scoped3A = tpu.sem_alloc : memref<!tpu.dma_semaphore, #tpu.memory_space<semaphore_mem>>
      %dma_start3A_644 = tpu.memref_slice %arg3[%mul3A_120] : memref<16384xi32, #tpu.memory_space<hbm>> -> memref<4096xi32, #tpu.memory_space<hbm>>
      %dma_start3A_645 = tpu.memref_slice %arg3[%mul3A_120] : memref<16384xi32, #tpu.memory_space<hbm>> -> memref<4096xi32, #tpu.memory_space<hbm>>
      tpu.enqueue_dma source(%dma_start3A_645 : memref<4096xi32, #tpu.memory_space<hbm>>) target(%arg5 : memref<4096xi32, #tpu.memory_space<vmem>>) target_semaphore(%run_scoped3A : memref<!tpu.dma_semaphore, #tpu.memory_space<semaphore_mem>>)
      %dma_wait3A_646 = tpu.memref_slice %arg3[%mul3A_120] : memref<16384xi32, #tpu.memory_space<hbm>> -> memref<4096xi32, #tpu.memory_space<hbm>>
      %dma_wait3A_647 = tpu.memref_slice %arg3[%mul3A_120] : memref<16384xi32, #tpu.memory_space<hbm>> -> memref<4096xi32, #tpu.memory_space<hbm>>
      tpu.wait_dma2 semaphore(%run_scoped3A : memref<!tpu.dma_semaphore, #tpu.memory_space<semaphore_mem>>) src(%dma_wait3A_647 : memref<4096xi32, #tpu.memory_space<hbm>>) dst(%arg5 : memref<4096xi32, #tpu.memory_space<vmem>>)
      tpu.yield
    }) : () -> ()
    %scan3A = arith.constant 0 : i32
    %scan3A_121 = arith.constant 0 : i32
    %scan3A_122 = arith.constant 256 : i32
    %scan3A_123 = arith.addi %scan3A_121, %scan3A_122 : i32
    %scan3A_124 = arith.constant 1 : i32
    scf.for %scan3A_644 = %scan3A_121 to %scan3A_123 step %scan3A_124  : i32 {
      %mul3A_645 = arith.constant 16 : i32
      %mul3A_646 = arith.muli %scan3A_644, %mul3A_645 : i32
      %get3A = arith.index_cast %mul3A_646 : i32 to index
      %get3A_647 = tpu.vector_load %arg5[%get3A] {strides = array<i32>} : memref<4096xi32, #tpu.memory_space<vmem>>, vector<16xi32>,
      %get3A_648 = vector.shape_cast %get3A_647 : vector<16xi32> to vector<16xi32>
      %add3A_649 = vector.broadcast %add3A_102 : i32 to vector<16xi32>
      %add3A_650 = arith.addi %get3A_648, %add3A_649 : vector<16xi32>
      %swap3A = arith.index_cast %mul3A_646 : i32 to index
      %swap3A_651 = tpu.vector_load %arg5[%swap3A] {strides = array<i32>} : memref<4096xi32, #tpu.memory_space<vmem>>, vector<16xi32>,
      %swap3A_652 = vector.shape_cast %swap3A_651 : vector<16xi32> to vector<16xi32>
      %swap3A_653 = vector.shape_cast %add3A_650 : vector<16xi32> to vector<16xi32>
      tpu.vector_store %arg5[%swap3A], %swap3A_653 {strides = array<i32>} : memref<4096xi32, #tpu.memory_space<vmem>>, vector<16xi32>,
    }
    %scan3A_125 = arith.constant 256 : i32
    %dma_start3A = arith.constant 0 : i32
    %dma_start3A_126 = arith.constant 0 : i32
    %dma_start3A_127 = tpu.memref_slice %arg6[%dma_start3A, %dma_start3A_126] : memref<1024x32xf32, #tpu.memory_space<vmem>> -> memref<128x32xf32, #tpu.memory_space<vmem>>
    %dma_start3A_128 = arith.constant 0 : i32
    %dma_start3A_129 = tpu.memref_slice %arg5[%dma_start3A_128] : memref<4096xi32, #tpu.memory_space<vmem>> -> memref<128xi32, #tpu.memory_space<vmem>>
    %dma_start3A_130 = arith.constant 0 : i32
    %dma_start3A_131 = arith.constant 0 : i32
    %dma_start3A_132 = tpu.memref_slice %arg2[%dma_start3A_130, %dma_start3A_131] : memref<274625x32xf32, #tpu.memory_space<hbm>> -> memref<274625x32xf32, #tpu.memory_space<hbm>>
    tpu.enqueue_indirect_dma source(%dma_start3A_132 : memref<274625x32xf32, #tpu.memory_space<hbm>>) target(%dma_start3A_127 : memref<128x32xf32, #tpu.memory_space<vmem>>) offsets(%dma_start3A_129 : memref<128xi32, #tpu.memory_space<vmem>>) semaphore(%arg7 : memref<!tpu.dma_semaphore, #tpu.memory_space<semaphore_mem>>)
    %dma_start3A_133 = arith.constant 128 : i32
    %dma_start3A_134 = arith.constant 0 : i32
    %dma_start3A_135 = tpu.memref_slice %arg6[%dma_start3A_133, %dma_start3A_134] : memref<1024x32xf32, #tpu.memory_space<vmem>> -> memref<128x32xf32, #tpu.memory_space<vmem>>
    %dma_start3A_136 = arith.constant 128 : i32
    %dma_start3A_137 = tpu.memref_slice %arg5[%dma_start3A_136] : memref<4096xi32, #tpu.memory_space<vmem>> -> memref<128xi32, #tpu.memory_space<vmem>>
    %dma_start3A_138 = arith.constant 0 : i32
    %dma_start3A_139 = arith.constant 0 : i32
    %dma_start3A_140 = tpu.memref_slice %arg2[%dma_start3A_138, %dma_start3A_139] : memref<274625x32xf32, #tpu.memory_space<hbm>> -> memref<274625x32xf32, #tpu.memory_space<hbm>>
    tpu.enqueue_indirect_dma source(%dma_start3A_140 : memref<274625x32xf32, #tpu.memory_space<hbm>>) target(%dma_start3A_135 : memref<128x32xf32, #tpu.memory_space<vmem>>) offsets(%dma_start3A_137 : memref<128xi32, #tpu.memory_space<vmem>>) semaphore(%arg7 : memref<!tpu.dma_semaphore, #tpu.memory_space<semaphore_mem>>)
    %dma_start3A_141 = arith.constant 256 : i32
    %dma_start3A_142 = arith.constant 0 : i32
    %dma_start3A_143 = tpu.memref_slice %arg6[%dma_start3A_141, %dma_start3A_142] : memref<1024x32xf32, #tpu.memory_space<vmem>> -> memref<128x32xf32, #tpu.memory_space<vmem>>
    %dma_start3A_144 = arith.constant 256 : i32
    %dma_start3A_145 = tpu.memref_slice %arg5[%dma_start3A_144] : memref<4096xi32, #tpu.memory_space<vmem>> -> memref<128xi32, #tpu.memory_space<vmem>>
    %dma_start3A_146 = arith.constant 0 : i32
    %dma_start3A_147 = arith.constant 0 : i32
    %dma_start3A_148 = tpu.memref_slice %arg2[%dma_start3A_146, %dma_start3A_147] : memref<274625x32xf32, #tpu.memory_space<hbm>> -> memref<274625x32xf32, #tpu.memory_space<hbm>>
    tpu.enqueue_indirect_dma source(%dma_start3A_148 : memref<274625x32xf32, #tpu.memory_space<hbm>>) target(%dma_start3A_143 : memref<128x32xf32, #tpu.memory_space<vmem>>) offsets(%dma_start3A_145 : memref<128xi32, #tpu.memory_space<vmem>>) semaphore(%arg7 : memref<!tpu.dma_semaphore, #tpu.memory_space<semaphore_mem>>)
    %dma_start3A_149 = arith.constant 384 : i32
    %dma_start3A_150 = arith.constant 0 : i32
    %dma_start3A_151 = tpu.memref_slice %arg6[%dma_start3A_149, %dma_start3A_150] : memref<1024x32xf32, #tpu.memory_space<vmem>> -> memref<128x32xf32, #tpu.memory_space<vmem>>
    %dma_start3A_152 = arith.constant 384 : i32
    %dma_start3A_153 = tpu.memref_slice %arg5[%dma_start3A_152] : memref<4096xi32, #tpu.memory_space<vmem>> -> memref<128xi32, #tpu.memory_space<vmem>>
    %dma_start3A_154 = arith.constant 0 : i32
    %dma_start3A_155 = arith.constant 0 : i32
    %dma_start3A_156 = tpu.memref_slice %arg2[%dma_start3A_154, %dma_start3A_155] : memref<274625x32xf32, #tpu.memory_space<hbm>> -> memref<274625x32xf32, #tpu.memory_space<hbm>>
    tpu.enqueue_indirect_dma source(%dma_start3A_156 : memref<274625x32xf32, #tpu.memory_space<hbm>>) target(%dma_start3A_151 : memref<128x32xf32, #tpu.memory_space<vmem>>) offsets(%dma_start3A_153 : memref<128xi32, #tpu.memory_space<vmem>>) semaphore(%arg7 : memref<!tpu.dma_semaphore, #tpu.memory_space<semaphore_mem>>)
    %dma_start3A_157 = arith.constant 512 : i32
    %dma_start3A_158 = arith.constant 0 : i32
    %dma_start3A_159 = tpu.memref_slice %arg6[%dma_start3A_157, %dma_start3A_158] : memref<1024x32xf32, #tpu.memory_space<vmem>> -> memref<128x32xf32, #tpu.memory_space<vmem>>
    %dma_start3A_160 = arith.constant 512 : i32
    %dma_start3A_161 = tpu.memref_slice %arg5[%dma_start3A_160] : memref<4096xi32, #tpu.memory_space<vmem>> -> memref<128xi32, #tpu.memory_space<vmem>>
    %dma_start3A_162 = arith.constant 0 : i32
    %dma_start3A_163 = arith.constant 0 : i32
    %dma_start3A_164 = tpu.memref_slice %arg2[%dma_start3A_162, %dma_start3A_163] : memref<274625x32xf32, #tpu.memory_space<hbm>> -> memref<274625x32xf32, #tpu.memory_space<hbm>>
    tpu.enqueue_indirect_dma source(%dma_start3A_164 : memref<274625x32xf32, #tpu.memory_space<hbm>>) target(%dma_start3A_159 : memref<128x32xf32, #tpu.memory_space<vmem>>) offsets(%dma_start3A_161 : memref<128xi32, #tpu.memory_space<vmem>>) semaphore(%arg7 : memref<!tpu.dma_semaphore, #tpu.memory_space<semaphore_mem>>)
    %dma_start3A_165 = arith.constant 640 : i32
    %dma_start3A_166 = arith.constant 0 : i32
    %dma_start3A_167 = tpu.memref_slice %arg6[%dma_start3A_165, %dma_start3A_166] : memref<1024x32xf32, #tpu.memory_space<vmem>> -> memref<128x32xf32, #tpu.memory_space<vmem>>
    %dma_start3A_168 = arith.constant 640 : i32
    %dma_start3A_169 = tpu.memref_slice %arg5[%dma_start3A_168] : memref<4096xi32, #tpu.memory_space<vmem>> -> memref<128xi32, #tpu.memory_space<vmem>>
    %dma_start3A_170 = arith.constant 0 : i32
    %dma_start3A_171 = arith.constant 0 : i32
    %dma_start3A_172 = tpu.memref_slice %arg2[%dma_start3A_170, %dma_start3A_171] : memref<274625x32xf32, #tpu.memory_space<hbm>> -> memref<274625x32xf32, #tpu.memory_space<hbm>>
    tpu.enqueue_indirect_dma source(%dma_start3A_172 : memref<274625x32xf32, #tpu.memory_space<hbm>>) target(%dma_start3A_167 : memref<128x32xf32, #tpu.memory_space<vmem>>) offsets(%dma_start3A_169 : memref<128xi32, #tpu.memory_space<vmem>>) semaphore(%arg7 : memref<!tpu.dma_semaphore, #tpu.memory_space<semaphore_mem>>)
    %dma_start3A_173 = arith.constant 768 : i32
    %dma_start3A_174 = arith.constant 0 : i32
    %dma_start3A_175 = tpu.memref_slice %arg6[%dma_start3A_173, %dma_start3A_174] : memref<1024x32xf32, #tpu.memory_space<vmem>> -> memref<128x32xf32, #tpu.memory_space<vmem>>
    %dma_start3A_176 = arith.constant 768 : i32
    %dma_start3A_177 = tpu.memref_slice %arg5[%dma_start3A_176] : memref<4096xi32, #tpu.memory_space<vmem>> -> memref<128xi32, #tpu.memory_space<vmem>>
    %dma_start3A_178 = arith.constant 0 : i32
    %dma_start3A_179 = arith.constant 0 : i32
    %dma_start3A_180 = tpu.memref_slice %arg2[%dma_start3A_178, %dma_start3A_179] : memref<274625x32xf32, #tpu.memory_space<hbm>> -> memref<274625x32xf32, #tpu.memory_space<hbm>>
    tpu.enqueue_indirect_dma source(%dma_start3A_180 : memref<274625x32xf32, #tpu.memory_space<hbm>>) target(%dma_start3A_175 : memref<128x32xf32, #tpu.memory_space<vmem>>) offsets(%dma_start3A_177 : memref<128xi32, #tpu.memory_space<vmem>>) semaphore(%arg7 : memref<!tpu.dma_semaphore, #tpu.memory_space<semaphore_mem>>)
    %dma_start3A_181 = arith.constant 896 : i32
    %dma_start3A_182 = arith.constant 0 : i32
    %dma_start3A_183 = tpu.memref_slice %arg6[%dma_start3A_181, %dma_start3A_182] : memref<1024x32xf32, #tpu.memory_space<vmem>> -> memref<128x32xf32, #tpu.memory_space<vmem>>
    %dma_start3A_184 = arith.constant 896 : i32
    %dma_start3A_185 = tpu.memref_slice %arg5[%dma_start3A_184] : memref<4096xi32, #tpu.memory_space<vmem>> -> memref<128xi32, #tpu.memory_space<vmem>>
    %dma_start3A_186 = arith.constant 0 : i32
    %dma_start3A_187 = arith.constant 0 : i32
    %dma_start3A_188 = tpu.memref_slice %arg2[%dma_start3A_186, %dma_start3A_187] : memref<274625x32xf32, #tpu.memory_space<hbm>> -> memref<274625x32xf32, #tpu.memory_space<hbm>>
    tpu.enqueue_indirect_dma source(%dma_start3A_188 : memref<274625x32xf32, #tpu.memory_space<hbm>>) target(%dma_start3A_183 : memref<128x32xf32, #tpu.memory_space<vmem>>) offsets(%dma_start3A_185 : memref<128xi32, #tpu.memory_space<vmem>>) semaphore(%arg7 : memref<!tpu.dma_semaphore, #tpu.memory_space<semaphore_mem>>)
    %dma_wait3A = arith.constant 0 : i32
    %dma_wait3A_189 = arith.constant 0 : i32
    %dma_wait3A_190 = tpu.memref_slice %arg6[%dma_wait3A, %dma_wait3A_189] : memref<1024x32xf32, #tpu.memory_space<vmem>> -> memref<128x32xf32, #tpu.memory_space<vmem>>
    %dma_wait3A_191 = arith.constant 0 : i32
    %dma_wait3A_192 = tpu.memref_slice %arg5[%dma_wait3A_191] : memref<4096xi32, #tpu.memory_space<vmem>> -> memref<128xi32, #tpu.memory_space<vmem>>
    %dma_wait3A_193 = arith.constant 0 : i32
    %dma_wait3A_194 = arith.constant 0 : i32
    %dma_wait3A_195 = tpu.memref_slice %arg2[%dma_wait3A_193, %dma_wait3A_194] : memref<274625x32xf32, #tpu.memory_space<hbm>> -> memref<274625x32xf32, #tpu.memory_space<hbm>>
    tpu.wait_indirect_dma semaphore(%arg7 : memref<!tpu.dma_semaphore, #tpu.memory_space<semaphore_mem>>) src(%dma_wait3A_195 : memref<274625x32xf32, #tpu.memory_space<hbm>>) dst(%dma_wait3A_190 : memref<128x32xf32, #tpu.memory_space<vmem>>)
    %dma_wait3A_196 = arith.constant 128 : i32
    %dma_wait3A_197 = arith.constant 0 : i32
    %dma_wait3A_198 = tpu.memref_slice %arg6[%dma_wait3A_196, %dma_wait3A_197] : memref<1024x32xf32, #tpu.memory_space<vmem>> -> memref<128x32xf32, #tpu.memory_space<vmem>>
    %dma_wait3A_199 = arith.constant 128 : i32
    %dma_wait3A_200 = tpu.memref_slice %arg5[%dma_wait3A_199] : memref<4096xi32, #tpu.memory_space<vmem>> -> memref<128xi32, #tpu.memory_space<vmem>>
    %dma_wait3A_201 = arith.constant 0 : i32
    %dma_wait3A_202 = arith.constant 0 : i32
    %dma_wait3A_203 = tpu.memref_slice %arg2[%dma_wait3A_201, %dma_wait3A_202] : memref<274625x32xf32, #tpu.memory_space<hbm>> -> memref<274625x32xf32, #tpu.memory_space<hbm>>
    tpu.wait_indirect_dma semaphore(%arg7 : memref<!tpu.dma_semaphore, #tpu.memory_space<semaphore_mem>>) src(%dma_wait3A_203 : memref<274625x32xf32, #tpu.memory_space<hbm>>) dst(%dma_wait3A_198 : memref<128x32xf32, #tpu.memory_space<vmem>>)
    %dma_wait3A_204 = arith.constant 256 : i32
    %dma_wait3A_205 = arith.constant 0 : i32
    %dma_wait3A_206 = tpu.memref_slice %arg6[%dma_wait3A_204, %dma_wait3A_205] : memref<1024x32xf32, #tpu.memory_space<vmem>> -> memref<128x32xf32, #tpu.memory_space<vmem>>
    %dma_wait3A_207 = arith.constant 256 : i32
    %dma_wait3A_208 = tpu.memref_slice %arg5[%dma_wait3A_207] : memref<4096xi32, #tpu.memory_space<vmem>> -> memref<128xi32, #tpu.memory_space<vmem>>
    %dma_wait3A_209 = arith.constant 0 : i32
    %dma_wait3A_210 = arith.constant 0 : i32
    %dma_wait3A_211 = tpu.memref_slice %arg2[%dma_wait3A_209, %dma_wait3A_210] : memref<274625x32xf32, #tpu.memory_space<hbm>> -> memref<274625x32xf32, #tpu.memory_space<hbm>>
    tpu.wait_indirect_dma semaphore(%arg7 : memref<!tpu.dma_semaphore, #tpu.memory_space<semaphore_mem>>) src(%dma_wait3A_211 : memref<274625x32xf32, #tpu.memory_space<hbm>>) dst(%dma_wait3A_206 : memref<128x32xf32, #tpu.memory_space<vmem>>)
    %dma_wait3A_212 = arith.constant 384 : i32
    %dma_wait3A_213 = arith.constant 0 : i32
    %dma_wait3A_214 = tpu.memref_slice %arg6[%dma_wait3A_212, %dma_wait3A_213] : memref<1024x32xf32, #tpu.memory_space<vmem>> -> memref<128x32xf32, #tpu.memory_space<vmem>>
    %dma_wait3A_215 = arith.constant 384 : i32
    %dma_wait3A_216 = tpu.memref_slice %arg5[%dma_wait3A_215] : memref<4096xi32, #tpu.memory_space<vmem>> -> memref<128xi32, #tpu.memory_space<vmem>>
    %dma_wait3A_217 = arith.constant 0 : i32
    %dma_wait3A_218 = arith.constant 0 : i32
    %dma_wait3A_219 = tpu.memref_slice %arg2[%dma_wait3A_217, %dma_wait3A_218] : memref<274625x32xf32, #tpu.memory_space<hbm>> -> memref<274625x32xf32, #tpu.memory_space<hbm>>
    tpu.wait_indirect_dma semaphore(%arg7 : memref<!tpu.dma_semaphore, #tpu.memory_space<semaphore_mem>>) src(%dma_wait3A_219 : memref<274625x32xf32, #tpu.memory_space<hbm>>) dst(%dma_wait3A_214 : memref<128x32xf32, #tpu.memory_space<vmem>>)
    %dma_wait3A_220 = arith.constant 512 : i32
    %dma_wait3A_221 = arith.constant 0 : i32
    %dma_wait3A_222 = tpu.memref_slice %arg6[%dma_wait3A_220, %dma_wait3A_221] : memref<1024x32xf32, #tpu.memory_space<vmem>> -> memref<128x32xf32, #tpu.memory_space<vmem>>
    %dma_wait3A_223 = arith.constant 512 : i32
    %dma_wait3A_224 = tpu.memref_slice %arg5[%dma_wait3A_223] : memref<4096xi32, #tpu.memory_space<vmem>> -> memref<128xi32, #tpu.memory_space<vmem>>
    %dma_wait3A_225 = arith.constant 0 : i32
    %dma_wait3A_226 = arith.constant 0 : i32
    %dma_wait3A_227 = tpu.memref_slice %arg2[%dma_wait3A_225, %dma_wait3A_226] : memref<274625x32xf32, #tpu.memory_space<hbm>> -> memref<274625x32xf32, #tpu.memory_space<hbm>>
    tpu.wait_indirect_dma semaphore(%arg7 : memref<!tpu.dma_semaphore, #tpu.memory_space<semaphore_mem>>) src(%dma_wait3A_227 : memref<274625x32xf32, #tpu.memory_space<hbm>>) dst(%dma_wait3A_222 : memref<128x32xf32, #tpu.memory_space<vmem>>)
    %dma_wait3A_228 = arith.constant 640 : i32
    %dma_wait3A_229 = arith.constant 0 : i32
    %dma_wait3A_230 = tpu.memref_slice %arg6[%dma_wait3A_228, %dma_wait3A_229] : memref<1024x32xf32, #tpu.memory_space<vmem>> -> memref<128x32xf32, #tpu.memory_space<vmem>>
    %dma_wait3A_231 = arith.constant 640 : i32
    %dma_wait3A_232 = tpu.memref_slice %arg5[%dma_wait3A_231] : memref<4096xi32, #tpu.memory_space<vmem>> -> memref<128xi32, #tpu.memory_space<vmem>>
    %dma_wait3A_233 = arith.constant 0 : i32
    %dma_wait3A_234 = arith.constant 0 : i32
    %dma_wait3A_235 = tpu.memref_slice %arg2[%dma_wait3A_233, %dma_wait3A_234] : memref<274625x32xf32, #tpu.memory_space<hbm>> -> memref<274625x32xf32, #tpu.memory_space<hbm>>
    tpu.wait_indirect_dma semaphore(%arg7 : memref<!tpu.dma_semaphore, #tpu.memory_space<semaphore_mem>>) src(%dma_wait3A_235 : memref<274625x32xf32, #tpu.memory_space<hbm>>) dst(%dma_wait3A_230 : memref<128x32xf32, #tpu.memory_space<vmem>>)
    %dma_wait3A_236 = arith.constant 768 : i32
    %dma_wait3A_237 = arith.constant 0 : i32
    %dma_wait3A_238 = tpu.memref_slice %arg6[%dma_wait3A_236, %dma_wait3A_237] : memref<1024x32xf32, #tpu.memory_space<vmem>> -> memref<128x32xf32, #tpu.memory_space<vmem>>
    %dma_wait3A_239 = arith.constant 768 : i32
    %dma_wait3A_240 = tpu.memref_slice %arg5[%dma_wait3A_239] : memref<4096xi32, #tpu.memory_space<vmem>> -> memref<128xi32, #tpu.memory_space<vmem>>
    %dma_wait3A_241 = arith.constant 0 : i32
    %dma_wait3A_242 = arith.constant 0 : i32
    %dma_wait3A_243 = tpu.memref_slice %arg2[%dma_wait3A_241, %dma_wait3A_242] : memref<274625x32xf32, #tpu.memory_space<hbm>> -> memref<274625x32xf32, #tpu.memory_space<hbm>>
    tpu.wait_indirect_dma semaphore(%arg7 : memref<!tpu.dma_semaphore, #tpu.memory_space<semaphore_mem>>) src(%dma_wait3A_243 : memref<274625x32xf32, #tpu.memory_space<hbm>>) dst(%dma_wait3A_238 : memref<128x32xf32, #tpu.memory_space<vmem>>)
    %dma_wait3A_244 = arith.constant 896 : i32
    %dma_wait3A_245 = arith.constant 0 : i32
    %dma_wait3A_246 = tpu.memref_slice %arg6[%dma_wait3A_244, %dma_wait3A_245] : memref<1024x32xf32, #tpu.memory_space<vmem>> -> memref<128x32xf32, #tpu.memory_space<vmem>>
    %dma_wait3A_247 = arith.constant 896 : i32
    %dma_wait3A_248 = tpu.memref_slice %arg5[%dma_wait3A_247] : memref<4096xi32, #tpu.memory_space<vmem>> -> memref<128xi32, #tpu.memory_space<vmem>>
    %dma_wait3A_249 = arith.constant 0 : i32
    %dma_wait3A_250 = arith.constant 0 : i32
    %dma_wait3A_251 = tpu.memref_slice %arg2[%dma_wait3A_249, %dma_wait3A_250] : memref<274625x32xf32, #tpu.memory_space<hbm>> -> memref<274625x32xf32, #tpu.memory_space<hbm>>
    tpu.wait_indirect_dma semaphore(%arg7 : memref<!tpu.dma_semaphore, #tpu.memory_space<semaphore_mem>>) src(%dma_wait3A_251 : memref<274625x32xf32, #tpu.memory_space<hbm>>) dst(%dma_wait3A_246 : memref<128x32xf32, #tpu.memory_space<vmem>>)
    %add3A_252 = arith.constant 0 : i32
    %add3A_253 = arith.addi %mul3A_2, %add3A_252 : i32
    "tpu.region"() ({
      %run_scoped3A = tpu.sem_alloc : memref<!tpu.dma_semaphore, #tpu.memory_space<semaphore_mem>>
      %dma_start3A_644 = arith.constant 0 : i32
      %dma_start3A_645 = tpu.memref_slice %arg4[%add3A_253, %dma_start3A_644] : memref<131072x32xf32, #tpu.memory_space<hbm>> -> memref<1024x32xf32, #tpu.memory_space<hbm>>
      %dma_start3A_646 = arith.constant 0 : i32
      %dma_start3A_647 = tpu.memref_slice %arg4[%add3A_253, %dma_start3A_646] : memref<131072x32xf32, #tpu.memory_space<hbm>> -> memref<1024x32xf32, #tpu.memory_space<hbm>>
      tpu.enqueue_dma source(%arg6 : memref<1024x32xf32, #tpu.memory_space<vmem>>) target(%dma_start3A_647 : memref<1024x32xf32, #tpu.memory_space<hbm>>) target_semaphore(%run_scoped3A : memref<!tpu.dma_semaphore, #tpu.memory_space<semaphore_mem>>)
      %dma_wait3A_648 = arith.constant 0 : i32
      %dma_wait3A_649 = tpu.memref_slice %arg4[%add3A_253, %dma_wait3A_648] : memref<131072x32xf32, #tpu.memory_space<hbm>> -> memref<1024x32xf32, #tpu.memory_space<hbm>>
      %dma_wait3A_650 = arith.constant 0 : i32
      %dma_wait3A_651 = tpu.memref_slice %arg4[%add3A_253, %dma_wait3A_650] : memref<131072x32xf32, #tpu.memory_space<hbm>> -> memref<1024x32xf32, #tpu.memory_space<hbm>>
      tpu.wait_dma2 semaphore(%run_scoped3A : memref<!tpu.dma_semaphore, #tpu.memory_space<semaphore_mem>>) src(%arg6 : memref<1024x32xf32, #tpu.memory_space<vmem>>) dst(%dma_wait3A_651 : memref<1024x32xf32, #tpu.memory_space<hbm>>)
      tpu.yield
    }) : () -> ()
    %dma_start3A_254 = arith.constant 0 : i32
    %dma_start3A_255 = arith.constant 0 : i32
    %dma_start3A_256 = tpu.memref_slice %arg6[%dma_start3A_254, %dma_start3A_255] : memref<1024x32xf32, #tpu.memory_space<vmem>> -> memref<128x32xf32, #tpu.memory_space<vmem>>
    %dma_start3A_257 = arith.constant 1024 : i32
    %dma_start3A_258 = tpu.memref_slice %arg5[%dma_start3A_257] : memref<4096xi32, #tpu.memory_space<vmem>> -> memref<128xi32, #tpu.memory_space<vmem>>
    %dma_start3A_259 = arith.constant 0 : i32
    %dma_start3A_260 = arith.constant 0 : i32
    %dma_start3A_261 = tpu.memref_slice %arg2[%dma_start3A_259, %dma_start3A_260] : memref<274625x32xf32, #tpu.memory_space<hbm>> -> memref<274625x32xf32, #tpu.memory_space<hbm>>
    tpu.enqueue_indirect_dma source(%dma_start3A_261 : memref<274625x32xf32, #tpu.memory_space<hbm>>) target(%dma_start3A_256 : memref<128x32xf32, #tpu.memory_space<vmem>>) offsets(%dma_start3A_258 : memref<128xi32, #tpu.memory_space<vmem>>) semaphore(%arg7 : memref<!tpu.dma_semaphore, #tpu.memory_space<semaphore_mem>>)
    %dma_start3A_262 = arith.constant 128 : i32
    %dma_start3A_263 = arith.constant 0 : i32
    %dma_start3A_264 = tpu.memref_slice %arg6[%dma_start3A_262, %dma_start3A_263] : memref<1024x32xf32, #tpu.memory_space<vmem>> -> memref<128x32xf32, #tpu.memory_space<vmem>>
    %dma_start3A_265 = arith.constant 1152 : i32
    %dma_start3A_266 = tpu.memref_slice %arg5[%dma_start3A_265] : memref<4096xi32, #tpu.memory_space<vmem>> -> memref<128xi32, #tpu.memory_space<vmem>>
    %dma_start3A_267 = arith.constant 0 : i32
    %dma_start3A_268 = arith.constant 0 : i32
    %dma_start3A_269 = tpu.memref_slice %arg2[%dma_start3A_267, %dma_start3A_268] : memref<274625x32xf32, #tpu.memory_space<hbm>> -> memref<274625x32xf32, #tpu.memory_space<hbm>>
    tpu.enqueue_indirect_dma source(%dma_start3A_269 : memref<274625x32xf32, #tpu.memory_space<hbm>>) target(%dma_start3A_264 : memref<128x32xf32, #tpu.memory_space<vmem>>) offsets(%dma_start3A_266 : memref<128xi32, #tpu.memory_space<vmem>>) semaphore(%arg7 : memref<!tpu.dma_semaphore, #tpu.memory_space<semaphore_mem>>)
    %dma_start3A_270 = arith.constant 256 : i32
    %dma_start3A_271 = arith.constant 0 : i32
    %dma_start3A_272 = tpu.memref_slice %arg6[%dma_start3A_270, %dma_start3A_271] : memref<1024x32xf32, #tpu.memory_space<vmem>> -> memref<128x32xf32, #tpu.memory_space<vmem>>
    %dma_start3A_273 = arith.constant 1280 : i32
    %dma_start3A_274 = tpu.memref_slice %arg5[%dma_start3A_273] : memref<4096xi32, #tpu.memory_space<vmem>> -> memref<128xi32, #tpu.memory_space<vmem>>
    %dma_start3A_275 = arith.constant 0 : i32
    %dma_start3A_276 = arith.constant 0 : i32
    %dma_start3A_277 = tpu.memref_slice %arg2[%dma_start3A_275, %dma_start3A_276] : memref<274625x32xf32, #tpu.memory_space<hbm>> -> memref<274625x32xf32, #tpu.memory_space<hbm>>
    tpu.enqueue_indirect_dma source(%dma_start3A_277 : memref<274625x32xf32, #tpu.memory_space<hbm>>) target(%dma_start3A_272 : memref<128x32xf32, #tpu.memory_space<vmem>>) offsets(%dma_start3A_274 : memref<128xi32, #tpu.memory_space<vmem>>) semaphore(%arg7 : memref<!tpu.dma_semaphore, #tpu.memory_space<semaphore_mem>>)
    %dma_start3A_278 = arith.constant 384 : i32
    %dma_start3A_279 = arith.constant 0 : i32
    %dma_start3A_280 = tpu.memref_slice %arg6[%dma_start3A_278, %dma_start3A_279] : memref<1024x32xf32, #tpu.memory_space<vmem>> -> memref<128x32xf32, #tpu.memory_space<vmem>>
    %dma_start3A_281 = arith.constant 1408 : i32
    %dma_start3A_282 = tpu.memref_slice %arg5[%dma_start3A_281] : memref<4096xi32, #tpu.memory_space<vmem>> -> memref<128xi32, #tpu.memory_space<vmem>>
    %dma_start3A_283 = arith.constant 0 : i32
    %dma_start3A_284 = arith.constant 0 : i32
    %dma_start3A_285 = tpu.memref_slice %arg2[%dma_start3A_283, %dma_start3A_284] : memref<274625x32xf32, #tpu.memory_space<hbm>> -> memref<274625x32xf32, #tpu.memory_space<hbm>>
    tpu.enqueue_indirect_dma source(%dma_start3A_285 : memref<274625x32xf32, #tpu.memory_space<hbm>>) target(%dma_start3A_280 : memref<128x32xf32, #tpu.memory_space<vmem>>) offsets(%dma_start3A_282 : memref<128xi32, #tpu.memory_space<vmem>>) semaphore(%arg7 : memref<!tpu.dma_semaphore, #tpu.memory_space<semaphore_mem>>)
    %dma_start3A_286 = arith.constant 512 : i32
    %dma_start3A_287 = arith.constant 0 : i32
    %dma_start3A_288 = tpu.memref_slice %arg6[%dma_start3A_286, %dma_start3A_287] : memref<1024x32xf32, #tpu.memory_space<vmem>> -> memref<128x32xf32, #tpu.memory_space<vmem>>
    %dma_start3A_289 = arith.constant 1536 : i32
    %dma_start3A_290 = tpu.memref_slice %arg5[%dma_start3A_289] : memref<4096xi32, #tpu.memory_space<vmem>> -> memref<128xi32, #tpu.memory_space<vmem>>
    %dma_start3A_291 = arith.constant 0 : i32
    %dma_start3A_292 = arith.constant 0 : i32
    %dma_start3A_293 = tpu.memref_slice %arg2[%dma_start3A_291, %dma_start3A_292] : memref<274625x32xf32, #tpu.memory_space<hbm>> -> memref<274625x32xf32, #tpu.memory_space<hbm>>
    tpu.enqueue_indirect_dma source(%dma_start3A_293 : memref<274625x32xf32, #tpu.memory_space<hbm>>) target(%dma_start3A_288 : memref<128x32xf32, #tpu.memory_space<vmem>>) offsets(%dma_start3A_290 : memref<128xi32, #tpu.memory_space<vmem>>) semaphore(%arg7 : memref<!tpu.dma_semaphore, #tpu.memory_space<semaphore_mem>>)
    %dma_start3A_294 = arith.constant 640 : i32
    %dma_start3A_295 = arith.constant 0 : i32
    %dma_start3A_296 = tpu.memref_slice %arg6[%dma_start3A_294, %dma_start3A_295] : memref<1024x32xf32, #tpu.memory_space<vmem>> -> memref<128x32xf32, #tpu.memory_space<vmem>>
    %dma_start3A_297 = arith.constant 1664 : i32
    %dma_start3A_298 = tpu.memref_slice %arg5[%dma_start3A_297] : memref<4096xi32, #tpu.memory_space<vmem>> -> memref<128xi32, #tpu.memory_space<vmem>>
    %dma_start3A_299 = arith.constant 0 : i32
    %dma_start3A_300 = arith.constant 0 : i32
    %dma_start3A_301 = tpu.memref_slice %arg2[%dma_start3A_299, %dma_start3A_300] : memref<274625x32xf32, #tpu.memory_space<hbm>> -> memref<274625x32xf32, #tpu.memory_space<hbm>>
    tpu.enqueue_indirect_dma source(%dma_start3A_301 : memref<274625x32xf32, #tpu.memory_space<hbm>>) target(%dma_start3A_296 : memref<128x32xf32, #tpu.memory_space<vmem>>) offsets(%dma_start3A_298 : memref<128xi32, #tpu.memory_space<vmem>>) semaphore(%arg7 : memref<!tpu.dma_semaphore, #tpu.memory_space<semaphore_mem>>)
    %dma_start3A_302 = arith.constant 768 : i32
    %dma_start3A_303 = arith.constant 0 : i32
    %dma_start3A_304 = tpu.memref_slice %arg6[%dma_start3A_302, %dma_start3A_303] : memref<1024x32xf32, #tpu.memory_space<vmem>> -> memref<128x32xf32, #tpu.memory_space<vmem>>
    %dma_start3A_305 = arith.constant 1792 : i32
    %dma_start3A_306 = tpu.memref_slice %arg5[%dma_start3A_305] : memref<4096xi32, #tpu.memory_space<vmem>> -> memref<128xi32, #tpu.memory_space<vmem>>
    %dma_start3A_307 = arith.constant 0 : i32
    %dma_start3A_308 = arith.constant 0 : i32
    %dma_start3A_309 = tpu.memref_slice %arg2[%dma_start3A_307, %dma_start3A_308] : memref<274625x32xf32, #tpu.memory_space<hbm>> -> memref<274625x32xf32, #tpu.memory_space<hbm>>
    tpu.enqueue_indirect_dma source(%dma_start3A_309 : memref<274625x32xf32, #tpu.memory_space<hbm>>) target(%dma_start3A_304 : memref<128x32xf32, #tpu.memory_space<vmem>>) offsets(%dma_start3A_306 : memref<128xi32, #tpu.memory_space<vmem>>) semaphore(%arg7 : memref<!tpu.dma_semaphore, #tpu.memory_space<semaphore_mem>>)
    %dma_start3A_310 = arith.constant 896 : i32
    %dma_start3A_311 = arith.constant 0 : i32
    %dma_start3A_312 = tpu.memref_slice %arg6[%dma_start3A_310, %dma_start3A_311] : memref<1024x32xf32, #tpu.memory_space<vmem>> -> memref<128x32xf32, #tpu.memory_space<vmem>>
    %dma_start3A_313 = arith.constant 1920 : i32
    %dma_start3A_314 = tpu.memref_slice %arg5[%dma_start3A_313] : memref<4096xi32, #tpu.memory_space<vmem>> -> memref<128xi32, #tpu.memory_space<vmem>>
    %dma_start3A_315 = arith.constant 0 : i32
    %dma_start3A_316 = arith.constant 0 : i32
    %dma_start3A_317 = tpu.memref_slice %arg2[%dma_start3A_315, %dma_start3A_316] : memref<274625x32xf32, #tpu.memory_space<hbm>> -> memref<274625x32xf32, #tpu.memory_space<hbm>>
    tpu.enqueue_indirect_dma source(%dma_start3A_317 : memref<274625x32xf32, #tpu.memory_space<hbm>>) target(%dma_start3A_312 : memref<128x32xf32, #tpu.memory_space<vmem>>) offsets(%dma_start3A_314 : memref<128xi32, #tpu.memory_space<vmem>>) semaphore(%arg7 : memref<!tpu.dma_semaphore, #tpu.memory_space<semaphore_mem>>)
    %dma_wait3A_318 = arith.constant 0 : i32
    %dma_wait3A_319 = arith.constant 0 : i32
    %dma_wait3A_320 = tpu.memref_slice %arg6[%dma_wait3A_318, %dma_wait3A_319] : memref<1024x32xf32, #tpu.memory_space<vmem>> -> memref<128x32xf32, #tpu.memory_space<vmem>>
    %dma_wait3A_321 = arith.constant 1024 : i32
    %dma_wait3A_322 = tpu.memref_slice %arg5[%dma_wait3A_321] : memref<4096xi32, #tpu.memory_space<vmem>> -> memref<128xi32, #tpu.memory_space<vmem>>
    %dma_wait3A_323 = arith.constant 0 : i32
    %dma_wait3A_324 = arith.constant 0 : i32
    %dma_wait3A_325 = tpu.memref_slice %arg2[%dma_wait3A_323, %dma_wait3A_324] : memref<274625x32xf32, #tpu.memory_space<hbm>> -> memref<274625x32xf32, #tpu.memory_space<hbm>>
    tpu.wait_indirect_dma semaphore(%arg7 : memref<!tpu.dma_semaphore, #tpu.memory_space<semaphore_mem>>) src(%dma_wait3A_325 : memref<274625x32xf32, #tpu.memory_space<hbm>>) dst(%dma_wait3A_320 : memref<128x32xf32, #tpu.memory_space<vmem>>)
    %dma_wait3A_326 = arith.constant 128 : i32
    %dma_wait3A_327 = arith.constant 0 : i32
    %dma_wait3A_328 = tpu.memref_slice %arg6[%dma_wait3A_326, %dma_wait3A_327] : memref<1024x32xf32, #tpu.memory_space<vmem>> -> memref<128x32xf32, #tpu.memory_space<vmem>>
    %dma_wait3A_329 = arith.constant 1152 : i32
    %dma_wait3A_330 = tpu.memref_slice %arg5[%dma_wait3A_329] : memref<4096xi32, #tpu.memory_space<vmem>> -> memref<128xi32, #tpu.memory_space<vmem>>
    %dma_wait3A_331 = arith.constant 0 : i32
    %dma_wait3A_332 = arith.constant 0 : i32
    %dma_wait3A_333 = tpu.memref_slice %arg2[%dma_wait3A_331, %dma_wait3A_332] : memref<274625x32xf32, #tpu.memory_space<hbm>> -> memref<274625x32xf32, #tpu.memory_space<hbm>>
    tpu.wait_indirect_dma semaphore(%arg7 : memref<!tpu.dma_semaphore, #tpu.memory_space<semaphore_mem>>) src(%dma_wait3A_333 : memref<274625x32xf32, #tpu.memory_space<hbm>>) dst(%dma_wait3A_328 : memref<128x32xf32, #tpu.memory_space<vmem>>)
    %dma_wait3A_334 = arith.constant 256 : i32
    %dma_wait3A_335 = arith.constant 0 : i32
    %dma_wait3A_336 = tpu.memref_slice %arg6[%dma_wait3A_334, %dma_wait3A_335] : memref<1024x32xf32, #tpu.memory_space<vmem>> -> memref<128x32xf32, #tpu.memory_space<vmem>>
    %dma_wait3A_337 = arith.constant 1280 : i32
    %dma_wait3A_338 = tpu.memref_slice %arg5[%dma_wait3A_337] : memref<4096xi32, #tpu.memory_space<vmem>> -> memref<128xi32, #tpu.memory_space<vmem>>
    %dma_wait3A_339 = arith.constant 0 : i32
    %dma_wait3A_340 = arith.constant 0 : i32
    %dma_wait3A_341 = tpu.memref_slice %arg2[%dma_wait3A_339, %dma_wait3A_340] : memref<274625x32xf32, #tpu.memory_space<hbm>> -> memref<274625x32xf32, #tpu.memory_space<hbm>>
    tpu.wait_indirect_dma semaphore(%arg7 : memref<!tpu.dma_semaphore, #tpu.memory_space<semaphore_mem>>) src(%dma_wait3A_341 : memref<274625x32xf32, #tpu.memory_space<hbm>>) dst(%dma_wait3A_336 : memref<128x32xf32, #tpu.memory_space<vmem>>)
    %dma_wait3A_342 = arith.constant 384 : i32
    %dma_wait3A_343 = arith.constant 0 : i32
    %dma_wait3A_344 = tpu.memref_slice %arg6[%dma_wait3A_342, %dma_wait3A_343] : memref<1024x32xf32, #tpu.memory_space<vmem>> -> memref<128x32xf32, #tpu.memory_space<vmem>>
    %dma_wait3A_345 = arith.constant 1408 : i32
    %dma_wait3A_346 = tpu.memref_slice %arg5[%dma_wait3A_345] : memref<4096xi32, #tpu.memory_space<vmem>> -> memref<128xi32, #tpu.memory_space<vmem>>
    %dma_wait3A_347 = arith.constant 0 : i32
    %dma_wait3A_348 = arith.constant 0 : i32
    %dma_wait3A_349 = tpu.memref_slice %arg2[%dma_wait3A_347, %dma_wait3A_348] : memref<274625x32xf32, #tpu.memory_space<hbm>> -> memref<274625x32xf32, #tpu.memory_space<hbm>>
    tpu.wait_indirect_dma semaphore(%arg7 : memref<!tpu.dma_semaphore, #tpu.memory_space<semaphore_mem>>) src(%dma_wait3A_349 : memref<274625x32xf32, #tpu.memory_space<hbm>>) dst(%dma_wait3A_344 : memref<128x32xf32, #tpu.memory_space<vmem>>)
    %dma_wait3A_350 = arith.constant 512 : i32
    %dma_wait3A_351 = arith.constant 0 : i32
    %dma_wait3A_352 = tpu.memref_slice %arg6[%dma_wait3A_350, %dma_wait3A_351] : memref<1024x32xf32, #tpu.memory_space<vmem>> -> memref<128x32xf32, #tpu.memory_space<vmem>>
    %dma_wait3A_353 = arith.constant 1536 : i32
    %dma_wait3A_354 = tpu.memref_slice %arg5[%dma_wait3A_353] : memref<4096xi32, #tpu.memory_space<vmem>> -> memref<128xi32, #tpu.memory_space<vmem>>
    %dma_wait3A_355 = arith.constant 0 : i32
    %dma_wait3A_356 = arith.constant 0 : i32
    %dma_wait3A_357 = tpu.memref_slice %arg2[%dma_wait3A_355, %dma_wait3A_356] : memref<274625x32xf32, #tpu.memory_space<hbm>> -> memref<274625x32xf32, #tpu.memory_space<hbm>>
    tpu.wait_indirect_dma semaphore(%arg7 : memref<!tpu.dma_semaphore, #tpu.memory_space<semaphore_mem>>) src(%dma_wait3A_357 : memref<274625x32xf32, #tpu.memory_space<hbm>>) dst(%dma_wait3A_352 : memref<128x32xf32, #tpu.memory_space<vmem>>)
    %dma_wait3A_358 = arith.constant 640 : i32
    %dma_wait3A_359 = arith.constant 0 : i32
    %dma_wait3A_360 = tpu.memref_slice %arg6[%dma_wait3A_358, %dma_wait3A_359] : memref<1024x32xf32, #tpu.memory_space<vmem>> -> memref<128x32xf32, #tpu.memory_space<vmem>>
    %dma_wait3A_361 = arith.constant 1664 : i32
    %dma_wait3A_362 = tpu.memref_slice %arg5[%dma_wait3A_361] : memref<4096xi32, #tpu.memory_space<vmem>> -> memref<128xi32, #tpu.memory_space<vmem>>
    %dma_wait3A_363 = arith.constant 0 : i32
    %dma_wait3A_364 = arith.constant 0 : i32
    %dma_wait3A_365 = tpu.memref_slice %arg2[%dma_wait3A_363, %dma_wait3A_364] : memref<274625x32xf32, #tpu.memory_space<hbm>> -> memref<274625x32xf32, #tpu.memory_space<hbm>>
    tpu.wait_indirect_dma semaphore(%arg7 : memref<!tpu.dma_semaphore, #tpu.memory_space<semaphore_mem>>) src(%dma_wait3A_365 : memref<274625x32xf32, #tpu.memory_space<hbm>>) dst(%dma_wait3A_360 : memref<128x32xf32, #tpu.memory_space<vmem>>)
    %dma_wait3A_366 = arith.constant 768 : i32
    %dma_wait3A_367 = arith.constant 0 : i32
    %dma_wait3A_368 = tpu.memref_slice %arg6[%dma_wait3A_366, %dma_wait3A_367] : memref<1024x32xf32, #tpu.memory_space<vmem>> -> memref<128x32xf32, #tpu.memory_space<vmem>>
    %dma_wait3A_369 = arith.constant 1792 : i32
    %dma_wait3A_370 = tpu.memref_slice %arg5[%dma_wait3A_369] : memref<4096xi32, #tpu.memory_space<vmem>> -> memref<128xi32, #tpu.memory_space<vmem>>
    %dma_wait3A_371 = arith.constant 0 : i32
    %dma_wait3A_372 = arith.constant 0 : i32
    %dma_wait3A_373 = tpu.memref_slice %arg2[%dma_wait3A_371, %dma_wait3A_372] : memref<274625x32xf32, #tpu.memory_space<hbm>> -> memref<274625x32xf32, #tpu.memory_space<hbm>>
    tpu.wait_indirect_dma semaphore(%arg7 : memref<!tpu.dma_semaphore, #tpu.memory_space<semaphore_mem>>) src(%dma_wait3A_373 : memref<274625x32xf32, #tpu.memory_space<hbm>>) dst(%dma_wait3A_368 : memref<128x32xf32, #tpu.memory_space<vmem>>)
    %dma_wait3A_374 = arith.constant 896 : i32
    %dma_wait3A_375 = arith.constant 0 : i32
    %dma_wait3A_376 = tpu.memref_slice %arg6[%dma_wait3A_374, %dma_wait3A_375] : memref<1024x32xf32, #tpu.memory_space<vmem>> -> memref<128x32xf32, #tpu.memory_space<vmem>>
    %dma_wait3A_377 = arith.constant 1920 : i32
    %dma_wait3A_378 = tpu.memref_slice %arg5[%dma_wait3A_377] : memref<4096xi32, #tpu.memory_space<vmem>> -> memref<128xi32, #tpu.memory_space<vmem>>
    %dma_wait3A_379 = arith.constant 0 : i32
    %dma_wait3A_380 = arith.constant 0 : i32
    %dma_wait3A_381 = tpu.memref_slice %arg2[%dma_wait3A_379, %dma_wait3A_380] : memref<274625x32xf32, #tpu.memory_space<hbm>> -> memref<274625x32xf32, #tpu.memory_space<hbm>>
    tpu.wait_indirect_dma semaphore(%arg7 : memref<!tpu.dma_semaphore, #tpu.memory_space<semaphore_mem>>) src(%dma_wait3A_381 : memref<274625x32xf32, #tpu.memory_space<hbm>>) dst(%dma_wait3A_376 : memref<128x32xf32, #tpu.memory_space<vmem>>)
    %add3A_382 = arith.constant 1024 : i32
    %add3A_383 = arith.addi %mul3A_2, %add3A_382 : i32
    "tpu.region"() ({
      %run_scoped3A = tpu.sem_alloc : memref<!tpu.dma_semaphore, #tpu.memory_space<semaphore_mem>>
      %dma_start3A_644 = arith.constant 0 : i32
      %dma_start3A_645 = tpu.memref_slice %arg4[%add3A_383, %dma_start3A_644] : memref<131072x32xf32, #tpu.memory_space<hbm>> -> memref<1024x32xf32, #tpu.memory_space<hbm>>
      %dma_start3A_646 = arith.constant 0 : i32
      %dma_start3A_647 = tpu.memref_slice %arg4[%add3A_383, %dma_start3A_646] : memref<131072x32xf32, #tpu.memory_space<hbm>> -> memref<1024x32xf32, #tpu.memory_space<hbm>>
      tpu.enqueue_dma source(%arg6 : memref<1024x32xf32, #tpu.memory_space<vmem>>) target(%dma_start3A_647 : memref<1024x32xf32, #tpu.memory_space<hbm>>) target_semaphore(%run_scoped3A : memref<!tpu.dma_semaphore, #tpu.memory_space<semaphore_mem>>)
      %dma_wait3A_648 = arith.constant 0 : i32
      %dma_wait3A_649 = tpu.memref_slice %arg4[%add3A_383, %dma_wait3A_648] : memref<131072x32xf32, #tpu.memory_space<hbm>> -> memref<1024x32xf32, #tpu.memory_space<hbm>>
      %dma_wait3A_650 = arith.constant 0 : i32
      %dma_wait3A_651 = tpu.memref_slice %arg4[%add3A_383, %dma_wait3A_650] : memref<131072x32xf32, #tpu.memory_space<hbm>> -> memref<1024x32xf32, #tpu.memory_space<hbm>>
      tpu.wait_dma2 semaphore(%run_scoped3A : memref<!tpu.dma_semaphore, #tpu.memory_space<semaphore_mem>>) src(%arg6 : memref<1024x32xf32, #tpu.memory_space<vmem>>) dst(%dma_wait3A_651 : memref<1024x32xf32, #tpu.memory_space<hbm>>)
      tpu.yield
    }) : () -> ()
    %dma_start3A_384 = arith.constant 0 : i32
    %dma_start3A_385 = arith.constant 0 : i32
    %dma_start3A_386 = tpu.memref_slice %arg6[%dma_start3A_384, %dma_start3A_385] : memref<1024x32xf32, #tpu.memory_space<vmem>> -> memref<128x32xf32, #tpu.memory_space<vmem>>
    %dma_start3A_387 = arith.constant 2048 : i32
    %dma_start3A_388 = tpu.memref_slice %arg5[%dma_start3A_387] : memref<4096xi32, #tpu.memory_space<vmem>> -> memref<128xi32, #tpu.memory_space<vmem>>
    %dma_start3A_389 = arith.constant 0 : i32
    %dma_start3A_390 = arith.constant 0 : i32
    %dma_start3A_391 = tpu.memref_slice %arg2[%dma_start3A_389, %dma_start3A_390] : memref<274625x32xf32, #tpu.memory_space<hbm>> -> memref<274625x32xf32, #tpu.memory_space<hbm>>
    tpu.enqueue_indirect_dma source(%dma_start3A_391 : memref<274625x32xf32, #tpu.memory_space<hbm>>) target(%dma_start3A_386 : memref<128x32xf32, #tpu.memory_space<vmem>>) offsets(%dma_start3A_388 : memref<128xi32, #tpu.memory_space<vmem>>) semaphore(%arg7 : memref<!tpu.dma_semaphore, #tpu.memory_space<semaphore_mem>>)
    %dma_start3A_392 = arith.constant 128 : i32
    %dma_start3A_393 = arith.constant 0 : i32
    %dma_start3A_394 = tpu.memref_slice %arg6[%dma_start3A_392, %dma_start3A_393] : memref<1024x32xf32, #tpu.memory_space<vmem>> -> memref<128x32xf32, #tpu.memory_space<vmem>>
    %dma_start3A_395 = arith.constant 2176 : i32
    %dma_start3A_396 = tpu.memref_slice %arg5[%dma_start3A_395] : memref<4096xi32, #tpu.memory_space<vmem>> -> memref<128xi32, #tpu.memory_space<vmem>>
    %dma_start3A_397 = arith.constant 0 : i32
    %dma_start3A_398 = arith.constant 0 : i32
    %dma_start3A_399 = tpu.memref_slice %arg2[%dma_start3A_397, %dma_start3A_398] : memref<274625x32xf32, #tpu.memory_space<hbm>> -> memref<274625x32xf32, #tpu.memory_space<hbm>>
    tpu.enqueue_indirect_dma source(%dma_start3A_399 : memref<274625x32xf32, #tpu.memory_space<hbm>>) target(%dma_start3A_394 : memref<128x32xf32, #tpu.memory_space<vmem>>) offsets(%dma_start3A_396 : memref<128xi32, #tpu.memory_space<vmem>>) semaphore(%arg7 : memref<!tpu.dma_semaphore, #tpu.memory_space<semaphore_mem>>)
    %dma_start3A_400 = arith.constant 256 : i32
    %dma_start3A_401 = arith.constant 0 : i32
    %dma_start3A_402 = tpu.memref_slice %arg6[%dma_start3A_400, %dma_start3A_401] : memref<1024x32xf32, #tpu.memory_space<vmem>> -> memref<128x32xf32, #tpu.memory_space<vmem>>
    %dma_start3A_403 = arith.constant 2304 : i32
    %dma_start3A_404 = tpu.memref_slice %arg5[%dma_start3A_403] : memref<4096xi32, #tpu.memory_space<vmem>> -> memref<128xi32, #tpu.memory_space<vmem>>
    %dma_start3A_405 = arith.constant 0 : i32
    %dma_start3A_406 = arith.constant 0 : i32
    %dma_start3A_407 = tpu.memref_slice %arg2[%dma_start3A_405, %dma_start3A_406] : memref<274625x32xf32, #tpu.memory_space<hbm>> -> memref<274625x32xf32, #tpu.memory_space<hbm>>
    tpu.enqueue_indirect_dma source(%dma_start3A_407 : memref<274625x32xf32, #tpu.memory_space<hbm>>) target(%dma_start3A_402 : memref<128x32xf32, #tpu.memory_space<vmem>>) offsets(%dma_start3A_404 : memref<128xi32, #tpu.memory_space<vmem>>) semaphore(%arg7 : memref<!tpu.dma_semaphore, #tpu.memory_space<semaphore_mem>>)
    %dma_start3A_408 = arith.constant 384 : i32
    %dma_start3A_409 = arith.constant 0 : i32
    %dma_start3A_410 = tpu.memref_slice %arg6[%dma_start3A_408, %dma_start3A_409] : memref<1024x32xf32, #tpu.memory_space<vmem>> -> memref<128x32xf32, #tpu.memory_space<vmem>>
    %dma_start3A_411 = arith.constant 2432 : i32
    %dma_start3A_412 = tpu.memref_slice %arg5[%dma_start3A_411] : memref<4096xi32, #tpu.memory_space<vmem>> -> memref<128xi32, #tpu.memory_space<vmem>>
    %dma_start3A_413 = arith.constant 0 : i32
    %dma_start3A_414 = arith.constant 0 : i32
    %dma_start3A_415 = tpu.memref_slice %arg2[%dma_start3A_413, %dma_start3A_414] : memref<274625x32xf32, #tpu.memory_space<hbm>> -> memref<274625x32xf32, #tpu.memory_space<hbm>>
    tpu.enqueue_indirect_dma source(%dma_start3A_415 : memref<274625x32xf32, #tpu.memory_space<hbm>>) target(%dma_start3A_410 : memref<128x32xf32, #tpu.memory_space<vmem>>) offsets(%dma_start3A_412 : memref<128xi32, #tpu.memory_space<vmem>>) semaphore(%arg7 : memref<!tpu.dma_semaphore, #tpu.memory_space<semaphore_mem>>)
    %dma_start3A_416 = arith.constant 512 : i32
    %dma_start3A_417 = arith.constant 0 : i32
    %dma_start3A_418 = tpu.memref_slice %arg6[%dma_start3A_416, %dma_start3A_417] : memref<1024x32xf32, #tpu.memory_space<vmem>> -> memref<128x32xf32, #tpu.memory_space<vmem>>
    %dma_start3A_419 = arith.constant 2560 : i32
    %dma_start3A_420 = tpu.memref_slice %arg5[%dma_start3A_419] : memref<4096xi32, #tpu.memory_space<vmem>> -> memref<128xi32, #tpu.memory_space<vmem>>
    %dma_start3A_421 = arith.constant 0 : i32
    %dma_start3A_422 = arith.constant 0 : i32
    %dma_start3A_423 = tpu.memref_slice %arg2[%dma_start3A_421, %dma_start3A_422] : memref<274625x32xf32, #tpu.memory_space<hbm>> -> memref<274625x32xf32, #tpu.memory_space<hbm>>
    tpu.enqueue_indirect_dma source(%dma_start3A_423 : memref<274625x32xf32, #tpu.memory_space<hbm>>) target(%dma_start3A_418 : memref<128x32xf32, #tpu.memory_space<vmem>>) offsets(%dma_start3A_420 : memref<128xi32, #tpu.memory_space<vmem>>) semaphore(%arg7 : memref<!tpu.dma_semaphore, #tpu.memory_space<semaphore_mem>>)
    %dma_start3A_424 = arith.constant 640 : i32
    %dma_start3A_425 = arith.constant 0 : i32
    %dma_start3A_426 = tpu.memref_slice %arg6[%dma_start3A_424, %dma_start3A_425] : memref<1024x32xf32, #tpu.memory_space<vmem>> -> memref<128x32xf32, #tpu.memory_space<vmem>>
    %dma_start3A_427 = arith.constant 2688 : i32
    %dma_start3A_428 = tpu.memref_slice %arg5[%dma_start3A_427] : memref<4096xi32, #tpu.memory_space<vmem>> -> memref<128xi32, #tpu.memory_space<vmem>>
    %dma_start3A_429 = arith.constant 0 : i32
    %dma_start3A_430 = arith.constant 0 : i32
    %dma_start3A_431 = tpu.memref_slice %arg2[%dma_start3A_429, %dma_start3A_430] : memref<274625x32xf32, #tpu.memory_space<hbm>> -> memref<274625x32xf32, #tpu.memory_space<hbm>>
    tpu.enqueue_indirect_dma source(%dma_start3A_431 : memref<274625x32xf32, #tpu.memory_space<hbm>>) target(%dma_start3A_426 : memref<128x32xf32, #tpu.memory_space<vmem>>) offsets(%dma_start3A_428 : memref<128xi32, #tpu.memory_space<vmem>>) semaphore(%arg7 : memref<!tpu.dma_semaphore, #tpu.memory_space<semaphore_mem>>)
    %dma_start3A_432 = arith.constant 768 : i32
    %dma_start3A_433 = arith.constant 0 : i32
    %dma_start3A_434 = tpu.memref_slice %arg6[%dma_start3A_432, %dma_start3A_433] : memref<1024x32xf32, #tpu.memory_space<vmem>> -> memref<128x32xf32, #tpu.memory_space<vmem>>
    %dma_start3A_435 = arith.constant 2816 : i32
    %dma_start3A_436 = tpu.memref_slice %arg5[%dma_start3A_435] : memref<4096xi32, #tpu.memory_space<vmem>> -> memref<128xi32, #tpu.memory_space<vmem>>
    %dma_start3A_437 = arith.constant 0 : i32
    %dma_start3A_438 = arith.constant 0 : i32
    %dma_start3A_439 = tpu.memref_slice %arg2[%dma_start3A_437, %dma_start3A_438] : memref<274625x32xf32, #tpu.memory_space<hbm>> -> memref<274625x32xf32, #tpu.memory_space<hbm>>
    tpu.enqueue_indirect_dma source(%dma_start3A_439 : memref<274625x32xf32, #tpu.memory_space<hbm>>) target(%dma_start3A_434 : memref<128x32xf32, #tpu.memory_space<vmem>>) offsets(%dma_start3A_436 : memref<128xi32, #tpu.memory_space<vmem>>) semaphore(%arg7 : memref<!tpu.dma_semaphore, #tpu.memory_space<semaphore_mem>>)
    %dma_start3A_440 = arith.constant 896 : i32
    %dma_start3A_441 = arith.constant 0 : i32
    %dma_start3A_442 = tpu.memref_slice %arg6[%dma_start3A_440, %dma_start3A_441] : memref<1024x32xf32, #tpu.memory_space<vmem>> -> memref<128x32xf32, #tpu.memory_space<vmem>>
    %dma_start3A_443 = arith.constant 2944 : i32
    %dma_start3A_444 = tpu.memref_slice %arg5[%dma_start3A_443] : memref<4096xi32, #tpu.memory_space<vmem>> -> memref<128xi32, #tpu.memory_space<vmem>>
    %dma_start3A_445 = arith.constant 0 : i32
    %dma_start3A_446 = arith.constant 0 : i32
    %dma_start3A_447 = tpu.memref_slice %arg2[%dma_start3A_445, %dma_start3A_446] : memref<274625x32xf32, #tpu.memory_space<hbm>> -> memref<274625x32xf32, #tpu.memory_space<hbm>>
    tpu.enqueue_indirect_dma source(%dma_start3A_447 : memref<274625x32xf32, #tpu.memory_space<hbm>>) target(%dma_start3A_442 : memref<128x32xf32, #tpu.memory_space<vmem>>) offsets(%dma_start3A_444 : memref<128xi32, #tpu.memory_space<vmem>>) semaphore(%arg7 : memref<!tpu.dma_semaphore, #tpu.memory_space<semaphore_mem>>)
    %dma_wait3A_448 = arith.constant 0 : i32
    %dma_wait3A_449 = arith.constant 0 : i32
    %dma_wait3A_450 = tpu.memref_slice %arg6[%dma_wait3A_448, %dma_wait3A_449] : memref<1024x32xf32, #tpu.memory_space<vmem>> -> memref<128x32xf32, #tpu.memory_space<vmem>>
    %dma_wait3A_451 = arith.constant 2048 : i32
    %dma_wait3A_452 = tpu.memref_slice %arg5[%dma_wait3A_451] : memref<4096xi32, #tpu.memory_space<vmem>> -> memref<128xi32, #tpu.memory_space<vmem>>
    %dma_wait3A_453 = arith.constant 0 : i32
    %dma_wait3A_454 = arith.constant 0 : i32
    %dma_wait3A_455 = tpu.memref_slice %arg2[%dma_wait3A_453, %dma_wait3A_454] : memref<274625x32xf32, #tpu.memory_space<hbm>> -> memref<274625x32xf32, #tpu.memory_space<hbm>>
    tpu.wait_indirect_dma semaphore(%arg7 : memref<!tpu.dma_semaphore, #tpu.memory_space<semaphore_mem>>) src(%dma_wait3A_455 : memref<274625x32xf32, #tpu.memory_space<hbm>>) dst(%dma_wait3A_450 : memref<128x32xf32, #tpu.memory_space<vmem>>)
    %dma_wait3A_456 = arith.constant 128 : i32
    %dma_wait3A_457 = arith.constant 0 : i32
    %dma_wait3A_458 = tpu.memref_slice %arg6[%dma_wait3A_456, %dma_wait3A_457] : memref<1024x32xf32, #tpu.memory_space<vmem>> -> memref<128x32xf32, #tpu.memory_space<vmem>>
    %dma_wait3A_459 = arith.constant 2176 : i32
    %dma_wait3A_460 = tpu.memref_slice %arg5[%dma_wait3A_459] : memref<4096xi32, #tpu.memory_space<vmem>> -> memref<128xi32, #tpu.memory_space<vmem>>
    %dma_wait3A_461 = arith.constant 0 : i32
    %dma_wait3A_462 = arith.constant 0 : i32
    %dma_wait3A_463 = tpu.memref_slice %arg2[%dma_wait3A_461, %dma_wait3A_462] : memref<274625x32xf32, #tpu.memory_space<hbm>> -> memref<274625x32xf32, #tpu.memory_space<hbm>>
    tpu.wait_indirect_dma semaphore(%arg7 : memref<!tpu.dma_semaphore, #tpu.memory_space<semaphore_mem>>) src(%dma_wait3A_463 : memref<274625x32xf32, #tpu.memory_space<hbm>>) dst(%dma_wait3A_458 : memref<128x32xf32, #tpu.memory_space<vmem>>)
    %dma_wait3A_464 = arith.constant 256 : i32
    %dma_wait3A_465 = arith.constant 0 : i32
    %dma_wait3A_466 = tpu.memref_slice %arg6[%dma_wait3A_464, %dma_wait3A_465] : memref<1024x32xf32, #tpu.memory_space<vmem>> -> memref<128x32xf32, #tpu.memory_space<vmem>>
    %dma_wait3A_467 = arith.constant 2304 : i32
    %dma_wait3A_468 = tpu.memref_slice %arg5[%dma_wait3A_467] : memref<4096xi32, #tpu.memory_space<vmem>> -> memref<128xi32, #tpu.memory_space<vmem>>
    %dma_wait3A_469 = arith.constant 0 : i32
    %dma_wait3A_470 = arith.constant 0 : i32
    %dma_wait3A_471 = tpu.memref_slice %arg2[%dma_wait3A_469, %dma_wait3A_470] : memref<274625x32xf32, #tpu.memory_space<hbm>> -> memref<274625x32xf32, #tpu.memory_space<hbm>>
    tpu.wait_indirect_dma semaphore(%arg7 : memref<!tpu.dma_semaphore, #tpu.memory_space<semaphore_mem>>) src(%dma_wait3A_471 : memref<274625x32xf32, #tpu.memory_space<hbm>>) dst(%dma_wait3A_466 : memref<128x32xf32, #tpu.memory_space<vmem>>)
    %dma_wait3A_472 = arith.constant 384 : i32
    %dma_wait3A_473 = arith.constant 0 : i32
    %dma_wait3A_474 = tpu.memref_slice %arg6[%dma_wait3A_472, %dma_wait3A_473] : memref<1024x32xf32, #tpu.memory_space<vmem>> -> memref<128x32xf32, #tpu.memory_space<vmem>>
    %dma_wait3A_475 = arith.constant 2432 : i32
    %dma_wait3A_476 = tpu.memref_slice %arg5[%dma_wait3A_475] : memref<4096xi32, #tpu.memory_space<vmem>> -> memref<128xi32, #tpu.memory_space<vmem>>
    %dma_wait3A_477 = arith.constant 0 : i32
    %dma_wait3A_478 = arith.constant 0 : i32
    %dma_wait3A_479 = tpu.memref_slice %arg2[%dma_wait3A_477, %dma_wait3A_478] : memref<274625x32xf32, #tpu.memory_space<hbm>> -> memref<274625x32xf32, #tpu.memory_space<hbm>>
    tpu.wait_indirect_dma semaphore(%arg7 : memref<!tpu.dma_semaphore, #tpu.memory_space<semaphore_mem>>) src(%dma_wait3A_479 : memref<274625x32xf32, #tpu.memory_space<hbm>>) dst(%dma_wait3A_474 : memref<128x32xf32, #tpu.memory_space<vmem>>)
    %dma_wait3A_480 = arith.constant 512 : i32
    %dma_wait3A_481 = arith.constant 0 : i32
    %dma_wait3A_482 = tpu.memref_slice %arg6[%dma_wait3A_480, %dma_wait3A_481] : memref<1024x32xf32, #tpu.memory_space<vmem>> -> memref<128x32xf32, #tpu.memory_space<vmem>>
    %dma_wait3A_483 = arith.constant 2560 : i32
    %dma_wait3A_484 = tpu.memref_slice %arg5[%dma_wait3A_483] : memref<4096xi32, #tpu.memory_space<vmem>> -> memref<128xi32, #tpu.memory_space<vmem>>
    %dma_wait3A_485 = arith.constant 0 : i32
    %dma_wait3A_486 = arith.constant 0 : i32
    %dma_wait3A_487 = tpu.memref_slice %arg2[%dma_wait3A_485, %dma_wait3A_486] : memref<274625x32xf32, #tpu.memory_space<hbm>> -> memref<274625x32xf32, #tpu.memory_space<hbm>>
    tpu.wait_indirect_dma semaphore(%arg7 : memref<!tpu.dma_semaphore, #tpu.memory_space<semaphore_mem>>) src(%dma_wait3A_487 : memref<274625x32xf32, #tpu.memory_space<hbm>>) dst(%dma_wait3A_482 : memref<128x32xf32, #tpu.memory_space<vmem>>)
    %dma_wait3A_488 = arith.constant 640 : i32
    %dma_wait3A_489 = arith.constant 0 : i32
    %dma_wait3A_490 = tpu.memref_slice %arg6[%dma_wait3A_488, %dma_wait3A_489] : memref<1024x32xf32, #tpu.memory_space<vmem>> -> memref<128x32xf32, #tpu.memory_space<vmem>>
    %dma_wait3A_491 = arith.constant 2688 : i32
    %dma_wait3A_492 = tpu.memref_slice %arg5[%dma_wait3A_491] : memref<4096xi32, #tpu.memory_space<vmem>> -> memref<128xi32, #tpu.memory_space<vmem>>
    %dma_wait3A_493 = arith.constant 0 : i32
    %dma_wait3A_494 = arith.constant 0 : i32
    %dma_wait3A_495 = tpu.memref_slice %arg2[%dma_wait3A_493, %dma_wait3A_494] : memref<274625x32xf32, #tpu.memory_space<hbm>> -> memref<274625x32xf32, #tpu.memory_space<hbm>>
    tpu.wait_indirect_dma semaphore(%arg7 : memref<!tpu.dma_semaphore, #tpu.memory_space<semaphore_mem>>) src(%dma_wait3A_495 : memref<274625x32xf32, #tpu.memory_space<hbm>>) dst(%dma_wait3A_490 : memref<128x32xf32, #tpu.memory_space<vmem>>)
    %dma_wait3A_496 = arith.constant 768 : i32
    %dma_wait3A_497 = arith.constant 0 : i32
    %dma_wait3A_498 = tpu.memref_slice %arg6[%dma_wait3A_496, %dma_wait3A_497] : memref<1024x32xf32, #tpu.memory_space<vmem>> -> memref<128x32xf32, #tpu.memory_space<vmem>>
    %dma_wait3A_499 = arith.constant 2816 : i32
    %dma_wait3A_500 = tpu.memref_slice %arg5[%dma_wait3A_499] : memref<4096xi32, #tpu.memory_space<vmem>> -> memref<128xi32, #tpu.memory_space<vmem>>
    %dma_wait3A_501 = arith.constant 0 : i32
    %dma_wait3A_502 = arith.constant 0 : i32
    %dma_wait3A_503 = tpu.memref_slice %arg2[%dma_wait3A_501, %dma_wait3A_502] : memref<274625x32xf32, #tpu.memory_space<hbm>> -> memref<274625x32xf32, #tpu.memory_space<hbm>>
    tpu.wait_indirect_dma semaphore(%arg7 : memref<!tpu.dma_semaphore, #tpu.memory_space<semaphore_mem>>) src(%dma_wait3A_503 : memref<274625x32xf32, #tpu.memory_space<hbm>>) dst(%dma_wait3A_498 : memref<128x32xf32, #tpu.memory_space<vmem>>)
    %dma_wait3A_504 = arith.constant 896 : i32
    %dma_wait3A_505 = arith.constant 0 : i32
    %dma_wait3A_506 = tpu.memref_slice %arg6[%dma_wait3A_504, %dma_wait3A_505] : memref<1024x32xf32, #tpu.memory_space<vmem>> -> memref<128x32xf32, #tpu.memory_space<vmem>>
    %dma_wait3A_507 = arith.constant 2944 : i32
    %dma_wait3A_508 = tpu.memref_slice %arg5[%dma_wait3A_507] : memref<4096xi32, #tpu.memory_space<vmem>> -> memref<128xi32, #tpu.memory_space<vmem>>
    %dma_wait3A_509 = arith.constant 0 : i32
    %dma_wait3A_510 = arith.constant 0 : i32
    %dma_wait3A_511 = tpu.memref_slice %arg2[%dma_wait3A_509, %dma_wait3A_510] : memref<274625x32xf32, #tpu.memory_space<hbm>> -> memref<274625x32xf32, #tpu.memory_space<hbm>>
    tpu.wait_indirect_dma semaphore(%arg7 : memref<!tpu.dma_semaphore, #tpu.memory_space<semaphore_mem>>) src(%dma_wait3A_511 : memref<274625x32xf32, #tpu.memory_space<hbm>>) dst(%dma_wait3A_506 : memref<128x32xf32, #tpu.memory_space<vmem>>)
    %add3A_512 = arith.constant 2048 : i32
    %add3A_513 = arith.addi %mul3A_2, %add3A_512 : i32
    "tpu.region"() ({
      %run_scoped3A = tpu.sem_alloc : memref<!tpu.dma_semaphore, #tpu.memory_space<semaphore_mem>>
      %dma_start3A_644 = arith.constant 0 : i32
      %dma_start3A_645 = tpu.memref_slice %arg4[%add3A_513, %dma_start3A_644] : memref<131072x32xf32, #tpu.memory_space<hbm>> -> memref<1024x32xf32, #tpu.memory_space<hbm>>
      %dma_start3A_646 = arith.constant 0 : i32
      %dma_start3A_647 = tpu.memref_slice %arg4[%add3A_513, %dma_start3A_646] : memref<131072x32xf32, #tpu.memory_space<hbm>> -> memref<1024x32xf32, #tpu.memory_space<hbm>>
      tpu.enqueue_dma source(%arg6 : memref<1024x32xf32, #tpu.memory_space<vmem>>) target(%dma_start3A_647 : memref<1024x32xf32, #tpu.memory_space<hbm>>) target_semaphore(%run_scoped3A : memref<!tpu.dma_semaphore, #tpu.memory_space<semaphore_mem>>)
      %dma_wait3A_648 = arith.constant 0 : i32
      %dma_wait3A_649 = tpu.memref_slice %arg4[%add3A_513, %dma_wait3A_648] : memref<131072x32xf32, #tpu.memory_space<hbm>> -> memref<1024x32xf32, #tpu.memory_space<hbm>>
      %dma_wait3A_650 = arith.constant 0 : i32
      %dma_wait3A_651 = tpu.memref_slice %arg4[%add3A_513, %dma_wait3A_650] : memref<131072x32xf32, #tpu.memory_space<hbm>> -> memref<1024x32xf32, #tpu.memory_space<hbm>>
      tpu.wait_dma2 semaphore(%run_scoped3A : memref<!tpu.dma_semaphore, #tpu.memory_space<semaphore_mem>>) src(%arg6 : memref<1024x32xf32, #tpu.memory_space<vmem>>) dst(%dma_wait3A_651 : memref<1024x32xf32, #tpu.memory_space<hbm>>)
      tpu.yield
    }) : () -> ()
    %dma_start3A_514 = arith.constant 0 : i32
    %dma_start3A_515 = arith.constant 0 : i32
    %dma_start3A_516 = tpu.memref_slice %arg6[%dma_start3A_514, %dma_start3A_515] : memref<1024x32xf32, #tpu.memory_space<vmem>> -> memref<128x32xf32, #tpu.memory_space<vmem>>
    %dma_start3A_517 = arith.constant 3072 : i32
    %dma_start3A_518 = tpu.memref_slice %arg5[%dma_start3A_517] : memref<4096xi32, #tpu.memory_space<vmem>> -> memref<128xi32, #tpu.memory_space<vmem>>
    %dma_start3A_519 = arith.constant 0 : i32
    %dma_start3A_520 = arith.constant 0 : i32
    %dma_start3A_521 = tpu.memref_slice %arg2[%dma_start3A_519, %dma_start3A_520] : memref<274625x32xf32, #tpu.memory_space<hbm>> -> memref<274625x32xf32, #tpu.memory_space<hbm>>
    tpu.enqueue_indirect_dma source(%dma_start3A_521 : memref<274625x32xf32, #tpu.memory_space<hbm>>) target(%dma_start3A_516 : memref<128x32xf32, #tpu.memory_space<vmem>>) offsets(%dma_start3A_518 : memref<128xi32, #tpu.memory_space<vmem>>) semaphore(%arg7 : memref<!tpu.dma_semaphore, #tpu.memory_space<semaphore_mem>>)
    %dma_start3A_522 = arith.constant 128 : i32
    %dma_start3A_523 = arith.constant 0 : i32
    %dma_start3A_524 = tpu.memref_slice %arg6[%dma_start3A_522, %dma_start3A_523] : memref<1024x32xf32, #tpu.memory_space<vmem>> -> memref<128x32xf32, #tpu.memory_space<vmem>>
    %dma_start3A_525 = arith.constant 3200 : i32
    %dma_start3A_526 = tpu.memref_slice %arg5[%dma_start3A_525] : memref<4096xi32, #tpu.memory_space<vmem>> -> memref<128xi32, #tpu.memory_space<vmem>>
    %dma_start3A_527 = arith.constant 0 : i32
    %dma_start3A_528 = arith.constant 0 : i32
    %dma_start3A_529 = tpu.memref_slice %arg2[%dma_start3A_527, %dma_start3A_528] : memref<274625x32xf32, #tpu.memory_space<hbm>> -> memref<274625x32xf32, #tpu.memory_space<hbm>>
    tpu.enqueue_indirect_dma source(%dma_start3A_529 : memref<274625x32xf32, #tpu.memory_space<hbm>>) target(%dma_start3A_524 : memref<128x32xf32, #tpu.memory_space<vmem>>) offsets(%dma_start3A_526 : memref<128xi32, #tpu.memory_space<vmem>>) semaphore(%arg7 : memref<!tpu.dma_semaphore, #tpu.memory_space<semaphore_mem>>)
    %dma_start3A_530 = arith.constant 256 : i32
    %dma_start3A_531 = arith.constant 0 : i32
    %dma_start3A_532 = tpu.memref_slice %arg6[%dma_start3A_530, %dma_start3A_531] : memref<1024x32xf32, #tpu.memory_space<vmem>> -> memref<128x32xf32, #tpu.memory_space<vmem>>
    %dma_start3A_533 = arith.constant 3328 : i32
    %dma_start3A_534 = tpu.memref_slice %arg5[%dma_start3A_533] : memref<4096xi32, #tpu.memory_space<vmem>> -> memref<128xi32, #tpu.memory_space<vmem>>
    %dma_start3A_535 = arith.constant 0 : i32
    %dma_start3A_536 = arith.constant 0 : i32
    %dma_start3A_537 = tpu.memref_slice %arg2[%dma_start3A_535, %dma_start3A_536] : memref<274625x32xf32, #tpu.memory_space<hbm>> -> memref<274625x32xf32, #tpu.memory_space<hbm>>
    tpu.enqueue_indirect_dma source(%dma_start3A_537 : memref<274625x32xf32, #tpu.memory_space<hbm>>) target(%dma_start3A_532 : memref<128x32xf32, #tpu.memory_space<vmem>>) offsets(%dma_start3A_534 : memref<128xi32, #tpu.memory_space<vmem>>) semaphore(%arg7 : memref<!tpu.dma_semaphore, #tpu.memory_space<semaphore_mem>>)
    %dma_start3A_538 = arith.constant 384 : i32
    %dma_start3A_539 = arith.constant 0 : i32
    %dma_start3A_540 = tpu.memref_slice %arg6[%dma_start3A_538, %dma_start3A_539] : memref<1024x32xf32, #tpu.memory_space<vmem>> -> memref<128x32xf32, #tpu.memory_space<vmem>>
    %dma_start3A_541 = arith.constant 3456 : i32
    %dma_start3A_542 = tpu.memref_slice %arg5[%dma_start3A_541] : memref<4096xi32, #tpu.memory_space<vmem>> -> memref<128xi32, #tpu.memory_space<vmem>>
    %dma_start3A_543 = arith.constant 0 : i32
    %dma_start3A_544 = arith.constant 0 : i32
    %dma_start3A_545 = tpu.memref_slice %arg2[%dma_start3A_543, %dma_start3A_544] : memref<274625x32xf32, #tpu.memory_space<hbm>> -> memref<274625x32xf32, #tpu.memory_space<hbm>>
    tpu.enqueue_indirect_dma source(%dma_start3A_545 : memref<274625x32xf32, #tpu.memory_space<hbm>>) target(%dma_start3A_540 : memref<128x32xf32, #tpu.memory_space<vmem>>) offsets(%dma_start3A_542 : memref<128xi32, #tpu.memory_space<vmem>>) semaphore(%arg7 : memref<!tpu.dma_semaphore, #tpu.memory_space<semaphore_mem>>)
    %dma_start3A_546 = arith.constant 512 : i32
    %dma_start3A_547 = arith.constant 0 : i32
    %dma_start3A_548 = tpu.memref_slice %arg6[%dma_start3A_546, %dma_start3A_547] : memref<1024x32xf32, #tpu.memory_space<vmem>> -> memref<128x32xf32, #tpu.memory_space<vmem>>
    %dma_start3A_549 = arith.constant 3584 : i32
    %dma_start3A_550 = tpu.memref_slice %arg5[%dma_start3A_549] : memref<4096xi32, #tpu.memory_space<vmem>> -> memref<128xi32, #tpu.memory_space<vmem>>
    %dma_start3A_551 = arith.constant 0 : i32
    %dma_start3A_552 = arith.constant 0 : i32
    %dma_start3A_553 = tpu.memref_slice %arg2[%dma_start3A_551, %dma_start3A_552] : memref<274625x32xf32, #tpu.memory_space<hbm>> -> memref<274625x32xf32, #tpu.memory_space<hbm>>
    tpu.enqueue_indirect_dma source(%dma_start3A_553 : memref<274625x32xf32, #tpu.memory_space<hbm>>) target(%dma_start3A_548 : memref<128x32xf32, #tpu.memory_space<vmem>>) offsets(%dma_start3A_550 : memref<128xi32, #tpu.memory_space<vmem>>) semaphore(%arg7 : memref<!tpu.dma_semaphore, #tpu.memory_space<semaphore_mem>>)
    %dma_start3A_554 = arith.constant 640 : i32
    %dma_start3A_555 = arith.constant 0 : i32
    %dma_start3A_556 = tpu.memref_slice %arg6[%dma_start3A_554, %dma_start3A_555] : memref<1024x32xf32, #tpu.memory_space<vmem>> -> memref<128x32xf32, #tpu.memory_space<vmem>>
    %dma_start3A_557 = arith.constant 3712 : i32
    %dma_start3A_558 = tpu.memref_slice %arg5[%dma_start3A_557] : memref<4096xi32, #tpu.memory_space<vmem>> -> memref<128xi32, #tpu.memory_space<vmem>>
    %dma_start3A_559 = arith.constant 0 : i32
    %dma_start3A_560 = arith.constant 0 : i32
    %dma_start3A_561 = tpu.memref_slice %arg2[%dma_start3A_559, %dma_start3A_560] : memref<274625x32xf32, #tpu.memory_space<hbm>> -> memref<274625x32xf32, #tpu.memory_space<hbm>>
    tpu.enqueue_indirect_dma source(%dma_start3A_561 : memref<274625x32xf32, #tpu.memory_space<hbm>>) target(%dma_start3A_556 : memref<128x32xf32, #tpu.memory_space<vmem>>) offsets(%dma_start3A_558 : memref<128xi32, #tpu.memory_space<vmem>>) semaphore(%arg7 : memref<!tpu.dma_semaphore, #tpu.memory_space<semaphore_mem>>)
    %dma_start3A_562 = arith.constant 768 : i32
    %dma_start3A_563 = arith.constant 0 : i32
    %dma_start3A_564 = tpu.memref_slice %arg6[%dma_start3A_562, %dma_start3A_563] : memref<1024x32xf32, #tpu.memory_space<vmem>> -> memref<128x32xf32, #tpu.memory_space<vmem>>
    %dma_start3A_565 = arith.constant 3840 : i32
    %dma_start3A_566 = tpu.memref_slice %arg5[%dma_start3A_565] : memref<4096xi32, #tpu.memory_space<vmem>> -> memref<128xi32, #tpu.memory_space<vmem>>
    %dma_start3A_567 = arith.constant 0 : i32
    %dma_start3A_568 = arith.constant 0 : i32
    %dma_start3A_569 = tpu.memref_slice %arg2[%dma_start3A_567, %dma_start3A_568] : memref<274625x32xf32, #tpu.memory_space<hbm>> -> memref<274625x32xf32, #tpu.memory_space<hbm>>
    tpu.enqueue_indirect_dma source(%dma_start3A_569 : memref<274625x32xf32, #tpu.memory_space<hbm>>) target(%dma_start3A_564 : memref<128x32xf32, #tpu.memory_space<vmem>>) offsets(%dma_start3A_566 : memref<128xi32, #tpu.memory_space<vmem>>) semaphore(%arg7 : memref<!tpu.dma_semaphore, #tpu.memory_space<semaphore_mem>>)
    %dma_start3A_570 = arith.constant 896 : i32
    %dma_start3A_571 = arith.constant 0 : i32
    %dma_start3A_572 = tpu.memref_slice %arg6[%dma_start3A_570, %dma_start3A_571] : memref<1024x32xf32, #tpu.memory_space<vmem>> -> memref<128x32xf32, #tpu.memory_space<vmem>>
    %dma_start3A_573 = arith.constant 3968 : i32
    %dma_start3A_574 = tpu.memref_slice %arg5[%dma_start3A_573] : memref<4096xi32, #tpu.memory_space<vmem>> -> memref<128xi32, #tpu.memory_space<vmem>>
    %dma_start3A_575 = arith.constant 0 : i32
    %dma_start3A_576 = arith.constant 0 : i32
    %dma_start3A_577 = tpu.memref_slice %arg2[%dma_start3A_575, %dma_start3A_576] : memref<274625x32xf32, #tpu.memory_space<hbm>> -> memref<274625x32xf32, #tpu.memory_space<hbm>>
    tpu.enqueue_indirect_dma source(%dma_start3A_577 : memref<274625x32xf32, #tpu.memory_space<hbm>>) target(%dma_start3A_572 : memref<128x32xf32, #tpu.memory_space<vmem>>) offsets(%dma_start3A_574 : memref<128xi32, #tpu.memory_space<vmem>>) semaphore(%arg7 : memref<!tpu.dma_semaphore, #tpu.memory_space<semaphore_mem>>)
    %dma_wait3A_578 = arith.constant 0 : i32
    %dma_wait3A_579 = arith.constant 0 : i32
    %dma_wait3A_580 = tpu.memref_slice %arg6[%dma_wait3A_578, %dma_wait3A_579] : memref<1024x32xf32, #tpu.memory_space<vmem>> -> memref<128x32xf32, #tpu.memory_space<vmem>>
    %dma_wait3A_581 = arith.constant 3072 : i32
    %dma_wait3A_582 = tpu.memref_slice %arg5[%dma_wait3A_581] : memref<4096xi32, #tpu.memory_space<vmem>> -> memref<128xi32, #tpu.memory_space<vmem>>
    %dma_wait3A_583 = arith.constant 0 : i32
    %dma_wait3A_584 = arith.constant 0 : i32
    %dma_wait3A_585 = tpu.memref_slice %arg2[%dma_wait3A_583, %dma_wait3A_584] : memref<274625x32xf32, #tpu.memory_space<hbm>> -> memref<274625x32xf32, #tpu.memory_space<hbm>>
    tpu.wait_indirect_dma semaphore(%arg7 : memref<!tpu.dma_semaphore, #tpu.memory_space<semaphore_mem>>) src(%dma_wait3A_585 : memref<274625x32xf32, #tpu.memory_space<hbm>>) dst(%dma_wait3A_580 : memref<128x32xf32, #tpu.memory_space<vmem>>)
    %dma_wait3A_586 = arith.constant 128 : i32
    %dma_wait3A_587 = arith.constant 0 : i32
    %dma_wait3A_588 = tpu.memref_slice %arg6[%dma_wait3A_586, %dma_wait3A_587] : memref<1024x32xf32, #tpu.memory_space<vmem>> -> memref<128x32xf32, #tpu.memory_space<vmem>>
    %dma_wait3A_589 = arith.constant 3200 : i32
    %dma_wait3A_590 = tpu.memref_slice %arg5[%dma_wait3A_589] : memref<4096xi32, #tpu.memory_space<vmem>> -> memref<128xi32, #tpu.memory_space<vmem>>
    %dma_wait3A_591 = arith.constant 0 : i32
    %dma_wait3A_592 = arith.constant 0 : i32
    %dma_wait3A_593 = tpu.memref_slice %arg2[%dma_wait3A_591, %dma_wait3A_592] : memref<274625x32xf32, #tpu.memory_space<hbm>> -> memref<274625x32xf32, #tpu.memory_space<hbm>>
    tpu.wait_indirect_dma semaphore(%arg7 : memref<!tpu.dma_semaphore, #tpu.memory_space<semaphore_mem>>) src(%dma_wait3A_593 : memref<274625x32xf32, #tpu.memory_space<hbm>>) dst(%dma_wait3A_588 : memref<128x32xf32, #tpu.memory_space<vmem>>)
    %dma_wait3A_594 = arith.constant 256 : i32
    %dma_wait3A_595 = arith.constant 0 : i32
    %dma_wait3A_596 = tpu.memref_slice %arg6[%dma_wait3A_594, %dma_wait3A_595] : memref<1024x32xf32, #tpu.memory_space<vmem>> -> memref<128x32xf32, #tpu.memory_space<vmem>>
    %dma_wait3A_597 = arith.constant 3328 : i32
    %dma_wait3A_598 = tpu.memref_slice %arg5[%dma_wait3A_597] : memref<4096xi32, #tpu.memory_space<vmem>> -> memref<128xi32, #tpu.memory_space<vmem>>
    %dma_wait3A_599 = arith.constant 0 : i32
    %dma_wait3A_600 = arith.constant 0 : i32
    %dma_wait3A_601 = tpu.memref_slice %arg2[%dma_wait3A_599, %dma_wait3A_600] : memref<274625x32xf32, #tpu.memory_space<hbm>> -> memref<274625x32xf32, #tpu.memory_space<hbm>>
    tpu.wait_indirect_dma semaphore(%arg7 : memref<!tpu.dma_semaphore, #tpu.memory_space<semaphore_mem>>) src(%dma_wait3A_601 : memref<274625x32xf32, #tpu.memory_space<hbm>>) dst(%dma_wait3A_596 : memref<128x32xf32, #tpu.memory_space<vmem>>)
    %dma_wait3A_602 = arith.constant 384 : i32
    %dma_wait3A_603 = arith.constant 0 : i32
    %dma_wait3A_604 = tpu.memref_slice %arg6[%dma_wait3A_602, %dma_wait3A_603] : memref<1024x32xf32, #tpu.memory_space<vmem>> -> memref<128x32xf32, #tpu.memory_space<vmem>>
    %dma_wait3A_605 = arith.constant 3456 : i32
    %dma_wait3A_606 = tpu.memref_slice %arg5[%dma_wait3A_605] : memref<4096xi32, #tpu.memory_space<vmem>> -> memref<128xi32, #tpu.memory_space<vmem>>
    %dma_wait3A_607 = arith.constant 0 : i32
    %dma_wait3A_608 = arith.constant 0 : i32
    %dma_wait3A_609 = tpu.memref_slice %arg2[%dma_wait3A_607, %dma_wait3A_608] : memref<274625x32xf32, #tpu.memory_space<hbm>> -> memref<274625x32xf32, #tpu.memory_space<hbm>>
    tpu.wait_indirect_dma semaphore(%arg7 : memref<!tpu.dma_semaphore, #tpu.memory_space<semaphore_mem>>) src(%dma_wait3A_609 : memref<274625x32xf32, #tpu.memory_space<hbm>>) dst(%dma_wait3A_604 : memref<128x32xf32, #tpu.memory_space<vmem>>)
    %dma_wait3A_610 = arith.constant 512 : i32
    %dma_wait3A_611 = arith.constant 0 : i32
    %dma_wait3A_612 = tpu.memref_slice %arg6[%dma_wait3A_610, %dma_wait3A_611] : memref<1024x32xf32, #tpu.memory_space<vmem>> -> memref<128x32xf32, #tpu.memory_space<vmem>>
    %dma_wait3A_613 = arith.constant 3584 : i32
    %dma_wait3A_614 = tpu.memref_slice %arg5[%dma_wait3A_613] : memref<4096xi32, #tpu.memory_space<vmem>> -> memref<128xi32, #tpu.memory_space<vmem>>
    %dma_wait3A_615 = arith.constant 0 : i32
    %dma_wait3A_616 = arith.constant 0 : i32
    %dma_wait3A_617 = tpu.memref_slice %arg2[%dma_wait3A_615, %dma_wait3A_616] : memref<274625x32xf32, #tpu.memory_space<hbm>> -> memref<274625x32xf32, #tpu.memory_space<hbm>>
    tpu.wait_indirect_dma semaphore(%arg7 : memref<!tpu.dma_semaphore, #tpu.memory_space<semaphore_mem>>) src(%dma_wait3A_617 : memref<274625x32xf32, #tpu.memory_space<hbm>>) dst(%dma_wait3A_612 : memref<128x32xf32, #tpu.memory_space<vmem>>)
    %dma_wait3A_618 = arith.constant 640 : i32
    %dma_wait3A_619 = arith.constant 0 : i32
    %dma_wait3A_620 = tpu.memref_slice %arg6[%dma_wait3A_618, %dma_wait3A_619] : memref<1024x32xf32, #tpu.memory_space<vmem>> -> memref<128x32xf32, #tpu.memory_space<vmem>>
    %dma_wait3A_621 = arith.constant 3712 : i32
    %dma_wait3A_622 = tpu.memref_slice %arg5[%dma_wait3A_621] : memref<4096xi32, #tpu.memory_space<vmem>> -> memref<128xi32, #tpu.memory_space<vmem>>
    %dma_wait3A_623 = arith.constant 0 : i32
    %dma_wait3A_624 = arith.constant 0 : i32
    %dma_wait3A_625 = tpu.memref_slice %arg2[%dma_wait3A_623, %dma_wait3A_624] : memref<274625x32xf32, #tpu.memory_space<hbm>> -> memref<274625x32xf32, #tpu.memory_space<hbm>>
    tpu.wait_indirect_dma semaphore(%arg7 : memref<!tpu.dma_semaphore, #tpu.memory_space<semaphore_mem>>) src(%dma_wait3A_625 : memref<274625x32xf32, #tpu.memory_space<hbm>>) dst(%dma_wait3A_620 : memref<128x32xf32, #tpu.memory_space<vmem>>)
    %dma_wait3A_626 = arith.constant 768 : i32
    %dma_wait3A_627 = arith.constant 0 : i32
    %dma_wait3A_628 = tpu.memref_slice %arg6[%dma_wait3A_626, %dma_wait3A_627] : memref<1024x32xf32, #tpu.memory_space<vmem>> -> memref<128x32xf32, #tpu.memory_space<vmem>>
    %dma_wait3A_629 = arith.constant 3840 : i32
    %dma_wait3A_630 = tpu.memref_slice %arg5[%dma_wait3A_629] : memref<4096xi32, #tpu.memory_space<vmem>> -> memref<128xi32, #tpu.memory_space<vmem>>
    %dma_wait3A_631 = arith.constant 0 : i32
    %dma_wait3A_632 = arith.constant 0 : i32
    %dma_wait3A_633 = tpu.memref_slice %arg2[%dma_wait3A_631, %dma_wait3A_632] : memref<274625x32xf32, #tpu.memory_space<hbm>> -> memref<274625x32xf32, #tpu.memory_space<hbm>>
    tpu.wait_indirect_dma semaphore(%arg7 : memref<!tpu.dma_semaphore, #tpu.memory_space<semaphore_mem>>) src(%dma_wait3A_633 : memref<274625x32xf32, #tpu.memory_space<hbm>>) dst(%dma_wait3A_628 : memref<128x32xf32, #tpu.memory_space<vmem>>)
    %dma_wait3A_634 = arith.constant 896 : i32
    %dma_wait3A_635 = arith.constant 0 : i32
    %dma_wait3A_636 = tpu.memref_slice %arg6[%dma_wait3A_634, %dma_wait3A_635] : memref<1024x32xf32, #tpu.memory_space<vmem>> -> memref<128x32xf32, #tpu.memory_space<vmem>>
    %dma_wait3A_637 = arith.constant 3968 : i32
    %dma_wait3A_638 = tpu.memref_slice %arg5[%dma_wait3A_637] : memref<4096xi32, #tpu.memory_space<vmem>> -> memref<128xi32, #tpu.memory_space<vmem>>
    %dma_wait3A_639 = arith.constant 0 : i32
    %dma_wait3A_640 = arith.constant 0 : i32
    %dma_wait3A_641 = tpu.memref_slice %arg2[%dma_wait3A_639, %dma_wait3A_640] : memref<274625x32xf32, #tpu.memory_space<hbm>> -> memref<274625x32xf32, #tpu.memory_space<hbm>>
    tpu.wait_indirect_dma semaphore(%arg7 : memref<!tpu.dma_semaphore, #tpu.memory_space<semaphore_mem>>) src(%dma_wait3A_641 : memref<274625x32xf32, #tpu.memory_space<hbm>>) dst(%dma_wait3A_636 : memref<128x32xf32, #tpu.memory_space<vmem>>)
    %add3A_642 = arith.constant 3072 : i32
    %add3A_643 = arith.addi %mul3A_2, %add3A_642 : i32
    "tpu.region"() ({
      %run_scoped3A = tpu.sem_alloc : memref<!tpu.dma_semaphore, #tpu.memory_space<semaphore_mem>>
      %dma_start3A_644 = arith.constant 0 : i32
      %dma_start3A_645 = tpu.memref_slice %arg4[%add3A_643, %dma_start3A_644] : memref<131072x32xf32, #tpu.memory_space<hbm>> -> memref<1024x32xf32, #tpu.memory_space<hbm>>
      %dma_start3A_646 = arith.constant 0 : i32
      %dma_start3A_647 = tpu.memref_slice %arg4[%add3A_643, %dma_start3A_646] : memref<131072x32xf32, #tpu.memory_space<hbm>> -> memref<1024x32xf32, #tpu.memory_space<hbm>>
      tpu.enqueue_dma source(%arg6 : memref<1024x32xf32, #tpu.memory_space<vmem>>) target(%dma_start3A_647 : memref<1024x32xf32, #tpu.memory_space<hbm>>) target_semaphore(%run_scoped3A : memref<!tpu.dma_semaphore, #tpu.memory_space<semaphore_mem>>)
      %dma_wait3A_648 = arith.constant 0 : i32
      %dma_wait3A_649 = tpu.memref_slice %arg4[%add3A_643, %dma_wait3A_648] : memref<131072x32xf32, #tpu.memory_space<hbm>> -> memref<1024x32xf32, #tpu.memory_space<hbm>>
      %dma_wait3A_650 = arith.constant 0 : i32
      %dma_wait3A_651 = tpu.memref_slice %arg4[%add3A_643, %dma_wait3A_650] : memref<131072x32xf32, #tpu.memory_space<hbm>> -> memref<1024x32xf32, #tpu.memory_space<hbm>>
      tpu.wait_dma2 semaphore(%run_scoped3A : memref<!tpu.dma_semaphore, #tpu.memory_space<semaphore_mem>>) src(%arg6 : memref<1024x32xf32, #tpu.memory_space<vmem>>) dst(%dma_wait3A_651 : memref<1024x32xf32, #tpu.memory_space<hbm>>)
      tpu.yield
    }) : () -> ()
    return
  }
}

module attributes {stable_mosaic.version = 14 : i64} {
  func.func @_vq_body(%arg0: i32, %arg1: memref<256x128xf32, #tpu.memory_space<vmem>>, %arg2: memref<512x32xf32, #tpu.memory_space<vmem>>, %arg3: memref<512x1xf32, #tpu.memory_space<vmem>>, %arg4: memref<1x4x256xi32, #tpu.memory_space<vmem>>, %arg5: memref<1x4x256xf32, #tpu.memory_space<vmem>>) attributes {dimension_semantics = [#tpu.dimension_semantics<arbitrary>], iteration_bounds = array<i64: 128>, scalar_prefetch = 0 : i64, scratch_operands = 0 : i64, tpu.core_type = #tpu.core_type<tc>, window_params = [{transform_indices = @transform_0, window_bounds = array<i64: 256, 128>}, {pipeline_mode = #tpu.pipeline_mode<synchronous>, transform_indices = @transform_1, window_bounds = array<i64: 512, 32>}, {pipeline_mode = #tpu.pipeline_mode<synchronous>, transform_indices = @transform_2, window_bounds = array<i64: 512, 1>}, {transform_indices = @transform_3, window_bounds = array<i64: 1, 4, 256>}, {transform_indices = @transform_4, window_bounds = array<i64: 1, 4, 256>}]} {
    %get3A = arith.constant 0 : index
    %get3A_0 = arith.constant 0 : index
    %get3A_1 = vector.load %arg1[%get3A, %get3A_0] : memref<256x128xf32, #tpu.memory_space<vmem>>, vector<256x128xf32>
    %slice3A = vector.extract_strided_slice %get3A_1 {offsets = [0, 0], sizes = [256, 32], strides = [1, 1]} : vector<256x128xf32> to vector<256x32xf32>
    %get3A_2 = arith.constant 0 : index
    %get3A_3 = arith.constant 0 : index
    %get3A_4 = vector.load %arg2[%get3A_2, %get3A_3] : memref<512x32xf32, #tpu.memory_space<vmem>>, vector<512x32xf32>
    %dot_general3A = arith.constant dense<0.000000e+00> : vector<512x256xf32>
    %dot_general3A_5 = tpu.matmul %get3A_4, %slice3A, %dot_general3A {dimension_numbers = #tpu.dot_dimension_numbers<[1], [1], [0], [0], [0, 0, 1, 0], [], []>, transpose_lhs_hint = false} : vector<512x32xf32>, vector<256x32xf32>, vector<512x256xf32> -> vector<512x256xf32>
    %get3A_6 = arith.constant 0 : index
    %get3A_7 = arith.constant 0 : index
    %get3A_8 = vector.load %arg3[%get3A_6, %get3A_7] : memref<512x1xf32, #tpu.memory_space<vmem>>, vector<512x1xf32>
    %add3A = vector.broadcast %get3A_8 : vector<512x1xf32> to vector<512x256xf32>
    %add3A_9 = arith.addf %dot_general3A_5, %add3A : vector<512x256xf32>
    %reduce_min3A = arith.constant dense<0x7F800000> : vector<256xf32>
    %reduce_min3A_10 = vector.multi_reduction <minimumf>, %add3A_9, %reduce_min3A [0] : vector<512x256xf32> to vector<256xf32>
    %reshape3A = vector.shape_cast %reduce_min3A_10 : vector<256xf32> to vector<1x256xf32>
    %argmin3A = tpu.reduce_index %add3A_9 {axis = 0 : i32, kind = #tpu.reduction_kind<arg_min>} : vector<512x256xf32> -> vector<256xi32>
    %broadcast_in_dim3A = arith.constant 1.000000e+00 : f32
    %broadcast_in_dim3A_11 = vector.broadcast %broadcast_in_dim3A : f32 to vector<1x32xf32>
    %mul3A = arith.mulf %slice3A, %slice3A : vector<256x32xf32>
    %dot_general3A_12 = arith.constant dense<0.000000e+00> : vector<1x256xf32>
    %dot_general3A_13 = tpu.matmul %broadcast_in_dim3A_11, %mul3A, %dot_general3A_12 {dimension_numbers = #tpu.dot_dimension_numbers<[1], [1], [0], [0], [0, 0, 1, 0], [], []>, transpose_lhs_hint = false} : vector<1x32xf32>, vector<256x32xf32>, vector<1x256xf32> -> vector<1x256xf32>
    %reshape3A_14 = vector.shape_cast %argmin3A : vector<256xi32> to vector<1x256xi32>
    %add3A_15 = arith.addf %dot_general3A_13, %reshape3A : vector<1x256xf32>
    %slice3A_16 = vector.extract_strided_slice %get3A_1 {offsets = [0, 32], sizes = [256, 32], strides = [1, 1]} : vector<256x128xf32> to vector<256x32xf32>
    %get3A_17 = arith.constant 0 : index
    %get3A_18 = arith.constant 0 : index
    %get3A_19 = vector.load %arg2[%get3A_17, %get3A_18] : memref<512x32xf32, #tpu.memory_space<vmem>>, vector<512x32xf32>
    %dot_general3A_20 = arith.constant dense<0.000000e+00> : vector<512x256xf32>
    %dot_general3A_21 = tpu.matmul %get3A_19, %slice3A_16, %dot_general3A_20 {dimension_numbers = #tpu.dot_dimension_numbers<[1], [1], [0], [0], [0, 0, 1, 0], [], []>, transpose_lhs_hint = false} : vector<512x32xf32>, vector<256x32xf32>, vector<512x256xf32> -> vector<512x256xf32>
    %get3A_22 = arith.constant 0 : index
    %get3A_23 = arith.constant 0 : index
    %get3A_24 = vector.load %arg3[%get3A_22, %get3A_23] : memref<512x1xf32, #tpu.memory_space<vmem>>, vector<512x1xf32>
    %add3A_25 = vector.broadcast %get3A_24 : vector<512x1xf32> to vector<512x256xf32>
    %add3A_26 = arith.addf %dot_general3A_21, %add3A_25 : vector<512x256xf32>
    %reduce_min3A_27 = arith.constant dense<0x7F800000> : vector<256xf32>
    %reduce_min3A_28 = vector.multi_reduction <minimumf>, %add3A_26, %reduce_min3A_27 [0] : vector<512x256xf32> to vector<256xf32>
    %reshape3A_29 = vector.shape_cast %reduce_min3A_28 : vector<256xf32> to vector<1x256xf32>
    %argmin3A_30 = tpu.reduce_index %add3A_26 {axis = 0 : i32, kind = #tpu.reduction_kind<arg_min>} : vector<512x256xf32> -> vector<256xi32>
    %broadcast_in_dim3A_31 = arith.constant 1.000000e+00 : f32
    %broadcast_in_dim3A_32 = vector.broadcast %broadcast_in_dim3A_31 : f32 to vector<1x32xf32>
    %mul3A_33 = arith.mulf %slice3A_16, %slice3A_16 : vector<256x32xf32>
    %dot_general3A_34 = arith.constant dense<0.000000e+00> : vector<1x256xf32>
    %dot_general3A_35 = tpu.matmul %broadcast_in_dim3A_32, %mul3A_33, %dot_general3A_34 {dimension_numbers = #tpu.dot_dimension_numbers<[1], [1], [0], [0], [0, 0, 1, 0], [], []>, transpose_lhs_hint = false} : vector<1x32xf32>, vector<256x32xf32>, vector<1x256xf32> -> vector<1x256xf32>
    %reshape3A_36 = vector.shape_cast %argmin3A_30 : vector<256xi32> to vector<1x256xi32>
    %add3A_37 = arith.addf %dot_general3A_35, %reshape3A_29 : vector<1x256xf32>
    %slice3A_38 = vector.extract_strided_slice %get3A_1 {offsets = [0, 64], sizes = [256, 32], strides = [1, 1]} : vector<256x128xf32> to vector<256x32xf32>
    %get3A_39 = arith.constant 0 : index
    %get3A_40 = arith.constant 0 : index
    %get3A_41 = vector.load %arg2[%get3A_39, %get3A_40] : memref<512x32xf32, #tpu.memory_space<vmem>>, vector<512x32xf32>
    %dot_general3A_42 = arith.constant dense<0.000000e+00> : vector<512x256xf32>
    %dot_general3A_43 = tpu.matmul %get3A_41, %slice3A_38, %dot_general3A_42 {dimension_numbers = #tpu.dot_dimension_numbers<[1], [1], [0], [0], [0, 0, 1, 0], [], []>, transpose_lhs_hint = false} : vector<512x32xf32>, vector<256x32xf32>, vector<512x256xf32> -> vector<512x256xf32>
    %get3A_44 = arith.constant 0 : index
    %get3A_45 = arith.constant 0 : index
    %get3A_46 = vector.load %arg3[%get3A_44, %get3A_45] : memref<512x1xf32, #tpu.memory_space<vmem>>, vector<512x1xf32>
    %add3A_47 = vector.broadcast %get3A_46 : vector<512x1xf32> to vector<512x256xf32>
    %add3A_48 = arith.addf %dot_general3A_43, %add3A_47 : vector<512x256xf32>
    %reduce_min3A_49 = arith.constant dense<0x7F800000> : vector<256xf32>
    %reduce_min3A_50 = vector.multi_reduction <minimumf>, %add3A_48, %reduce_min3A_49 [0] : vector<512x256xf32> to vector<256xf32>
    %reshape3A_51 = vector.shape_cast %reduce_min3A_50 : vector<256xf32> to vector<1x256xf32>
    %argmin3A_52 = tpu.reduce_index %add3A_48 {axis = 0 : i32, kind = #tpu.reduction_kind<arg_min>} : vector<512x256xf32> -> vector<256xi32>
    %broadcast_in_dim3A_53 = arith.constant 1.000000e+00 : f32
    %broadcast_in_dim3A_54 = vector.broadcast %broadcast_in_dim3A_53 : f32 to vector<1x32xf32>
    %mul3A_55 = arith.mulf %slice3A_38, %slice3A_38 : vector<256x32xf32>
    %dot_general3A_56 = arith.constant dense<0.000000e+00> : vector<1x256xf32>
    %dot_general3A_57 = tpu.matmul %broadcast_in_dim3A_54, %mul3A_55, %dot_general3A_56 {dimension_numbers = #tpu.dot_dimension_numbers<[1], [1], [0], [0], [0, 0, 1, 0], [], []>, transpose_lhs_hint = false} : vector<1x32xf32>, vector<256x32xf32>, vector<1x256xf32> -> vector<1x256xf32>
    %reshape3A_58 = vector.shape_cast %argmin3A_52 : vector<256xi32> to vector<1x256xi32>
    %add3A_59 = arith.addf %dot_general3A_57, %reshape3A_51 : vector<1x256xf32>
    %slice3A_60 = vector.extract_strided_slice %get3A_1 {offsets = [0, 96], sizes = [256, 32], strides = [1, 1]} : vector<256x128xf32> to vector<256x32xf32>
    %get3A_61 = arith.constant 0 : index
    %get3A_62 = arith.constant 0 : index
    %get3A_63 = vector.load %arg2[%get3A_61, %get3A_62] : memref<512x32xf32, #tpu.memory_space<vmem>>, vector<512x32xf32>
    %dot_general3A_64 = arith.constant dense<0.000000e+00> : vector<512x256xf32>
    %dot_general3A_65 = tpu.matmul %get3A_63, %slice3A_60, %dot_general3A_64 {dimension_numbers = #tpu.dot_dimension_numbers<[1], [1], [0], [0], [0, 0, 1, 0], [], []>, transpose_lhs_hint = false} : vector<512x32xf32>, vector<256x32xf32>, vector<512x256xf32> -> vector<512x256xf32>
    %get3A_66 = arith.constant 0 : index
    %get3A_67 = arith.constant 0 : index
    %get3A_68 = vector.load %arg3[%get3A_66, %get3A_67] : memref<512x1xf32, #tpu.memory_space<vmem>>, vector<512x1xf32>
    %add3A_69 = vector.broadcast %get3A_68 : vector<512x1xf32> to vector<512x256xf32>
    %add3A_70 = arith.addf %dot_general3A_65, %add3A_69 : vector<512x256xf32>
    %reduce_min3A_71 = arith.constant dense<0x7F800000> : vector<256xf32>
    %reduce_min3A_72 = vector.multi_reduction <minimumf>, %add3A_70, %reduce_min3A_71 [0] : vector<512x256xf32> to vector<256xf32>
    %reshape3A_73 = vector.shape_cast %reduce_min3A_72 : vector<256xf32> to vector<1x256xf32>
    %argmin3A_74 = tpu.reduce_index %add3A_70 {axis = 0 : i32, kind = #tpu.reduction_kind<arg_min>} : vector<512x256xf32> -> vector<256xi32>
    %broadcast_in_dim3A_75 = arith.constant 1.000000e+00 : f32
    %broadcast_in_dim3A_76 = vector.broadcast %broadcast_in_dim3A_75 : f32 to vector<1x32xf32>
    %mul3A_77 = arith.mulf %slice3A_60, %slice3A_60 : vector<256x32xf32>
    %dot_general3A_78 = arith.constant dense<0.000000e+00> : vector<1x256xf32>
    %dot_general3A_79 = tpu.matmul %broadcast_in_dim3A_76, %mul3A_77, %dot_general3A_78 {dimension_numbers = #tpu.dot_dimension_numbers<[1], [1], [0], [0], [0, 0, 1, 0], [], []>, transpose_lhs_hint = false} : vector<1x32xf32>, vector<256x32xf32>, vector<1x256xf32> -> vector<1x256xf32>
    %reshape3A_80 = vector.shape_cast %argmin3A_74 : vector<256xi32> to vector<1x256xi32>
    %add3A_81 = arith.addf %dot_general3A_79, %reshape3A_73 : vector<1x256xf32>
    %concatenate3A = tpu.concatenate %reshape3A_14, %reshape3A_36, %reshape3A_58, %reshape3A_80 in 0 : vector<1x256xi32>, vector<1x256xi32>, vector<1x256xi32>, vector<1x256xi32> -> vector<4x256xi32>
    %reshape3A_82 = vector.shape_cast %concatenate3A : vector<4x256xi32> to vector<1x4x256xi32>
    %swap3A = arith.constant 0 : index
    %swap3A_83 = arith.constant 0 : index
    %swap3A_84 = arith.constant 0 : index
    %swap3A_85 = vector.load %arg4[%swap3A, %swap3A_83, %swap3A_84] : memref<1x4x256xi32, #tpu.memory_space<vmem>>, vector<1x4x256xi32>
    tpu.vector_store %arg4[%swap3A, %swap3A_83, %swap3A_84], %reshape3A_82 {strides = array<i32>} : memref<1x4x256xi32, #tpu.memory_space<vmem>>, vector<1x4x256xi32>,
    %concatenate3A_86 = tpu.concatenate %add3A_15, %add3A_37, %add3A_59, %add3A_81 in 0 : vector<1x256xf32>, vector<1x256xf32>, vector<1x256xf32>, vector<1x256xf32> -> vector<4x256xf32>
    %reshape3A_87 = vector.shape_cast %concatenate3A_86 : vector<4x256xf32> to vector<1x4x256xf32>
    %swap3A_88 = arith.constant 0 : index
    %swap3A_89 = arith.constant 0 : index
    %swap3A_90 = arith.constant 0 : index
    %swap3A_91 = vector.load %arg5[%swap3A_88, %swap3A_89, %swap3A_90] : memref<1x4x256xf32, #tpu.memory_space<vmem>>, vector<1x4x256xf32>
    tpu.vector_store %arg5[%swap3A_88, %swap3A_89, %swap3A_90], %reshape3A_87 {strides = array<i32>} : memref<1x4x256xf32, #tpu.memory_space<vmem>>, vector<1x4x256xf32>,
    return
  }
  func.func @transform_0(%arg0: i32) -> (i32, i32) {
    %c0_i32 = arith.constant 0 : i32
    %c0_i32_0 = arith.constant 0 : i32
    return %arg0, %c0_i32 : i32, i32
  }
  func.func @transform_1(%arg0: i32) -> (i32, i32) {
    %c0_i32 = arith.constant 0 : i32
    %c0_i32_0 = arith.constant 0 : i32
    %c0_i32_1 = arith.constant 0 : i32
    return %c0_i32, %c0_i32_0 : i32, i32
  }
  func.func @transform_2(%arg0: i32) -> (i32, i32) {
    %c0_i32 = arith.constant 0 : i32
    %c0_i32_0 = arith.constant 0 : i32
    %c0_i32_1 = arith.constant 0 : i32
    return %c0_i32, %c0_i32_0 : i32, i32
  }
  func.func @transform_3(%arg0: i32) -> (i32, i32, i32) {
    %c0_i32 = arith.constant 0 : i32
    %c0_i32_0 = arith.constant 0 : i32
    %c0_i32_1 = arith.constant 0 : i32
    return %arg0, %c0_i32, %c0_i32_0 : i32, i32, i32
  }
  func.func @transform_4(%arg0: i32) -> (i32, i32, i32) {
    %c0_i32 = arith.constant 0 : i32
    %c0_i32_0 = arith.constant 0 : i32
    %c0_i32_1 = arith.constant 0 : i32
    return %arg0, %c0_i32, %c0_i32_0 : i32, i32, i32
  }
}

module attributes {stable_mosaic.version = 14 : i64} {
  func.func @_fin_body(%arg0: memref<16x4x1024xf32, #tpu.memory_space<vmem>>, %arg1: memref<32x512xf32, #tpu.memory_space<vmem>>, %arg2: memref<32x16xf32, #tpu.memory_space<vmem>>, %arg3: memref<1x1xf32, #tpu.memory_space<vmem>>, %arg4: memref<1x1xf32, #tpu.memory_space<vmem>>, %arg5: memref<1x1024xf32, #tpu.memory_space<vmem>>, %arg6: memref<1x1024xf32, #tpu.memory_space<vmem>>, %arg7: memref<1x1024xf32, #tpu.memory_space<vmem>>) attributes {dimension_semantics = [], scalar_prefetch = 0 : i64, scratch_operands = 0 : i64, tpu.core_type = #tpu.core_type<tc>} {
    %get3A = arith.constant 0 : index
    %get3A_0 = arith.constant 0 : index
    %get3A_1 = vector.load %arg1[%get3A, %get3A_0] : memref<32x512xf32, #tpu.memory_space<vmem>>, vector<32x512xf32>
    %reduce_sum3A = arith.constant dense<0.000000e+00> : vector<512xf32>
    %reduce_sum3A_2 = vector.multi_reduction <add>, %get3A_1, %reduce_sum3A [0] : vector<32x512xf32> to vector<512xf32>
    %broadcast_in_dim3A = vector.shape_cast %reduce_sum3A_2 : vector<512xf32> to vector<1x512xf32>
    %reduce_sum3A_3 = vector.shape_cast %broadcast_in_dim3A : vector<1x512xf32> to vector<1x1x512xf32>
    %reduce_sum3A_4 = arith.constant dense<0.000000e+00> : vector<1xf32>
    %reduce_sum3A_5 = vector.multi_reduction <add>, %reduce_sum3A_3, %reduce_sum3A_4 [1, 2] : vector<1x1x512xf32> to vector<1xf32>
    %reduce_sum3A_6 = vector.shape_cast %reduce_sum3A_5 : vector<1xf32> to vector<1x1x1xf32>
    %reduce_sum3A_7 = vector.extract %reduce_sum3A_6[0, 0, 0] : f32 from vector<1x1x1xf32>
    %reshape3A = vector.broadcast %reduce_sum3A_7 : f32 to vector<1x1xf32>
    %get3A_8 = arith.constant 0 : index
    %get3A_9 = arith.constant 0 : index
    %get3A_10 = vector.load %arg2[%get3A_8, %get3A_9] : memref<32x16xf32, #tpu.memory_space<vmem>>, vector<32x16xf32>
    %reduce_sum3A_11 = vector.shape_cast %get3A_10 : vector<32x16xf32> to vector<1x32x16xf32>
    %reduce_sum3A_12 = arith.constant dense<0.000000e+00> : vector<1xf32>
    %reduce_sum3A_13 = vector.multi_reduction <add>, %reduce_sum3A_11, %reduce_sum3A_12 [1, 2] : vector<1x32x16xf32> to vector<1xf32>
    %reduce_sum3A_14 = vector.shape_cast %reduce_sum3A_13 : vector<1xf32> to vector<1x1x1xf32>
    %reduce_sum3A_15 = vector.extract %reduce_sum3A_14[0, 0, 0] : f32 from vector<1x1x1xf32>
    %reshape3A_16 = vector.broadcast %reduce_sum3A_15 : f32 to vector<1x1xf32>
    %mul3A = arith.constant 1.250000e+00 : f32
    %mul3A_17 = vector.broadcast %mul3A : f32 to vector<1x1xf32>
    %mul3A_18 = arith.mulf %mul3A_17, %reshape3A_16 : vector<1x1xf32>
    %mul3A_19 = arith.constant 3.200000e+01 : f32
    %mul3A_20 = vector.broadcast %mul3A_19 : f32 to vector<1x1xf32>
    %mul3A_21 = arith.mulf %reshape3A, %mul3A_20 : vector<1x1xf32>
    %add3A = arith.constant 9.99999971E-10 : f32
    %add3A_22 = vector.broadcast %add3A : f32 to vector<1x1xf32>
    %add3A_23 = arith.addf %mul3A_21, %add3A_22 : vector<1x1xf32>
    %div3A = arith.divf %mul3A_18, %add3A_23 : vector<1x1xf32>
    %swap3A = arith.constant 0 : index
    %swap3A_24 = arith.constant 0 : index
    %swap3A_25 = vector.load %arg3[%swap3A, %swap3A_24] : memref<1x1xf32, #tpu.memory_space<vmem>>, vector<1x1xf32>
    tpu.vector_store %arg3[%swap3A, %swap3A_24], %div3A {strides = array<i32>} : memref<1x1xf32, #tpu.memory_space<vmem>>, vector<1x1xf32>,
    %add3A_26 = arith.constant 9.99999971E-10 : f32
    %add3A_27 = vector.broadcast %add3A_26 : f32 to vector<1x1xf32>
    %add3A_28 = arith.addf %reshape3A, %add3A_27 : vector<1x1xf32>
    %div3A_29 = vector.broadcast %add3A_28 : vector<1x1xf32> to vector<1x512xf32>
    %div3A_30 = arith.divf %broadcast_in_dim3A, %div3A_29 : vector<1x512xf32>
    %add3A_31 = arith.constant 1.000000e-10 : f32
    %add3A_32 = vector.broadcast %add3A_31 : f32 to vector<1x512xf32>
    %add3A_33 = arith.addf %div3A_30, %add3A_32 : vector<1x512xf32>
    %log3A = math.log %add3A_33 : vector<1x512xf32>
    %mul3A_34 = arith.mulf %div3A_30, %log3A : vector<1x512xf32>
    %reduce_sum3A_35 = vector.shape_cast %mul3A_34 : vector<1x512xf32> to vector<1x1x512xf32>
    %reduce_sum3A_36 = arith.constant dense<0.000000e+00> : vector<1xf32>
    %reduce_sum3A_37 = vector.multi_reduction <add>, %reduce_sum3A_35, %reduce_sum3A_36 [1, 2] : vector<1x1x512xf32> to vector<1xf32>
    %reduce_sum3A_38 = vector.shape_cast %reduce_sum3A_37 : vector<1xf32> to vector<1x1x1xf32>
    %reduce_sum3A_39 = vector.extract %reduce_sum3A_38[0, 0, 0] : f32 from vector<1x1x1xf32>
    %neg3A = arith.constant 0.000000e+00 : f32
    %neg3A_40 = arith.subf %neg3A, %reduce_sum3A_39 : f32
    %exp3A = math.exp %neg3A_40 : f32
    %reshape3A_41 = vector.broadcast %exp3A : f32 to vector<1x1xf32>
    %swap3A_42 = arith.constant 0 : index
    %swap3A_43 = arith.constant 0 : index
    %swap3A_44 = vector.load %arg4[%swap3A_42, %swap3A_43] : memref<1x1xf32, #tpu.memory_space<vmem>>, vector<1x1xf32>
    tpu.vector_store %arg4[%swap3A_42, %swap3A_43], %reshape3A_41 {strides = array<i32>} : memref<1x1xf32, #tpu.memory_space<vmem>>, vector<1x1xf32>,
    %broadcast_in_dim3A_45 = arith.constant 1.000000e+00 : f32
    %broadcast_in_dim3A_46 = vector.broadcast %broadcast_in_dim3A_45 : f32 to vector<1x1024xf32>
    %broadcast_in_dim3A_47 = arith.constant 0.000000e+00 : f32
    %broadcast_in_dim3A_48 = vector.broadcast %broadcast_in_dim3A_47 : f32 to vector<1x1024xf32>
    %broadcast_in_dim3A_49 = arith.constant 0.000000e+00 : f32
    %broadcast_in_dim3A_50 = vector.broadcast %broadcast_in_dim3A_49 : f32 to vector<1x1024xf32>
    %broadcast_in_dim3A_51 = arith.constant 0.000000e+00 : f32
    %broadcast_in_dim3A_52 = vector.broadcast %broadcast_in_dim3A_51 : f32 to vector<1x1024xf32>
    %get3A_53 = arith.constant 0 : index
    %get3A_54 = arith.constant 0 : index
    %get3A_55 = arith.constant 0 : index
    %get3A_56 = vector.load %arg0[%get3A_53, %get3A_54, %get3A_55] : memref<16x4x1024xf32, #tpu.memory_space<vmem>>, vector<1x4x1024xf32>
    %get3A_57 = vector.shape_cast %get3A_56 : vector<1x4x1024xf32> to vector<4x1024xf32>
    %slice3A = vector.extract_strided_slice %get3A_57 {offsets = [0, 0], sizes = [1, 1024], strides = [1, 1]} : vector<4x1024xf32> to vector<1x1024xf32>
    %max3A = arith.constant 0.000000e+00 : f32
    %max3A_58 = vector.broadcast %max3A : f32 to vector<1x1024xf32>
    %max3A_59 = arith.maximumf %slice3A, %max3A_58 : vector<1x1024xf32>
    %neg3A_60 = arith.constant 0.000000e+00 : f32
    %neg3A_61 = vector.broadcast %neg3A_60 : f32 to vector<1x1024xf32>
    %neg3A_62 = arith.subf %neg3A_61, %max3A_59 : vector<1x1024xf32>
    %mul3A_63 = arith.constant 0.0718750059 : f32
    %mul3A_64 = vector.broadcast %mul3A_63 : f32 to vector<1x1024xf32>
    %mul3A_65 = arith.mulf %neg3A_62, %mul3A_64 : vector<1x1024xf32>
    %exp3A_66 = math.exp %mul3A_65 : vector<1x1024xf32>
    %sub3A = arith.constant 1.000000e+00 : f32
    %sub3A_67 = vector.broadcast %sub3A : f32 to vector<1x1024xf32>
    %sub3A_68 = arith.subf %sub3A_67, %exp3A_66 : vector<1x1024xf32>
    %mul3A_69 = arith.mulf %sub3A_68, %broadcast_in_dim3A_46 : vector<1x1024xf32>
    %slice3A_70 = vector.extract_strided_slice %get3A_57 {offsets = [1, 0], sizes = [1, 1024], strides = [1, 1]} : vector<4x1024xf32> to vector<1x1024xf32>
    %neg3A_71 = arith.constant 0.000000e+00 : f32
    %neg3A_72 = vector.broadcast %neg3A_71 : f32 to vector<1x1024xf32>
    %neg3A_73 = arith.subf %neg3A_72, %slice3A_70 : vector<1x1024xf32>
    %exp3A_74 = math.exp %neg3A_73 : vector<1x1024xf32>
    %add3A_75 = arith.constant 1.000000e+00 : f32
    %add3A_76 = vector.broadcast %add3A_75 : f32 to vector<1x1024xf32>
    %add3A_77 = arith.addf %add3A_76, %exp3A_74 : vector<1x1024xf32>
    %div3A_78 = arith.constant 1.000000e+00 : f32
    %div3A_79 = vector.broadcast %div3A_78 : f32 to vector<1x1024xf32>
    %div3A_80 = arith.divf %div3A_79, %add3A_77 : vector<1x1024xf32>
    %mul3A_81 = arith.mulf %mul3A_69, %div3A_80 : vector<1x1024xf32>
    %add3A_82 = arith.addf %broadcast_in_dim3A_48, %mul3A_81 : vector<1x1024xf32>
    %slice3A_83 = vector.extract_strided_slice %get3A_57 {offsets = [2, 0], sizes = [1, 1024], strides = [1, 1]} : vector<4x1024xf32> to vector<1x1024xf32>
    %neg3A_84 = arith.constant 0.000000e+00 : f32
    %neg3A_85 = vector.broadcast %neg3A_84 : f32 to vector<1x1024xf32>
    %neg3A_86 = arith.subf %neg3A_85, %slice3A_83 : vector<1x1024xf32>
    %exp3A_87 = math.exp %neg3A_86 : vector<1x1024xf32>
    %add3A_88 = arith.constant 1.000000e+00 : f32
    %add3A_89 = vector.broadcast %add3A_88 : f32 to vector<1x1024xf32>
    %add3A_90 = arith.addf %add3A_89, %exp3A_87 : vector<1x1024xf32>
    %div3A_91 = arith.constant 1.000000e+00 : f32
    %div3A_92 = vector.broadcast %div3A_91 : f32 to vector<1x1024xf32>
    %div3A_93 = arith.divf %div3A_92, %add3A_90 : vector<1x1024xf32>
    %mul3A_94 = arith.mulf %mul3A_69, %div3A_93 : vector<1x1024xf32>
    %add3A_95 = arith.addf %broadcast_in_dim3A_50, %mul3A_94 : vector<1x1024xf32>
    %slice3A_96 = vector.extract_strided_slice %get3A_57 {offsets = [3, 0], sizes = [1, 1024], strides = [1, 1]} : vector<4x1024xf32> to vector<1x1024xf32>
    %neg3A_97 = arith.constant 0.000000e+00 : f32
    %neg3A_98 = vector.broadcast %neg3A_97 : f32 to vector<1x1024xf32>
    %neg3A_99 = arith.subf %neg3A_98, %slice3A_96 : vector<1x1024xf32>
    %exp3A_100 = math.exp %neg3A_99 : vector<1x1024xf32>
    %add3A_101 = arith.constant 1.000000e+00 : f32
    %add3A_102 = vector.broadcast %add3A_101 : f32 to vector<1x1024xf32>
    %add3A_103 = arith.addf %add3A_102, %exp3A_100 : vector<1x1024xf32>
    %div3A_104 = arith.constant 1.000000e+00 : f32
    %div3A_105 = vector.broadcast %div3A_104 : f32 to vector<1x1024xf32>
    %div3A_106 = arith.divf %div3A_105, %add3A_103 : vector<1x1024xf32>
    %mul3A_107 = arith.mulf %mul3A_69, %div3A_106 : vector<1x1024xf32>
    %add3A_108 = arith.addf %broadcast_in_dim3A_52, %mul3A_107 : vector<1x1024xf32>
    %sub3A_109 = arith.constant 1.000000e+00 : f32
    %sub3A_110 = vector.broadcast %sub3A_109 : f32 to vector<1x1024xf32>
    %sub3A_111 = arith.subf %sub3A_110, %sub3A_68 : vector<1x1024xf32>
    %add3A_112 = arith.constant 1.000000e-10 : f32
    %add3A_113 = vector.broadcast %add3A_112 : f32 to vector<1x1024xf32>
    %add3A_114 = arith.addf %sub3A_111, %add3A_113 : vector<1x1024xf32>
    %mul3A_115 = arith.mulf %broadcast_in_dim3A_46, %add3A_114 : vector<1x1024xf32>
    %get3A_116 = arith.constant 1 : index
    %get3A_117 = arith.constant 0 : index
    %get3A_118 = arith.constant 0 : index
    %get3A_119 = vector.load %arg0[%get3A_116, %get3A_117, %get3A_118] : memref<16x4x1024xf32, #tpu.memory_space<vmem>>, vector<1x4x1024xf32>
    %get3A_120 = vector.shape_cast %get3A_119 : vector<1x4x1024xf32> to vector<4x1024xf32>
    %slice3A_121 = vector.extract_strided_slice %get3A_120 {offsets = [0, 0], sizes = [1, 1024], strides = [1, 1]} : vector<4x1024xf32> to vector<1x1024xf32>
    %max3A_122 = arith.constant 0.000000e+00 : f32
    %max3A_123 = vector.broadcast %max3A_122 : f32 to vector<1x1024xf32>
    %max3A_124 = arith.maximumf %slice3A_121, %max3A_123 : vector<1x1024xf32>
    %neg3A_125 = arith.constant 0.000000e+00 : f32
    %neg3A_126 = vector.broadcast %neg3A_125 : f32 to vector<1x1024xf32>
    %neg3A_127 = arith.subf %neg3A_126, %max3A_124 : vector<1x1024xf32>
    %mul3A_128 = arith.constant 0.0718749911 : f32
    %mul3A_129 = vector.broadcast %mul3A_128 : f32 to vector<1x1024xf32>
    %mul3A_130 = arith.mulf %neg3A_127, %mul3A_129 : vector<1x1024xf32>
    %exp3A_131 = math.exp %mul3A_130 : vector<1x1024xf32>
    %sub3A_132 = arith.constant 1.000000e+00 : f32
    %sub3A_133 = vector.broadcast %sub3A_132 : f32 to vector<1x1024xf32>
    %sub3A_134 = arith.subf %sub3A_133, %exp3A_131 : vector<1x1024xf32>
    %mul3A_135 = arith.mulf %sub3A_134, %mul3A_115 : vector<1x1024xf32>
    %slice3A_136 = vector.extract_strided_slice %get3A_120 {offsets = [1, 0], sizes = [1, 1024], strides = [1, 1]} : vector<4x1024xf32> to vector<1x1024xf32>
    %neg3A_137 = arith.constant 0.000000e+00 : f32
    %neg3A_138 = vector.broadcast %neg3A_137 : f32 to vector<1x1024xf32>
    %neg3A_139 = arith.subf %neg3A_138, %slice3A_136 : vector<1x1024xf32>
    %exp3A_140 = math.exp %neg3A_139 : vector<1x1024xf32>
    %add3A_141 = arith.constant 1.000000e+00 : f32
    %add3A_142 = vector.broadcast %add3A_141 : f32 to vector<1x1024xf32>
    %add3A_143 = arith.addf %add3A_142, %exp3A_140 : vector<1x1024xf32>
    %div3A_144 = arith.constant 1.000000e+00 : f32
    %div3A_145 = vector.broadcast %div3A_144 : f32 to vector<1x1024xf32>
    %div3A_146 = arith.divf %div3A_145, %add3A_143 : vector<1x1024xf32>
    %mul3A_147 = arith.mulf %mul3A_135, %div3A_146 : vector<1x1024xf32>
    %add3A_148 = arith.addf %add3A_82, %mul3A_147 : vector<1x1024xf32>
    %slice3A_149 = vector.extract_strided_slice %get3A_120 {offsets = [2, 0], sizes = [1, 1024], strides = [1, 1]} : vector<4x1024xf32> to vector<1x1024xf32>
    %neg3A_150 = arith.constant 0.000000e+00 : f32
    %neg3A_151 = vector.broadcast %neg3A_150 : f32 to vector<1x1024xf32>
    %neg3A_152 = arith.subf %neg3A_151, %slice3A_149 : vector<1x1024xf32>
    %exp3A_153 = math.exp %neg3A_152 : vector<1x1024xf32>
    %add3A_154 = arith.constant 1.000000e+00 : f32
    %add3A_155 = vector.broadcast %add3A_154 : f32 to vector<1x1024xf32>
    %add3A_156 = arith.addf %add3A_155, %exp3A_153 : vector<1x1024xf32>
    %div3A_157 = arith.constant 1.000000e+00 : f32
    %div3A_158 = vector.broadcast %div3A_157 : f32 to vector<1x1024xf32>
    %div3A_159 = arith.divf %div3A_158, %add3A_156 : vector<1x1024xf32>
    %mul3A_160 = arith.mulf %mul3A_135, %div3A_159 : vector<1x1024xf32>
    %add3A_161 = arith.addf %add3A_95, %mul3A_160 : vector<1x1024xf32>
    %slice3A_162 = vector.extract_strided_slice %get3A_120 {offsets = [3, 0], sizes = [1, 1024], strides = [1, 1]} : vector<4x1024xf32> to vector<1x1024xf32>
    %neg3A_163 = arith.constant 0.000000e+00 : f32
    %neg3A_164 = vector.broadcast %neg3A_163 : f32 to vector<1x1024xf32>
    %neg3A_165 = arith.subf %neg3A_164, %slice3A_162 : vector<1x1024xf32>
    %exp3A_166 = math.exp %neg3A_165 : vector<1x1024xf32>
    %add3A_167 = arith.constant 1.000000e+00 : f32
    %add3A_168 = vector.broadcast %add3A_167 : f32 to vector<1x1024xf32>
    %add3A_169 = arith.addf %add3A_168, %exp3A_166 : vector<1x1024xf32>
    %div3A_170 = arith.constant 1.000000e+00 : f32
    %div3A_171 = vector.broadcast %div3A_170 : f32 to vector<1x1024xf32>
    %div3A_172 = arith.divf %div3A_171, %add3A_169 : vector<1x1024xf32>
    %mul3A_173 = arith.mulf %mul3A_135, %div3A_172 : vector<1x1024xf32>
    %add3A_174 = arith.addf %add3A_108, %mul3A_173 : vector<1x1024xf32>
    %sub3A_175 = arith.constant 1.000000e+00 : f32
    %sub3A_176 = vector.broadcast %sub3A_175 : f32 to vector<1x1024xf32>
    %sub3A_177 = arith.subf %sub3A_176, %sub3A_134 : vector<1x1024xf32>
    %add3A_178 = arith.constant 1.000000e-10 : f32
    %add3A_179 = vector.broadcast %add3A_178 : f32 to vector<1x1024xf32>
    %add3A_180 = arith.addf %sub3A_177, %add3A_179 : vector<1x1024xf32>
    %mul3A_181 = arith.mulf %mul3A_115, %add3A_180 : vector<1x1024xf32>
    %get3A_182 = arith.constant 2 : index
    %get3A_183 = arith.constant 0 : index
    %get3A_184 = arith.constant 0 : index
    %get3A_185 = vector.load %arg0[%get3A_182, %get3A_183, %get3A_184] : memref<16x4x1024xf32, #tpu.memory_space<vmem>>, vector<1x4x1024xf32>
    %get3A_186 = vector.shape_cast %get3A_185 : vector<1x4x1024xf32> to vector<4x1024xf32>
    %slice3A_187 = vector.extract_strided_slice %get3A_186 {offsets = [0, 0], sizes = [1, 1024], strides = [1, 1]} : vector<4x1024xf32> to vector<1x1024xf32>
    %max3A_188 = arith.constant 0.000000e+00 : f32
    %max3A_189 = vector.broadcast %max3A_188 : f32 to vector<1x1024xf32>
    %max3A_190 = arith.maximumf %slice3A_187, %max3A_189 : vector<1x1024xf32>
    %neg3A_191 = arith.constant 0.000000e+00 : f32
    %neg3A_192 = vector.broadcast %neg3A_191 : f32 to vector<1x1024xf32>
    %neg3A_193 = arith.subf %neg3A_192, %max3A_190 : vector<1x1024xf32>
    %mul3A_194 = arith.constant 0.0718750059 : f32
    %mul3A_195 = vector.broadcast %mul3A_194 : f32 to vector<1x1024xf32>
    %mul3A_196 = arith.mulf %neg3A_193, %mul3A_195 : vector<1x1024xf32>
    %exp3A_197 = math.exp %mul3A_196 : vector<1x1024xf32>
    %sub3A_198 = arith.constant 1.000000e+00 : f32
    %sub3A_199 = vector.broadcast %sub3A_198 : f32 to vector<1x1024xf32>
    %sub3A_200 = arith.subf %sub3A_199, %exp3A_197 : vector<1x1024xf32>
    %mul3A_201 = arith.mulf %sub3A_200, %mul3A_181 : vector<1x1024xf32>
    %slice3A_202 = vector.extract_strided_slice %get3A_186 {offsets = [1, 0], sizes = [1, 1024], strides = [1, 1]} : vector<4x1024xf32> to vector<1x1024xf32>
    %neg3A_203 = arith.constant 0.000000e+00 : f32
    %neg3A_204 = vector.broadcast %neg3A_203 : f32 to vector<1x1024xf32>
    %neg3A_205 = arith.subf %neg3A_204, %slice3A_202 : vector<1x1024xf32>
    %exp3A_206 = math.exp %neg3A_205 : vector<1x1024xf32>
    %add3A_207 = arith.constant 1.000000e+00 : f32
    %add3A_208 = vector.broadcast %add3A_207 : f32 to vector<1x1024xf32>
    %add3A_209 = arith.addf %add3A_208, %exp3A_206 : vector<1x1024xf32>
    %div3A_210 = arith.constant 1.000000e+00 : f32
    %div3A_211 = vector.broadcast %div3A_210 : f32 to vector<1x1024xf32>
    %div3A_212 = arith.divf %div3A_211, %add3A_209 : vector<1x1024xf32>
    %mul3A_213 = arith.mulf %mul3A_201, %div3A_212 : vector<1x1024xf32>
    %add3A_214 = arith.addf %add3A_148, %mul3A_213 : vector<1x1024xf32>
    %slice3A_215 = vector.extract_strided_slice %get3A_186 {offsets = [2, 0], sizes = [1, 1024], strides = [1, 1]} : vector<4x1024xf32> to vector<1x1024xf32>
    %neg3A_216 = arith.constant 0.000000e+00 : f32
    %neg3A_217 = vector.broadcast %neg3A_216 : f32 to vector<1x1024xf32>
    %neg3A_218 = arith.subf %neg3A_217, %slice3A_215 : vector<1x1024xf32>
    %exp3A_219 = math.exp %neg3A_218 : vector<1x1024xf32>
    %add3A_220 = arith.constant 1.000000e+00 : f32
    %add3A_221 = vector.broadcast %add3A_220 : f32 to vector<1x1024xf32>
    %add3A_222 = arith.addf %add3A_221, %exp3A_219 : vector<1x1024xf32>
    %div3A_223 = arith.constant 1.000000e+00 : f32
    %div3A_224 = vector.broadcast %div3A_223 : f32 to vector<1x1024xf32>
    %div3A_225 = arith.divf %div3A_224, %add3A_222 : vector<1x1024xf32>
    %mul3A_226 = arith.mulf %mul3A_201, %div3A_225 : vector<1x1024xf32>
    %add3A_227 = arith.addf %add3A_161, %mul3A_226 : vector<1x1024xf32>
    %slice3A_228 = vector.extract_strided_slice %get3A_186 {offsets = [3, 0], sizes = [1, 1024], strides = [1, 1]} : vector<4x1024xf32> to vector<1x1024xf32>
    %neg3A_229 = arith.constant 0.000000e+00 : f32
    %neg3A_230 = vector.broadcast %neg3A_229 : f32 to vector<1x1024xf32>
    %neg3A_231 = arith.subf %neg3A_230, %slice3A_228 : vector<1x1024xf32>
    %exp3A_232 = math.exp %neg3A_231 : vector<1x1024xf32>
    %add3A_233 = arith.constant 1.000000e+00 : f32
    %add3A_234 = vector.broadcast %add3A_233 : f32 to vector<1x1024xf32>
    %add3A_235 = arith.addf %add3A_234, %exp3A_232 : vector<1x1024xf32>
    %div3A_236 = arith.constant 1.000000e+00 : f32
    %div3A_237 = vector.broadcast %div3A_236 : f32 to vector<1x1024xf32>
    %div3A_238 = arith.divf %div3A_237, %add3A_235 : vector<1x1024xf32>
    %mul3A_239 = arith.mulf %mul3A_201, %div3A_238 : vector<1x1024xf32>
    %add3A_240 = arith.addf %add3A_174, %mul3A_239 : vector<1x1024xf32>
    %sub3A_241 = arith.constant 1.000000e+00 : f32
    %sub3A_242 = vector.broadcast %sub3A_241 : f32 to vector<1x1024xf32>
    %sub3A_243 = arith.subf %sub3A_242, %sub3A_200 : vector<1x1024xf32>
    %add3A_244 = arith.constant 1.000000e-10 : f32
    %add3A_245 = vector.broadcast %add3A_244 : f32 to vector<1x1024xf32>
    %add3A_246 = arith.addf %sub3A_243, %add3A_245 : vector<1x1024xf32>
    %mul3A_247 = arith.mulf %mul3A_181, %add3A_246 : vector<1x1024xf32>
    %get3A_248 = arith.constant 3 : index
    %get3A_249 = arith.constant 0 : index
    %get3A_250 = arith.constant 0 : index
    %get3A_251 = vector.load %arg0[%get3A_248, %get3A_249, %get3A_250] : memref<16x4x1024xf32, #tpu.memory_space<vmem>>, vector<1x4x1024xf32>
    %get3A_252 = vector.shape_cast %get3A_251 : vector<1x4x1024xf32> to vector<4x1024xf32>
    %slice3A_253 = vector.extract_strided_slice %get3A_252 {offsets = [0, 0], sizes = [1, 1024], strides = [1, 1]} : vector<4x1024xf32> to vector<1x1024xf32>
    %max3A_254 = arith.constant 0.000000e+00 : f32
    %max3A_255 = vector.broadcast %max3A_254 : f32 to vector<1x1024xf32>
    %max3A_256 = arith.maximumf %slice3A_253, %max3A_255 : vector<1x1024xf32>
    %neg3A_257 = arith.constant 0.000000e+00 : f32
    %neg3A_258 = vector.broadcast %neg3A_257 : f32 to vector<1x1024xf32>
    %neg3A_259 = arith.subf %neg3A_258, %max3A_256 : vector<1x1024xf32>
    %mul3A_260 = arith.constant 0.0718750059 : f32
    %mul3A_261 = vector.broadcast %mul3A_260 : f32 to vector<1x1024xf32>
    %mul3A_262 = arith.mulf %neg3A_259, %mul3A_261 : vector<1x1024xf32>
    %exp3A_263 = math.exp %mul3A_262 : vector<1x1024xf32>
    %sub3A_264 = arith.constant 1.000000e+00 : f32
    %sub3A_265 = vector.broadcast %sub3A_264 : f32 to vector<1x1024xf32>
    %sub3A_266 = arith.subf %sub3A_265, %exp3A_263 : vector<1x1024xf32>
    %mul3A_267 = arith.mulf %sub3A_266, %mul3A_247 : vector<1x1024xf32>
    %slice3A_268 = vector.extract_strided_slice %get3A_252 {offsets = [1, 0], sizes = [1, 1024], strides = [1, 1]} : vector<4x1024xf32> to vector<1x1024xf32>
    %neg3A_269 = arith.constant 0.000000e+00 : f32
    %neg3A_270 = vector.broadcast %neg3A_269 : f32 to vector<1x1024xf32>
    %neg3A_271 = arith.subf %neg3A_270, %slice3A_268 : vector<1x1024xf32>
    %exp3A_272 = math.exp %neg3A_271 : vector<1x1024xf32>
    %add3A_273 = arith.constant 1.000000e+00 : f32
    %add3A_274 = vector.broadcast %add3A_273 : f32 to vector<1x1024xf32>
    %add3A_275 = arith.addf %add3A_274, %exp3A_272 : vector<1x1024xf32>
    %div3A_276 = arith.constant 1.000000e+00 : f32
    %div3A_277 = vector.broadcast %div3A_276 : f32 to vector<1x1024xf32>
    %div3A_278 = arith.divf %div3A_277, %add3A_275 : vector<1x1024xf32>
    %mul3A_279 = arith.mulf %mul3A_267, %div3A_278 : vector<1x1024xf32>
    %add3A_280 = arith.addf %add3A_214, %mul3A_279 : vector<1x1024xf32>
    %slice3A_281 = vector.extract_strided_slice %get3A_252 {offsets = [2, 0], sizes = [1, 1024], strides = [1, 1]} : vector<4x1024xf32> to vector<1x1024xf32>
    %neg3A_282 = arith.constant 0.000000e+00 : f32
    %neg3A_283 = vector.broadcast %neg3A_282 : f32 to vector<1x1024xf32>
    %neg3A_284 = arith.subf %neg3A_283, %slice3A_281 : vector<1x1024xf32>
    %exp3A_285 = math.exp %neg3A_284 : vector<1x1024xf32>
    %add3A_286 = arith.constant 1.000000e+00 : f32
    %add3A_287 = vector.broadcast %add3A_286 : f32 to vector<1x1024xf32>
    %add3A_288 = arith.addf %add3A_287, %exp3A_285 : vector<1x1024xf32>
    %div3A_289 = arith.constant 1.000000e+00 : f32
    %div3A_290 = vector.broadcast %div3A_289 : f32 to vector<1x1024xf32>
    %div3A_291 = arith.divf %div3A_290, %add3A_288 : vector<1x1024xf32>
    %mul3A_292 = arith.mulf %mul3A_267, %div3A_291 : vector<1x1024xf32>
    %add3A_293 = arith.addf %add3A_227, %mul3A_292 : vector<1x1024xf32>
    %slice3A_294 = vector.extract_strided_slice %get3A_252 {offsets = [3, 0], sizes = [1, 1024], strides = [1, 1]} : vector<4x1024xf32> to vector<1x1024xf32>
    %neg3A_295 = arith.constant 0.000000e+00 : f32
    %neg3A_296 = vector.broadcast %neg3A_295 : f32 to vector<1x1024xf32>
    %neg3A_297 = arith.subf %neg3A_296, %slice3A_294 : vector<1x1024xf32>
    %exp3A_298 = math.exp %neg3A_297 : vector<1x1024xf32>
    %add3A_299 = arith.constant 1.000000e+00 : f32
    %add3A_300 = vector.broadcast %add3A_299 : f32 to vector<1x1024xf32>
    %add3A_301 = arith.addf %add3A_300, %exp3A_298 : vector<1x1024xf32>
    %div3A_302 = arith.constant 1.000000e+00 : f32
    %div3A_303 = vector.broadcast %div3A_302 : f32 to vector<1x1024xf32>
    %div3A_304 = arith.divf %div3A_303, %add3A_301 : vector<1x1024xf32>
    %mul3A_305 = arith.mulf %mul3A_267, %div3A_304 : vector<1x1024xf32>
    %add3A_306 = arith.addf %add3A_240, %mul3A_305 : vector<1x1024xf32>
    %sub3A_307 = arith.constant 1.000000e+00 : f32
    %sub3A_308 = vector.broadcast %sub3A_307 : f32 to vector<1x1024xf32>
    %sub3A_309 = arith.subf %sub3A_308, %sub3A_266 : vector<1x1024xf32>
    %add3A_310 = arith.constant 1.000000e-10 : f32
    %add3A_311 = vector.broadcast %add3A_310 : f32 to vector<1x1024xf32>
    %add3A_312 = arith.addf %sub3A_309, %add3A_311 : vector<1x1024xf32>
    %mul3A_313 = arith.mulf %mul3A_247, %add3A_312 : vector<1x1024xf32>
    %get3A_314 = arith.constant 4 : index
    %get3A_315 = arith.constant 0 : index
    %get3A_316 = arith.constant 0 : index
    %get3A_317 = vector.load %arg0[%get3A_314, %get3A_315, %get3A_316] : memref<16x4x1024xf32, #tpu.memory_space<vmem>>, vector<1x4x1024xf32>
    %get3A_318 = vector.shape_cast %get3A_317 : vector<1x4x1024xf32> to vector<4x1024xf32>
    %slice3A_319 = vector.extract_strided_slice %get3A_318 {offsets = [0, 0], sizes = [1, 1024], strides = [1, 1]} : vector<4x1024xf32> to vector<1x1024xf32>
    %max3A_320 = arith.constant 0.000000e+00 : f32
    %max3A_321 = vector.broadcast %max3A_320 : f32 to vector<1x1024xf32>
    %max3A_322 = arith.maximumf %slice3A_319, %max3A_321 : vector<1x1024xf32>
    %neg3A_323 = arith.constant 0.000000e+00 : f32
    %neg3A_324 = vector.broadcast %neg3A_323 : f32 to vector<1x1024xf32>
    %neg3A_325 = arith.subf %neg3A_324, %max3A_322 : vector<1x1024xf32>
    %mul3A_326 = arith.constant 0.0718750059 : f32
    %mul3A_327 = vector.broadcast %mul3A_326 : f32 to vector<1x1024xf32>
    %mul3A_328 = arith.mulf %neg3A_325, %mul3A_327 : vector<1x1024xf32>
    %exp3A_329 = math.exp %mul3A_328 : vector<1x1024xf32>
    %sub3A_330 = arith.constant 1.000000e+00 : f32
    %sub3A_331 = vector.broadcast %sub3A_330 : f32 to vector<1x1024xf32>
    %sub3A_332 = arith.subf %sub3A_331, %exp3A_329 : vector<1x1024xf32>
    %mul3A_333 = arith.mulf %sub3A_332, %mul3A_313 : vector<1x1024xf32>
    %slice3A_334 = vector.extract_strided_slice %get3A_318 {offsets = [1, 0], sizes = [1, 1024], strides = [1, 1]} : vector<4x1024xf32> to vector<1x1024xf32>
    %neg3A_335 = arith.constant 0.000000e+00 : f32
    %neg3A_336 = vector.broadcast %neg3A_335 : f32 to vector<1x1024xf32>
    %neg3A_337 = arith.subf %neg3A_336, %slice3A_334 : vector<1x1024xf32>
    %exp3A_338 = math.exp %neg3A_337 : vector<1x1024xf32>
    %add3A_339 = arith.constant 1.000000e+00 : f32
    %add3A_340 = vector.broadcast %add3A_339 : f32 to vector<1x1024xf32>
    %add3A_341 = arith.addf %add3A_340, %exp3A_338 : vector<1x1024xf32>
    %div3A_342 = arith.constant 1.000000e+00 : f32
    %div3A_343 = vector.broadcast %div3A_342 : f32 to vector<1x1024xf32>
    %div3A_344 = arith.divf %div3A_343, %add3A_341 : vector<1x1024xf32>
    %mul3A_345 = arith.mulf %mul3A_333, %div3A_344 : vector<1x1024xf32>
    %add3A_346 = arith.addf %add3A_280, %mul3A_345 : vector<1x1024xf32>
    %slice3A_347 = vector.extract_strided_slice %get3A_318 {offsets = [2, 0], sizes = [1, 1024], strides = [1, 1]} : vector<4x1024xf32> to vector<1x1024xf32>
    %neg3A_348 = arith.constant 0.000000e+00 : f32
    %neg3A_349 = vector.broadcast %neg3A_348 : f32 to vector<1x1024xf32>
    %neg3A_350 = arith.subf %neg3A_349, %slice3A_347 : vector<1x1024xf32>
    %exp3A_351 = math.exp %neg3A_350 : vector<1x1024xf32>
    %add3A_352 = arith.constant 1.000000e+00 : f32
    %add3A_353 = vector.broadcast %add3A_352 : f32 to vector<1x1024xf32>
    %add3A_354 = arith.addf %add3A_353, %exp3A_351 : vector<1x1024xf32>
    %div3A_355 = arith.constant 1.000000e+00 : f32
    %div3A_356 = vector.broadcast %div3A_355 : f32 to vector<1x1024xf32>
    %div3A_357 = arith.divf %div3A_356, %add3A_354 : vector<1x1024xf32>
    %mul3A_358 = arith.mulf %mul3A_333, %div3A_357 : vector<1x1024xf32>
    %add3A_359 = arith.addf %add3A_293, %mul3A_358 : vector<1x1024xf32>
    %slice3A_360 = vector.extract_strided_slice %get3A_318 {offsets = [3, 0], sizes = [1, 1024], strides = [1, 1]} : vector<4x1024xf32> to vector<1x1024xf32>
    %neg3A_361 = arith.constant 0.000000e+00 : f32
    %neg3A_362 = vector.broadcast %neg3A_361 : f32 to vector<1x1024xf32>
    %neg3A_363 = arith.subf %neg3A_362, %slice3A_360 : vector<1x1024xf32>
    %exp3A_364 = math.exp %neg3A_363 : vector<1x1024xf32>
    %add3A_365 = arith.constant 1.000000e+00 : f32
    %add3A_366 = vector.broadcast %add3A_365 : f32 to vector<1x1024xf32>
    %add3A_367 = arith.addf %add3A_366, %exp3A_364 : vector<1x1024xf32>
    %div3A_368 = arith.constant 1.000000e+00 : f32
    %div3A_369 = vector.broadcast %div3A_368 : f32 to vector<1x1024xf32>
    %div3A_370 = arith.divf %div3A_369, %add3A_367 : vector<1x1024xf32>
    %mul3A_371 = arith.mulf %mul3A_333, %div3A_370 : vector<1x1024xf32>
    %add3A_372 = arith.addf %add3A_306, %mul3A_371 : vector<1x1024xf32>
    %sub3A_373 = arith.constant 1.000000e+00 : f32
    %sub3A_374 = vector.broadcast %sub3A_373 : f32 to vector<1x1024xf32>
    %sub3A_375 = arith.subf %sub3A_374, %sub3A_332 : vector<1x1024xf32>
    %add3A_376 = arith.constant 1.000000e-10 : f32
    %add3A_377 = vector.broadcast %add3A_376 : f32 to vector<1x1024xf32>
    %add3A_378 = arith.addf %sub3A_375, %add3A_377 : vector<1x1024xf32>
    %mul3A_379 = arith.mulf %mul3A_313, %add3A_378 : vector<1x1024xf32>
    %get3A_380 = arith.constant 5 : index
    %get3A_381 = arith.constant 0 : index
    %get3A_382 = arith.constant 0 : index
    %get3A_383 = vector.load %arg0[%get3A_380, %get3A_381, %get3A_382] : memref<16x4x1024xf32, #tpu.memory_space<vmem>>, vector<1x4x1024xf32>
    %get3A_384 = vector.shape_cast %get3A_383 : vector<1x4x1024xf32> to vector<4x1024xf32>
    %slice3A_385 = vector.extract_strided_slice %get3A_384 {offsets = [0, 0], sizes = [1, 1024], strides = [1, 1]} : vector<4x1024xf32> to vector<1x1024xf32>
    %max3A_386 = arith.constant 0.000000e+00 : f32
    %max3A_387 = vector.broadcast %max3A_386 : f32 to vector<1x1024xf32>
    %max3A_388 = arith.maximumf %slice3A_385, %max3A_387 : vector<1x1024xf32>
    %neg3A_389 = arith.constant 0.000000e+00 : f32
    %neg3A_390 = vector.broadcast %neg3A_389 : f32 to vector<1x1024xf32>
    %neg3A_391 = arith.subf %neg3A_390, %max3A_388 : vector<1x1024xf32>
    %mul3A_392 = arith.constant 0.0718749762 : f32
    %mul3A_393 = vector.broadcast %mul3A_392 : f32 to vector<1x1024xf32>
    %mul3A_394 = arith.mulf %neg3A_391, %mul3A_393 : vector<1x1024xf32>
    %exp3A_395 = math.exp %mul3A_394 : vector<1x1024xf32>
    %sub3A_396 = arith.constant 1.000000e+00 : f32
    %sub3A_397 = vector.broadcast %sub3A_396 : f32 to vector<1x1024xf32>
    %sub3A_398 = arith.subf %sub3A_397, %exp3A_395 : vector<1x1024xf32>
    %mul3A_399 = arith.mulf %sub3A_398, %mul3A_379 : vector<1x1024xf32>
    %slice3A_400 = vector.extract_strided_slice %get3A_384 {offsets = [1, 0], sizes = [1, 1024], strides = [1, 1]} : vector<4x1024xf32> to vector<1x1024xf32>
    %neg3A_401 = arith.constant 0.000000e+00 : f32
    %neg3A_402 = vector.broadcast %neg3A_401 : f32 to vector<1x1024xf32>
    %neg3A_403 = arith.subf %neg3A_402, %slice3A_400 : vector<1x1024xf32>
    %exp3A_404 = math.exp %neg3A_403 : vector<1x1024xf32>
    %add3A_405 = arith.constant 1.000000e+00 : f32
    %add3A_406 = vector.broadcast %add3A_405 : f32 to vector<1x1024xf32>
    %add3A_407 = arith.addf %add3A_406, %exp3A_404 : vector<1x1024xf32>
    %div3A_408 = arith.constant 1.000000e+00 : f32
    %div3A_409 = vector.broadcast %div3A_408 : f32 to vector<1x1024xf32>
    %div3A_410 = arith.divf %div3A_409, %add3A_407 : vector<1x1024xf32>
    %mul3A_411 = arith.mulf %mul3A_399, %div3A_410 : vector<1x1024xf32>
    %add3A_412 = arith.addf %add3A_346, %mul3A_411 : vector<1x1024xf32>
    %slice3A_413 = vector.extract_strided_slice %get3A_384 {offsets = [2, 0], sizes = [1, 1024], strides = [1, 1]} : vector<4x1024xf32> to vector<1x1024xf32>
    %neg3A_414 = arith.constant 0.000000e+00 : f32
    %neg3A_415 = vector.broadcast %neg3A_414 : f32 to vector<1x1024xf32>
    %neg3A_416 = arith.subf %neg3A_415, %slice3A_413 : vector<1x1024xf32>
    %exp3A_417 = math.exp %neg3A_416 : vector<1x1024xf32>
    %add3A_418 = arith.constant 1.000000e+00 : f32
    %add3A_419 = vector.broadcast %add3A_418 : f32 to vector<1x1024xf32>
    %add3A_420 = arith.addf %add3A_419, %exp3A_417 : vector<1x1024xf32>
    %div3A_421 = arith.constant 1.000000e+00 : f32
    %div3A_422 = vector.broadcast %div3A_421 : f32 to vector<1x1024xf32>
    %div3A_423 = arith.divf %div3A_422, %add3A_420 : vector<1x1024xf32>
    %mul3A_424 = arith.mulf %mul3A_399, %div3A_423 : vector<1x1024xf32>
    %add3A_425 = arith.addf %add3A_359, %mul3A_424 : vector<1x1024xf32>
    %slice3A_426 = vector.extract_strided_slice %get3A_384 {offsets = [3, 0], sizes = [1, 1024], strides = [1, 1]} : vector<4x1024xf32> to vector<1x1024xf32>
    %neg3A_427 = arith.constant 0.000000e+00 : f32
    %neg3A_428 = vector.broadcast %neg3A_427 : f32 to vector<1x1024xf32>
    %neg3A_429 = arith.subf %neg3A_428, %slice3A_426 : vector<1x1024xf32>
    %exp3A_430 = math.exp %neg3A_429 : vector<1x1024xf32>
    %add3A_431 = arith.constant 1.000000e+00 : f32
    %add3A_432 = vector.broadcast %add3A_431 : f32 to vector<1x1024xf32>
    %add3A_433 = arith.addf %add3A_432, %exp3A_430 : vector<1x1024xf32>
    %div3A_434 = arith.constant 1.000000e+00 : f32
    %div3A_435 = vector.broadcast %div3A_434 : f32 to vector<1x1024xf32>
    %div3A_436 = arith.divf %div3A_435, %add3A_433 : vector<1x1024xf32>
    %mul3A_437 = arith.mulf %mul3A_399, %div3A_436 : vector<1x1024xf32>
    %add3A_438 = arith.addf %add3A_372, %mul3A_437 : vector<1x1024xf32>
    %sub3A_439 = arith.constant 1.000000e+00 : f32
    %sub3A_440 = vector.broadcast %sub3A_439 : f32 to vector<1x1024xf32>
    %sub3A_441 = arith.subf %sub3A_440, %sub3A_398 : vector<1x1024xf32>
    %add3A_442 = arith.constant 1.000000e-10 : f32
    %add3A_443 = vector.broadcast %add3A_442 : f32 to vector<1x1024xf32>
    %add3A_444 = arith.addf %sub3A_441, %add3A_443 : vector<1x1024xf32>
    %mul3A_445 = arith.mulf %mul3A_379, %add3A_444 : vector<1x1024xf32>
    %get3A_446 = arith.constant 6 : index
    %get3A_447 = arith.constant 0 : index
    %get3A_448 = arith.constant 0 : index
    %get3A_449 = vector.load %arg0[%get3A_446, %get3A_447, %get3A_448] : memref<16x4x1024xf32, #tpu.memory_space<vmem>>, vector<1x4x1024xf32>
    %get3A_450 = vector.shape_cast %get3A_449 : vector<1x4x1024xf32> to vector<4x1024xf32>
    %slice3A_451 = vector.extract_strided_slice %get3A_450 {offsets = [0, 0], sizes = [1, 1024], strides = [1, 1]} : vector<4x1024xf32> to vector<1x1024xf32>
    %max3A_452 = arith.constant 0.000000e+00 : f32
    %max3A_453 = vector.broadcast %max3A_452 : f32 to vector<1x1024xf32>
    %max3A_454 = arith.maximumf %slice3A_451, %max3A_453 : vector<1x1024xf32>
    %neg3A_455 = arith.constant 0.000000e+00 : f32
    %neg3A_456 = vector.broadcast %neg3A_455 : f32 to vector<1x1024xf32>
    %neg3A_457 = arith.subf %neg3A_456, %max3A_454 : vector<1x1024xf32>
    %mul3A_458 = arith.constant 0.0718750358 : f32
    %mul3A_459 = vector.broadcast %mul3A_458 : f32 to vector<1x1024xf32>
    %mul3A_460 = arith.mulf %neg3A_457, %mul3A_459 : vector<1x1024xf32>
    %exp3A_461 = math.exp %mul3A_460 : vector<1x1024xf32>
    %sub3A_462 = arith.constant 1.000000e+00 : f32
    %sub3A_463 = vector.broadcast %sub3A_462 : f32 to vector<1x1024xf32>
    %sub3A_464 = arith.subf %sub3A_463, %exp3A_461 : vector<1x1024xf32>
    %mul3A_465 = arith.mulf %sub3A_464, %mul3A_445 : vector<1x1024xf32>
    %slice3A_466 = vector.extract_strided_slice %get3A_450 {offsets = [1, 0], sizes = [1, 1024], strides = [1, 1]} : vector<4x1024xf32> to vector<1x1024xf32>
    %neg3A_467 = arith.constant 0.000000e+00 : f32
    %neg3A_468 = vector.broadcast %neg3A_467 : f32 to vector<1x1024xf32>
    %neg3A_469 = arith.subf %neg3A_468, %slice3A_466 : vector<1x1024xf32>
    %exp3A_470 = math.exp %neg3A_469 : vector<1x1024xf32>
    %add3A_471 = arith.constant 1.000000e+00 : f32
    %add3A_472 = vector.broadcast %add3A_471 : f32 to vector<1x1024xf32>
    %add3A_473 = arith.addf %add3A_472, %exp3A_470 : vector<1x1024xf32>
    %div3A_474 = arith.constant 1.000000e+00 : f32
    %div3A_475 = vector.broadcast %div3A_474 : f32 to vector<1x1024xf32>
    %div3A_476 = arith.divf %div3A_475, %add3A_473 : vector<1x1024xf32>
    %mul3A_477 = arith.mulf %mul3A_465, %div3A_476 : vector<1x1024xf32>
    %add3A_478 = arith.addf %add3A_412, %mul3A_477 : vector<1x1024xf32>
    %slice3A_479 = vector.extract_strided_slice %get3A_450 {offsets = [2, 0], sizes = [1, 1024], strides = [1, 1]} : vector<4x1024xf32> to vector<1x1024xf32>
    %neg3A_480 = arith.constant 0.000000e+00 : f32
    %neg3A_481 = vector.broadcast %neg3A_480 : f32 to vector<1x1024xf32>
    %neg3A_482 = arith.subf %neg3A_481, %slice3A_479 : vector<1x1024xf32>
    %exp3A_483 = math.exp %neg3A_482 : vector<1x1024xf32>
    %add3A_484 = arith.constant 1.000000e+00 : f32
    %add3A_485 = vector.broadcast %add3A_484 : f32 to vector<1x1024xf32>
    %add3A_486 = arith.addf %add3A_485, %exp3A_483 : vector<1x1024xf32>
    %div3A_487 = arith.constant 1.000000e+00 : f32
    %div3A_488 = vector.broadcast %div3A_487 : f32 to vector<1x1024xf32>
    %div3A_489 = arith.divf %div3A_488, %add3A_486 : vector<1x1024xf32>
    %mul3A_490 = arith.mulf %mul3A_465, %div3A_489 : vector<1x1024xf32>
    %add3A_491 = arith.addf %add3A_425, %mul3A_490 : vector<1x1024xf32>
    %slice3A_492 = vector.extract_strided_slice %get3A_450 {offsets = [3, 0], sizes = [1, 1024], strides = [1, 1]} : vector<4x1024xf32> to vector<1x1024xf32>
    %neg3A_493 = arith.constant 0.000000e+00 : f32
    %neg3A_494 = vector.broadcast %neg3A_493 : f32 to vector<1x1024xf32>
    %neg3A_495 = arith.subf %neg3A_494, %slice3A_492 : vector<1x1024xf32>
    %exp3A_496 = math.exp %neg3A_495 : vector<1x1024xf32>
    %add3A_497 = arith.constant 1.000000e+00 : f32
    %add3A_498 = vector.broadcast %add3A_497 : f32 to vector<1x1024xf32>
    %add3A_499 = arith.addf %add3A_498, %exp3A_496 : vector<1x1024xf32>
    %div3A_500 = arith.constant 1.000000e+00 : f32
    %div3A_501 = vector.broadcast %div3A_500 : f32 to vector<1x1024xf32>
    %div3A_502 = arith.divf %div3A_501, %add3A_499 : vector<1x1024xf32>
    %mul3A_503 = arith.mulf %mul3A_465, %div3A_502 : vector<1x1024xf32>
    %add3A_504 = arith.addf %add3A_438, %mul3A_503 : vector<1x1024xf32>
    %sub3A_505 = arith.constant 1.000000e+00 : f32
    %sub3A_506 = vector.broadcast %sub3A_505 : f32 to vector<1x1024xf32>
    %sub3A_507 = arith.subf %sub3A_506, %sub3A_464 : vector<1x1024xf32>
    %add3A_508 = arith.constant 1.000000e-10 : f32
    %add3A_509 = vector.broadcast %add3A_508 : f32 to vector<1x1024xf32>
    %add3A_510 = arith.addf %sub3A_507, %add3A_509 : vector<1x1024xf32>
    %mul3A_511 = arith.mulf %mul3A_445, %add3A_510 : vector<1x1024xf32>
    %get3A_512 = arith.constant 7 : index
    %get3A_513 = arith.constant 0 : index
    %get3A_514 = arith.constant 0 : index
    %get3A_515 = vector.load %arg0[%get3A_512, %get3A_513, %get3A_514] : memref<16x4x1024xf32, #tpu.memory_space<vmem>>, vector<1x4x1024xf32>
    %get3A_516 = vector.shape_cast %get3A_515 : vector<1x4x1024xf32> to vector<4x1024xf32>
    %slice3A_517 = vector.extract_strided_slice %get3A_516 {offsets = [0, 0], sizes = [1, 1024], strides = [1, 1]} : vector<4x1024xf32> to vector<1x1024xf32>
    %max3A_518 = arith.constant 0.000000e+00 : f32
    %max3A_519 = vector.broadcast %max3A_518 : f32 to vector<1x1024xf32>
    %max3A_520 = arith.maximumf %slice3A_517, %max3A_519 : vector<1x1024xf32>
    %neg3A_521 = arith.constant 0.000000e+00 : f32
    %neg3A_522 = vector.broadcast %neg3A_521 : f32 to vector<1x1024xf32>
    %neg3A_523 = arith.subf %neg3A_522, %max3A_520 : vector<1x1024xf32>
    %mul3A_524 = arith.constant 0.0718749762 : f32
    %mul3A_525 = vector.broadcast %mul3A_524 : f32 to vector<1x1024xf32>
    %mul3A_526 = arith.mulf %neg3A_523, %mul3A_525 : vector<1x1024xf32>
    %exp3A_527 = math.exp %mul3A_526 : vector<1x1024xf32>
    %sub3A_528 = arith.constant 1.000000e+00 : f32
    %sub3A_529 = vector.broadcast %sub3A_528 : f32 to vector<1x1024xf32>
    %sub3A_530 = arith.subf %sub3A_529, %exp3A_527 : vector<1x1024xf32>
    %mul3A_531 = arith.mulf %sub3A_530, %mul3A_511 : vector<1x1024xf32>
    %slice3A_532 = vector.extract_strided_slice %get3A_516 {offsets = [1, 0], sizes = [1, 1024], strides = [1, 1]} : vector<4x1024xf32> to vector<1x1024xf32>
    %neg3A_533 = arith.constant 0.000000e+00 : f32
    %neg3A_534 = vector.broadcast %neg3A_533 : f32 to vector<1x1024xf32>
    %neg3A_535 = arith.subf %neg3A_534, %slice3A_532 : vector<1x1024xf32>
    %exp3A_536 = math.exp %neg3A_535 : vector<1x1024xf32>
    %add3A_537 = arith.constant 1.000000e+00 : f32
    %add3A_538 = vector.broadcast %add3A_537 : f32 to vector<1x1024xf32>
    %add3A_539 = arith.addf %add3A_538, %exp3A_536 : vector<1x1024xf32>
    %div3A_540 = arith.constant 1.000000e+00 : f32
    %div3A_541 = vector.broadcast %div3A_540 : f32 to vector<1x1024xf32>
    %div3A_542 = arith.divf %div3A_541, %add3A_539 : vector<1x1024xf32>
    %mul3A_543 = arith.mulf %mul3A_531, %div3A_542 : vector<1x1024xf32>
    %add3A_544 = arith.addf %add3A_478, %mul3A_543 : vector<1x1024xf32>
    %slice3A_545 = vector.extract_strided_slice %get3A_516 {offsets = [2, 0], sizes = [1, 1024], strides = [1, 1]} : vector<4x1024xf32> to vector<1x1024xf32>
    %neg3A_546 = arith.constant 0.000000e+00 : f32
    %neg3A_547 = vector.broadcast %neg3A_546 : f32 to vector<1x1024xf32>
    %neg3A_548 = arith.subf %neg3A_547, %slice3A_545 : vector<1x1024xf32>
    %exp3A_549 = math.exp %neg3A_548 : vector<1x1024xf32>
    %add3A_550 = arith.constant 1.000000e+00 : f32
    %add3A_551 = vector.broadcast %add3A_550 : f32 to vector<1x1024xf32>
    %add3A_552 = arith.addf %add3A_551, %exp3A_549 : vector<1x1024xf32>
    %div3A_553 = arith.constant 1.000000e+00 : f32
    %div3A_554 = vector.broadcast %div3A_553 : f32 to vector<1x1024xf32>
    %div3A_555 = arith.divf %div3A_554, %add3A_552 : vector<1x1024xf32>
    %mul3A_556 = arith.mulf %mul3A_531, %div3A_555 : vector<1x1024xf32>
    %add3A_557 = arith.addf %add3A_491, %mul3A_556 : vector<1x1024xf32>
    %slice3A_558 = vector.extract_strided_slice %get3A_516 {offsets = [3, 0], sizes = [1, 1024], strides = [1, 1]} : vector<4x1024xf32> to vector<1x1024xf32>
    %neg3A_559 = arith.constant 0.000000e+00 : f32
    %neg3A_560 = vector.broadcast %neg3A_559 : f32 to vector<1x1024xf32>
    %neg3A_561 = arith.subf %neg3A_560, %slice3A_558 : vector<1x1024xf32>
    %exp3A_562 = math.exp %neg3A_561 : vector<1x1024xf32>
    %add3A_563 = arith.constant 1.000000e+00 : f32
    %add3A_564 = vector.broadcast %add3A_563 : f32 to vector<1x1024xf32>
    %add3A_565 = arith.addf %add3A_564, %exp3A_562 : vector<1x1024xf32>
    %div3A_566 = arith.constant 1.000000e+00 : f32
    %div3A_567 = vector.broadcast %div3A_566 : f32 to vector<1x1024xf32>
    %div3A_568 = arith.divf %div3A_567, %add3A_565 : vector<1x1024xf32>
    %mul3A_569 = arith.mulf %mul3A_531, %div3A_568 : vector<1x1024xf32>
    %add3A_570 = arith.addf %add3A_504, %mul3A_569 : vector<1x1024xf32>
    %sub3A_571 = arith.constant 1.000000e+00 : f32
    %sub3A_572 = vector.broadcast %sub3A_571 : f32 to vector<1x1024xf32>
    %sub3A_573 = arith.subf %sub3A_572, %sub3A_530 : vector<1x1024xf32>
    %add3A_574 = arith.constant 1.000000e-10 : f32
    %add3A_575 = vector.broadcast %add3A_574 : f32 to vector<1x1024xf32>
    %add3A_576 = arith.addf %sub3A_573, %add3A_575 : vector<1x1024xf32>
    %mul3A_577 = arith.mulf %mul3A_511, %add3A_576 : vector<1x1024xf32>
    %get3A_578 = arith.constant 8 : index
    %get3A_579 = arith.constant 0 : index
    %get3A_580 = arith.constant 0 : index
    %get3A_581 = vector.load %arg0[%get3A_578, %get3A_579, %get3A_580] : memref<16x4x1024xf32, #tpu.memory_space<vmem>>, vector<1x4x1024xf32>
    %get3A_582 = vector.shape_cast %get3A_581 : vector<1x4x1024xf32> to vector<4x1024xf32>
    %slice3A_583 = vector.extract_strided_slice %get3A_582 {offsets = [0, 0], sizes = [1, 1024], strides = [1, 1]} : vector<4x1024xf32> to vector<1x1024xf32>
    %max3A_584 = arith.constant 0.000000e+00 : f32
    %max3A_585 = vector.broadcast %max3A_584 : f32 to vector<1x1024xf32>
    %max3A_586 = arith.maximumf %slice3A_583, %max3A_585 : vector<1x1024xf32>
    %neg3A_587 = arith.constant 0.000000e+00 : f32
    %neg3A_588 = vector.broadcast %neg3A_587 : f32 to vector<1x1024xf32>
    %neg3A_589 = arith.subf %neg3A_588, %max3A_586 : vector<1x1024xf32>
    %mul3A_590 = arith.constant 0.0718749762 : f32
    %mul3A_591 = vector.broadcast %mul3A_590 : f32 to vector<1x1024xf32>
    %mul3A_592 = arith.mulf %neg3A_589, %mul3A_591 : vector<1x1024xf32>
    %exp3A_593 = math.exp %mul3A_592 : vector<1x1024xf32>
    %sub3A_594 = arith.constant 1.000000e+00 : f32
    %sub3A_595 = vector.broadcast %sub3A_594 : f32 to vector<1x1024xf32>
    %sub3A_596 = arith.subf %sub3A_595, %exp3A_593 : vector<1x1024xf32>
    %mul3A_597 = arith.mulf %sub3A_596, %mul3A_577 : vector<1x1024xf32>
    %slice3A_598 = vector.extract_strided_slice %get3A_582 {offsets = [1, 0], sizes = [1, 1024], strides = [1, 1]} : vector<4x1024xf32> to vector<1x1024xf32>
    %neg3A_599 = arith.constant 0.000000e+00 : f32
    %neg3A_600 = vector.broadcast %neg3A_599 : f32 to vector<1x1024xf32>
    %neg3A_601 = arith.subf %neg3A_600, %slice3A_598 : vector<1x1024xf32>
    %exp3A_602 = math.exp %neg3A_601 : vector<1x1024xf32>
    %add3A_603 = arith.constant 1.000000e+00 : f32
    %add3A_604 = vector.broadcast %add3A_603 : f32 to vector<1x1024xf32>
    %add3A_605 = arith.addf %add3A_604, %exp3A_602 : vector<1x1024xf32>
    %div3A_606 = arith.constant 1.000000e+00 : f32
    %div3A_607 = vector.broadcast %div3A_606 : f32 to vector<1x1024xf32>
    %div3A_608 = arith.divf %div3A_607, %add3A_605 : vector<1x1024xf32>
    %mul3A_609 = arith.mulf %mul3A_597, %div3A_608 : vector<1x1024xf32>
    %add3A_610 = arith.addf %add3A_544, %mul3A_609 : vector<1x1024xf32>
    %slice3A_611 = vector.extract_strided_slice %get3A_582 {offsets = [2, 0], sizes = [1, 1024], strides = [1, 1]} : vector<4x1024xf32> to vector<1x1024xf32>
    %neg3A_612 = arith.constant 0.000000e+00 : f32
    %neg3A_613 = vector.broadcast %neg3A_612 : f32 to vector<1x1024xf32>
    %neg3A_614 = arith.subf %neg3A_613, %slice3A_611 : vector<1x1024xf32>
    %exp3A_615 = math.exp %neg3A_614 : vector<1x1024xf32>
    %add3A_616 = arith.constant 1.000000e+00 : f32
    %add3A_617 = vector.broadcast %add3A_616 : f32 to vector<1x1024xf32>
    %add3A_618 = arith.addf %add3A_617, %exp3A_615 : vector<1x1024xf32>
    %div3A_619 = arith.constant 1.000000e+00 : f32
    %div3A_620 = vector.broadcast %div3A_619 : f32 to vector<1x1024xf32>
    %div3A_621 = arith.divf %div3A_620, %add3A_618 : vector<1x1024xf32>
    %mul3A_622 = arith.mulf %mul3A_597, %div3A_621 : vector<1x1024xf32>
    %add3A_623 = arith.addf %add3A_557, %mul3A_622 : vector<1x1024xf32>
    %slice3A_624 = vector.extract_strided_slice %get3A_582 {offsets = [3, 0], sizes = [1, 1024], strides = [1, 1]} : vector<4x1024xf32> to vector<1x1024xf32>
    %neg3A_625 = arith.constant 0.000000e+00 : f32
    %neg3A_626 = vector.broadcast %neg3A_625 : f32 to vector<1x1024xf32>
    %neg3A_627 = arith.subf %neg3A_626, %slice3A_624 : vector<1x1024xf32>
    %exp3A_628 = math.exp %neg3A_627 : vector<1x1024xf32>
    %add3A_629 = arith.constant 1.000000e+00 : f32
    %add3A_630 = vector.broadcast %add3A_629 : f32 to vector<1x1024xf32>
    %add3A_631 = arith.addf %add3A_630, %exp3A_628 : vector<1x1024xf32>
    %div3A_632 = arith.constant 1.000000e+00 : f32
    %div3A_633 = vector.broadcast %div3A_632 : f32 to vector<1x1024xf32>
    %div3A_634 = arith.divf %div3A_633, %add3A_631 : vector<1x1024xf32>
    %mul3A_635 = arith.mulf %mul3A_597, %div3A_634 : vector<1x1024xf32>
    %add3A_636 = arith.addf %add3A_570, %mul3A_635 : vector<1x1024xf32>
    %sub3A_637 = arith.constant 1.000000e+00 : f32
    %sub3A_638 = vector.broadcast %sub3A_637 : f32 to vector<1x1024xf32>
    %sub3A_639 = arith.subf %sub3A_638, %sub3A_596 : vector<1x1024xf32>
    %add3A_640 = arith.constant 1.000000e-10 : f32
    %add3A_641 = vector.broadcast %add3A_640 : f32 to vector<1x1024xf32>
    %add3A_642 = arith.addf %sub3A_639, %add3A_641 : vector<1x1024xf32>
    %mul3A_643 = arith.mulf %mul3A_577, %add3A_642 : vector<1x1024xf32>
    %get3A_644 = arith.constant 9 : index
    %get3A_645 = arith.constant 0 : index
    %get3A_646 = arith.constant 0 : index
    %get3A_647 = vector.load %arg0[%get3A_644, %get3A_645, %get3A_646] : memref<16x4x1024xf32, #tpu.memory_space<vmem>>, vector<1x4x1024xf32>
    %get3A_648 = vector.shape_cast %get3A_647 : vector<1x4x1024xf32> to vector<4x1024xf32>
    %slice3A_649 = vector.extract_strided_slice %get3A_648 {offsets = [0, 0], sizes = [1, 1024], strides = [1, 1]} : vector<4x1024xf32> to vector<1x1024xf32>
    %max3A_650 = arith.constant 0.000000e+00 : f32
    %max3A_651 = vector.broadcast %max3A_650 : f32 to vector<1x1024xf32>
    %max3A_652 = arith.maximumf %slice3A_649, %max3A_651 : vector<1x1024xf32>
    %neg3A_653 = arith.constant 0.000000e+00 : f32
    %neg3A_654 = vector.broadcast %neg3A_653 : f32 to vector<1x1024xf32>
    %neg3A_655 = arith.subf %neg3A_654, %max3A_652 : vector<1x1024xf32>
    %mul3A_656 = arith.constant 0.0718750358 : f32
    %mul3A_657 = vector.broadcast %mul3A_656 : f32 to vector<1x1024xf32>
    %mul3A_658 = arith.mulf %neg3A_655, %mul3A_657 : vector<1x1024xf32>
    %exp3A_659 = math.exp %mul3A_658 : vector<1x1024xf32>
    %sub3A_660 = arith.constant 1.000000e+00 : f32
    %sub3A_661 = vector.broadcast %sub3A_660 : f32 to vector<1x1024xf32>
    %sub3A_662 = arith.subf %sub3A_661, %exp3A_659 : vector<1x1024xf32>
    %mul3A_663 = arith.mulf %sub3A_662, %mul3A_643 : vector<1x1024xf32>
    %slice3A_664 = vector.extract_strided_slice %get3A_648 {offsets = [1, 0], sizes = [1, 1024], strides = [1, 1]} : vector<4x1024xf32> to vector<1x1024xf32>
    %neg3A_665 = arith.constant 0.000000e+00 : f32
    %neg3A_666 = vector.broadcast %neg3A_665 : f32 to vector<1x1024xf32>
    %neg3A_667 = arith.subf %neg3A_666, %slice3A_664 : vector<1x1024xf32>
    %exp3A_668 = math.exp %neg3A_667 : vector<1x1024xf32>
    %add3A_669 = arith.constant 1.000000e+00 : f32
    %add3A_670 = vector.broadcast %add3A_669 : f32 to vector<1x1024xf32>
    %add3A_671 = arith.addf %add3A_670, %exp3A_668 : vector<1x1024xf32>
    %div3A_672 = arith.constant 1.000000e+00 : f32
    %div3A_673 = vector.broadcast %div3A_672 : f32 to vector<1x1024xf32>
    %div3A_674 = arith.divf %div3A_673, %add3A_671 : vector<1x1024xf32>
    %mul3A_675 = arith.mulf %mul3A_663, %div3A_674 : vector<1x1024xf32>
    %add3A_676 = arith.addf %add3A_610, %mul3A_675 : vector<1x1024xf32>
    %slice3A_677 = vector.extract_strided_slice %get3A_648 {offsets = [2, 0], sizes = [1, 1024], strides = [1, 1]} : vector<4x1024xf32> to vector<1x1024xf32>
    %neg3A_678 = arith.constant 0.000000e+00 : f32
    %neg3A_679 = vector.broadcast %neg3A_678 : f32 to vector<1x1024xf32>
    %neg3A_680 = arith.subf %neg3A_679, %slice3A_677 : vector<1x1024xf32>
    %exp3A_681 = math.exp %neg3A_680 : vector<1x1024xf32>
    %add3A_682 = arith.constant 1.000000e+00 : f32
    %add3A_683 = vector.broadcast %add3A_682 : f32 to vector<1x1024xf32>
    %add3A_684 = arith.addf %add3A_683, %exp3A_681 : vector<1x1024xf32>
    %div3A_685 = arith.constant 1.000000e+00 : f32
    %div3A_686 = vector.broadcast %div3A_685 : f32 to vector<1x1024xf32>
    %div3A_687 = arith.divf %div3A_686, %add3A_684 : vector<1x1024xf32>
    %mul3A_688 = arith.mulf %mul3A_663, %div3A_687 : vector<1x1024xf32>
    %add3A_689 = arith.addf %add3A_623, %mul3A_688 : vector<1x1024xf32>
    %slice3A_690 = vector.extract_strided_slice %get3A_648 {offsets = [3, 0], sizes = [1, 1024], strides = [1, 1]} : vector<4x1024xf32> to vector<1x1024xf32>
    %neg3A_691 = arith.constant 0.000000e+00 : f32
    %neg3A_692 = vector.broadcast %neg3A_691 : f32 to vector<1x1024xf32>
    %neg3A_693 = arith.subf %neg3A_692, %slice3A_690 : vector<1x1024xf32>
    %exp3A_694 = math.exp %neg3A_693 : vector<1x1024xf32>
    %add3A_695 = arith.constant 1.000000e+00 : f32
    %add3A_696 = vector.broadcast %add3A_695 : f32 to vector<1x1024xf32>
    %add3A_697 = arith.addf %add3A_696, %exp3A_694 : vector<1x1024xf32>
    %div3A_698 = arith.constant 1.000000e+00 : f32
    %div3A_699 = vector.broadcast %div3A_698 : f32 to vector<1x1024xf32>
    %div3A_700 = arith.divf %div3A_699, %add3A_697 : vector<1x1024xf32>
    %mul3A_701 = arith.mulf %mul3A_663, %div3A_700 : vector<1x1024xf32>
    %add3A_702 = arith.addf %add3A_636, %mul3A_701 : vector<1x1024xf32>
    %sub3A_703 = arith.constant 1.000000e+00 : f32
    %sub3A_704 = vector.broadcast %sub3A_703 : f32 to vector<1x1024xf32>
    %sub3A_705 = arith.subf %sub3A_704, %sub3A_662 : vector<1x1024xf32>
    %add3A_706 = arith.constant 1.000000e-10 : f32
    %add3A_707 = vector.broadcast %add3A_706 : f32 to vector<1x1024xf32>
    %add3A_708 = arith.addf %sub3A_705, %add3A_707 : vector<1x1024xf32>
    %mul3A_709 = arith.mulf %mul3A_643, %add3A_708 : vector<1x1024xf32>
    %get3A_710 = arith.constant 10 : index
    %get3A_711 = arith.constant 0 : index
    %get3A_712 = arith.constant 0 : index
    %get3A_713 = vector.load %arg0[%get3A_710, %get3A_711, %get3A_712] : memref<16x4x1024xf32, #tpu.memory_space<vmem>>, vector<1x4x1024xf32>
    %get3A_714 = vector.shape_cast %get3A_713 : vector<1x4x1024xf32> to vector<4x1024xf32>
    %slice3A_715 = vector.extract_strided_slice %get3A_714 {offsets = [0, 0], sizes = [1, 1024], strides = [1, 1]} : vector<4x1024xf32> to vector<1x1024xf32>
    %max3A_716 = arith.constant 0.000000e+00 : f32
    %max3A_717 = vector.broadcast %max3A_716 : f32 to vector<1x1024xf32>
    %max3A_718 = arith.maximumf %slice3A_715, %max3A_717 : vector<1x1024xf32>
    %neg3A_719 = arith.constant 0.000000e+00 : f32
    %neg3A_720 = vector.broadcast %neg3A_719 : f32 to vector<1x1024xf32>
    %neg3A_721 = arith.subf %neg3A_720, %max3A_718 : vector<1x1024xf32>
    %mul3A_722 = arith.constant 0.0718749762 : f32
    %mul3A_723 = vector.broadcast %mul3A_722 : f32 to vector<1x1024xf32>
    %mul3A_724 = arith.mulf %neg3A_721, %mul3A_723 : vector<1x1024xf32>
    %exp3A_725 = math.exp %mul3A_724 : vector<1x1024xf32>
    %sub3A_726 = arith.constant 1.000000e+00 : f32
    %sub3A_727 = vector.broadcast %sub3A_726 : f32 to vector<1x1024xf32>
    %sub3A_728 = arith.subf %sub3A_727, %exp3A_725 : vector<1x1024xf32>
    %mul3A_729 = arith.mulf %sub3A_728, %mul3A_709 : vector<1x1024xf32>
    %slice3A_730 = vector.extract_strided_slice %get3A_714 {offsets = [1, 0], sizes = [1, 1024], strides = [1, 1]} : vector<4x1024xf32> to vector<1x1024xf32>
    %neg3A_731 = arith.constant 0.000000e+00 : f32
    %neg3A_732 = vector.broadcast %neg3A_731 : f32 to vector<1x1024xf32>
    %neg3A_733 = arith.subf %neg3A_732, %slice3A_730 : vector<1x1024xf32>
    %exp3A_734 = math.exp %neg3A_733 : vector<1x1024xf32>
    %add3A_735 = arith.constant 1.000000e+00 : f32
    %add3A_736 = vector.broadcast %add3A_735 : f32 to vector<1x1024xf32>
    %add3A_737 = arith.addf %add3A_736, %exp3A_734 : vector<1x1024xf32>
    %div3A_738 = arith.constant 1.000000e+00 : f32
    %div3A_739 = vector.broadcast %div3A_738 : f32 to vector<1x1024xf32>
    %div3A_740 = arith.divf %div3A_739, %add3A_737 : vector<1x1024xf32>
    %mul3A_741 = arith.mulf %mul3A_729, %div3A_740 : vector<1x1024xf32>
    %add3A_742 = arith.addf %add3A_676, %mul3A_741 : vector<1x1024xf32>
    %slice3A_743 = vector.extract_strided_slice %get3A_714 {offsets = [2, 0], sizes = [1, 1024], strides = [1, 1]} : vector<4x1024xf32> to vector<1x1024xf32>
    %neg3A_744 = arith.constant 0.000000e+00 : f32
    %neg3A_745 = vector.broadcast %neg3A_744 : f32 to vector<1x1024xf32>
    %neg3A_746 = arith.subf %neg3A_745, %slice3A_743 : vector<1x1024xf32>
    %exp3A_747 = math.exp %neg3A_746 : vector<1x1024xf32>
    %add3A_748 = arith.constant 1.000000e+00 : f32
    %add3A_749 = vector.broadcast %add3A_748 : f32 to vector<1x1024xf32>
    %add3A_750 = arith.addf %add3A_749, %exp3A_747 : vector<1x1024xf32>
    %div3A_751 = arith.constant 1.000000e+00 : f32
    %div3A_752 = vector.broadcast %div3A_751 : f32 to vector<1x1024xf32>
    %div3A_753 = arith.divf %div3A_752, %add3A_750 : vector<1x1024xf32>
    %mul3A_754 = arith.mulf %mul3A_729, %div3A_753 : vector<1x1024xf32>
    %add3A_755 = arith.addf %add3A_689, %mul3A_754 : vector<1x1024xf32>
    %slice3A_756 = vector.extract_strided_slice %get3A_714 {offsets = [3, 0], sizes = [1, 1024], strides = [1, 1]} : vector<4x1024xf32> to vector<1x1024xf32>
    %neg3A_757 = arith.constant 0.000000e+00 : f32
    %neg3A_758 = vector.broadcast %neg3A_757 : f32 to vector<1x1024xf32>
    %neg3A_759 = arith.subf %neg3A_758, %slice3A_756 : vector<1x1024xf32>
    %exp3A_760 = math.exp %neg3A_759 : vector<1x1024xf32>
    %add3A_761 = arith.constant 1.000000e+00 : f32
    %add3A_762 = vector.broadcast %add3A_761 : f32 to vector<1x1024xf32>
    %add3A_763 = arith.addf %add3A_762, %exp3A_760 : vector<1x1024xf32>
    %div3A_764 = arith.constant 1.000000e+00 : f32
    %div3A_765 = vector.broadcast %div3A_764 : f32 to vector<1x1024xf32>
    %div3A_766 = arith.divf %div3A_765, %add3A_763 : vector<1x1024xf32>
    %mul3A_767 = arith.mulf %mul3A_729, %div3A_766 : vector<1x1024xf32>
    %add3A_768 = arith.addf %add3A_702, %mul3A_767 : vector<1x1024xf32>
    %sub3A_769 = arith.constant 1.000000e+00 : f32
    %sub3A_770 = vector.broadcast %sub3A_769 : f32 to vector<1x1024xf32>
    %sub3A_771 = arith.subf %sub3A_770, %sub3A_728 : vector<1x1024xf32>
    %add3A_772 = arith.constant 1.000000e-10 : f32
    %add3A_773 = vector.broadcast %add3A_772 : f32 to vector<1x1024xf32>
    %add3A_774 = arith.addf %sub3A_771, %add3A_773 : vector<1x1024xf32>
    %mul3A_775 = arith.mulf %mul3A_709, %add3A_774 : vector<1x1024xf32>
    %get3A_776 = arith.constant 11 : index
    %get3A_777 = arith.constant 0 : index
    %get3A_778 = arith.constant 0 : index
    %get3A_779 = vector.load %arg0[%get3A_776, %get3A_777, %get3A_778] : memref<16x4x1024xf32, #tpu.memory_space<vmem>>, vector<1x4x1024xf32>
    %get3A_780 = vector.shape_cast %get3A_779 : vector<1x4x1024xf32> to vector<4x1024xf32>
    %slice3A_781 = vector.extract_strided_slice %get3A_780 {offsets = [0, 0], sizes = [1, 1024], strides = [1, 1]} : vector<4x1024xf32> to vector<1x1024xf32>
    %max3A_782 = arith.constant 0.000000e+00 : f32
    %max3A_783 = vector.broadcast %max3A_782 : f32 to vector<1x1024xf32>
    %max3A_784 = arith.maximumf %slice3A_781, %max3A_783 : vector<1x1024xf32>
    %neg3A_785 = arith.constant 0.000000e+00 : f32
    %neg3A_786 = vector.broadcast %neg3A_785 : f32 to vector<1x1024xf32>
    %neg3A_787 = arith.subf %neg3A_786, %max3A_784 : vector<1x1024xf32>
    %mul3A_788 = arith.constant 0.0718750358 : f32
    %mul3A_789 = vector.broadcast %mul3A_788 : f32 to vector<1x1024xf32>
    %mul3A_790 = arith.mulf %neg3A_787, %mul3A_789 : vector<1x1024xf32>
    %exp3A_791 = math.exp %mul3A_790 : vector<1x1024xf32>
    %sub3A_792 = arith.constant 1.000000e+00 : f32
    %sub3A_793 = vector.broadcast %sub3A_792 : f32 to vector<1x1024xf32>
    %sub3A_794 = arith.subf %sub3A_793, %exp3A_791 : vector<1x1024xf32>
    %mul3A_795 = arith.mulf %sub3A_794, %mul3A_775 : vector<1x1024xf32>
    %slice3A_796 = vector.extract_strided_slice %get3A_780 {offsets = [1, 0], sizes = [1, 1024], strides = [1, 1]} : vector<4x1024xf32> to vector<1x1024xf32>
    %neg3A_797 = arith.constant 0.000000e+00 : f32
    %neg3A_798 = vector.broadcast %neg3A_797 : f32 to vector<1x1024xf32>
    %neg3A_799 = arith.subf %neg3A_798, %slice3A_796 : vector<1x1024xf32>
    %exp3A_800 = math.exp %neg3A_799 : vector<1x1024xf32>
    %add3A_801 = arith.constant 1.000000e+00 : f32
    %add3A_802 = vector.broadcast %add3A_801 : f32 to vector<1x1024xf32>
    %add3A_803 = arith.addf %add3A_802, %exp3A_800 : vector<1x1024xf32>
    %div3A_804 = arith.constant 1.000000e+00 : f32
    %div3A_805 = vector.broadcast %div3A_804 : f32 to vector<1x1024xf32>
    %div3A_806 = arith.divf %div3A_805, %add3A_803 : vector<1x1024xf32>
    %mul3A_807 = arith.mulf %mul3A_795, %div3A_806 : vector<1x1024xf32>
    %add3A_808 = arith.addf %add3A_742, %mul3A_807 : vector<1x1024xf32>
    %slice3A_809 = vector.extract_strided_slice %get3A_780 {offsets = [2, 0], sizes = [1, 1024], strides = [1, 1]} : vector<4x1024xf32> to vector<1x1024xf32>
    %neg3A_810 = arith.constant 0.000000e+00 : f32
    %neg3A_811 = vector.broadcast %neg3A_810 : f32 to vector<1x1024xf32>
    %neg3A_812 = arith.subf %neg3A_811, %slice3A_809 : vector<1x1024xf32>
    %exp3A_813 = math.exp %neg3A_812 : vector<1x1024xf32>
    %add3A_814 = arith.constant 1.000000e+00 : f32
    %add3A_815 = vector.broadcast %add3A_814 : f32 to vector<1x1024xf32>
    %add3A_816 = arith.addf %add3A_815, %exp3A_813 : vector<1x1024xf32>
    %div3A_817 = arith.constant 1.000000e+00 : f32
    %div3A_818 = vector.broadcast %div3A_817 : f32 to vector<1x1024xf32>
    %div3A_819 = arith.divf %div3A_818, %add3A_816 : vector<1x1024xf32>
    %mul3A_820 = arith.mulf %mul3A_795, %div3A_819 : vector<1x1024xf32>
    %add3A_821 = arith.addf %add3A_755, %mul3A_820 : vector<1x1024xf32>
    %slice3A_822 = vector.extract_strided_slice %get3A_780 {offsets = [3, 0], sizes = [1, 1024], strides = [1, 1]} : vector<4x1024xf32> to vector<1x1024xf32>
    %neg3A_823 = arith.constant 0.000000e+00 : f32
    %neg3A_824 = vector.broadcast %neg3A_823 : f32 to vector<1x1024xf32>
    %neg3A_825 = arith.subf %neg3A_824, %slice3A_822 : vector<1x1024xf32>
    %exp3A_826 = math.exp %neg3A_825 : vector<1x1024xf32>
    %add3A_827 = arith.constant 1.000000e+00 : f32
    %add3A_828 = vector.broadcast %add3A_827 : f32 to vector<1x1024xf32>
    %add3A_829 = arith.addf %add3A_828, %exp3A_826 : vector<1x1024xf32>
    %div3A_830 = arith.constant 1.000000e+00 : f32
    %div3A_831 = vector.broadcast %div3A_830 : f32 to vector<1x1024xf32>
    %div3A_832 = arith.divf %div3A_831, %add3A_829 : vector<1x1024xf32>
    %mul3A_833 = arith.mulf %mul3A_795, %div3A_832 : vector<1x1024xf32>
    %add3A_834 = arith.addf %add3A_768, %mul3A_833 : vector<1x1024xf32>
    %sub3A_835 = arith.constant 1.000000e+00 : f32
    %sub3A_836 = vector.broadcast %sub3A_835 : f32 to vector<1x1024xf32>
    %sub3A_837 = arith.subf %sub3A_836, %sub3A_794 : vector<1x1024xf32>
    %add3A_838 = arith.constant 1.000000e-10 : f32
    %add3A_839 = vector.broadcast %add3A_838 : f32 to vector<1x1024xf32>
    %add3A_840 = arith.addf %sub3A_837, %add3A_839 : vector<1x1024xf32>
    %mul3A_841 = arith.mulf %mul3A_775, %add3A_840 : vector<1x1024xf32>
    %get3A_842 = arith.constant 12 : index
    %get3A_843 = arith.constant 0 : index
    %get3A_844 = arith.constant 0 : index
    %get3A_845 = vector.load %arg0[%get3A_842, %get3A_843, %get3A_844] : memref<16x4x1024xf32, #tpu.memory_space<vmem>>, vector<1x4x1024xf32>
    %get3A_846 = vector.shape_cast %get3A_845 : vector<1x4x1024xf32> to vector<4x1024xf32>
    %slice3A_847 = vector.extract_strided_slice %get3A_846 {offsets = [0, 0], sizes = [1, 1024], strides = [1, 1]} : vector<4x1024xf32> to vector<1x1024xf32>
    %max3A_848 = arith.constant 0.000000e+00 : f32
    %max3A_849 = vector.broadcast %max3A_848 : f32 to vector<1x1024xf32>
    %max3A_850 = arith.maximumf %slice3A_847, %max3A_849 : vector<1x1024xf32>
    %neg3A_851 = arith.constant 0.000000e+00 : f32
    %neg3A_852 = vector.broadcast %neg3A_851 : f32 to vector<1x1024xf32>
    %neg3A_853 = arith.subf %neg3A_852, %max3A_850 : vector<1x1024xf32>
    %mul3A_854 = arith.constant 0.0718749762 : f32
    %mul3A_855 = vector.broadcast %mul3A_854 : f32 to vector<1x1024xf32>
    %mul3A_856 = arith.mulf %neg3A_853, %mul3A_855 : vector<1x1024xf32>
    %exp3A_857 = math.exp %mul3A_856 : vector<1x1024xf32>
    %sub3A_858 = arith.constant 1.000000e+00 : f32
    %sub3A_859 = vector.broadcast %sub3A_858 : f32 to vector<1x1024xf32>
    %sub3A_860 = arith.subf %sub3A_859, %exp3A_857 : vector<1x1024xf32>
    %mul3A_861 = arith.mulf %sub3A_860, %mul3A_841 : vector<1x1024xf32>
    %slice3A_862 = vector.extract_strided_slice %get3A_846 {offsets = [1, 0], sizes = [1, 1024], strides = [1, 1]} : vector<4x1024xf32> to vector<1x1024xf32>
    %neg3A_863 = arith.constant 0.000000e+00 : f32
    %neg3A_864 = vector.broadcast %neg3A_863 : f32 to vector<1x1024xf32>
    %neg3A_865 = arith.subf %neg3A_864, %slice3A_862 : vector<1x1024xf32>
    %exp3A_866 = math.exp %neg3A_865 : vector<1x1024xf32>
    %add3A_867 = arith.constant 1.000000e+00 : f32
    %add3A_868 = vector.broadcast %add3A_867 : f32 to vector<1x1024xf32>
    %add3A_869 = arith.addf %add3A_868, %exp3A_866 : vector<1x1024xf32>
    %div3A_870 = arith.constant 1.000000e+00 : f32
    %div3A_871 = vector.broadcast %div3A_870 : f32 to vector<1x1024xf32>
    %div3A_872 = arith.divf %div3A_871, %add3A_869 : vector<1x1024xf32>
    %mul3A_873 = arith.mulf %mul3A_861, %div3A_872 : vector<1x1024xf32>
    %add3A_874 = arith.addf %add3A_808, %mul3A_873 : vector<1x1024xf32>
    %slice3A_875 = vector.extract_strided_slice %get3A_846 {offsets = [2, 0], sizes = [1, 1024], strides = [1, 1]} : vector<4x1024xf32> to vector<1x1024xf32>
    %neg3A_876 = arith.constant 0.000000e+00 : f32
    %neg3A_877 = vector.broadcast %neg3A_876 : f32 to vector<1x1024xf32>
    %neg3A_878 = arith.subf %neg3A_877, %slice3A_875 : vector<1x1024xf32>
    %exp3A_879 = math.exp %neg3A_878 : vector<1x1024xf32>
    %add3A_880 = arith.constant 1.000000e+00 : f32
    %add3A_881 = vector.broadcast %add3A_880 : f32 to vector<1x1024xf32>
    %add3A_882 = arith.addf %add3A_881, %exp3A_879 : vector<1x1024xf32>
    %div3A_883 = arith.constant 1.000000e+00 : f32
    %div3A_884 = vector.broadcast %div3A_883 : f32 to vector<1x1024xf32>
    %div3A_885 = arith.divf %div3A_884, %add3A_882 : vector<1x1024xf32>
    %mul3A_886 = arith.mulf %mul3A_861, %div3A_885 : vector<1x1024xf32>
    %add3A_887 = arith.addf %add3A_821, %mul3A_886 : vector<1x1024xf32>
    %slice3A_888 = vector.extract_strided_slice %get3A_846 {offsets = [3, 0], sizes = [1, 1024], strides = [1, 1]} : vector<4x1024xf32> to vector<1x1024xf32>
    %neg3A_889 = arith.constant 0.000000e+00 : f32
    %neg3A_890 = vector.broadcast %neg3A_889 : f32 to vector<1x1024xf32>
    %neg3A_891 = arith.subf %neg3A_890, %slice3A_888 : vector<1x1024xf32>
    %exp3A_892 = math.exp %neg3A_891 : vector<1x1024xf32>
    %add3A_893 = arith.constant 1.000000e+00 : f32
    %add3A_894 = vector.broadcast %add3A_893 : f32 to vector<1x1024xf32>
    %add3A_895 = arith.addf %add3A_894, %exp3A_892 : vector<1x1024xf32>
    %div3A_896 = arith.constant 1.000000e+00 : f32
    %div3A_897 = vector.broadcast %div3A_896 : f32 to vector<1x1024xf32>
    %div3A_898 = arith.divf %div3A_897, %add3A_895 : vector<1x1024xf32>
    %mul3A_899 = arith.mulf %mul3A_861, %div3A_898 : vector<1x1024xf32>
    %add3A_900 = arith.addf %add3A_834, %mul3A_899 : vector<1x1024xf32>
    %sub3A_901 = arith.constant 1.000000e+00 : f32
    %sub3A_902 = vector.broadcast %sub3A_901 : f32 to vector<1x1024xf32>
    %sub3A_903 = arith.subf %sub3A_902, %sub3A_860 : vector<1x1024xf32>
    %add3A_904 = arith.constant 1.000000e-10 : f32
    %add3A_905 = vector.broadcast %add3A_904 : f32 to vector<1x1024xf32>
    %add3A_906 = arith.addf %sub3A_903, %add3A_905 : vector<1x1024xf32>
    %mul3A_907 = arith.mulf %mul3A_841, %add3A_906 : vector<1x1024xf32>
    %get3A_908 = arith.constant 13 : index
    %get3A_909 = arith.constant 0 : index
    %get3A_910 = arith.constant 0 : index
    %get3A_911 = vector.load %arg0[%get3A_908, %get3A_909, %get3A_910] : memref<16x4x1024xf32, #tpu.memory_space<vmem>>, vector<1x4x1024xf32>
    %get3A_912 = vector.shape_cast %get3A_911 : vector<1x4x1024xf32> to vector<4x1024xf32>
    %slice3A_913 = vector.extract_strided_slice %get3A_912 {offsets = [0, 0], sizes = [1, 1024], strides = [1, 1]} : vector<4x1024xf32> to vector<1x1024xf32>
    %max3A_914 = arith.constant 0.000000e+00 : f32
    %max3A_915 = vector.broadcast %max3A_914 : f32 to vector<1x1024xf32>
    %max3A_916 = arith.maximumf %slice3A_913, %max3A_915 : vector<1x1024xf32>
    %neg3A_917 = arith.constant 0.000000e+00 : f32
    %neg3A_918 = vector.broadcast %neg3A_917 : f32 to vector<1x1024xf32>
    %neg3A_919 = arith.subf %neg3A_918, %max3A_916 : vector<1x1024xf32>
    %mul3A_920 = arith.constant 0.0718749762 : f32
    %mul3A_921 = vector.broadcast %mul3A_920 : f32 to vector<1x1024xf32>
    %mul3A_922 = arith.mulf %neg3A_919, %mul3A_921 : vector<1x1024xf32>
    %exp3A_923 = math.exp %mul3A_922 : vector<1x1024xf32>
    %sub3A_924 = arith.constant 1.000000e+00 : f32
    %sub3A_925 = vector.broadcast %sub3A_924 : f32 to vector<1x1024xf32>
    %sub3A_926 = arith.subf %sub3A_925, %exp3A_923 : vector<1x1024xf32>
    %mul3A_927 = arith.mulf %sub3A_926, %mul3A_907 : vector<1x1024xf32>
    %slice3A_928 = vector.extract_strided_slice %get3A_912 {offsets = [1, 0], sizes = [1, 1024], strides = [1, 1]} : vector<4x1024xf32> to vector<1x1024xf32>
    %neg3A_929 = arith.constant 0.000000e+00 : f32
    %neg3A_930 = vector.broadcast %neg3A_929 : f32 to vector<1x1024xf32>
    %neg3A_931 = arith.subf %neg3A_930, %slice3A_928 : vector<1x1024xf32>
    %exp3A_932 = math.exp %neg3A_931 : vector<1x1024xf32>
    %add3A_933 = arith.constant 1.000000e+00 : f32
    %add3A_934 = vector.broadcast %add3A_933 : f32 to vector<1x1024xf32>
    %add3A_935 = arith.addf %add3A_934, %exp3A_932 : vector<1x1024xf32>
    %div3A_936 = arith.constant 1.000000e+00 : f32
    %div3A_937 = vector.broadcast %div3A_936 : f32 to vector<1x1024xf32>
    %div3A_938 = arith.divf %div3A_937, %add3A_935 : vector<1x1024xf32>
    %mul3A_939 = arith.mulf %mul3A_927, %div3A_938 : vector<1x1024xf32>
    %add3A_940 = arith.addf %add3A_874, %mul3A_939 : vector<1x1024xf32>
    %slice3A_941 = vector.extract_strided_slice %get3A_912 {offsets = [2, 0], sizes = [1, 1024], strides = [1, 1]} : vector<4x1024xf32> to vector<1x1024xf32>
    %neg3A_942 = arith.constant 0.000000e+00 : f32
    %neg3A_943 = vector.broadcast %neg3A_942 : f32 to vector<1x1024xf32>
    %neg3A_944 = arith.subf %neg3A_943, %slice3A_941 : vector<1x1024xf32>
    %exp3A_945 = math.exp %neg3A_944 : vector<1x1024xf32>
    %add3A_946 = arith.constant 1.000000e+00 : f32
    %add3A_947 = vector.broadcast %add3A_946 : f32 to vector<1x1024xf32>
    %add3A_948 = arith.addf %add3A_947, %exp3A_945 : vector<1x1024xf32>
    %div3A_949 = arith.constant 1.000000e+00 : f32
    %div3A_950 = vector.broadcast %div3A_949 : f32 to vector<1x1024xf32>
    %div3A_951 = arith.divf %div3A_950, %add3A_948 : vector<1x1024xf32>
    %mul3A_952 = arith.mulf %mul3A_927, %div3A_951 : vector<1x1024xf32>
    %add3A_953 = arith.addf %add3A_887, %mul3A_952 : vector<1x1024xf32>
    %slice3A_954 = vector.extract_strided_slice %get3A_912 {offsets = [3, 0], sizes = [1, 1024], strides = [1, 1]} : vector<4x1024xf32> to vector<1x1024xf32>
    %neg3A_955 = arith.constant 0.000000e+00 : f32
    %neg3A_956 = vector.broadcast %neg3A_955 : f32 to vector<1x1024xf32>
    %neg3A_957 = arith.subf %neg3A_956, %slice3A_954 : vector<1x1024xf32>
    %exp3A_958 = math.exp %neg3A_957 : vector<1x1024xf32>
    %add3A_959 = arith.constant 1.000000e+00 : f32
    %add3A_960 = vector.broadcast %add3A_959 : f32 to vector<1x1024xf32>
    %add3A_961 = arith.addf %add3A_960, %exp3A_958 : vector<1x1024xf32>
    %div3A_962 = arith.constant 1.000000e+00 : f32
    %div3A_963 = vector.broadcast %div3A_962 : f32 to vector<1x1024xf32>
    %div3A_964 = arith.divf %div3A_963, %add3A_961 : vector<1x1024xf32>
    %mul3A_965 = arith.mulf %mul3A_927, %div3A_964 : vector<1x1024xf32>
    %add3A_966 = arith.addf %add3A_900, %mul3A_965 : vector<1x1024xf32>
    %sub3A_967 = arith.constant 1.000000e+00 : f32
    %sub3A_968 = vector.broadcast %sub3A_967 : f32 to vector<1x1024xf32>
    %sub3A_969 = arith.subf %sub3A_968, %sub3A_926 : vector<1x1024xf32>
    %add3A_970 = arith.constant 1.000000e-10 : f32
    %add3A_971 = vector.broadcast %add3A_970 : f32 to vector<1x1024xf32>
    %add3A_972 = arith.addf %sub3A_969, %add3A_971 : vector<1x1024xf32>
    %mul3A_973 = arith.mulf %mul3A_907, %add3A_972 : vector<1x1024xf32>
    %get3A_974 = arith.constant 14 : index
    %get3A_975 = arith.constant 0 : index
    %get3A_976 = arith.constant 0 : index
    %get3A_977 = vector.load %arg0[%get3A_974, %get3A_975, %get3A_976] : memref<16x4x1024xf32, #tpu.memory_space<vmem>>, vector<1x4x1024xf32>
    %get3A_978 = vector.shape_cast %get3A_977 : vector<1x4x1024xf32> to vector<4x1024xf32>
    %slice3A_979 = vector.extract_strided_slice %get3A_978 {offsets = [0, 0], sizes = [1, 1024], strides = [1, 1]} : vector<4x1024xf32> to vector<1x1024xf32>
    %max3A_980 = arith.constant 0.000000e+00 : f32
    %max3A_981 = vector.broadcast %max3A_980 : f32 to vector<1x1024xf32>
    %max3A_982 = arith.maximumf %slice3A_979, %max3A_981 : vector<1x1024xf32>
    %neg3A_983 = arith.constant 0.000000e+00 : f32
    %neg3A_984 = vector.broadcast %neg3A_983 : f32 to vector<1x1024xf32>
    %neg3A_985 = arith.subf %neg3A_984, %max3A_982 : vector<1x1024xf32>
    %mul3A_986 = arith.constant 0.0718749762 : f32
    %mul3A_987 = vector.broadcast %mul3A_986 : f32 to vector<1x1024xf32>
    %mul3A_988 = arith.mulf %neg3A_985, %mul3A_987 : vector<1x1024xf32>
    %exp3A_989 = math.exp %mul3A_988 : vector<1x1024xf32>
    %sub3A_990 = arith.constant 1.000000e+00 : f32
    %sub3A_991 = vector.broadcast %sub3A_990 : f32 to vector<1x1024xf32>
    %sub3A_992 = arith.subf %sub3A_991, %exp3A_989 : vector<1x1024xf32>
    %mul3A_993 = arith.mulf %sub3A_992, %mul3A_973 : vector<1x1024xf32>
    %slice3A_994 = vector.extract_strided_slice %get3A_978 {offsets = [1, 0], sizes = [1, 1024], strides = [1, 1]} : vector<4x1024xf32> to vector<1x1024xf32>
    %neg3A_995 = arith.constant 0.000000e+00 : f32
    %neg3A_996 = vector.broadcast %neg3A_995 : f32 to vector<1x1024xf32>
    %neg3A_997 = arith.subf %neg3A_996, %slice3A_994 : vector<1x1024xf32>
    %exp3A_998 = math.exp %neg3A_997 : vector<1x1024xf32>
    %add3A_999 = arith.constant 1.000000e+00 : f32
    %add3A_1000 = vector.broadcast %add3A_999 : f32 to vector<1x1024xf32>
    %add3A_1001 = arith.addf %add3A_1000, %exp3A_998 : vector<1x1024xf32>
    %div3A_1002 = arith.constant 1.000000e+00 : f32
    %div3A_1003 = vector.broadcast %div3A_1002 : f32 to vector<1x1024xf32>
    %div3A_1004 = arith.divf %div3A_1003, %add3A_1001 : vector<1x1024xf32>
    %mul3A_1005 = arith.mulf %mul3A_993, %div3A_1004 : vector<1x1024xf32>
    %add3A_1006 = arith.addf %add3A_940, %mul3A_1005 : vector<1x1024xf32>
    %slice3A_1007 = vector.extract_strided_slice %get3A_978 {offsets = [2, 0], sizes = [1, 1024], strides = [1, 1]} : vector<4x1024xf32> to vector<1x1024xf32>
    %neg3A_1008 = arith.constant 0.000000e+00 : f32
    %neg3A_1009 = vector.broadcast %neg3A_1008 : f32 to vector<1x1024xf32>
    %neg3A_1010 = arith.subf %neg3A_1009, %slice3A_1007 : vector<1x1024xf32>
    %exp3A_1011 = math.exp %neg3A_1010 : vector<1x1024xf32>
    %add3A_1012 = arith.constant 1.000000e+00 : f32
    %add3A_1013 = vector.broadcast %add3A_1012 : f32 to vector<1x1024xf32>
    %add3A_1014 = arith.addf %add3A_1013, %exp3A_1011 : vector<1x1024xf32>
    %div3A_1015 = arith.constant 1.000000e+00 : f32
    %div3A_1016 = vector.broadcast %div3A_1015 : f32 to vector<1x1024xf32>
    %div3A_1017 = arith.divf %div3A_1016, %add3A_1014 : vector<1x1024xf32>
    %mul3A_1018 = arith.mulf %mul3A_993, %div3A_1017 : vector<1x1024xf32>
    %add3A_1019 = arith.addf %add3A_953, %mul3A_1018 : vector<1x1024xf32>
    %slice3A_1020 = vector.extract_strided_slice %get3A_978 {offsets = [3, 0], sizes = [1, 1024], strides = [1, 1]} : vector<4x1024xf32> to vector<1x1024xf32>
    %neg3A_1021 = arith.constant 0.000000e+00 : f32
    %neg3A_1022 = vector.broadcast %neg3A_1021 : f32 to vector<1x1024xf32>
    %neg3A_1023 = arith.subf %neg3A_1022, %slice3A_1020 : vector<1x1024xf32>
    %exp3A_1024 = math.exp %neg3A_1023 : vector<1x1024xf32>
    %add3A_1025 = arith.constant 1.000000e+00 : f32
    %add3A_1026 = vector.broadcast %add3A_1025 : f32 to vector<1x1024xf32>
    %add3A_1027 = arith.addf %add3A_1026, %exp3A_1024 : vector<1x1024xf32>
    %div3A_1028 = arith.constant 1.000000e+00 : f32
    %div3A_1029 = vector.broadcast %div3A_1028 : f32 to vector<1x1024xf32>
    %div3A_1030 = arith.divf %div3A_1029, %add3A_1027 : vector<1x1024xf32>
    %mul3A_1031 = arith.mulf %mul3A_993, %div3A_1030 : vector<1x1024xf32>
    %add3A_1032 = arith.addf %add3A_966, %mul3A_1031 : vector<1x1024xf32>
    %sub3A_1033 = arith.constant 1.000000e+00 : f32
    %sub3A_1034 = vector.broadcast %sub3A_1033 : f32 to vector<1x1024xf32>
    %sub3A_1035 = arith.subf %sub3A_1034, %sub3A_992 : vector<1x1024xf32>
    %add3A_1036 = arith.constant 1.000000e-10 : f32
    %add3A_1037 = vector.broadcast %add3A_1036 : f32 to vector<1x1024xf32>
    %add3A_1038 = arith.addf %sub3A_1035, %add3A_1037 : vector<1x1024xf32>
    %mul3A_1039 = arith.mulf %mul3A_973, %add3A_1038 : vector<1x1024xf32>
    %get3A_1040 = arith.constant 15 : index
    %get3A_1041 = arith.constant 0 : index
    %get3A_1042 = arith.constant 0 : index
    %get3A_1043 = vector.load %arg0[%get3A_1040, %get3A_1041, %get3A_1042] : memref<16x4x1024xf32, #tpu.memory_space<vmem>>, vector<1x4x1024xf32>
    %get3A_1044 = vector.shape_cast %get3A_1043 : vector<1x4x1024xf32> to vector<4x1024xf32>
    %slice3A_1045 = vector.extract_strided_slice %get3A_1044 {offsets = [0, 0], sizes = [1, 1024], strides = [1, 1]} : vector<4x1024xf32> to vector<1x1024xf32>
    %max3A_1046 = arith.constant 0.000000e+00 : f32
    %max3A_1047 = vector.broadcast %max3A_1046 : f32 to vector<1x1024xf32>
    %max3A_1048 = arith.maximumf %slice3A_1045, %max3A_1047 : vector<1x1024xf32>
    %neg3A_1049 = arith.constant 0.000000e+00 : f32
    %neg3A_1050 = vector.broadcast %neg3A_1049 : f32 to vector<1x1024xf32>
    %neg3A_1051 = arith.subf %neg3A_1050, %max3A_1048 : vector<1x1024xf32>
    %mul3A_1052 = arith.constant 0.0718750954 : f32
    %mul3A_1053 = vector.broadcast %mul3A_1052 : f32 to vector<1x1024xf32>
    %mul3A_1054 = arith.mulf %neg3A_1051, %mul3A_1053 : vector<1x1024xf32>
    %exp3A_1055 = math.exp %mul3A_1054 : vector<1x1024xf32>
    %sub3A_1056 = arith.constant 1.000000e+00 : f32
    %sub3A_1057 = vector.broadcast %sub3A_1056 : f32 to vector<1x1024xf32>
    %sub3A_1058 = arith.subf %sub3A_1057, %exp3A_1055 : vector<1x1024xf32>
    %mul3A_1059 = arith.mulf %sub3A_1058, %mul3A_1039 : vector<1x1024xf32>
    %slice3A_1060 = vector.extract_strided_slice %get3A_1044 {offsets = [1, 0], sizes = [1, 1024], strides = [1, 1]} : vector<4x1024xf32> to vector<1x1024xf32>
    %neg3A_1061 = arith.constant 0.000000e+00 : f32
    %neg3A_1062 = vector.broadcast %neg3A_1061 : f32 to vector<1x1024xf32>
    %neg3A_1063 = arith.subf %neg3A_1062, %slice3A_1060 : vector<1x1024xf32>
    %exp3A_1064 = math.exp %neg3A_1063 : vector<1x1024xf32>
    %add3A_1065 = arith.constant 1.000000e+00 : f32
    %add3A_1066 = vector.broadcast %add3A_1065 : f32 to vector<1x1024xf32>
    %add3A_1067 = arith.addf %add3A_1066, %exp3A_1064 : vector<1x1024xf32>
    %div3A_1068 = arith.constant 1.000000e+00 : f32
    %div3A_1069 = vector.broadcast %div3A_1068 : f32 to vector<1x1024xf32>
    %div3A_1070 = arith.divf %div3A_1069, %add3A_1067 : vector<1x1024xf32>
    %mul3A_1071 = arith.mulf %mul3A_1059, %div3A_1070 : vector<1x1024xf32>
    %add3A_1072 = arith.addf %add3A_1006, %mul3A_1071 : vector<1x1024xf32>
    %slice3A_1073 = vector.extract_strided_slice %get3A_1044 {offsets = [2, 0], sizes = [1, 1024], strides = [1, 1]} : vector<4x1024xf32> to vector<1x1024xf32>
    %neg3A_1074 = arith.constant 0.000000e+00 : f32
    %neg3A_1075 = vector.broadcast %neg3A_1074 : f32 to vector<1x1024xf32>
    %neg3A_1076 = arith.subf %neg3A_1075, %slice3A_1073 : vector<1x1024xf32>
    %exp3A_1077 = math.exp %neg3A_1076 : vector<1x1024xf32>
    %add3A_1078 = arith.constant 1.000000e+00 : f32
    %add3A_1079 = vector.broadcast %add3A_1078 : f32 to vector<1x1024xf32>
    %add3A_1080 = arith.addf %add3A_1079, %exp3A_1077 : vector<1x1024xf32>
    %div3A_1081 = arith.constant 1.000000e+00 : f32
    %div3A_1082 = vector.broadcast %div3A_1081 : f32 to vector<1x1024xf32>
    %div3A_1083 = arith.divf %div3A_1082, %add3A_1080 : vector<1x1024xf32>
    %mul3A_1084 = arith.mulf %mul3A_1059, %div3A_1083 : vector<1x1024xf32>
    %add3A_1085 = arith.addf %add3A_1019, %mul3A_1084 : vector<1x1024xf32>
    %slice3A_1086 = vector.extract_strided_slice %get3A_1044 {offsets = [3, 0], sizes = [1, 1024], strides = [1, 1]} : vector<4x1024xf32> to vector<1x1024xf32>
    %neg3A_1087 = arith.constant 0.000000e+00 : f32
    %neg3A_1088 = vector.broadcast %neg3A_1087 : f32 to vector<1x1024xf32>
    %neg3A_1089 = arith.subf %neg3A_1088, %slice3A_1086 : vector<1x1024xf32>
    %exp3A_1090 = math.exp %neg3A_1089 : vector<1x1024xf32>
    %add3A_1091 = arith.constant 1.000000e+00 : f32
    %add3A_1092 = vector.broadcast %add3A_1091 : f32 to vector<1x1024xf32>
    %add3A_1093 = arith.addf %add3A_1092, %exp3A_1090 : vector<1x1024xf32>
    %div3A_1094 = arith.constant 1.000000e+00 : f32
    %div3A_1095 = vector.broadcast %div3A_1094 : f32 to vector<1x1024xf32>
    %div3A_1096 = arith.divf %div3A_1095, %add3A_1093 : vector<1x1024xf32>
    %mul3A_1097 = arith.mulf %mul3A_1059, %div3A_1096 : vector<1x1024xf32>
    %add3A_1098 = arith.addf %add3A_1032, %mul3A_1097 : vector<1x1024xf32>
    %swap3A_1099 = arith.constant 0 : index
    %swap3A_1100 = arith.constant 0 : index
    %swap3A_1101 = vector.load %arg5[%swap3A_1099, %swap3A_1100] : memref<1x1024xf32, #tpu.memory_space<vmem>>, vector<1x1024xf32>
    tpu.vector_store %arg5[%swap3A_1099, %swap3A_1100], %add3A_1072 {strides = array<i32>} : memref<1x1024xf32, #tpu.memory_space<vmem>>, vector<1x1024xf32>,
    %swap3A_1102 = arith.constant 0 : index
    %swap3A_1103 = arith.constant 0 : index
    %swap3A_1104 = vector.load %arg6[%swap3A_1102, %swap3A_1103] : memref<1x1024xf32, #tpu.memory_space<vmem>>, vector<1x1024xf32>
    tpu.vector_store %arg6[%swap3A_1102, %swap3A_1103], %add3A_1085 {strides = array<i32>} : memref<1x1024xf32, #tpu.memory_space<vmem>>, vector<1x1024xf32>,
    %swap3A_1105 = arith.constant 0 : index
    %swap3A_1106 = arith.constant 0 : index
    %swap3A_1107 = vector.load %arg7[%swap3A_1105, %swap3A_1106] : memref<1x1024xf32, #tpu.memory_space<vmem>>, vector<1x1024xf32>
    tpu.vector_store %arg7[%swap3A_1105, %swap3A_1106], %add3A_1098 {strides = array<i32>} : memref<1x1024xf32, #tpu.memory_space<vmem>>, vector<1x1024xf32>,
    return
  }
}

</mosaic_0001>

<sc_bundles>
// kernel: kernel.6.cloned.1.call-start
scs
__scs_entry_jumppad:
0x0: {  	(pc) =	sbr.rel $0x88, $3  }
0x1: {  	(tag) =	ssettag $0x0;
	lr =	simm.s32 $0x1  }
0x2: {  	[smem:$0x3F9D] =	sst lr;
	_ =	strace $0xD0000000  }
0x3: {  	_ = 	snop  }
0x4: {  	_ = 	snop  }
0x5: {  	_ = 	snop  }
0x6: {  	_ = 	snop  }
0x7: {  	_ = 	snop  }
__scs_overlays_trampoline_lowered:
0x8: {  	[smem:$0x3FAC] =	sst s0  }
0x9: {  	[smem:$0x3FAD] =	sst s1  }
0xa: {  	[smem:$0x3FAE] =	sst s2  }
0xb: {  	[smem:$0x3FAF] =	sst s3  }
0xc: {  	[smem:$0x3FB0] =	sst s4  }
0xd: {  	[smem:$0x3FB1] =	sst s5  }
0xe: {  	[smem:$0x3FB2] =	sst s6  }
0xf: {  	[smem:$0x3FB3] =	sst s7  }
0x10: {  	[smem:$0x3FB4] =	sst s8  }
0x11: {  	[smem:$0x3FB5] =	sst s9;
	s0 =	simm.s32 @!p0 $0x0  }
0x12: {  	s1 =	sld [smem:$0x3F9B];
	s0 =	simm.s32 @p0 $0x1  }
0x13: {  	[smem:$0x3FB6] =	sst s0;
	s0 =	simm.s32 @!p1 $0x0  }
0x14: {  	s2 =	sld [smem:$0x3F9A];
	s0 =	simm.s32 @p1 $0x1  }
0x15: {  	[smem:$0x3FB7] =	sst s0;
	s0 =	simm.s32 @!p2 $0x0  }
0x16: {  	s3 =	sld [smem:$0x3FDB];
	s0 =	simm.s32 @p2 $0x1  }
0x17: {  	s4 =	simm.s32 $0x1BF5;
	[smem:$0x3FB9] =	sst s0  }
0x18: {  	s0 =	sld [smem:$0x3F9C];
	_ =	swait.ge [sflag:s4], $0x0  }
0x19: {  	s7 =	sld [smem:$0x3F9D]  }
0x1a: {  	s8 =	sadd.s32 $0xFFFFE003, lr  }
0x1b: {  	s9 =	sadd.s32 $0xFFFFFEF7, lr;
	s5 =	simm.s32 $0xFFFFFFFF;
	p2 =	slt.u32 s8, $0xFFFFF086  }
0x1c: {  	p1 =	slt.u32 s9, $0xF7A;
	s5 =	simm.s32 @!p2 $0x0  }
0x1d: {  	s5 =	simm.s32 @p1 $0x1;
	p0 =	seq.s32 s7, s2  }
0x1e: {  	s7 =	smul.u32 @!p0 $0xF7A, s2;
	p2 =	seq.s32 @!p0 s5, $0x0  }
0x1f: {  	s9 =	smul.u32 $0xF7A, s1;
	s8 =	simm.s32 @!p0 $0x1BF5;
	p2 =	por !p2, p0  }
0x20: {  	[sflag:s8] =	ssyncset.s32 @!p0 $0xFFFFF086;
	s6 =	sadd.s32 @!p0 s3, s7;
	s7 =	simm.s32 @!p0 $0x108  }
0x21: {  	s3 =	sadd.s32 s3, s9;
	s6 =	sadd.s32 @!p0 $0x88, s6;
	s7 =	simm.s32 @p2 $0x1082  }
0x22: {  	[simem:s7], [sflag:s8] =	dma.local @!p0 [hbm:s6], $0xF7A  }
0x23: {  	s9 =	sor.u32 $0xD0000000, s2;
	s6 =	simm.s32 $0x108;
	_ =	swait.ge @!p0 [sflag:s8], $0x0  }
0x24: {  	s3 =	sadd.s32 $0x88, s3;
	s6 =	simm.s32 @!p1 $0x1082;
	[sflag:s4] =	ssyncset.s32 $0xFFFFF086  }
0x25: {  	[simem:s6], [sflag:s4] =	dma.local [hbm:s3], $0xF7A  }
0x26: {  	[smem:$0x3F9D] =	sst s1;
	(tag) =	ssettag s2;
	_ =	strace s9  }
0x27: {  	s1 =	sld [smem:$0x3FAD]  }
0x28: {  	s2 =	sld [smem:$0x3FAE]  }
0x29: {  	s4 =	sld [smem:$0x3FB0]  }
0x2a: {  	p0 =	seq.s32 s5, $0x0;
	s5 =	sld [smem:$0x3FB1]  }
0x2b: {  	s6 =	sld [smem:$0x3FB2]  }
0x2c: {  	s7 =	sld [smem:$0x3FB3]  }
0x2d: {  	s3 =	simm.s32 $0x108;
	s8 =	sld [smem:$0x3FB4]  }
0x2e: {  	s3 =	simm.s32 @!p0 $0x1082;
	s9 =	sld [smem:$0x3FB5]  }
0x2f: {  	lr =	sadd.s32 s0, s3;
	s0 =	sld [smem:$0x3FAC]  }
0x30: {  	s3 =	sld [smem:$0x3FAF]  }
0x31: {  	[smem:$0x3FB8] =	sst s10  }
0x32: {  	s10 =	sld [smem:$0x3FB6];
	_ =	sdelay $0x3  }
0x33: {  	p0 =	seq.s32 s10, $0x1;
	s10 =	sld [smem:$0x3FB8];
	_ =	sdelay $0x3  }
0x34: {  	[smem:$0x3FB8] =	sst s10  }
0x35: {  	s10 =	sld [smem:$0x3FB7];
	_ =	sdelay $0x3  }
0x36: {  	p1 =	seq.s32 s10, $0x1;
	s10 =	sld [smem:$0x3FB8];
	_ =	sdelay $0x3  }
0x37: {  	[smem:$0x3FB8] =	sst s10  }
0x38: {  	s10 =	sld [smem:$0x3FB9]  }
0x39: {  	_ = 	snop;
	(pc) =	sbr.ind lr, $3  }
0x3a: {  	_ = 	snop  }
0x3b: {  	_ = 	snop  }
0x3c: {  	p2 =	seq.s32 s10, $0x1;
	s10 =	sld [smem:$0x3FB8]  }
0x3d: {  	_ =	shalt  }
0x3e: {  	_ =	shalt  }
0x3f: {  	_ =	shalt  }
0x40: {  	_ =	shalt  }
0x41: {  	_ =	shalt  }
0x42: {  	_ =	shalt  }
0x43: {  	_ =	shalt  }
0x44: {  	_ =	shalt  }
0x45: {  	_ =	shalt  }
0x46: {  	_ =	shalt  }
0x47: {  	_ =	shalt  }
0x48: {  	_ =	shalt  }
0x49: {  	_ =	shalt  }
0x4a: {  	_ =	shalt  }
0x4b: {  	_ =	shalt  }
0x4c: {  	_ =	shalt  }
0x4d: {  	_ =	shalt  }
0x4e: {  	_ =	shalt  }
0x4f: {  	_ =	shalt  }
0x50: {  	_ =	shalt  }
0x51: {  	_ =	shalt  }
0x52: {  	_ =	shalt  }
0x53: {  	_ =	shalt  }
0x54: {  	_ =	shalt  }
0x55: {  	_ =	shalt  }
0x56: {  	_ =	shalt  }
0x57: {  	_ =	shalt  }
0x58: {  	_ =	shalt  }
0x59: {  	_ =	shalt  }
0x5a: {  	_ =	shalt  }
0x5b: {  	_ =	shalt  }
0x5c: {  	_ =	shalt  }
0x5d: {  	_ =	shalt  }
0x5e: {  	_ =	shalt  }
0x5f: {  	_ =	shalt  }
0x60: {  	_ =	shalt  }
0x61: {  	_ =	shalt  }
0x62: {  	_ =	shalt  }
0x63: {  	_ =	shalt  }
0x64: {  	_ =	shalt  }
0x65: {  	_ =	shalt  }
0x66: {  	_ =	shalt  }
0x67: {  	_ =	shalt  }
0x68: {  	_ =	shalt  }
0x69: {  	_ =	shalt  }
0x6a: {  	_ =	shalt  }
0x6b: {  	_ =	shalt  }
0x6c: {  	_ =	shalt  }
0x6d: {  	_ =	shalt  }
0x6e: {  	_ =	shalt  }
0x6f: {  	_ =	shalt  }
0x70: {  	_ =	shalt  }
0x71: {  	_ =	shalt  }
0x72: {  	_ =	shalt  }
0x73: {  	_ =	shalt  }
0x74: {  	_ =	shalt  }
0x75: {  	_ =	shalt  }
0x76: {  	_ =	shalt  }
0x77: {  	_ =	shalt  }
0x78: {  	_ =	shalt  }
0x79: {  	_ =	shalt  }
0x7a: {  	_ =	shalt  }
0x7b: {  	_ =	shalt  }
0x7c: {  	_ =	shalt  }
0x7d: {  	_ =	shalt  }
0x7e: {  	_ =	shalt  }
0x7f: {  	_ =	shalt  }
0x80: {  	_ =	shalt  }
0x81: {  	_ =	shalt  }
0x82: {  	_ =	shalt  }
0x83: {  	_ =	shalt  }
0x84: {  	_ =	shalt  }
0x85: {  	_ =	shalt  }
0x86: {  	_ =	shalt  }
0x87: {  	_ =	shalt  }
.Lfunc_end0:
.L_simem_size_0:
called_computation_lowered:
.L_overlay_start_0:
0x88: {  	s2 =	sld [smem:$0x3FD9]  }
0x89: {  	s3 =	sld [smem:$0x3FFE];
	_ =	sdelay $0x1  }
0x8a: {  	s1 =	srdreg.scid  }
0x8b: {  	s0 =	sand.u32 $0x1, s1  }
0x8c: {  	s16 =	sshll.u32 s0, $0xA;
	s2 =	sadd.s32 s3, s2  }
0x8d: {  	s2 =	sadd.s32 s2, s16  }
0x8e: {  	[smem:$0x3FC4] =	sst s2  }
0x8f: {  	_ = 	snop  }
0x90: {  	(tm) =	ssettm $0x1  }
0x91: {  	s17 =	sld [smem:$0x3FFB];
	_ =	sdelay $0x3  }
0x92: {  	_ =	strace s17  }
0x93: {  	s2 =	sld [smem:$0x3FFC];
	_ =	sdelay $0x3  }
0x94: {  	_ =	strace s2  }
0x95: {  	s2 =	sld [smem:$0x3FFD];
	_ =	sdelay $0x3  }
0x96: {  	_ =	strace s2  }
0x97: {  	_ =	strace $0x8FFFFFFF  }
0x98: {  	s18 =	sld [smem:$0x3FDB];
	_ =	sdelay $0x1  }
0x99: {  	s19 =	simm.s32 $_scs_section_size  }
0x9a: {  	s4 =	simm.s32 $_size__tile_overlayer_lowered;
	s5 =	simm.s32 $_tile_overlayer_lowered  }
0x9b: {  	s22 =	simm.s32 $0x1BFF;
	s21 =	sshll.u32 s5, $0x1;
	s2 =	sadd.s32 s19, s18  }
0x9c: {  	s6 =	simm.s32 $0x0;
	s20 =	sshll.u32 s4, $0x1;
	s4 =	sadd.s32 s21, s2  }
0x9d: {  	[timem:s6], [sflag:s22] =	dma.local [hbm:s4], s20  }
0x9e: {  	_ =	swait.ge [sflag:s22], s20  }
0x9f: {  	s3 =	ssub.s32 $0x0, s20;
	[sflag:s22] =	ssyncset.done $0x0  }
0xa0: {  	[sflag:s22] =	ssyncadd.s32 s3;
	_ =	sdelay $0x1  }
0xa1: {  	s23 =	simm.s32 $0x1B8B  }
0xa2: {  	_ =	swait.ge [sflag:s23], $0x1  }
0xa3: {  	[sflag:s23] =	ssyncset.done $0x0  }
0xa4: {  	s25 =	simm.s32 $0x1B8E;
	s24 =	sld [smem:$0x3FFE];
	[sflag:s23] =	ssyncadd.s32 $0xFFFFFFFF  }
0xa5: {  	s26 =	simm.s32 $execute0_lowered;
	[smem:$0x3FD2] =	sst s25  }
0xa6: {  	s4 =	sshll.u32 s26, $0x1;
	_ =	strace $0x80000046;
	[dreg:$0x1] =	wrdreg $0xFFFFFFFF  }
0xa7: {  	s28 =	simm.s32 $_size_execute0_lowered;
	s2 =	sadd.s32 s2, s4;
	[dreg:$0x0] =	wrdreg $0x0  }
0xa8: {  	s4 =	sshll.u32 s28, $0x1;
	[dreg:$0x2] =	wrdreg s2  }
0xa9: {  	[dreg:$0x3] =	wrdreg s4  }
0xaa: {  	[dreg:$0x4] =	wrdreg $0xC0  }
0xab: {  	_ =	task [dreg:s6], $0x5FFFF  }
0xac: {  	[dreg:$0x1] =	wrdreg $0xFFFFFFFF  }
0xad: {  	[dreg:$0x0] =	wrdreg $0x60  }
0xae: {  	[dreg:$0x2] =	wrdreg s24  }
0xaf: {  	[dreg:$0x3] =	wrdreg $0x9  }
0xb0: {  	_ =	task.clear_ibuf [dreg:s6], $0x4FFFF;
	_ =	strace $0x90000046  }
0xb1: {  	s29 =	simm.s32 $0x9;
	_ =	strace $0x80000048  }
0xb2: {  	_ =	swait.ge [sflag:s29], $0x1  }
0xb3: {  	[sflag:s29] =	ssyncadd.s32 $0xFFFFFFFF  }
0xb4: {  	_ =	strace $0x90000048  }
0xb5: {  	_ =	sfence  }
0xb6: {  	s30 =	sld [smem:$0x0];
	_ =	sdelay $0x2  }
0xb7: {  	s31 =	sshll.u32 s1, $0xD;
	s1 =	sshrl.u32 s1, $0x2  }
0xb8: {  	s3 =	sand.u32 $0x4000, s31;
	s1 =	sadd.s32 s1, s30  }
0xb9: {  	s0 =	sor.u32 s3, s0;
	s1 =	sshll.u32 s1, $0x11  }
0xba: {  	s0 =	sor.u32 s1, s0  }
0xbb: {  	s0 =	sadd.s32 $0x8F2B, s0  }
0xbc: {  	[sflag:s0] =	ssyncadd.remote.s32 $0x1  }
0xbd: {  	_ =	sfence.sel $0xFFFF  }
0xbe: {  	[dreg:$0x0] =	wrdreg $0xFFFFFFFF;
	(pc) =	sbr.abs _section_cstart, $3  }
0xbf: {  	[dreg:$0x1] =	wrdreg $0xFFFFFFFF  }
0xc0: {  	_ =	task.clear_ibuf [dreg:s6], $0x2FFFF;
	_ =	strace $0x9FFFFFFF  }
0xc1: {  	(tm) =	ssettm $0x7FFFFFFF  }
tec
execute0_lowered:
.L_overlay_start_1:
0x0: {  	(tag) =	ssettag $0x1  }
0x1: {  	s0 =	rddreg [dreg:$0x0]  }
0x2: {  	s1 =	srdreg.scid;
	s8 =	stileid.u32  }
0x3: {  	s2 =	simm.s32 $0x0;
	s10 =	simm.s32 $0x2;
	s11 =	simm.s32 $0x80  }
0x4: {  	s12 =	simm.s32 $0x1000;
	s13 =	simm.s32 $0x2000;
	s15 =	simm.s32 $0x3000  }
0x5: {  	s17 =	simm.s32 $0x4000;
	s19 =	simm.s32 $0x5000;
	s21 =	simm.s32 $0x6000  }
0x6: {  	s23 =	simm.s32 $0x7000;
	s25 =	simm.s32 $0x8000;
	s26 =	simm.s32 $0x1  }
0x7: {  	s31 =	simm.s32 $0xB80;
	s14 =	simm.s32 $0xD00;
	s16 =	simm.s32 $0xD80  }
0x8: {  	s18 =	simm.s32 $0xE00;
	s20 =	simm.s32 $0xE80;
	s24 =	simm.s32 $0xF80  }
0x9: {  	s28 =	simm.s32 $0x0;
	s1 =	sand.u32 $0x1, s1;
	s3 =	sshll.u32 s8, $0x1  }
0xa: {  	[smem:$0x7FF] =	sst s2;
	s6 =	sshrl.u32 s8, $0x3;
	s7 =	sshrl.u32 s8, $0x1  }
0xb: {  	s8 =	sshll.u32 s8, $0x1D;
	s4 =	sor.u32 s1, s3;
	_ =	strace $0x80000047  }
0xc: {  	s3 =	sadd.s32 $0x432200, s0;
	s6 =	smul.u32 $0x1081, s6;
	s1 =	ssub.s32 $0x2, s1  }
0xd: {  	s7 =	sand.u32 $0x1, s7;
	s8 =	sshra.s32 s8, $0x1F;
	s5 =	sshll.u32 s4, $0x9  }
0xe: {  	s4 =	sshll.u32 s4, $0xE;
	s9 =	sshrl.u32 s1, $0x1;
	s8 =	sand.u32 $0x41, s8  }
0xf: {  	s5 =	sand.u32 $0x600, s5;
	s6 =	sadd.s32 s6, s7;
	s1 =	ssub.s32 s1, s9  }
0x10: {  	s5 =	sadd.s32 s5, s0;
	s0 =	sadd.s32 s4, s0;
	s22 =	sadd.s32 s8, s6  }
0x11: {  	s9 =	smax.u32 s1, $0x1;
	s1 =	simm.s32 $0xC80;
	s4 =	sadd.s32 $0x1400, s5  }
0x12: {  	s5 =	sadd.s32 $0x1C00, s0;
	s6 =	sadd.s32 $0x2C00, s0;
	s7 =	sadd.s32 $0x3C00, s0  }
0x13: {  	s8 =	sadd.s32 $0x4C00, s0;
	s0 =	simm.s32 $0xC00;
	v0 =	vmov s22;
	s22 =	simm.s32 $0xF00  }
.LBB2_1:
0x14: {  	[tilespmem:s2], [sflag:$0x2] =	stream.linear.gather [hbm4b:s4+s2], $0x1000, $0x38;
	[tilespmem:$0x9000] =	vst v63  }
0x15: {  	_ =	swait.ge [sflag:s10], $0x1000  }
0x16: {  	[sflag:s10] =	ssyncset.done $0x0  }
0x17: {  	s29 =	simm.s32 $0x0;
	s30 =	simm.s32 $0x40;
	[sflag:s10] =	ssyncadd.s32 $0xFFFFF000  }
.LBB2_2:
0x18: {  	p0 =	sne.s32 s30, $0x3FC0;
	v1 =	vld [tilespmem:s29+$0x0];
	_ =	sdelay $0x1  }
.Ltmp0:
0x19: {  	(pc) =	sbr.rel @p0 .LBB2_2-.Ltmp0, $3  }
0x1a: {  	_ =	sdelay $0x1  }
0x1b: {  	v1 =	vadd.s32 v0, v1  }
0x1c: {  	[tilespmem:s29+$0x0] =	vst v1;
	s29 =	sshra.s32 s30, $0x2;
	s30 =	sadd.s32 $0x40, s30  }
0x1d: {  	v1 =	vld [tilespmem:s29+$0x0];
	_ =	sdelay $0x4  }
0x1e: {  	v1 =	vadd.s32 v0, v1  }
0x1f: {  	[tilespmem:s29+$0x0] =	vst v1  }
0x20: {  	[tilespmem:s12], [sflag:$0x1] =	stream.indirect.gather [hbm4b:s3+s11], $0x20, s2, s11, $0xb8;
	[tilespmem:$0x9000] =	vst v63  }
0x21: {  	_ = 	snop  }
0x22: {  	[tilespmem:s13], [sflag:$0x1] =	stream.indirect.gather [hbm4b:s3+s11], $0x20, s11, s11, $0xb8;
	[tilespmem:$0x9000] =	vst v63  }
0x23: {  	s30 =	simm.s32 $0x100  }
0x24: {  	[tilespmem:s15], [sflag:$0x1] =	stream.indirect.gather [hbm4b:s3+s11], $0x20, s30, s11, $0xb8;
	[tilespmem:$0x9000] =	vst v63  }
0x25: {  	s30 =	simm.s32 $0x180  }
0x26: {  	[tilespmem:s17], [sflag:$0x1] =	stream.indirect.gather [hbm4b:s3+s11], $0x20, s30, s11, $0xb8;
	[tilespmem:$0x9000] =	vst v63  }
0x27: {  	s30 =	simm.s32 $0x200  }
0x28: {  	[tilespmem:s19], [sflag:$0x1] =	stream.indirect.gather [hbm4b:s3+s11], $0x20, s30, s11, $0xb8;
	[tilespmem:$0x9000] =	vst v63  }
0x29: {  	s30 =	simm.s32 $0x280  }
0x2a: {  	[tilespmem:s21], [sflag:$0x1] =	stream.indirect.gather [hbm4b:s3+s11], $0x20, s30, s11, $0xb8;
	[tilespmem:$0x9000] =	vst v63  }
0x2b: {  	s30 =	simm.s32 $0x300  }
0x2c: {  	[tilespmem:s23], [sflag:$0x1] =	stream.indirect.gather [hbm4b:s3+s11], $0x20, s30, s11, $0xb8;
	[tilespmem:$0x9000] =	vst v63  }
0x2d: {  	s30 =	simm.s32 $0x380  }
0x2e: {  	[tilespmem:s25], [sflag:$0x1] =	stream.indirect.gather [hbm4b:s3+s11], $0x20, s30, s11, $0xb8;
	[tilespmem:$0x9000] =	vst v63  }
0x2f: {  	_ =	swait.ge [sflag:s26], $0x1000  }
0x30: {  	[sflag:s26] =	ssyncset.done $0x0  }
0x31: {  	[sflag:s26] =	ssyncadd.s32 $0xFFFFF000  }
0x32: {  	_ =	swait.ge [sflag:s26], $0x1000  }
0x33: {  	[sflag:s26] =	ssyncset.done $0x0  }
0x34: {  	[sflag:s26] =	ssyncadd.s32 $0xFFFFF000  }
0x35: {  	_ =	swait.ge [sflag:s26], $0x1000  }
0x36: {  	[sflag:s26] =	ssyncset.done $0x0  }
0x37: {  	[sflag:s26] =	ssyncadd.s32 $0xFFFFF000  }
0x38: {  	_ =	swait.ge [sflag:s26], $0x1000  }
0x39: {  	[sflag:s26] =	ssyncset.done $0x0  }
0x3a: {  	[sflag:s26] =	ssyncadd.s32 $0xFFFFF000  }
0x3b: {  	_ =	swait.ge [sflag:s26], $0x1000  }
0x3c: {  	[sflag:s26] =	ssyncset.done $0x0  }
0x3d: {  	[sflag:s26] =	ssyncadd.s32 $0xFFFFF000  }
0x3e: {  	_ =	swait.ge [sflag:s26], $0x1000  }
0x3f: {  	[sflag:s26] =	ssyncset.done $0x0  }
0x40: {  	[sflag:s26] =	ssyncadd.s32 $0xFFFFF000  }
0x41: {  	_ =	swait.ge [sflag:s26], $0x1000  }
0x42: {  	[sflag:s26] =	ssyncset.done $0x0  }
0x43: {  	[sflag:s26] =	ssyncadd.s32 $0xFFFFF000  }
0x44: {  	_ =	swait.ge [sflag:s26], $0x1000  }
0x45: {  	[sflag:s26] =	ssyncset.done $0x0  }
0x46: {  	[sflag:s26] =	ssyncadd.s32 $0xFFFFF000  }
0x47: {  	[hbm4b:s5+s2] =	stream.linear.scatter [tilespmem:s12], [sflag:$0x2], $0x8000, $0x38;
	[tilespmem:$0x9000] =	vst v63  }
0x48: {  	_ =	swait.ge [sflag:s10], $0x8000  }
0x49: {  	[sflag:s10] =	ssyncset.done $0x0  }
0x4a: {  	s30 =	simm.s32 $0x400;
	[sflag:s10] =	ssyncadd.s32 $0xFFFF8000  }
0x4b: {  	[tilespmem:s12], [sflag:$0x1] =	stream.indirect.gather [hbm4b:s3+s11], $0x20, s30, s11, $0xb8;
	[tilespmem:$0x9000] =	vst v63  }
0x4c: {  	s30 =	simm.s32 $0x480  }
0x4d: {  	[tilespmem:s13], [sflag:$0x1] =	stream.indirect.gather [hbm4b:s3+s11], $0x20, s30, s11, $0xb8;
	[tilespmem:$0x9000] =	vst v63  }
0x4e: {  	s30 =	simm.s32 $0x500  }
0x4f: {  	[tilespmem:s15], [sflag:$0x1] =	stream.indirect.gather [hbm4b:s3+s11], $0x20, s30, s11, $0xb8;
	[tilespmem:$0x9000] =	vst v63  }
0x50: {  	s30 =	simm.s32 $0x580  }
0x51: {  	[tilespmem:s17], [sflag:$0x1] =	stream.indirect.gather [hbm4b:s3+s11], $0x20, s30, s11, $0xb8;
	[tilespmem:$0x9000] =	vst v63  }
0x52: {  	s30 =	simm.s32 $0x600  }
0x53: {  	[tilespmem:s19], [sflag:$0x1] =	stream.indirect.gather [hbm4b:s3+s11], $0x20, s30, s11, $0xb8;
	[tilespmem:$0x9000] =	vst v63  }
0x54: {  	s30 =	simm.s32 $0x680  }
0x55: {  	[tilespmem:s21], [sflag:$0x1] =	stream.indirect.gather [hbm4b:s3+s11], $0x20, s30, s11, $0xb8;
	[tilespmem:$0x9000] =	vst v63  }
0x56: {  	s30 =	simm.s32 $0x700  }
0x57: {  	[tilespmem:s23], [sflag:$0x1] =	stream.indirect.gather [hbm4b:s3+s11], $0x20, s30, s11, $0xb8;
	[tilespmem:$0x9000] =	vst v63  }
0x58: {  	s30 =	simm.s32 $0x780  }
0x59: {  	[tilespmem:s25], [sflag:$0x1] =	stream.indirect.gather [hbm4b:s3+s11], $0x20, s30, s11, $0xb8;
	[tilespmem:$0x9000] =	vst v63  }
0x5a: {  	_ =	swait.ge [sflag:s26], $0x1000  }
0x5b: {  	[sflag:s26] =	ssyncset.done $0x0  }
0x5c: {  	[sflag:s26] =	ssyncadd.s32 $0xFFFFF000  }
0x5d: {  	_ =	swait.ge [sflag:s26], $0x1000  }
0x5e: {  	[sflag:s26] =	ssyncset.done $0x0  }
0x5f: {  	[sflag:s26] =	ssyncadd.s32 $0xFFFFF000  }
0x60: {  	_ =	swait.ge [sflag:s26], $0x1000  }
0x61: {  	[sflag:s26] =	ssyncset.done $0x0  }
0x62: {  	[sflag:s26] =	ssyncadd.s32 $0xFFFFF000  }
0x63: {  	_ =	swait.ge [sflag:s26], $0x1000  }
0x64: {  	[sflag:s26] =	ssyncset.done $0x0  }
0x65: {  	[sflag:s26] =	ssyncadd.s32 $0xFFFFF000  }
0x66: {  	_ =	swait.ge [sflag:s26], $0x1000  }
0x67: {  	[sflag:s26] =	ssyncset.done $0x0  }
0x68: {  	[sflag:s26] =	ssyncadd.s32 $0xFFFFF000  }
0x69: {  	_ =	swait.ge [sflag:s26], $0x1000  }
0x6a: {  	[sflag:s26] =	ssyncset.done $0x0  }
0x6b: {  	[sflag:s26] =	ssyncadd.s32 $0xFFFFF000  }
0x6c: {  	_ =	swait.ge [sflag:s26], $0x1000  }
0x6d: {  	[sflag:s26] =	ssyncset.done $0x0  }
0x6e: {  	[sflag:s26] =	ssyncadd.s32 $0xFFFFF000  }
0x6f: {  	_ =	swait.ge [sflag:s26], $0x1000  }
0x70: {  	[sflag:s26] =	ssyncset.done $0x0  }
0x71: {  	[sflag:s26] =	ssyncadd.s32 $0xFFFFF000  }
0x72: {  	[hbm4b:s6+s2] =	stream.linear.scatter [tilespmem:s12], [sflag:$0x2], $0x8000, $0x38;
	[tilespmem:$0x9000] =	vst v63  }
0x73: {  	_ =	swait.ge [sflag:s10], $0x8000  }
0x74: {  	[sflag:s10] =	ssyncset.done $0x0  }
0x75: {  	s30 =	simm.s32 $0x800;
	[sflag:s10] =	ssyncadd.s32 $0xFFFF8000  }
0x76: {  	[tilespmem:s12], [sflag:$0x1] =	stream.indirect.gather [hbm4b:s3+s11], $0x20, s30, s11, $0xb8;
	[tilespmem:$0x9000] =	vst v63  }
0x77: {  	s30 =	simm.s32 $0x880  }
0x78: {  	[tilespmem:s13], [sflag:$0x1] =	stream.indirect.gather [hbm4b:s3+s11], $0x20, s30, s11, $0xb8;
	[tilespmem:$0x9000] =	vst v63  }
0x79: {  	s30 =	simm.s32 $0x900  }
0x7a: {  	[tilespmem:s15], [sflag:$0x1] =	stream.indirect.gather [hbm4b:s3+s11], $0x20, s30, s11, $0xb8;
	[tilespmem:$0x9000] =	vst v63  }
0x7b: {  	s30 =	simm.s32 $0x980  }
0x7c: {  	[tilespmem:s17], [sflag:$0x1] =	stream.indirect.gather [hbm4b:s3+s11], $0x20, s30, s11, $0xb8;
	[tilespmem:$0x9000] =	vst v63  }
0x7d: {  	s30 =	simm.s32 $0xA00  }
0x7e: {  	[tilespmem:s19], [sflag:$0x1] =	stream.indirect.gather [hbm4b:s3+s11], $0x20, s30, s11, $0xb8;
	[tilespmem:$0x9000] =	vst v63  }
0x7f: {  	s30 =	simm.s32 $0xA80  }
0x80: {  	[tilespmem:s21], [sflag:$0x1] =	stream.indirect.gather [hbm4b:s3+s11], $0x20, s30, s11, $0xb8;
	[tilespmem:$0x9000] =	vst v63  }
0x81: {  	s30 =	simm.s32 $0xB00  }
0x82: {  	[tilespmem:s23], [sflag:$0x1] =	stream.indirect.gather [hbm4b:s3+s11], $0x20, s30, s11, $0xb8;
	[tilespmem:$0x9000] =	vst v63  }
0x83: {  	_ = 	snop  }
0x84: {  	[tilespmem:s25], [sflag:$0x1] =	stream.indirect.gather [hbm4b:s3+s11], $0x20, s31, s11, $0xb8;
	[tilespmem:$0x9000] =	vst v63  }
0x85: {  	_ =	swait.ge [sflag:s26], $0x1000  }
0x86: {  	[sflag:s26] =	ssyncset.done $0x0  }
0x87: {  	[sflag:s26] =	ssyncadd.s32 $0xFFFFF000  }
0x88: {  	_ =	swait.ge [sflag:s26], $0x1000  }
0x89: {  	[sflag:s26] =	ssyncset.done $0x0  }
0x8a: {  	[sflag:s26] =	ssyncadd.s32 $0xFFFFF000  }
0x8b: {  	_ =	swait.ge [sflag:s26], $0x1000  }
0x8c: {  	[sflag:s26] =	ssyncset.done $0x0  }
0x8d: {  	[sflag:s26] =	ssyncadd.s32 $0xFFFFF000  }
0x8e: {  	_ =	swait.ge [sflag:s26], $0x1000  }
0x8f: {  	[sflag:s26] =	ssyncset.done $0x0  }
0x90: {  	[sflag:s26] =	ssyncadd.s32 $0xFFFFF000  }
0x91: {  	_ =	swait.ge [sflag:s26], $0x1000  }
0x92: {  	[sflag:s26] =	ssyncset.done $0x0  }
0x93: {  	[sflag:s26] =	ssyncadd.s32 $0xFFFFF000  }
0x94: {  	_ =	swait.ge [sflag:s26], $0x1000  }
0x95: {  	[sflag:s26] =	ssyncset.done $0x0  }
0x96: {  	[sflag:s26] =	ssyncadd.s32 $0xFFFFF000  }
0x97: {  	_ =	swait.ge [sflag:s26], $0x1000  }
0x98: {  	[sflag:s26] =	ssyncset.done $0x0  }
0x99: {  	[sflag:s26] =	ssyncadd.s32 $0xFFFFF000  }
0x9a: {  	_ =	swait.ge [sflag:s26], $0x1000  }
0x9b: {  	[sflag:s26] =	ssyncset.done $0x0  }
0x9c: {  	[sflag:s26] =	ssyncadd.s32 $0xFFFFF000  }
0x9d: {  	[hbm4b:s7+s2] =	stream.linear.scatter [tilespmem:s12], [sflag:$0x2], $0x8000, $0x38;
	[tilespmem:$0x9000] =	vst v63  }
0x9e: {  	_ =	swait.ge [sflag:s10], $0x8000  }
0x9f: {  	[sflag:s10] =	ssyncset.done $0x0  }
0xa0: {  	[sflag:s10] =	ssyncadd.s32 $0xFFFF8000  }
0xa1: {  	[tilespmem:s12], [sflag:$0x1] =	stream.indirect.gather [hbm4b:s3+s11], $0x20, s0, s11, $0xb8;
	[tilespmem:$0x9000] =	vst v63  }
0xa2: {  	_ = 	snop  }
0xa3: {  	[tilespmem:s13], [sflag:$0x1] =	stream.indirect.gather [hbm4b:s3+s11], $0x20, s1, s11, $0xb8;
	[tilespmem:$0x9000] =	vst v63  }
0xa4: {  	_ = 	snop  }
0xa5: {  	[tilespmem:s15], [sflag:$0x1] =	stream.indirect.gather [hbm4b:s3+s11], $0x20, s14, s11, $0xb8;
	[tilespmem:$0x9000] =	vst v63  }
0xa6: {  	_ = 	snop  }
0xa7: {  	[tilespmem:s17], [sflag:$0x1] =	stream.indirect.gather [hbm4b:s3+s11], $0x20, s16, s11, $0xb8;
	[tilespmem:$0x9000] =	vst v63  }
0xa8: {  	_ = 	snop  }
0xa9: {  	[tilespmem:s19], [sflag:$0x1] =	stream.indirect.gather [hbm4b:s3+s11], $0x20, s18, s11, $0xb8;
	[tilespmem:$0x9000] =	vst v63  }
0xaa: {  	_ = 	snop  }
0xab: {  	[tilespmem:s21], [sflag:$0x1] =	stream.indirect.gather [hbm4b:s3+s11], $0x20, s20, s11, $0xb8;
	[tilespmem:$0x9000] =	vst v63  }
0xac: {  	_ = 	snop  }
0xad: {  	[tilespmem:s23], [sflag:$0x1] =	stream.indirect.gather [hbm4b:s3+s11], $0x20, s22, s11, $0xb8;
	[tilespmem:$0x9000] =	vst v63  }
0xae: {  	_ = 	snop  }
0xaf: {  	[tilespmem:s25], [sflag:$0x1] =	stream.indirect.gather [hbm4b:s3+s11], $0x20, s24, s11, $0xb8;
	[tilespmem:$0x9000] =	vst v63  }
0xb0: {  	_ =	swait.ge [sflag:s26], $0x1000  }
0xb1: {  	[sflag:s26] =	ssyncset.done $0x0  }
0xb2: {  	[sflag:s26] =	ssyncadd.s32 $0xFFFFF000  }
0xb3: {  	_ =	swait.ge [sflag:s26], $0x1000  }
0xb4: {  	[sflag:s26] =	ssyncset.done $0x0  }
0xb5: {  	[sflag:s26] =	ssyncadd.s32 $0xFFFFF000  }
0xb6: {  	_ =	swait.ge [sflag:s26], $0x1000  }
0xb7: {  	[sflag:s26] =	ssyncset.done $0x0  }
0xb8: {  	[sflag:s26] =	ssyncadd.s32 $0xFFFFF000  }
0xb9: {  	_ =	swait.ge [sflag:s26], $0x1000  }
0xba: {  	[sflag:s26] =	ssyncset.done $0x0  }
0xbb: {  	[sflag:s26] =	ssyncadd.s32 $0xFFFFF000  }
0xbc: {  	_ =	swait.ge [sflag:s26], $0x1000  }
0xbd: {  	[sflag:s26] =	ssyncset.done $0x0  }
0xbe: {  	[sflag:s26] =	ssyncadd.s32 $0xFFFFF000  }
0xbf: {  	_ =	swait.ge [sflag:s26], $0x1000  }
0xc0: {  	[sflag:s26] =	ssyncset.done $0x0  }
0xc1: {  	[sflag:s26] =	ssyncadd.s32 $0xFFFFF000  }
0xc2: {  	_ =	swait.ge [sflag:s26], $0x1000  }
0xc3: {  	[sflag:s26] =	ssyncset.done $0x0  }
0xc4: {  	[sflag:s26] =	ssyncadd.s32 $0xFFFFF000  }
0xc5: {  	s28 =	sadd.s32 $0x1, s28;
	_ =	swait.ge [sflag:s26], $0x1000  }
0xc6: {  	p0 =	sne.s32 s28, s9;
	[sflag:s26] =	ssyncset.done $0x0  }
.Ltmp1:
0xc7: {  	[sflag:s26] =	ssyncadd.s32 $0xFFFFF000;
	(pc) =	sbr.rel @p0 .LBB2_1-.Ltmp1, $4  }
0xc8: {  	[hbm4b:s8+s2] =	stream.linear.scatter [tilespmem:s12], [sflag:$0x2], $0x8000, $0x38;
	[tilespmem:$0x9000] =	vst v63  }
0xc9: {  	_ =	swait.ge [sflag:s10], $0x8000  }
0xca: {  	[sflag:s10] =	ssyncset.done $0x0  }
0xcb: {  	[sflag:s10] =	ssyncadd.s32 $0xFFFF8000  }
0xcc: {  	_ =	sfence.sel $0x180000  }
0xcd: {  	[bflag:$0x0] =	sbarrier.arrive $0xFFFF  }
0xce: {  	_ =	strace $0x90000047  }
0xcf: {  	s0 =	stileid.u32;
	[bflag:$0x2] =	sbarrier.arrive $0xFFFF  }
0xd0: {  	p0 =	sne.s32 s0, $0x0;
	s0 =	rddreg [dreg:$0x1]  }
0xd1: {  	s0 =	sadd.s32 @!p0 $0x100000, s0  }
0xd2: {  	[sflag:s0] =	ssyncadd.tile.s32 @!p0 $0x1;
	_ =	shalt  }
.Lfunc_end2:
_tile_overlayer_lowered:
.L_overlay_start_2:
0xd3: {  	(tag) =	ssettag $0x2  }
0xd4: {  	s0 =	rddreg [dreg:$0x0];
	s2 =	stileid.u32  }
0xd5: {  	s1 =	rddreg [dreg:$0x1];
	p0 =	sne.s32 s2, $0x0  }
0xd6: {  	s3 =	rddreg [dreg:$0x2];
	[bflag:$0x3] =	sbarrier.arrive $0xFFFF;
	s2 =	simm.s32 @!p0 $0x1C02  }
0xd7: {  	[timem:s3], [sflag:s2] =	dma.local @!p0 [hbm:s0], s1  }
0xd8: {  	s0 =	simm.s32 @!p0 $0x2  }
0xd9: {  	_ =	swait.ge @!p0 [sflag:s0], s1  }
0xda: {  	s1 =	ssub.s32 @!p0 $0x0, s1;
	[sflag:s0] =	ssyncset.done @!p0 $0x0  }
0xdb: {  	[sflag:s0] =	ssyncadd.s32 @!p0 s1  }
0xdc: {  	[bflag:$0x3] =	sbarrier.arrive $0xFFFF  }
0xdd: {  	_ =	shalt  }

// kernel: kernel.9.cloned.1.call-start
scs
__scs_entry_jumppad:
0x0: {  	(pc) =	sbr.rel $0x88, $3  }
0x1: {  	(tag) =	ssettag $0x0;
	lr =	simm.s32 $0x1  }
0x2: {  	[smem:$0x3F9D] =	sst lr;
	_ =	strace $0xD0000000  }
0x3: {  	_ = 	snop  }
0x4: {  	_ = 	snop  }
0x5: {  	_ = 	snop  }
0x6: {  	_ = 	snop  }
0x7: {  	_ = 	snop  }
__scs_overlays_trampoline_lowered:
0x8: {  	[smem:$0x3FAC] =	sst s0  }
0x9: {  	[smem:$0x3FAD] =	sst s1  }
0xa: {  	[smem:$0x3FAE] =	sst s2  }
0xb: {  	[smem:$0x3FAF] =	sst s3  }
0xc: {  	[smem:$0x3FB0] =	sst s4  }
0xd: {  	[smem:$0x3FB1] =	sst s5  }
0xe: {  	[smem:$0x3FB2] =	sst s6  }
0xf: {  	[smem:$0x3FB3] =	sst s7  }
0x10: {  	[smem:$0x3FB4] =	sst s8  }
0x11: {  	[smem:$0x3FB5] =	sst s9;
	s0 =	simm.s32 @!p0 $0x0  }
0x12: {  	s1 =	sld [smem:$0x3F9B];
	s0 =	simm.s32 @p0 $0x1  }
0x13: {  	[smem:$0x3FB6] =	sst s0;
	s0 =	simm.s32 @!p1 $0x0  }
0x14: {  	s2 =	sld [smem:$0x3F9A];
	s0 =	simm.s32 @p1 $0x1  }
0x15: {  	[smem:$0x3FB7] =	sst s0;
	s0 =	simm.s32 @!p2 $0x0  }
0x16: {  	s3 =	sld [smem:$0x3FDB];
	s0 =	simm.s32 @p2 $0x1  }
0x17: {  	s4 =	simm.s32 $0x1BF5;
	[smem:$0x3FB9] =	sst s0  }
0x18: {  	s0 =	sld [smem:$0x3F9C];
	_ =	swait.ge [sflag:s4], $0x0  }
0x19: {  	s7 =	sld [smem:$0x3F9D]  }
0x1a: {  	s8 =	sadd.s32 $0xFFFFE003, lr  }
0x1b: {  	s9 =	sadd.s32 $0xFFFFFEF7, lr;
	s5 =	simm.s32 $0xFFFFFFFF;
	p2 =	slt.u32 s8, $0xFFFFF086  }
0x1c: {  	p1 =	slt.u32 s9, $0xF7A;
	s5 =	simm.s32 @!p2 $0x0  }
0x1d: {  	s5 =	simm.s32 @p1 $0x1;
	p0 =	seq.s32 s7, s2  }
0x1e: {  	s7 =	smul.u32 @!p0 $0xF7A, s2;
	p2 =	seq.s32 @!p0 s5, $0x0  }
0x1f: {  	s9 =	smul.u32 $0xF7A, s1;
	s8 =	simm.s32 @!p0 $0x1BF5;
	p2 =	por !p2, p0  }
0x20: {  	[sflag:s8] =	ssyncset.s32 @!p0 $0xFFFFF086;
	s6 =	sadd.s32 @!p0 s3, s7;
	s7 =	simm.s32 @!p0 $0x108  }
0x21: {  	s3 =	sadd.s32 s3, s9;
	s6 =	sadd.s32 @!p0 $0x88, s6;
	s7 =	simm.s32 @p2 $0x1082  }
0x22: {  	[simem:s7], [sflag:s8] =	dma.local @!p0 [hbm:s6], $0xF7A  }
0x23: {  	s9 =	sor.u32 $0xD0000000, s2;
	s6 =	simm.s32 $0x108;
	_ =	swait.ge @!p0 [sflag:s8], $0x0  }
0x24: {  	s3 =	sadd.s32 $0x88, s3;
	s6 =	simm.s32 @!p1 $0x1082;
	[sflag:s4] =	ssyncset.s32 $0xFFFFF086  }
0x25: {  	[simem:s6], [sflag:s4] =	dma.local [hbm:s3], $0xF7A  }
0x26: {  	[smem:$0x3F9D] =	sst s1;
	(tag) =	ssettag s2;
	_ =	strace s9  }
0x27: {  	s1 =	sld [smem:$0x3FAD]  }
0x28: {  	s2 =	sld [smem:$0x3FAE]  }
0x29: {  	s4 =	sld [smem:$0x3FB0]  }
0x2a: {  	p0 =	seq.s32 s5, $0x0;
	s5 =	sld [smem:$0x3FB1]  }
0x2b: {  	s6 =	sld [smem:$0x3FB2]  }
0x2c: {  	s7 =	sld [smem:$0x3FB3]  }
0x2d: {  	s3 =	simm.s32 $0x108;
	s8 =	sld [smem:$0x3FB4]  }
0x2e: {  	s3 =	simm.s32 @!p0 $0x1082;
	s9 =	sld [smem:$0x3FB5]  }
0x2f: {  	lr =	sadd.s32 s0, s3;
	s0 =	sld [smem:$0x3FAC]  }
0x30: {  	s3 =	sld [smem:$0x3FAF]  }
0x31: {  	[smem:$0x3FB8] =	sst s10  }
0x32: {  	s10 =	sld [smem:$0x3FB6];
	_ =	sdelay $0x3  }
0x33: {  	p0 =	seq.s32 s10, $0x1;
	s10 =	sld [smem:$0x3FB8];
	_ =	sdelay $0x3  }
0x34: {  	[smem:$0x3FB8] =	sst s10  }
0x35: {  	s10 =	sld [smem:$0x3FB7];
	_ =	sdelay $0x3  }
0x36: {  	p1 =	seq.s32 s10, $0x1;
	s10 =	sld [smem:$0x3FB8];
	_ =	sdelay $0x3  }
0x37: {  	[smem:$0x3FB8] =	sst s10  }
0x38: {  	s10 =	sld [smem:$0x3FB9]  }
0x39: {  	_ = 	snop;
	(pc) =	sbr.ind lr, $3  }
0x3a: {  	_ = 	snop  }
0x3b: {  	_ = 	snop  }
0x3c: {  	p2 =	seq.s32 s10, $0x1;
	s10 =	sld [smem:$0x3FB8]  }
0x3d: {  	_ =	shalt  }
0x3e: {  	_ =	shalt  }
0x3f: {  	_ =	shalt  }
0x40: {  	_ =	shalt  }
0x41: {  	_ =	shalt  }
0x42: {  	_ =	shalt  }
0x43: {  	_ =	shalt  }
0x44: {  	_ =	shalt  }
0x45: {  	_ =	shalt  }
0x46: {  	_ =	shalt  }
0x47: {  	_ =	shalt  }
0x48: {  	_ =	shalt  }
0x49: {  	_ =	shalt  }
0x4a: {  	_ =	shalt  }
0x4b: {  	_ =	shalt  }
0x4c: {  	_ =	shalt  }
0x4d: {  	_ =	shalt  }
0x4e: {  	_ =	shalt  }
0x4f: {  	_ =	shalt  }
0x50: {  	_ =	shalt  }
0x51: {  	_ =	shalt  }
0x52: {  	_ =	shalt  }
0x53: {  	_ =	shalt  }
0x54: {  	_ =	shalt  }
0x55: {  	_ =	shalt  }
0x56: {  	_ =	shalt  }
0x57: {  	_ =	shalt  }
0x58: {  	_ =	shalt  }
0x59: {  	_ =	shalt  }
0x5a: {  	_ =	shalt  }
0x5b: {  	_ =	shalt  }
0x5c: {  	_ =	shalt  }
0x5d: {  	_ =	shalt  }
0x5e: {  	_ =	shalt  }
0x5f: {  	_ =	shalt  }
0x60: {  	_ =	shalt  }
0x61: {  	_ =	shalt  }
0x62: {  	_ =	shalt  }
0x63: {  	_ =	shalt  }
0x64: {  	_ =	shalt  }
0x65: {  	_ =	shalt  }
0x66: {  	_ =	shalt  }
0x67: {  	_ =	shalt  }
0x68: {  	_ =	shalt  }
0x69: {  	_ =	shalt  }
0x6a: {  	_ =	shalt  }
0x6b: {  	_ =	shalt  }
0x6c: {  	_ =	shalt  }
0x6d: {  	_ =	shalt  }
0x6e: {  	_ =	shalt  }
0x6f: {  	_ =	shalt  }
0x70: {  	_ =	shalt  }
0x71: {  	_ =	shalt  }
0x72: {  	_ =	shalt  }
0x73: {  	_ =	shalt  }
0x74: {  	_ =	shalt  }
0x75: {  	_ =	shalt  }
0x76: {  	_ =	shalt  }
0x77: {  	_ =	shalt  }
0x78: {  	_ =	shalt  }
0x79: {  	_ =	shalt  }
0x7a: {  	_ =	shalt  }
0x7b: {  	_ =	shalt  }
0x7c: {  	_ =	shalt  }
0x7d: {  	_ =	shalt  }
0x7e: {  	_ =	shalt  }
0x7f: {  	_ =	shalt  }
0x80: {  	_ =	shalt  }
0x81: {  	_ =	shalt  }
0x82: {  	_ =	shalt  }
0x83: {  	_ =	shalt  }
0x84: {  	_ =	shalt  }
0x85: {  	_ =	shalt  }
0x86: {  	_ =	shalt  }
0x87: {  	_ =	shalt  }
.Lfunc_end0:
.L_simem_size_0:
called_computation.1_lowered:
.L_overlay_start_0:
0x88: {  	s2 =	sld [smem:$0x3FD9]  }
0x89: {  	s3 =	sld [smem:$0x3FFE];
	_ =	sdelay $0x1  }
0x8a: {  	s1 =	srdreg.scid  }
0x8b: {  	s0 =	sand.u32 $0x1, s1  }
0x8c: {  	s14 =	sshll.u32 s0, $0xA;
	s2 =	sadd.s32 s3, s2  }
0x8d: {  	s2 =	sadd.s32 s2, s14  }
0x8e: {  	[smem:$0x3FC4] =	sst s2  }
0x8f: {  	_ = 	snop  }
0x90: {  	s2 =	sld [smem:$0x3FD0];
	_ =	sdelay $0x2  }
0x91: {  	s15 =	simm.s32 $0xA;
	s4 =	simm.s32 $0x10  }
0x92: {  	[smem:s4], [sflag:s15] =	dma.local [hbm:s2], $0x1  }
0x93: {  	_ =	swait.eq [sflag:s15], $0x1  }
0x94: {  	[sflag:s15] =	ssyncset.done $0x0  }
0x95: {  	[sflag:s15] =	ssyncadd.s32 $0xFFFFFFFF  }
0x96: {  	s16 =	sld [smem:$0x12];
	(tm) =	ssettm $0x1  }
0x97: {  	s17 =	sld [smem:$0x3FFB];
	_ =	sdelay $0x3  }
0x98: {  	_ =	strace s17  }
0x99: {  	s3 =	sld [smem:$0x3FFC];
	_ =	sdelay $0x3  }
0x9a: {  	_ =	strace s3  }
0x9b: {  	s3 =	sld [smem:$0x3FFD];
	_ =	sdelay $0x3  }
0x9c: {  	_ =	strace s3  }
0x9d: {  	_ =	strace $0x8FFFFFFF  }
0x9e: {  	s18 =	sld [smem:$0x3FDB];
	_ =	sdelay $0x1  }
0x9f: {  	s19 =	simm.s32 $_scs_section_size  }
0xa0: {  	s5 =	simm.s32 $_size__tile_overlayer_lowered;
	s6 =	simm.s32 $_tile_overlayer_lowered  }
0xa1: {  	s22 =	simm.s32 $0x1BFF;
	s21 =	sshll.u32 s6, $0x1;
	s3 =	sadd.s32 s19, s18  }
0xa2: {  	s7 =	simm.s32 $0x0;
	s20 =	sshll.u32 s5, $0x1;
	s5 =	sadd.s32 s21, s3  }
0xa3: {  	[timem:s7], [sflag:s22] =	dma.local [hbm:s5], s20  }
0xa4: {  	_ =	swait.ge [sflag:s22], s20  }
0xa5: {  	s4 =	ssub.s32 $0x0, s20;
	[sflag:s22] =	ssyncset.done $0x0  }
0xa6: {  	[sflag:s22] =	ssyncadd.s32 s4;
	_ =	sdelay $0x1  }
0xa7: {  	s23 =	simm.s32 $0x1B8B  }
0xa8: {  	_ =	swait.ge [sflag:s23], $0x1  }
0xa9: {  	[sflag:s23] =	ssyncset.done $0x0  }
0xaa: {  	s25 =	simm.s32 $0x1B8E;
	s24 =	sld [smem:$0x3FFE];
	[sflag:s23] =	ssyncadd.s32 $0xFFFFFFFF  }
0xab: {  	s26 =	simm.s32 $execute0_lowered;
	[smem:$0x3FD2] =	sst s25  }
0xac: {  	s5 =	sshll.u32 s26, $0x1;
	_ =	strace $0x80000049;
	[dreg:$0x1] =	wrdreg $0xFFFFFFFF  }
0xad: {  	s28 =	simm.s32 $_size_execute0_lowered;
	s3 =	sadd.s32 s3, s5;
	[dreg:$0x0] =	wrdreg $0x0  }
0xae: {  	s5 =	sshll.u32 s28, $0x1;
	[dreg:$0x2] =	wrdreg s3  }
0xaf: {  	[dreg:$0x3] =	wrdreg s5  }
0xb0: {  	[dreg:$0x4] =	wrdreg $0xC0  }
0xb1: {  	_ =	task [dreg:s7], $0x5FFFF  }
0xb2: {  	[dreg:$0x1] =	wrdreg $0xFFFFFFFF  }
0xb3: {  	[dreg:$0x0] =	wrdreg $0x60  }
0xb4: {  	[dreg:$0x2] =	wrdreg s24  }
0xb5: {  	[dreg:$0x3] =	wrdreg s16  }
0xb6: {  	[dreg:$0x4] =	wrdreg $0x9  }
0xb7: {  	_ =	task.clear_ibuf [dreg:s7], $0x5FFFF;
	_ =	strace $0x90000049  }
0xb8: {  	s29 =	simm.s32 $0x9;
	_ =	strace $0x8000004B  }
0xb9: {  	_ =	swait.ge [sflag:s29], $0x1  }
0xba: {  	[sflag:s29] =	ssyncadd.s32 $0xFFFFFFFF  }
0xbb: {  	_ =	strace $0x9000004B  }
0xbc: {  	_ =	sfence  }
0xbd: {  	s30 =	sld [smem:$0x0];
	_ =	sdelay $0x2  }
0xbe: {  	s31 =	sshll.u32 s1, $0xD;
	s1 =	sshrl.u32 s1, $0x2  }
0xbf: {  	s3 =	sand.u32 $0x4000, s31;
	s1 =	sadd.s32 s1, s30  }
0xc0: {  	s0 =	sor.u32 s3, s0;
	s1 =	sshll.u32 s1, $0x11  }
0xc1: {  	s0 =	sor.u32 s1, s0  }
0xc2: {  	s0 =	sadd.s32 $0x8F2B, s0  }
0xc3: {  	[sflag:s0] =	ssyncadd.remote.s32 $0x1  }
0xc4: {  	_ =	sfence.sel $0xFFFF  }
0xc5: {  	[dreg:$0x0] =	wrdreg $0xFFFFFFFF;
	(pc) =	sbr.abs _section_cstart, $3  }
0xc6: {  	[dreg:$0x1] =	wrdreg $0xFFFFFFFF  }
0xc7: {  	_ =	task.clear_ibuf [dreg:s7], $0x2FFFF;
	_ =	strace $0x9FFFFFFF  }
0xc8: {  	(tm) =	ssettm $0x7FFFFFFF  }
0xc9: {  	_ =	shalt  }
tec
execute0_lowered:
.L_overlay_start_1:
0x0: {  	(tag) =	ssettag $0x1  }
0x1: {  	s0 =	rddreg [dreg:$0x0]  }
0x2: {  	s1 =	srdreg.scid;
	s8 =	stileid.u32;
	s3 =	simm.s32 $0x0  }
0x3: {  	s28 =	simm.s32 $0x80;
	s29 =	simm.s32 $0x100;
	s30 =	simm.s32 $0x800  }
0x4: {  	s31 =	simm.s32 $0x1800;
	s1 =	sand.u32 $0x1, s1;
	s2 =	sshll.u32 s8, $0x1  }
0x5: {  	[smem:$0x7FF] =	sst s3;
	s5 =	sadd.s32 $0x1400, s0;
	s6 =	sadd.s32 $0x5400, s0  }
0x6: {  	s8 =	sshll.u32 s8, $0x7;
	s2 =	sor.u32 s1, s2;
	_ =	strace $0x8000004A  }
0x7: {  	s7 =	ssub.s32 $0x2, s1;
	s1 =	sshll.u32 s1, $0x4;
	s4 =	sshll.u32 s2, $0x6  }
0x8: {  	s2 =	sshll.u32 s2, $0x1;
	s9 =	sshrl.u32 s7, $0x1;
	s1 =	sor.u32 s1, s8  }
0x9: {  	s4 =	sadd.s32 s4, s0;
	s0 =	sadd.s32 s2, s0;
	s2 =	ssub.s32 s7, s9  }
0xa: {  	s18 =	sor.u32 $0x800, s1;
	s8 =	sadd.s32 s5, s1;
	s19 =	sadd.s32 s6, s1  }
0xb: {  	s21 =	sor.u32 $0x1000, s1;
	s22 =	sor.u32 $0x1800, s1;
	s24 =	sor.u32 $0x2000, s1  }
0xc: {  	s25 =	sor.u32 $0x2800, s1;
	s26 =	sor.u32 $0x3000, s1;
	[dreg:$0x3] =	wrdreg s8  }
0xd: {  	s1 =	sor.u32 $0x3800, s1;
	[dreg:$0x4] =	wrdreg s19;
	s20 =	sadd.s32 s5, s18  }
0xe: {  	s7 =	sadd.s32 s6, s18;
	s23 =	sadd.s32 s5, s21;
	s9 =	sadd.s32 s6, s21  }
0xf: {  	s10 =	sadd.s32 s5, s22;
	s11 =	sadd.s32 s6, s22;
	s12 =	sadd.s32 s5, s24  }
0x10: {  	v1 =	vlaneseq.u32;
	s13 =	sadd.s32 s6, s24;
	s14 =	sadd.s32 s5, s25;
	s15 =	sadd.s32 s6, s25  }
0x11: {  	v0 =	vand.u32 $0x3, v1;
	s16 =	sadd.s32 s5, s26;
	s17 =	sadd.s32 s6, s26;
	s18 =	sadd.s32 s5, s1  }
0x12: {  	v0 =	vmul.u32 $0x80, v0;
	s19 =	sadd.s32 s6, s1;
	s21 =	sadd.s32 $0x81C00, s4;
	s22 =	sadd.s32 $0x9400, s4  }
0x13: {  	s24 =	sadd.s32 $0xBC00, s0;
	s25 =	smax.u32 s2, $0x1;
	[dreg:$0x5] =	wrdreg s20  }
0x14: {  	v1 =	vshrl.u32 v1, $0x2;
	v2 =	vor.u32 $0x200, v0;
	s26 =	simm.s32 $0x1;
	s2 =	simm.s32 $0x200;
	[dreg:$0x6] =	wrdreg s7  }
0x15: {  	v3 =	vor.u32 $0x400, v0;
	v4 =	vor.u32 $0x600, v0;
	v5 =	vor.u32 $0x800, v0;
	s0 =	simm.s32 $0x4000;
	s1 =	simm.s32 $0x4200;
	[dreg:$0x7] =	wrdreg s23  }
0x16: {  	v6 =	vor.u32 $0xA00, v0;
	v7 =	vor.u32 $0xC00, v0;
	v8 =	vor.u32 $0xE00, v0;
	s20 =	sadd.s32 $0x82400, s4;
	s23 =	sadd.s32 $0xB400, s4;
	s4 =	simm.s32 $0x0  }
.LBB2_1:
0x17: {  	s5 =	rddreg [dreg:$0x1]  }
0x18: {  	[tilespmem:s3], [sflag:$0x1] =	stream.linear.gather [hbm4b:s5+s3], $0x800, $0x38;
	[tilespmem:$0x4410] =	vst v63  }
0x19: {  	_ =	swait.ge [sflag:s26], $0x800  }
0x1a: {  	[sflag:s26] =	ssyncset.done $0x0  }
0x1b: {  	s6 =	rddreg [dreg:$0x3];
	[sflag:s26] =	ssyncadd.s32 $0xFFFFF800  }
0x1c: {  	[tilespmem:s30], [sflag:$0x1] =	stream.strided.gather [hbm4b:s6+s28], $0x200, s29, s28, $0x38;
	[tilespmem:$0x4410] =	vst v63  }
0x1d: {  	_ =	swait.ge [sflag:s26], $0x200  }
0x1e: {  	[sflag:s26] =	ssyncset.done $0x0  }
0x1f: {  	s7 =	rddreg [dreg:$0x4];
	[sflag:s26] =	ssyncadd.s32 $0xFFFFFE00  }
0x20: {  	[tilespmem:s31], [sflag:$0x1] =	stream.strided.gather [hbm4b:s7+s28], $0x200, s29, s28, $0x38;
	[tilespmem:$0x4410] =	vst v63  }
0x21: {  	_ =	swait.ge [sflag:s26], $0x200  }
0x22: {  	[sflag:s26] =	ssyncset.done $0x0  }
0x23: {  	s6 =	simm.s32 $0xA00;
	s8 =	rddreg [dreg:$0x5];
	[sflag:s26] =	ssyncadd.s32 $0xFFFFFE00  }
0x24: {  	[tilespmem:s6], [sflag:$0x1] =	stream.strided.gather [hbm4b:s8+s28], $0x200, s29, s28, $0x38;
	[tilespmem:$0x4410] =	vst v63  }
0x25: {  	_ =	swait.ge [sflag:s26], $0x200  }
0x26: {  	[sflag:s26] =	ssyncset.done $0x0  }
0x27: {  	s8 =	simm.s32 $0x1A00;
	s7 =	rddreg [dreg:$0x6];
	[sflag:s26] =	ssyncadd.s32 $0xFFFFFE00  }
0x28: {  	[tilespmem:s8], [sflag:$0x1] =	stream.strided.gather [hbm4b:s7+s28], $0x200, s29, s28, $0x38;
	[tilespmem:$0x4410] =	vst v63  }
0x29: {  	_ =	swait.ge [sflag:s26], $0x200  }
0x2a: {  	[sflag:s26] =	ssyncset.done $0x0  }
0x2b: {  	s8 =	simm.s32 $0xC00;
	s7 =	rddreg [dreg:$0x7];
	[sflag:s26] =	ssyncadd.s32 $0xFFFFFE00  }
0x2c: {  	[tilespmem:s8], [sflag:$0x1] =	stream.strided.gather [hbm4b:s7+s28], $0x200, s29, s28, $0x38;
	[tilespmem:$0x4410] =	vst v63  }
0x2d: {  	_ =	swait.ge [sflag:s26], $0x200  }
0x2e: {  	[sflag:s26] =	ssyncset.done $0x0  }
0x2f: {  	s6 =	simm.s32 $0x1C00;
	[sflag:s26] =	ssyncadd.s32 $0xFFFFFE00  }
0x30: {  	[tilespmem:s6], [sflag:$0x1] =	stream.strided.gather [hbm4b:s9+s28], $0x200, s29, s28, $0x38;
	[tilespmem:$0x4410] =	vst v63  }
0x31: {  	_ =	swait.ge [sflag:s26], $0x200  }
0x32: {  	[sflag:s26] =	ssyncset.done $0x0  }
0x33: {  	s7 =	simm.s32 $0xE00;
	[sflag:s26] =	ssyncadd.s32 $0xFFFFFE00  }
0x34: {  	[tilespmem:s7], [sflag:$0x1] =	stream.strided.gather [hbm4b:s10+s28], $0x200, s29, s28, $0x38;
	[tilespmem:$0x4410] =	vst v63  }
0x35: {  	_ =	swait.ge [sflag:s26], $0x200  }
0x36: {  	[sflag:s26] =	ssyncset.done $0x0  }
0x37: {  	s8 =	simm.s32 $0x1E00;
	[sflag:s26] =	ssyncadd.s32 $0xFFFFFE00  }
0x38: {  	[tilespmem:s8], [sflag:$0x1] =	stream.strided.gather [hbm4b:s11+s28], $0x200, s29, s28, $0x38;
	[tilespmem:$0x4410] =	vst v63  }
0x39: {  	_ =	swait.ge [sflag:s26], $0x200  }
0x3a: {  	[sflag:s26] =	ssyncset.done $0x0  }
0x3b: {  	s6 =	simm.s32 $0x1000;
	[sflag:s26] =	ssyncadd.s32 $0xFFFFFE00  }
0x3c: {  	[tilespmem:s6], [sflag:$0x1] =	stream.strided.gather [hbm4b:s12+s28], $0x200, s29, s28, $0x38;
	[tilespmem:$0x4410] =	vst v63  }
0x3d: {  	_ =	swait.ge [sflag:s26], $0x200  }
0x3e: {  	[sflag:s26] =	ssyncset.done $0x0  }
0x3f: {  	s7 =	simm.s32 $0x2000;
	[sflag:s26] =	ssyncadd.s32 $0xFFFFFE00  }
0x40: {  	[tilespmem:s7], [sflag:$0x1] =	stream.strided.gather [hbm4b:s13+s28], $0x200, s29, s28, $0x38;
	[tilespmem:$0x4410] =	vst v63  }
0x41: {  	_ =	swait.ge [sflag:s26], $0x200  }
0x42: {  	[sflag:s26] =	ssyncset.done $0x0  }
0x43: {  	s8 =	simm.s32 $0x1200;
	[sflag:s26] =	ssyncadd.s32 $0xFFFFFE00  }
0x44: {  	[tilespmem:s8], [sflag:$0x1] =	stream.strided.gather [hbm4b:s14+s28], $0x200, s29, s28, $0x38;
	[tilespmem:$0x4410] =	vst v63  }
0x45: {  	_ =	swait.ge [sflag:s26], $0x200  }
0x46: {  	[sflag:s26] =	ssyncset.done $0x0  }
0x47: {  	s6 =	simm.s32 $0x2200;
	[sflag:s26] =	ssyncadd.s32 $0xFFFFFE00  }
0x48: {  	[tilespmem:s6], [sflag:$0x1] =	stream.strided.gather [hbm4b:s15+s28], $0x200, s29, s28, $0x38;
	[tilespmem:$0x4410] =	vst v63  }
0x49: {  	_ =	swait.ge [sflag:s26], $0x200  }
0x4a: {  	[sflag:s26] =	ssyncset.done $0x0  }
0x4b: {  	s7 =	simm.s32 $0x1400;
	[sflag:s26] =	ssyncadd.s32 $0xFFFFFE00  }
0x4c: {  	[tilespmem:s7], [sflag:$0x1] =	stream.strided.gather [hbm4b:s16+s28], $0x200, s29, s28, $0x38;
	[tilespmem:$0x4410] =	vst v63  }
0x4d: {  	_ =	swait.ge [sflag:s26], $0x200  }
0x4e: {  	[sflag:s26] =	ssyncset.done $0x0  }
0x4f: {  	s8 =	simm.s32 $0x2400;
	[sflag:s26] =	ssyncadd.s32 $0xFFFFFE00  }
0x50: {  	[tilespmem:s8], [sflag:$0x1] =	stream.strided.gather [hbm4b:s17+s28], $0x200, s29, s28, $0x38;
	[tilespmem:$0x4410] =	vst v63  }
0x51: {  	_ =	swait.ge [sflag:s26], $0x200  }
0x52: {  	[sflag:s26] =	ssyncset.done $0x0  }
0x53: {  	s6 =	simm.s32 $0x1600;
	[sflag:s26] =	ssyncadd.s32 $0xFFFFFE00  }
0x54: {  	[tilespmem:s6], [sflag:$0x1] =	stream.strided.gather [hbm4b:s18+s28], $0x200, s29, s28, $0x38;
	[tilespmem:$0x4410] =	vst v63  }
0x55: {  	_ =	swait.ge [sflag:s26], $0x200  }
0x56: {  	[sflag:s26] =	ssyncset.done $0x0  }
0x57: {  	s7 =	simm.s32 $0x2600;
	[sflag:s26] =	ssyncadd.s32 $0xFFFFFE00  }
0x58: {  	[tilespmem:s7], [sflag:$0x1] =	stream.strided.gather [hbm4b:s19+s28], $0x200, s29, s28, $0x38;
	[tilespmem:$0x4410] =	vst v63  }
0x59: {  	_ =	swait.ge [sflag:s26], $0x200  }
0x5a: {  	[sflag:s26] =	ssyncset.done $0x0  }
0x5b: {  	s8 =	simm.s32 $0x2800;
	[sflag:s26] =	ssyncadd.s32 $0xFFFFFE00  }
0x5c: {  	[tilespmem:s8], [sflag:$0x1] =	stream.strided.gather [hbm4b:s20+s2], $0x1000, s0, s2, $0x38;
	[tilespmem:$0x4410] =	vst v63  }
0x5d: {  	_ =	swait.ge [sflag:s26], $0x1000  }
0x5e: {  	[sflag:s26] =	ssyncset.done $0x0  }
0x5f: {  	s5 =	simm.s32 $0x3800;
	[sflag:s26] =	ssyncadd.s32 $0xFFFFF000  }
0x60: {  	[tilespmem:s5], [sflag:$0x1] =	stream.linear.gather [hbm4b:s21+s3], $0x200, $0x38;
	[tilespmem:$0x4410] =	vst v63  }
0x61: {  	_ =	swait.ge [sflag:s26], $0x200  }
0x62: {  	[sflag:s26] =	ssyncset.done $0x0  }
0x63: {  	v10 =	vimm.f32 $0.0e+00;
	[sflag:s26] =	ssyncadd.s32 $0xFFFFFE00  }
0x64: {  	[tilespmem:$0x4200] =	vst v10  }
0x65: {  	[tilespmem:$0x4210] =	vst v10  }
0x66: {  	[tilespmem:$0x4220] =	vst v10  }
0x67: {  	[tilespmem:$0x4230] =	vst v10  }
0x68: {  	[tilespmem:$0x4240] =	vst v10  }
0x69: {  	[tilespmem:$0x4250] =	vst v10  }
0x6a: {  	[tilespmem:$0x4260] =	vst v10  }
0x6b: {  	[tilespmem:$0x4270] =	vst v10  }
0x6c: {  	[tilespmem:$0x4280] =	vst v10  }
0x6d: {  	[tilespmem:$0x4290] =	vst v10  }
0x6e: {  	[tilespmem:$0x42A0] =	vst v10  }
0x6f: {  	[tilespmem:$0x42B0] =	vst v10  }
0x70: {  	[tilespmem:$0x42C0] =	vst v10  }
0x71: {  	[tilespmem:$0x42D0] =	vst v10  }
0x72: {  	[tilespmem:$0x42E0] =	vst v10  }
0x73: {  	[tilespmem:$0x42F0] =	vst v10  }
0x74: {  	[tilespmem:$0x4300] =	vst v10  }
0x75: {  	[tilespmem:$0x4310] =	vst v10  }
0x76: {  	[tilespmem:$0x4320] =	vst v10  }
0x77: {  	[tilespmem:$0x4330] =	vst v10  }
0x78: {  	[tilespmem:$0x4340] =	vst v10  }
0x79: {  	[tilespmem:$0x4350] =	vst v10  }
0x7a: {  	[tilespmem:$0x4360] =	vst v10  }
0x7b: {  	[tilespmem:$0x4370] =	vst v10  }
0x7c: {  	[tilespmem:$0x4380] =	vst v10  }
0x7d: {  	[tilespmem:$0x4390] =	vst v10  }
0x7e: {  	[tilespmem:$0x43A0] =	vst v10  }
0x7f: {  	[tilespmem:$0x43B0] =	vst v10  }
0x80: {  	[tilespmem:$0x43C0] =	vst v10  }
0x81: {  	[tilespmem:$0x43D0] =	vst v10  }
0x82: {  	[tilespmem:$0x43E0] =	vst v10  }
0x83: {  	s6 =	simm.s32 $0x3000;
	s7 =	simm.s32 $0x3E00;
	s8 =	simm.s32 $0x0;
	[tilespmem:$0x43F0] =	vst v10  }
.LBB2_2:
0x84: {  	v9 =	vor.u32 s8, v1  }
0x85: {  	v11 =	vand.u32 $0x7F, v9  }
0x86: {  	v12 =	vor.u32 v0, v11;
	_ =	sdelay $0x4  }
0x87: {  	v13 =	vld.idx.msk [tilespmem:v12+s30+$0x0], $0xffff;
	_ =	sdelay $0x4  }
0x88: {  	v14 =	vadd.s32 $0x200, v13  }
0x89: {  	v17 =	vld [tilespmem:s6+$0xFFFFF800];
	v15 =	vadd.s32 $0x400, v13  }
0x8a: {  	v9 =	vld [tilespmem:s5+$0x0];
	v16 =	vadd.s32 $0x600, v13  }
0x8b: {  	v12 =	vld.idx.msk [tilespmem:v12+s31+$0x0], $0xffff  }
0x8c: {  	v19 =	vor.u32 v2, v11;
	v18 =	vld.idx.msk [tilespmem:v13+s3+$0x0], $0xffff  }
0x8d: {  	v14 =	vld.idx.msk [tilespmem:v14+s3+$0x0], $0xffff  }
0x8e: {  	v15 =	vld.idx.msk [tilespmem:v15+s3+$0x0], $0xffff  }
0x8f: {  	v16 =	vld.idx.msk [tilespmem:v16+s3+$0x0], $0xffff  }
0x90: {  	[tilespmem:v13+s1+$0x0] =	vst.idx.add.f32.msk $0xffff, v9  }
0x91: {  	v13 =	vld.idx.msk [tilespmem:v19+s30+$0x0], $0xffff;
	_ =	sdelay $0x4  }
0x92: {  	v20 =	vadd.s32 $0x200, v13  }
0x93: {  	v21 =	vadd.s32 $0x400, v13  }
0x94: {  	v19 =	vld.idx.msk [tilespmem:v19+s31+$0x0], $0xffff;
	v22 =	vadd.s32 $0x600, v13  }
0x95: {  	v23 =	vld [tilespmem:s6+$0xFFFFFA00]  }
0x96: {  	v25 =	vor.u32 v3, v11;
	v24 =	vld.idx.msk [tilespmem:v13+s3+$0x0], $0xffff  }
0x97: {  	v20 =	vld.idx.msk [tilespmem:v20+s3+$0x0], $0xffff  }
0x98: {  	v21 =	vld.idx.msk [tilespmem:v21+s3+$0x0], $0xffff  }
0x99: {  	v22 =	vld.idx.msk [tilespmem:v22+s3+$0x0], $0xffff  }
0x9a: {  	[tilespmem:v13+s1+$0x0] =	vst.idx.add.f32.msk $0xffff, v9  }
0x9b: {  	v13 =	vld.idx.msk [tilespmem:v25+s30+$0x0], $0xffff;
	_ =	sdelay $0x4  }
0x9c: {  	v26 =	vadd.s32 $0x200, v13  }
0x9d: {  	v27 =	vadd.s32 $0x400, v13  }
0x9e: {  	v25 =	vld.idx.msk [tilespmem:v25+s31+$0x0], $0xffff;
	v28 =	vadd.s32 $0x600, v13  }
0x9f: {  	v29 =	vld [tilespmem:s6+$0xFFFFFC00]  }
0xa0: {  	v31 =	vor.u32 v4, v11;
	v30 =	vld.idx.msk [tilespmem:v13+s3+$0x0], $0xffff  }
0xa1: {  	v26 =	vld.idx.msk [tilespmem:v26+s3+$0x0], $0xffff  }
0xa2: {  	v27 =	vld.idx.msk [tilespmem:v27+s3+$0x0], $0xffff  }
0xa3: {  	v28 =	vld.idx.msk [tilespmem:v28+s3+$0x0], $0xffff  }
0xa4: {  	[tilespmem:v13+s1+$0x0] =	vst.idx.add.f32.msk $0xffff, v9  }
0xa5: {  	v13 =	vld.idx.msk [tilespmem:v31+s30+$0x0], $0xffff;
	_ =	sdelay $0x4  }
0xa6: {  	v32 =	vadd.s32 $0x200, v13  }
0xa7: {  	v33 =	vadd.s32 $0x400, v13  }
0xa8: {  	v31 =	vld.idx.msk [tilespmem:v31+s31+$0x0], $0xffff;
	v34 =	vadd.s32 $0x600, v13  }
0xa9: {  	v35 =	vld [tilespmem:s6+$0xFFFFFE00]  }
0xaa: {  	v37 =	vor.u32 v5, v11;
	v36 =	vld.idx.msk [tilespmem:v13+s3+$0x0], $0xffff  }
0xab: {  	v32 =	vld.idx.msk [tilespmem:v32+s3+$0x0], $0xffff  }
0xac: {  	v33 =	vld.idx.msk [tilespmem:v33+s3+$0x0], $0xffff  }
0xad: {  	v34 =	vld.idx.msk [tilespmem:v34+s3+$0x0], $0xffff  }
0xae: {  	[tilespmem:v13+s1+$0x0] =	vst.idx.add.f32.msk $0xffff, v9  }
0xaf: {  	v13 =	vld.idx.msk [tilespmem:v37+s30+$0x0], $0xffff;
	_ =	sdelay $0x4  }
0xb0: {  	v38 =	vadd.s32 $0x200, v13  }
0xb1: {  	v39 =	vadd.s32 $0x400, v13  }
0xb2: {  	v37 =	vld.idx.msk [tilespmem:v37+s31+$0x0], $0xffff;
	v40 =	vadd.s32 $0x600, v13  }
0xb3: {  	v41 =	vld [tilespmem:s6+$0x0]  }
0xb4: {  	v43 =	vor.u32 v6, v11;
	v42 =	vld.idx.msk [tilespmem:v13+s3+$0x0], $0xffff  }
0xb5: {  	v38 =	vld.idx.msk [tilespmem:v38+s3+$0x0], $0xffff  }
0xb6: {  	v39 =	vld.idx.msk [tilespmem:v39+s3+$0x0], $0xffff  }
0xb7: {  	v40 =	vld.idx.msk [tilespmem:v40+s3+$0x0], $0xffff  }
0xb8: {  	[tilespmem:v13+s1+$0x0] =	vst.idx.add.f32.msk $0xffff, v9  }
0xb9: {  	v13 =	vld.idx.msk [tilespmem:v43+s30+$0x0], $0xffff;
	_ =	sdelay $0x4  }
0xba: {  	v44 =	vadd.s32 $0x200, v13  }
0xbb: {  	v45 =	vadd.s32 $0x400, v13  }
0xbc: {  	v43 =	vld.idx.msk [tilespmem:v43+s31+$0x0], $0xffff;
	v46 =	vadd.s32 $0x600, v13  }
0xbd: {  	v47 =	vld [tilespmem:s6+$0x200]  }
0xbe: {  	v49 =	vor.u32 v7, v11;
	v48 =	vld.idx.msk [tilespmem:v13+s3+$0x0], $0xffff  }
0xbf: {  	v44 =	vld.idx.msk [tilespmem:v44+s3+$0x0], $0xffff  }
0xc0: {  	v45 =	vld.idx.msk [tilespmem:v45+s3+$0x0], $0xffff  }
0xc1: {  	v46 =	vld.idx.msk [tilespmem:v46+s3+$0x0], $0xffff  }
0xc2: {  	[tilespmem:v13+s1+$0x0] =	vst.idx.add.f32.msk $0xffff, v9  }
0xc3: {  	v13 =	vld.idx.msk [tilespmem:v49+s30+$0x0], $0xffff;
	_ =	sdelay $0x1  }
0xc4: {  	v12 =	vmul.f32 v12, v9  }
0xc5: {  	v18 =	vmul.f32 v18, v17  }
0xc6: {  	v11 =	vor.u32 v8, v11;
	v10 =	vadd.f32 v12, v10  }
0xc7: {  	v18 =	vadd.f32 $0.0e+00, v18;
	v14 =	vmul.f32 v14, v17;
	v62 =	vadd.s32 $0x200, v13  }
0xc8: {  	v15 =	vmul.f32 v15, v17;
	v16 =	vmul.f32 v16, v17;
	v50 =	vadd.s32 $0x400, v13  }
0xc9: {  	v19 =	vmul.f32 v19, v9;
	v14 =	vadd.f32 $0.0e+00, v14;
	v49 =	vld.idx.msk [tilespmem:v49+s31+$0x0], $0xffff;
	v51 =	vadd.s32 $0x600, v13  }
0xca: {  	v15 =	vadd.f32 $0.0e+00, v15;
	v16 =	vadd.f32 $0.0e+00, v16;
	v63 =	vmul.f32 v24, v23;
	v24 =	vld [tilespmem:s6+$0x400]  }
0xcb: {  	v10 =	vadd.f32 v19, v10;
	v52 =	vmul.f32 v20, v23;
	v54 =	vmul.f32 v21, v23;
	v53 =	vld.idx.msk [tilespmem:v13+s3+$0x0], $0xffff  }
0xcc: {  	v17 =	vadd.f32 v63, v18;
	v55 =	vmul.f32 v22, v23;
	v57 =	vmul.f32 v25, v9;
	v12 =	vld.idx.msk [tilespmem:v62+s3+$0x0], $0xffff  }
0xcd: {  	v14 =	vadd.f32 v52, v14;
	v15 =	vadd.f32 v54, v15;
	v56 =	vld.idx.msk [tilespmem:v50+s3+$0x0], $0xffff  }
0xce: {  	v16 =	vadd.f32 v55, v16;
	v10 =	vadd.f32 v57, v10;
	v58 =	vmul.f32 v30, v29;
	v59 =	vld.idx.msk [tilespmem:v51+s3+$0x0], $0xffff  }
0xcf: {  	v60 =	vmul.f32 v26, v29;
	v61 =	vmul.f32 v27, v29;
	[tilespmem:v13+s1+$0x0] =	vst.idx.add.f32.msk $0xffff, v9  }
0xd0: {  	v17 =	vadd.f32 v58, v17;
	v63 =	vmul.f32 v28, v29;
	v28 =	vmul.f32 v31, v9;
	v62 =	vld.idx.msk [tilespmem:v11+s30+$0x0], $0xffff  }
0xd1: {  	v15 =	vadd.f32 v61, v15;
	v29 =	vmul.f32 v36, v35;
	v30 =	vmul.f32 v32, v35  }
0xd2: {  	v10 =	vadd.f32 v28, v10;
	v31 =	vmul.f32 v33, v35;
	v33 =	vmul.f32 v37, v9  }
0xd3: {  	v17 =	vadd.f32 v29, v17;
	v32 =	vmul.f32 v34, v35;
	v35 =	vmul.f32 v42, v41  }
0xd4: {  	v15 =	vadd.f32 v31, v15;
	v10 =	vadd.f32 v33, v10;
	v37 =	vmul.f32 v38, v41  }
0xd5: {  	v17 =	vadd.f32 v35, v17;
	v39 =	vmul.f32 v39, v41;
	v34 =	vadd.s32 $0x200, v62  }
0xd6: {  	v40 =	vmul.f32 v40, v41;
	v42 =	vmul.f32 v48, v47;
	v36 =	vadd.s32 $0x400, v62  }
0xd7: {  	v13 =	vadd.f32 v60, v14;
	v14 =	vadd.f32 v63, v16;
	v38 =	vadd.s32 $0x600, v62  }
0xd8: {  	v15 =	vadd.f32 v39, v15;
	v48 =	vmul.f32 v44, v47;
	v51 =	vmul.f32 v45, v47;
	v41 =	vld [tilespmem:s6+$0x600]  }
0xd9: {  	v52 =	vmul.f32 v46, v47;
	v13 =	vadd.f32 v30, v13;
	v14 =	vadd.f32 v32, v14;
	v50 =	vld.idx.msk [tilespmem:v62+s3+$0x0], $0xffff  }
0xda: {  	v16 =	vadd.f32 v42, v17;
	v15 =	vadd.f32 v51, v15;
	v53 =	vmul.f32 v53, v24;
	v22 =	vld.idx.msk [tilespmem:v34+s3+$0x0], $0xffff  }
0xdb: {  	v13 =	vadd.f32 v37, v13;
	v14 =	vadd.f32 v40, v14;
	v55 =	vmul.f32 v56, v24;
	v25 =	vld.idx.msk [tilespmem:v36+s3+$0x0], $0xffff  }
0xdc: {  	v56 =	vmul.f32 v59, v24;
	v16 =	vadd.f32 v53, v16;
	v59 =	vmul.f32 v43, v9;
	v54 =	vld.idx.msk [tilespmem:v38+s3+$0x0], $0xffff  }
0xdd: {  	v12 =	vmul.f32 v12, v24;
	v13 =	vadd.f32 v48, v13;
	v14 =	vadd.f32 v52, v14  }
0xde: {  	v11 =	vld.idx.msk [tilespmem:v11+s31+$0x0], $0xffff;
	v15 =	vadd.f32 v55, v15;
	v10 =	vadd.f32 v59, v10;
	v57 =	vmul.f32 v50, v41  }
0xdf: {  	v12 =	vadd.f32 v12, v13;
	v14 =	vadd.f32 v56, v14;
	v58 =	vmul.f32 v22, v41  }
0xe0: {  	p0 =	sne.s32 s8, $0x7C;
	[tilespmem:v62+s1+$0x0] =	vst.idx.add.f32.msk $0xffff, v9;
	v13 =	vadd.f32 v57, v16;
	v60 =	vmul.f32 v25, v41  }
.Ltmp0:
0xe1: {  	v62 =	vmul.f32 v49, v9;
	v61 =	vmul.f32 v54, v41;
	v12 =	vadd.f32 v58, v12;
	(pc) =	sbr.rel @p0 .LBB2_2-.Ltmp0, $4  }
0xe2: {  	v15 =	vadd.f32 v60, v15;
	[tilespmem:s7+$0xFFFFFC00] =	vst v13  }
0xe3: {  	v9 =	vmul.f32 v11, v9;
	v10 =	vadd.f32 v62, v10;
	v63 =	vadd.f32 v61, v14;
	[tilespmem:s7+$0xFFFFFE00] =	vst v12  }
0xe4: {  	s8 =	sadd.s32 $0x4, s8;
	[tilespmem:s7+$0x0] =	vst v15  }
0xe5: {  	s5 =	sadd.s32 $0x10, s5;
	s6 =	sadd.s32 $0x10, s6;
	v10 =	vadd.f32 v9, v10;
	[tilespmem:s7+$0x200] =	vst v63;
	s7 =	sadd.s32 $0x10, s7  }
0xe6: {  	_ = 	snop  }
0xe7: {  	s5 =	simm.s32 $0x3A00;
	[tilespmem:$0x4400] =	vst v10  }
0xe8: {  	[hbm4b:s22+s2] =	stream.strided.scatter [tilespmem:s5], [sflag:$0x1], $0x800, s0, s2, $0x38;
	[tilespmem:$0x4410] =	vst v63  }
0xe9: {  	_ =	swait.ge [sflag:s26], $0x800  }
0xea: {  	[sflag:s26] =	ssyncset.done $0x0  }
0xeb: {  	[sflag:s26] =	ssyncadd.s32 $0xFFFFF800  }
0xec: {  	[hbm4b:s23+s3] =	stream.linear.scatter [tilespmem:s1], [sflag:$0x1], $0x200, $0x38;
	[tilespmem:$0x4410] =	vst v63  }
0xed: {  	s4 =	sadd.s32 $0x1, s4;
	_ =	swait.ge [sflag:s26], $0x200  }
0xee: {  	p0 =	sne.s32 s4, s25;
	[sflag:s26] =	ssyncset.done $0x0  }
.Ltmp1:
0xef: {  	s8 =	simm.s32 $0x4400;
	[sflag:s26] =	ssyncadd.s32 $0xFFFFFE00;
	(pc) =	sbr.rel @p0 .LBB2_1-.Ltmp1, $4  }
0xf0: {  	[hbm4b:s24+s3] =	stream.linear.scatter [tilespmem:s8], [sflag:$0x1], $0x10, $0x38;
	[tilespmem:$0x4410] =	vst v63  }
0xf1: {  	_ =	swait.ge [sflag:s26], $0x10  }
0xf2: {  	[sflag:s26] =	ssyncset.done $0x0  }
0xf3: {  	[sflag:s26] =	ssyncadd.s32 $0xFFFFFFF0  }
0xf4: {  	_ =	sfence.sel $0x180000  }
0xf5: {  	[bflag:$0x0] =	sbarrier.arrive $0xFFFF  }
0xf6: {  	_ =	strace $0x9000004A  }
0xf7: {  	s0 =	stileid.u32;
	[bflag:$0x2] =	sbarrier.arrive $0xFFFF  }
0xf8: {  	p0 =	sne.s32 s0, $0x0;
	s0 =	rddreg [dreg:$0x2]  }
0xf9: {  	s0 =	sadd.s32 @!p0 $0x100000, s0  }
0xfa: {  	[sflag:s0] =	ssyncadd.tile.s32 @!p0 $0x1;
	_ =	shalt  }
.Lfunc_end2:
_tile_overlayer_lowered:
.L_overlay_start_2:
0xfb: {  	(tag) =	ssettag $0x2  }
0xfc: {  	s0 =	rddreg [dreg:$0x0];
	s2 =	stileid.u32  }
0xfd: {  	s1 =	rddreg [dreg:$0x1];
	p0 =	sne.s32 s2, $0x0  }
0xfe: {  	s3 =	rddreg [dreg:$0x2];
	[bflag:$0x3] =	sbarrier.arrive $0xFFFF;
	s2 =	simm.s32 @!p0 $0x1C01  }
0xff: {  	[timem:s3], [sflag:s2] =	dma.local @!p0 [hbm:s0], s1  }
0x100: {  	s0 =	simm.s32 @!p0 $0x1  }
0x101: {  	_ =	swait.ge @!p0 [sflag:s0], s1  }
0x102: {  	s1 =	ssub.s32 @!p0 $0x0, s1;
	[sflag:s0] =	ssyncset.done @!p0 $0x0  }
0x103: {  	[sflag:s0] =	ssyncadd.s32 @!p0 s1  }
0x104: {  	[bflag:$0x3] =	sbarrier.arrive $0xFFFF  }
0x105: {  	_ =	shalt  }

</sc_bundles>
